<compile_context>
chip_gen: v7x
topology: tpu7x:2x2x1
jax: 0.10.2.dev20260603
libtpu: 0.0.44.dev20260713+nightly
codegen_flags: <defaults>
</compile_context>

<pallas_src>
import functools
import math

import jax
import jax.numpy as jnp
from jax import lax
from jax.experimental import pallas as pl
from jax.experimental.pallas import tpu as pltpu
from jax.experimental.pallas import tpu_sc as plsc

N_NODES = 10000
N_EDGES = 320000
D = 128
N_GRAPHS = 64

NC = 2
NS = 16
NW = NC * NS
B = 128
NB = 4
C = -(-N_EDGES // (NW * B * NB)) * NB
E_PAD = NW * B * C
N_PAD = 10240
STRIPE = N_PAD // NS
ZR = 128
ZR2 = 32
ROWS_BLK = 1280

_mesh = plsc.VectorSubcoreMesh(core_axis_name="c", subcore_axis_name="s")


CF = 102
CS = 56
E_PAD_L = NS * (CF + CS) * B


def _sc_layer_body(p_hbm, srcs_hbm, dsts_hbm, zeros_hbm, out_hbm,
                   src_v, dst_v, rows_v, buf_v, s_sp, gsem):
    cid = lax.axis_index("c")
    sid = lax.axis_index("s")
    wid = cid * NS + sid
    cn = jnp.where(cid == 0, CF, CS)

    pltpu.sync_copy(zeros_hbm, buf_v)
    for z in range(STRIPE // ZR2):
        pltpu.sync_copy(buf_v, s_sp.at[pl.ds(sid * STRIPE + z * ZR2, ZR2)])

    pltpu.sync_copy(srcs_hbm.at[wid], src_v)
    pltpu.sync_copy(dsts_hbm.at[wid], dst_v)
    plsc.subcore_barrier()

    def ebody(j, _):
        pltpu.async_copy(p_hbm.at[src_v.at[j]], rows_v, gsem).wait()
        pltpu.sync_copy(rows_v, s_sp.at[dst_v.at[j]], add=True)
        return 0

    lax.fori_loop(0, cn, ebody, 0)
    plsc.subcore_barrier()

    for z in range(STRIPE // ZR2):
        r = sid * STRIPE + z * ZR2
        pltpu.sync_copy(s_sp.at[pl.ds(r, ZR2)], buf_v)
        pltpu.sync_copy(buf_v, out_hbm.at[cid, pl.ds(r, ZR2)])


_sc_layer = pl.kernel(
    _sc_layer_body,
    out_type=jax.ShapeDtypeStruct((NC, N_PAD, D), jnp.float32),
    mesh=_mesh,
    scratch_types=[
        pltpu.VMEM((CF, B), jnp.int32),
        pltpu.VMEM((CF, B), jnp.int32),
        pltpu.VMEM((B, D), jnp.float32),
        pltpu.VMEM((ZR2, D), jnp.float32),
        pltpu.VMEM_SHARED((N_PAD, D), jnp.float32),
        pltpu.SemaphoreType.DMA,
    ],
)


def _sc_scalar_body(vals_hbm, srcs_hbm, dsts_hbm, out_hbm,
                    src_v, dst_v, sval_v, buf_v, s_sp, gsem):
    cid = lax.axis_index("c")
    sid = lax.axis_index("s")
    wid = cid * NS + sid

    zv = jnp.zeros((16,), jnp.float32)
    for k in range(STRIPE // 16):
        buf_v[pl.ds(k * 16, 16)] = zv
    pltpu.sync_copy(buf_v, s_sp.at[pl.ds(sid * STRIPE, STRIPE)])

    pltpu.sync_copy(srcs_hbm.at[wid], src_v)
    pltpu.sync_copy(dsts_hbm.at[wid], dst_v)
    plsc.subcore_barrier()

    def ebody(j, _):
        pltpu.async_copy(vals_hbm.at[src_v.at[j]], sval_v, gsem).wait()
        pltpu.sync_copy(sval_v, s_sp.at[dst_v.at[j]], add=True)
        return 0

    lax.fori_loop(0, C, ebody, 0)
    plsc.subcore_barrier()

    pltpu.sync_copy(s_sp.at[pl.ds(sid * STRIPE, STRIPE)], buf_v)
    pltpu.sync_copy(buf_v, out_hbm.at[cid, pl.ds(sid * STRIPE, STRIPE)])


_sc_scalar = pl.kernel(
    _sc_scalar_body,
    out_type=jax.ShapeDtypeStruct((NC, N_PAD), jnp.float32),
    mesh=_mesh,
    scratch_types=[
        pltpu.VMEM((C, B), jnp.int32),
        pltpu.VMEM((C, B), jnp.int32),
        pltpu.VMEM((B,), jnp.float32),
        pltpu.VMEM((STRIPE,), jnp.float32),
        pltpu.VMEM_SHARED((N_PAD,), jnp.float32),
        pltpu.SemaphoreType.DMA,
    ],
)


def _tc_first_body(deg_ref, x_ref, w_ref, dinv_ref, p_ref):
    d = deg_ref[0] + deg_ref[1] + 1.0
    dinv = lax.rsqrt(d)
    dinv_ref[...] = dinv
    h = jnp.dot(x_ref[...], w_ref[...], preferred_element_type=jnp.float32,
                precision=lax.Precision.HIGHEST)
    p_ref[...] = dinv * h


def _tc_mid_body(s_ref, p_ref, dinv_ref, b_ref, w_ref, out_ref):
    dinv = dinv_ref[...]
    h = dinv * (s_ref[0] + s_ref[1] + p_ref[...]) + b_ref[...]
    h = jnp.maximum(h, 0.0)
    out_ref[...] = dinv * jnp.dot(h, w_ref[...],
                                  preferred_element_type=jnp.float32,
                precision=lax.Precision.HIGHEST)


def _tc_last_body(s_ref, p_ref, dinv_ref, b_ref, w3_ref, lw_ref, out_ref):
    dinv = dinv_ref[...]
    h = dinv * (s_ref[0] + s_ref[1] + p_ref[...]) + b_ref[...]
    h = jnp.maximum(h, 0.0)
    hw = jnp.dot(h, w3_ref[...], preferred_element_type=jnp.float32,
                precision=lax.Precision.HIGHEST)
    out_ref[...] = dinv * jnp.dot(hw, lw_ref[...],
                                  preferred_element_type=jnp.float32,
                precision=lax.Precision.HIGHEST)


def _tc_pool_body(s3_ref, s_ref, dinv_ref, batch_ref, c3_ref, linb_ref,
                  out_ref, acc_sum, acc_cnt):
    i = pl.program_id(0)
    t = dinv_ref[...] * (s3_ref[0] + s3_ref[1] + s_ref[...]) + c3_ref[0, 0]
    row = (jax.lax.broadcasted_iota(jnp.int32, (ROWS_BLK, 1), 0)
           + i * ROWS_BLK)
    valid = row < N_NODES
    t = jnp.where(valid, t, 0.0)
    gid = jax.lax.broadcasted_iota(jnp.int32, (1, N_GRAPHS), 1)
    onehot = (batch_ref[...] == gid) & valid
    sums = jnp.sum(jnp.where(onehot, t, 0.0), axis=0, keepdims=True)
    cnts = jnp.sum(jnp.where(onehot, 1.0, 0.0), axis=0, keepdims=True)

    @pl.when(i == 0)
    def _():
        acc_sum[...] = jnp.zeros_like(acc_sum)
        acc_cnt[...] = jnp.zeros_like(acc_cnt)

    acc_sum[...] += sums
    acc_cnt[...] += cnts

    @pl.when(i == pl.num_programs(0) - 1)
    def _():
        out_ref[...] = (acc_sum[...] / jnp.maximum(acc_cnt[...], 1.0)
                        + linb_ref[0, 0])


def _row_spec(width):
    return pl.BlockSpec((ROWS_BLK, width), lambda i: (i, 0))


def _pair_spec(width):
    return pl.BlockSpec((NC, ROWS_BLK, width), lambda i: (0, i, 0))


def _full_spec(shape):
    return pl.BlockSpec(shape, lambda i: tuple(0 for _ in shape))


_GRID = N_PAD // ROWS_BLK

_tc_first = pl.pallas_call(
    _tc_first_body,
    grid=(_GRID,),
    in_specs=[_pair_spec(1), _row_spec(D), _full_spec((D, D))],
    out_specs=(_row_spec(1), _row_spec(D)),
    out_shape=(jax.ShapeDtypeStruct((N_PAD, 1), jnp.float32),
               jax.ShapeDtypeStruct((N_PAD, D), jnp.float32)),
)

_tc_mid = pl.pallas_call(
    _tc_mid_body,
    grid=(_GRID,),
    in_specs=[_pair_spec(D), _row_spec(D), _row_spec(1),
              _full_spec((1, D)), _full_spec((D, D))],
    out_specs=_row_spec(D),
    out_shape=jax.ShapeDtypeStruct((N_PAD, D), jnp.float32),
)

_tc_last = pl.pallas_call(
    _tc_last_body,
    grid=(_GRID,),
    in_specs=[_pair_spec(D), _row_spec(D), _row_spec(1),
              _full_spec((1, D)), _full_spec((D, D)), _full_spec((D, 1))],
    out_specs=_row_spec(1),
    out_shape=jax.ShapeDtypeStruct((N_PAD, 1), jnp.float32),
)

_tc_pool = pl.pallas_call(
    _tc_pool_body,
    grid=(_GRID,),
    in_specs=[_pair_spec(1), _row_spec(1), _row_spec(1), _row_spec(1),
              _full_spec((1, 1)), _full_spec((1, 1))],
    out_specs=_full_spec((1, N_GRAPHS)),
    out_shape=jax.ShapeDtypeStruct((1, N_GRAPHS), jnp.float32),
    scratch_shapes=[pltpu.VMEM((1, N_GRAPHS), jnp.float32),
                    pltpu.VMEM((1, N_GRAPHS), jnp.float32)],
)


@jax.jit
def kernel(x, edge_index, batch, W1, b1, W2, b2, W3, b3, lin_W, lin_b):
    f32 = jnp.float32
    src = edge_index[0].astype(jnp.int32)
    dst = edge_index[1].astype(jnp.int32)
    pad = jnp.full((E_PAD - N_EDGES,), N_NODES, jnp.int32)
    srcs = jnp.concatenate([src, pad]).reshape(NW, C, B)
    dsts = jnp.concatenate([dst, pad]).reshape(NW, C, B)

    x_pad = jnp.zeros((N_PAD, D), f32).at[:N_NODES].set(x)
    ones_tab = jnp.ones((N_PAD,), f32)
    zeros_blk = jnp.zeros((ZR2, D), f32)

    deg2 = _sc_scalar(ones_tab, srcs, dsts)
    dinv, p1 = _tc_first(deg2[..., None], x_pad, W1)

    npadl = jnp.full((E_PAD_L - N_EDGES,), N_NODES, jnp.int32)
    def asym(v):
        vp = jnp.concatenate([v, npadl])
        fast = vp[:NS * CF * B].reshape(NS, CF, B)
        slow = vp[NS * CF * B:].reshape(NS, CS, B)
        if CF > CS:
            slow = jnp.concatenate(
                [slow, jnp.full((NS, CF - CS, B), N_NODES, jnp.int32)],
                axis=1)
        return jnp.concatenate([fast, slow], axis=0)
    asrcs = asym(src)
    adsts = asym(dst)

    s1 = _sc_layer(p1, asrcs, adsts, zeros_blk)
    p2 = _tc_mid(s1, p1, dinv, b1[None, :], W2)

    s2 = _sc_layer(p2, asrcs, adsts, zeros_blk)
    sval = _tc_last(s2, p2, dinv, b2[None, :], W3, lin_W)

    s3 = _sc_scalar(sval[:, 0], srcs, dsts)
    c3 = jnp.dot(b3, lin_W, precision=lax.Precision.HIGHEST).reshape(1, 1)
    batch_pad = jnp.zeros((N_PAD, 1), jnp.int32).at[:N_NODES, 0].set(batch)
    g = _tc_pool(s3[..., None], sval, dinv, batch_pad, c3,
                 lin_b.reshape(1, 1))
    return g.reshape(N_GRAPHS, 1)

# --- scband reference (transcript-rebuilt; emitter-appended) ---
"""Pipeline reference for scband-gcn-16312285790927 (READ-ONLY COPY).

The authoritative reference and input builder live on the scoring server;
editing this copy changes nothing except your own understanding.
"""

import jax, jax.numpy as jnp
import numpy as np

N_NODES = 10000
N_EDGES = 320000
D_IN = 128
D_HID = 128
D_OUT = 1
N_GRAPHS = 64


def setup_inputs(seed: int = 0) -> dict:
    key = jax.random.key(seed)
    ks = jax.random.split(key, 12)
    x = jax.random.normal(ks[0], (N_NODES, D_IN), dtype=jnp.float32)
    edge_index = jax.random.randint(ks[1], (2, N_EDGES), 0, N_NODES, dtype=jnp.int64 if jax.config.jax_enable_x64 else jnp.int32).astype(jnp.int32)
    batch = jnp.sort(jax.random.randint(ks[2], (N_NODES,), 0, N_GRAPHS)).astype(jnp.int32)
    def glorot(k, shape):
        lim = float(np.sqrt(6.0 / (shape[0] + shape[1])))
        return jax.random.uniform(k, shape, jnp.float32, -lim, lim)
    W1 = glorot(ks[3], (D_IN, D_HID)); b1 = jnp.zeros((D_HID,), jnp.float32)
    W2 = glorot(ks[4], (D_HID, D_HID)); b2 = jnp.zeros((D_HID,), jnp.float32)
    W3 = glorot(ks[5], (D_HID, D_HID)); b3 = jnp.zeros((D_HID,), jnp.float32)
    lin_W = glorot(ks[6], (D_HID, D_OUT)); lin_b = jnp.zeros((D_OUT,), jnp.float32)
    return {"x": x, "edge_index": edge_index, "batch": batch,
            "W1": W1, "b1": b1, "W2": W2, "b2": b2, "W3": W3, "b3": b3,
            "lin_W": lin_W, "lin_b": lin_b}


def gcn_conv(x, edge_index, W, b):
    # PyG GCNConv: linear transform, add self-loops, symmetric deg normalization, scatter-add
    h = x @ W
    loop = jnp.arange(N_NODES, dtype=edge_index.dtype)
    src = jnp.concatenate([edge_index[0], loop])
    dst = jnp.concatenate([edge_index[1], loop])
    deg = jnp.zeros((N_NODES,), jnp.float32).at[dst].add(1.0)
    dinv = jnp.where(deg > 0, deg ** -0.5, 0.0)
    norm = dinv[src] * dinv[dst]
    msg = h[src] * norm[:, None]
    out = jnp.zeros((N_NODES, h.shape[1]), jnp.float32).at[dst].add(msg)
    return out + b


def global_mean_pool(x, batch):
    sums = jax.ops.segment_sum(x, batch, num_segments=N_GRAPHS)
    cnts = jax.ops.segment_sum(jnp.ones((x.shape[0],), jnp.float32), batch, num_segments=N_GRAPHS)
    return sums / jnp.maximum(cnts, 1.0)[:, None]


def reference(x, edge_index, batch, W1, b1, W2, b2, W3, b3, lin_W, lin_b):
    h = jax.nn.relu(gcn_conv(x, edge_index, W1, b1))
    h = jax.nn.relu(gcn_conv(h, edge_index, W2, b2))
    h = gcn_conv(h, edge_index, W3, b3)
    g = global_mean_pool(h, batch)
    # dropout p=0.5 is identity in eval mode
    return g @ lin_W + lin_b

if __name__ == "__main__":
    import jax
    _d = setup_inputs()
    print(jax.jit(kernel)(*tuple(_d.values())))

</pallas_src>

<mosaic_0001>
#map = affine_map<(d0, d1) -> (0)>
#map1 = affine_map<(d0, d1) -> (0, 0, 0)>
#map2 = affine_map<(d0, d1) -> (0, 0)>
module attributes {stable_mosaic.version = 14 : i64} {
  func.func @_sc_scalar_body(%arg0: i32, %arg1: i32, %arg2: memref<10240xf32, #tpu.memory_space<hbm>>, %arg3: memref<32x80x128xi32, #tpu.memory_space<hbm>>, %arg4: memref<32x80x128xi32, #tpu.memory_space<hbm>>, %arg5: memref<2x10240xf32, #tpu.memory_space<hbm>>, %arg6: memref<80x128xi32, #tpu.memory_space<vmem>>, %arg7: memref<80x128xi32, #tpu.memory_space<vmem>>, %arg8: memref<128xf32, #tpu.memory_space<vmem>>, %arg9: memref<640xf32, #tpu.memory_space<vmem>>, %arg10: memref<10240xf32, #tpu.memory_space<vmem_shared>>, %arg11: memref<!tpu.dma_semaphore, #tpu.memory_space<semaphore_mem>>) attributes {dimension_semantics = [#tpu.dimension_semantics<core_parallel>, #tpu.dimension_semantics<subcore_parallel>], iteration_bounds = array<i64: 2, 16>, scalar_prefetch = 0 : i64, scratch_operands = 6 : i64, tpu.core_type = #tpu.core_type<sc_vector_subcore>, window_params = [{transform_indices = #map}, {transform_indices = #map1}, {transform_indices = #map1}, {transform_indices = #map2}]} {
    %mul3A = arith.constant 16 : i32
    %mul3A_0 = arith.muli %arg0, %mul3A : i32
    %add3A = arith.addi %mul3A_0, %arg1 : i32
    %broadcast_in_dim3A = arith.constant 0.000000e+00 : f32
    %broadcast_in_dim3A_1 = vector.broadcast %broadcast_in_dim3A : f32 to vector<16xf32>
    %swap3A = arith.constant 0 : index
    %swap3A_2 = tpu.vector_load %arg9[%swap3A] {strides = array<i32>} : memref<640xf32, #tpu.memory_space<vmem>>, vector<16xf32>,
    %swap3A_3 = vector.shape_cast %swap3A_2 : vector<16xf32> to vector<16xf32>
    %swap3A_4 = vector.shape_cast %broadcast_in_dim3A_1 : vector<16xf32> to vector<16xf32>
    tpu.vector_store %arg9[%swap3A], %swap3A_4 {strides = array<i32>} : memref<640xf32, #tpu.memory_space<vmem>>, vector<16xf32>,
    %swap3A_5 = arith.constant 16 : index
    %swap3A_6 = tpu.vector_load %arg9[%swap3A_5] {strides = array<i32>} : memref<640xf32, #tpu.memory_space<vmem>>, vector<16xf32>,
    %swap3A_7 = vector.shape_cast %swap3A_6 : vector<16xf32> to vector<16xf32>
    %swap3A_8 = vector.shape_cast %broadcast_in_dim3A_1 : vector<16xf32> to vector<16xf32>
    tpu.vector_store %arg9[%swap3A_5], %swap3A_8 {strides = array<i32>} : memref<640xf32, #tpu.memory_space<vmem>>, vector<16xf32>,
    %swap3A_9 = arith.constant 32 : index
    %swap3A_10 = tpu.vector_load %arg9[%swap3A_9] {strides = array<i32>} : memref<640xf32, #tpu.memory_space<vmem>>, vector<16xf32>,
    %swap3A_11 = vector.shape_cast %swap3A_10 : vector<16xf32> to vector<16xf32>
    %swap3A_12 = vector.shape_cast %broadcast_in_dim3A_1 : vector<16xf32> to vector<16xf32>
    tpu.vector_store %arg9[%swap3A_9], %swap3A_12 {strides = array<i32>} : memref<640xf32, #tpu.memory_space<vmem>>, vector<16xf32>,
    %swap3A_13 = arith.constant 48 : index
    %swap3A_14 = tpu.vector_load %arg9[%swap3A_13] {strides = array<i32>} : memref<640xf32, #tpu.memory_space<vmem>>, vector<16xf32>,
    %swap3A_15 = vector.shape_cast %swap3A_14 : vector<16xf32> to vector<16xf32>
    %swap3A_16 = vector.shape_cast %broadcast_in_dim3A_1 : vector<16xf32> to vector<16xf32>
    tpu.vector_store %arg9[%swap3A_13], %swap3A_16 {strides = array<i32>} : memref<640xf32, #tpu.memory_space<vmem>>, vector<16xf32>,
    %swap3A_17 = arith.constant 64 : index
    %swap3A_18 = tpu.vector_load %arg9[%swap3A_17] {strides = array<i32>} : memref<640xf32, #tpu.memory_space<vmem>>, vector<16xf32>,
    %swap3A_19 = vector.shape_cast %swap3A_18 : vector<16xf32> to vector<16xf32>
    %swap3A_20 = vector.shape_cast %broadcast_in_dim3A_1 : vector<16xf32> to vector<16xf32>
    tpu.vector_store %arg9[%swap3A_17], %swap3A_20 {strides = array<i32>} : memref<640xf32, #tpu.memory_space<vmem>>, vector<16xf32>,
    %swap3A_21 = arith.constant 80 : index
    %swap3A_22 = tpu.vector_load %arg9[%swap3A_21] {strides = array<i32>} : memref<640xf32, #tpu.memory_space<vmem>>, vector<16xf32>,
    %swap3A_23 = vector.shape_cast %swap3A_22 : vector<16xf32> to vector<16xf32>
    %swap3A_24 = vector.shape_cast %broadcast_in_dim3A_1 : vector<16xf32> to vector<16xf32>
    tpu.vector_store %arg9[%swap3A_21], %swap3A_24 {strides = array<i32>} : memref<640xf32, #tpu.memory_space<vmem>>, vector<16xf32>,
    %swap3A_25 = arith.constant 96 : index
    %swap3A_26 = tpu.vector_load %arg9[%swap3A_25] {strides = array<i32>} : memref<640xf32, #tpu.memory_space<vmem>>, vector<16xf32>,
    %swap3A_27 = vector.shape_cast %swap3A_26 : vector<16xf32> to vector<16xf32>
    %swap3A_28 = vector.shape_cast %broadcast_in_dim3A_1 : vector<16xf32> to vector<16xf32>
    tpu.vector_store %arg9[%swap3A_25], %swap3A_28 {strides = array<i32>} : memref<640xf32, #tpu.memory_space<vmem>>, vector<16xf32>,
    %swap3A_29 = arith.constant 112 : index
    %swap3A_30 = tpu.vector_load %arg9[%swap3A_29] {strides = array<i32>} : memref<640xf32, #tpu.memory_space<vmem>>, vector<16xf32>,
    %swap3A_31 = vector.shape_cast %swap3A_30 : vector<16xf32> to vector<16xf32>
    %swap3A_32 = vector.shape_cast %broadcast_in_dim3A_1 : vector<16xf32> to vector<16xf32>
    tpu.vector_store %arg9[%swap3A_29], %swap3A_32 {strides = array<i32>} : memref<640xf32, #tpu.memory_space<vmem>>, vector<16xf32>,
    %swap3A_33 = arith.constant 128 : index
    %swap3A_34 = tpu.vector_load %arg9[%swap3A_33] {strides = array<i32>} : memref<640xf32, #tpu.memory_space<vmem>>, vector<16xf32>,
    %swap3A_35 = vector.shape_cast %swap3A_34 : vector<16xf32> to vector<16xf32>
    %swap3A_36 = vector.shape_cast %broadcast_in_dim3A_1 : vector<16xf32> to vector<16xf32>
    tpu.vector_store %arg9[%swap3A_33], %swap3A_36 {strides = array<i32>} : memref<640xf32, #tpu.memory_space<vmem>>, vector<16xf32>,
    %swap3A_37 = arith.constant 144 : index
    %swap3A_38 = tpu.vector_load %arg9[%swap3A_37] {strides = array<i32>} : memref<640xf32, #tpu.memory_space<vmem>>, vector<16xf32>,
    %swap3A_39 = vector.shape_cast %swap3A_38 : vector<16xf32> to vector<16xf32>
    %swap3A_40 = vector.shape_cast %broadcast_in_dim3A_1 : vector<16xf32> to vector<16xf32>
    tpu.vector_store %arg9[%swap3A_37], %swap3A_40 {strides = array<i32>} : memref<640xf32, #tpu.memory_space<vmem>>, vector<16xf32>,
    %swap3A_41 = arith.constant 160 : index
    %swap3A_42 = tpu.vector_load %arg9[%swap3A_41] {strides = array<i32>} : memref<640xf32, #tpu.memory_space<vmem>>, vector<16xf32>,
    %swap3A_43 = vector.shape_cast %swap3A_42 : vector<16xf32> to vector<16xf32>
    %swap3A_44 = vector.shape_cast %broadcast_in_dim3A_1 : vector<16xf32> to vector<16xf32>
    tpu.vector_store %arg9[%swap3A_41], %swap3A_44 {strides = array<i32>} : memref<640xf32, #tpu.memory_space<vmem>>, vector<16xf32>,
    %swap3A_45 = arith.constant 176 : index
    %swap3A_46 = tpu.vector_load %arg9[%swap3A_45] {strides = array<i32>} : memref<640xf32, #tpu.memory_space<vmem>>, vector<16xf32>,
    %swap3A_47 = vector.shape_cast %swap3A_46 : vector<16xf32> to vector<16xf32>
    %swap3A_48 = vector.shape_cast %broadcast_in_dim3A_1 : vector<16xf32> to vector<16xf32>
    tpu.vector_store %arg9[%swap3A_45], %swap3A_48 {strides = array<i32>} : memref<640xf32, #tpu.memory_space<vmem>>, vector<16xf32>,
    %swap3A_49 = arith.constant 192 : index
    %swap3A_50 = tpu.vector_load %arg9[%swap3A_49] {strides = array<i32>} : memref<640xf32, #tpu.memory_space<vmem>>, vector<16xf32>,
    %swap3A_51 = vector.shape_cast %swap3A_50 : vector<16xf32> to vector<16xf32>
    %swap3A_52 = vector.shape_cast %broadcast_in_dim3A_1 : vector<16xf32> to vector<16xf32>
    tpu.vector_store %arg9[%swap3A_49], %swap3A_52 {strides = array<i32>} : memref<640xf32, #tpu.memory_space<vmem>>, vector<16xf32>,
    %swap3A_53 = arith.constant 208 : index
    %swap3A_54 = tpu.vector_load %arg9[%swap3A_53] {strides = array<i32>} : memref<640xf32, #tpu.memory_space<vmem>>, vector<16xf32>,
    %swap3A_55 = vector.shape_cast %swap3A_54 : vector<16xf32> to vector<16xf32>
    %swap3A_56 = vector.shape_cast %broadcast_in_dim3A_1 : vector<16xf32> to vector<16xf32>
    tpu.vector_store %arg9[%swap3A_53], %swap3A_56 {strides = array<i32>} : memref<640xf32, #tpu.memory_space<vmem>>, vector<16xf32>,
    %swap3A_57 = arith.constant 224 : index
    %swap3A_58 = tpu.vector_load %arg9[%swap3A_57] {strides = array<i32>} : memref<640xf32, #tpu.memory_space<vmem>>, vector<16xf32>,
    %swap3A_59 = vector.shape_cast %swap3A_58 : vector<16xf32> to vector<16xf32>
    %swap3A_60 = vector.shape_cast %broadcast_in_dim3A_1 : vector<16xf32> to vector<16xf32>
    tpu.vector_store %arg9[%swap3A_57], %swap3A_60 {strides = array<i32>} : memref<640xf32, #tpu.memory_space<vmem>>, vector<16xf32>,
    %swap3A_61 = arith.constant 240 : index
    %swap3A_62 = tpu.vector_load %arg9[%swap3A_61] {strides = array<i32>} : memref<640xf32, #tpu.memory_space<vmem>>, vector<16xf32>,
    %swap3A_63 = vector.shape_cast %swap3A_62 : vector<16xf32> to vector<16xf32>
    %swap3A_64 = vector.shape_cast %broadcast_in_dim3A_1 : vector<16xf32> to vector<16xf32>
    tpu.vector_store %arg9[%swap3A_61], %swap3A_64 {strides = array<i32>} : memref<640xf32, #tpu.memory_space<vmem>>, vector<16xf32>,
    %swap3A_65 = arith.constant 256 : index
    %swap3A_66 = tpu.vector_load %arg9[%swap3A_65] {strides = array<i32>} : memref<640xf32, #tpu.memory_space<vmem>>, vector<16xf32>,
    %swap3A_67 = vector.shape_cast %swap3A_66 : vector<16xf32> to vector<16xf32>
    %swap3A_68 = vector.shape_cast %broadcast_in_dim3A_1 : vector<16xf32> to vector<16xf32>
    tpu.vector_store %arg9[%swap3A_65], %swap3A_68 {strides = array<i32>} : memref<640xf32, #tpu.memory_space<vmem>>, vector<16xf32>,
    %swap3A_69 = arith.constant 272 : index
    %swap3A_70 = tpu.vector_load %arg9[%swap3A_69] {strides = array<i32>} : memref<640xf32, #tpu.memory_space<vmem>>, vector<16xf32>,
    %swap3A_71 = vector.shape_cast %swap3A_70 : vector<16xf32> to vector<16xf32>
    %swap3A_72 = vector.shape_cast %broadcast_in_dim3A_1 : vector<16xf32> to vector<16xf32>
    tpu.vector_store %arg9[%swap3A_69], %swap3A_72 {strides = array<i32>} : memref<640xf32, #tpu.memory_space<vmem>>, vector<16xf32>,
    %swap3A_73 = arith.constant 288 : index
    %swap3A_74 = tpu.vector_load %arg9[%swap3A_73] {strides = array<i32>} : memref<640xf32, #tpu.memory_space<vmem>>, vector<16xf32>,
    %swap3A_75 = vector.shape_cast %swap3A_74 : vector<16xf32> to vector<16xf32>
    %swap3A_76 = vector.shape_cast %broadcast_in_dim3A_1 : vector<16xf32> to vector<16xf32>
    tpu.vector_store %arg9[%swap3A_73], %swap3A_76 {strides = array<i32>} : memref<640xf32, #tpu.memory_space<vmem>>, vector<16xf32>,
    %swap3A_77 = arith.constant 304 : index
    %swap3A_78 = tpu.vector_load %arg9[%swap3A_77] {strides = array<i32>} : memref<640xf32, #tpu.memory_space<vmem>>, vector<16xf32>,
    %swap3A_79 = vector.shape_cast %swap3A_78 : vector<16xf32> to vector<16xf32>
    %swap3A_80 = vector.shape_cast %broadcast_in_dim3A_1 : vector<16xf32> to vector<16xf32>
    tpu.vector_store %arg9[%swap3A_77], %swap3A_80 {strides = array<i32>} : memref<640xf32, #tpu.memory_space<vmem>>, vector<16xf32>,
    %swap3A_81 = arith.constant 320 : index
    %swap3A_82 = tpu.vector_load %arg9[%swap3A_81] {strides = array<i32>} : memref<640xf32, #tpu.memory_space<vmem>>, vector<16xf32>,
    %swap3A_83 = vector.shape_cast %swap3A_82 : vector<16xf32> to vector<16xf32>
    %swap3A_84 = vector.shape_cast %broadcast_in_dim3A_1 : vector<16xf32> to vector<16xf32>
    tpu.vector_store %arg9[%swap3A_81], %swap3A_84 {strides = array<i32>} : memref<640xf32, #tpu.memory_space<vmem>>, vector<16xf32>,
    %swap3A_85 = arith.constant 336 : index
    %swap3A_86 = tpu.vector_load %arg9[%swap3A_85] {strides = array<i32>} : memref<640xf32, #tpu.memory_space<vmem>>, vector<16xf32>,
    %swap3A_87 = vector.shape_cast %swap3A_86 : vector<16xf32> to vector<16xf32>
    %swap3A_88 = vector.shape_cast %broadcast_in_dim3A_1 : vector<16xf32> to vector<16xf32>
    tpu.vector_store %arg9[%swap3A_85], %swap3A_88 {strides = array<i32>} : memref<640xf32, #tpu.memory_space<vmem>>, vector<16xf32>,
    %swap3A_89 = arith.constant 352 : index
    %swap3A_90 = tpu.vector_load %arg9[%swap3A_89] {strides = array<i32>} : memref<640xf32, #tpu.memory_space<vmem>>, vector<16xf32>,
    %swap3A_91 = vector.shape_cast %swap3A_90 : vector<16xf32> to vector<16xf32>
    %swap3A_92 = vector.shape_cast %broadcast_in_dim3A_1 : vector<16xf32> to vector<16xf32>
    tpu.vector_store %arg9[%swap3A_89], %swap3A_92 {strides = array<i32>} : memref<640xf32, #tpu.memory_space<vmem>>, vector<16xf32>,
    %swap3A_93 = arith.constant 368 : index
    %swap3A_94 = tpu.vector_load %arg9[%swap3A_93] {strides = array<i32>} : memref<640xf32, #tpu.memory_space<vmem>>, vector<16xf32>,
    %swap3A_95 = vector.shape_cast %swap3A_94 : vector<16xf32> to vector<16xf32>
    %swap3A_96 = vector.shape_cast %broadcast_in_dim3A_1 : vector<16xf32> to vector<16xf32>
    tpu.vector_store %arg9[%swap3A_93], %swap3A_96 {strides = array<i32>} : memref<640xf32, #tpu.memory_space<vmem>>, vector<16xf32>,
    %swap3A_97 = arith.constant 384 : index
    %swap3A_98 = tpu.vector_load %arg9[%swap3A_97] {strides = array<i32>} : memref<640xf32, #tpu.memory_space<vmem>>, vector<16xf32>,
    %swap3A_99 = vector.shape_cast %swap3A_98 : vector<16xf32> to vector<16xf32>
    %swap3A_100 = vector.shape_cast %broadcast_in_dim3A_1 : vector<16xf32> to vector<16xf32>
    tpu.vector_store %arg9[%swap3A_97], %swap3A_100 {strides = array<i32>} : memref<640xf32, #tpu.memory_space<vmem>>, vector<16xf32>,
    %swap3A_101 = arith.constant 400 : index
    %swap3A_102 = tpu.vector_load %arg9[%swap3A_101] {strides = array<i32>} : memref<640xf32, #tpu.memory_space<vmem>>, vector<16xf32>,
    %swap3A_103 = vector.shape_cast %swap3A_102 : vector<16xf32> to vector<16xf32>
    %swap3A_104 = vector.shape_cast %broadcast_in_dim3A_1 : vector<16xf32> to vector<16xf32>
    tpu.vector_store %arg9[%swap3A_101], %swap3A_104 {strides = array<i32>} : memref<640xf32, #tpu.memory_space<vmem>>, vector<16xf32>,
    %swap3A_105 = arith.constant 416 : index
    %swap3A_106 = tpu.vector_load %arg9[%swap3A_105] {strides = array<i32>} : memref<640xf32, #tpu.memory_space<vmem>>, vector<16xf32>,
    %swap3A_107 = vector.shape_cast %swap3A_106 : vector<16xf32> to vector<16xf32>
    %swap3A_108 = vector.shape_cast %broadcast_in_dim3A_1 : vector<16xf32> to vector<16xf32>
    tpu.vector_store %arg9[%swap3A_105], %swap3A_108 {strides = array<i32>} : memref<640xf32, #tpu.memory_space<vmem>>, vector<16xf32>,
    %swap3A_109 = arith.constant 432 : index
    %swap3A_110 = tpu.vector_load %arg9[%swap3A_109] {strides = array<i32>} : memref<640xf32, #tpu.memory_space<vmem>>, vector<16xf32>,
    %swap3A_111 = vector.shape_cast %swap3A_110 : vector<16xf32> to vector<16xf32>
    %swap3A_112 = vector.shape_cast %broadcast_in_dim3A_1 : vector<16xf32> to vector<16xf32>
    tpu.vector_store %arg9[%swap3A_109], %swap3A_112 {strides = array<i32>} : memref<640xf32, #tpu.memory_space<vmem>>, vector<16xf32>,
    %swap3A_113 = arith.constant 448 : index
    %swap3A_114 = tpu.vector_load %arg9[%swap3A_113] {strides = array<i32>} : memref<640xf32, #tpu.memory_space<vmem>>, vector<16xf32>,
    %swap3A_115 = vector.shape_cast %swap3A_114 : vector<16xf32> to vector<16xf32>
    %swap3A_116 = vector.shape_cast %broadcast_in_dim3A_1 : vector<16xf32> to vector<16xf32>
    tpu.vector_store %arg9[%swap3A_113], %swap3A_116 {strides = array<i32>} : memref<640xf32, #tpu.memory_space<vmem>>, vector<16xf32>,
    %swap3A_117 = arith.constant 464 : index
    %swap3A_118 = tpu.vector_load %arg9[%swap3A_117] {strides = array<i32>} : memref<640xf32, #tpu.memory_space<vmem>>, vector<16xf32>,
    %swap3A_119 = vector.shape_cast %swap3A_118 : vector<16xf32> to vector<16xf32>
    %swap3A_120 = vector.shape_cast %broadcast_in_dim3A_1 : vector<16xf32> to vector<16xf32>
    tpu.vector_store %arg9[%swap3A_117], %swap3A_120 {strides = array<i32>} : memref<640xf32, #tpu.memory_space<vmem>>, vector<16xf32>,
    %swap3A_121 = arith.constant 480 : index
    %swap3A_122 = tpu.vector_load %arg9[%swap3A_121] {strides = array<i32>} : memref<640xf32, #tpu.memory_space<vmem>>, vector<16xf32>,
    %swap3A_123 = vector.shape_cast %swap3A_122 : vector<16xf32> to vector<16xf32>
    %swap3A_124 = vector.shape_cast %broadcast_in_dim3A_1 : vector<16xf32> to vector<16xf32>
    tpu.vector_store %arg9[%swap3A_121], %swap3A_124 {strides = array<i32>} : memref<640xf32, #tpu.memory_space<vmem>>, vector<16xf32>,
    %swap3A_125 = arith.constant 496 : index
    %swap3A_126 = tpu.vector_load %arg9[%swap3A_125] {strides = array<i32>} : memref<640xf32, #tpu.memory_space<vmem>>, vector<16xf32>,
    %swap3A_127 = vector.shape_cast %swap3A_126 : vector<16xf32> to vector<16xf32>
    %swap3A_128 = vector.shape_cast %broadcast_in_dim3A_1 : vector<16xf32> to vector<16xf32>
    tpu.vector_store %arg9[%swap3A_125], %swap3A_128 {strides = array<i32>} : memref<640xf32, #tpu.memory_space<vmem>>, vector<16xf32>,
    %swap3A_129 = arith.constant 512 : index
    %swap3A_130 = tpu.vector_load %arg9[%swap3A_129] {strides = array<i32>} : memref<640xf32, #tpu.memory_space<vmem>>, vector<16xf32>,
    %swap3A_131 = vector.shape_cast %swap3A_130 : vector<16xf32> to vector<16xf32>
    %swap3A_132 = vector.shape_cast %broadcast_in_dim3A_1 : vector<16xf32> to vector<16xf32>
    tpu.vector_store %arg9[%swap3A_129], %swap3A_132 {strides = array<i32>} : memref<640xf32, #tpu.memory_space<vmem>>, vector<16xf32>,
    %swap3A_133 = arith.constant 528 : index
    %swap3A_134 = tpu.vector_load %arg9[%swap3A_133] {strides = array<i32>} : memref<640xf32, #tpu.memory_space<vmem>>, vector<16xf32>,
    %swap3A_135 = vector.shape_cast %swap3A_134 : vector<16xf32> to vector<16xf32>
    %swap3A_136 = vector.shape_cast %broadcast_in_dim3A_1 : vector<16xf32> to vector<16xf32>
    tpu.vector_store %arg9[%swap3A_133], %swap3A_136 {strides = array<i32>} : memref<640xf32, #tpu.memory_space<vmem>>, vector<16xf32>,
    %swap3A_137 = arith.constant 544 : index
    %swap3A_138 = tpu.vector_load %arg9[%swap3A_137] {strides = array<i32>} : memref<640xf32, #tpu.memory_space<vmem>>, vector<16xf32>,
    %swap3A_139 = vector.shape_cast %swap3A_138 : vector<16xf32> to vector<16xf32>
    %swap3A_140 = vector.shape_cast %broadcast_in_dim3A_1 : vector<16xf32> to vector<16xf32>
    tpu.vector_store %arg9[%swap3A_137], %swap3A_140 {strides = array<i32>} : memref<640xf32, #tpu.memory_space<vmem>>, vector<16xf32>,
    %swap3A_141 = arith.constant 560 : index
    %swap3A_142 = tpu.vector_load %arg9[%swap3A_141] {strides = array<i32>} : memref<640xf32, #tpu.memory_space<vmem>>, vector<16xf32>,
    %swap3A_143 = vector.shape_cast %swap3A_142 : vector<16xf32> to vector<16xf32>
    %swap3A_144 = vector.shape_cast %broadcast_in_dim3A_1 : vector<16xf32> to vector<16xf32>
    tpu.vector_store %arg9[%swap3A_141], %swap3A_144 {strides = array<i32>} : memref<640xf32, #tpu.memory_space<vmem>>, vector<16xf32>,
    %swap3A_145 = arith.constant 576 : index
    %swap3A_146 = tpu.vector_load %arg9[%swap3A_145] {strides = array<i32>} : memref<640xf32, #tpu.memory_space<vmem>>, vector<16xf32>,
    %swap3A_147 = vector.shape_cast %swap3A_146 : vector<16xf32> to vector<16xf32>
    %swap3A_148 = vector.shape_cast %broadcast_in_dim3A_1 : vector<16xf32> to vector<16xf32>
    tpu.vector_store %arg9[%swap3A_145], %swap3A_148 {strides = array<i32>} : memref<640xf32, #tpu.memory_space<vmem>>, vector<16xf32>,
    %swap3A_149 = arith.constant 592 : index
    %swap3A_150 = tpu.vector_load %arg9[%swap3A_149] {strides = array<i32>} : memref<640xf32, #tpu.memory_space<vmem>>, vector<16xf32>,
    %swap3A_151 = vector.shape_cast %swap3A_150 : vector<16xf32> to vector<16xf32>
    %swap3A_152 = vector.shape_cast %broadcast_in_dim3A_1 : vector<16xf32> to vector<16xf32>
    tpu.vector_store %arg9[%swap3A_149], %swap3A_152 {strides = array<i32>} : memref<640xf32, #tpu.memory_space<vmem>>, vector<16xf32>,
    %swap3A_153 = arith.constant 608 : index
    %swap3A_154 = tpu.vector_load %arg9[%swap3A_153] {strides = array<i32>} : memref<640xf32, #tpu.memory_space<vmem>>, vector<16xf32>,
    %swap3A_155 = vector.shape_cast %swap3A_154 : vector<16xf32> to vector<16xf32>
    %swap3A_156 = vector.shape_cast %broadcast_in_dim3A_1 : vector<16xf32> to vector<16xf32>
    tpu.vector_store %arg9[%swap3A_153], %swap3A_156 {strides = array<i32>} : memref<640xf32, #tpu.memory_space<vmem>>, vector<16xf32>,
    %swap3A_157 = arith.constant 624 : index
    %swap3A_158 = tpu.vector_load %arg9[%swap3A_157] {strides = array<i32>} : memref<640xf32, #tpu.memory_space<vmem>>, vector<16xf32>,
    %swap3A_159 = vector.shape_cast %swap3A_158 : vector<16xf32> to vector<16xf32>
    %swap3A_160 = vector.shape_cast %broadcast_in_dim3A_1 : vector<16xf32> to vector<16xf32>
    tpu.vector_store %arg9[%swap3A_157], %swap3A_160 {strides = array<i32>} : memref<640xf32, #tpu.memory_space<vmem>>, vector<16xf32>,
    %mul3A_161 = arith.constant 640 : i32
    %mul3A_162 = arith.muli %arg1, %mul3A_161 : i32
    "tpu.region"() ({
      %run_scoped3A = tpu.sem_alloc : memref<!tpu.dma_semaphore, #tpu.memory_space<semaphore_mem>>
      %dma_start3A = tpu.memref_slice %arg10[%mul3A_162] : memref<10240xf32, #tpu.memory_space<vmem_shared>> -> memref<640xf32, #tpu.memory_space<vmem_shared>>
      %dma_start3A_174 = tpu.memref_slice %arg10[%mul3A_162] : memref<10240xf32, #tpu.memory_space<vmem_shared>> -> memref<640xf32, #tpu.memory_space<vmem_shared>>
      tpu.enqueue_dma source(%arg9 : memref<640xf32, #tpu.memory_space<vmem>>) target(%dma_start3A_174 : memref<640xf32, #tpu.memory_space<vmem_shared>>) target_semaphore(%run_scoped3A : memref<!tpu.dma_semaphore, #tpu.memory_space<semaphore_mem>>)
      %dma_wait3A = tpu.memref_slice %arg10[%mul3A_162] : memref<10240xf32, #tpu.memory_space<vmem_shared>> -> memref<640xf32, #tpu.memory_space<vmem_shared>>
      %dma_wait3A_175 = tpu.memref_slice %arg10[%mul3A_162] : memref<10240xf32, #tpu.memory_space<vmem_shared>> -> memref<640xf32, #tpu.memory_space<vmem_shared>>
      tpu.wait_dma2 semaphore(%run_scoped3A : memref<!tpu.dma_semaphore, #tpu.memory_space<semaphore_mem>>) src(%arg9 : memref<640xf32, #tpu.memory_space<vmem>>) dst(%dma_wait3A_175 : memref<640xf32, #tpu.memory_space<vmem_shared>>)
      tpu.yield
    }) : () -> ()
    "tpu.region"() ({
      %run_scoped3A = tpu.sem_alloc : memref<!tpu.dma_semaphore, #tpu.memory_space<semaphore_mem>>
      %dma_start3A = arith.constant 0 : i32
      %dma_start3A_174 = arith.constant 0 : i32
      %dma_start3A_175 = tpu.memref_slice %arg3[%add3A, %dma_start3A, %dma_start3A_174] : memref<32x80x128xi32, #tpu.memory_space<hbm>> -> memref<1x80x128xi32, #tpu.memory_space<hbm>>
      %dma_start3A_176 = tpu.memref_squeeze %dma_start3A_175 : memref<1x80x128xi32, #tpu.memory_space<hbm>> -> memref<80x128xi32, #tpu.memory_space<hbm>>
      %dma_start3A_177 = arith.constant 0 : i32
      %dma_start3A_178 = arith.constant 0 : i32
      %dma_start3A_179 = tpu.memref_slice %arg3[%add3A, %dma_start3A_177, %dma_start3A_178] : memref<32x80x128xi32, #tpu.memory_space<hbm>> -> memref<1x80x128xi32, #tpu.memory_space<hbm>>
      %dma_start3A_180 = tpu.memref_squeeze %dma_start3A_179 : memref<1x80x128xi32, #tpu.memory_space<hbm>> -> memref<80x128xi32, #tpu.memory_space<hbm>>
      tpu.enqueue_dma source(%dma_start3A_180 : memref<80x128xi32, #tpu.memory_space<hbm>>) target(%arg6 : memref<80x128xi32, #tpu.memory_space<vmem>>) target_semaphore(%run_scoped3A : memref<!tpu.dma_semaphore, #tpu.memory_space<semaphore_mem>>)
      %dma_wait3A = arith.constant 0 : i32
      %dma_wait3A_181 = arith.constant 0 : i32
      %dma_wait3A_182 = tpu.memref_slice %arg3[%add3A, %dma_wait3A, %dma_wait3A_181] : memref<32x80x128xi32, #tpu.memory_space<hbm>> -> memref<1x80x128xi32, #tpu.memory_space<hbm>>
      %dma_wait3A_183 = tpu.memref_squeeze %dma_wait3A_182 : memref<1x80x128xi32, #tpu.memory_space<hbm>> -> memref<80x128xi32, #tpu.memory_space<hbm>>
      %dma_wait3A_184 = arith.constant 0 : i32
      %dma_wait3A_185 = arith.constant 0 : i32
      %dma_wait3A_186 = tpu.memref_slice %arg3[%add3A, %dma_wait3A_184, %dma_wait3A_185] : memref<32x80x128xi32, #tpu.memory_space<hbm>> -> memref<1x80x128xi32, #tpu.memory_space<hbm>>
      %dma_wait3A_187 = tpu.memref_squeeze %dma_wait3A_186 : memref<1x80x128xi32, #tpu.memory_space<hbm>> -> memref<80x128xi32, #tpu.memory_space<hbm>>
      tpu.wait_dma2 semaphore(%run_scoped3A : memref<!tpu.dma_semaphore, #tpu.memory_space<semaphore_mem>>) src(%dma_wait3A_187 : memref<80x128xi32, #tpu.memory_space<hbm>>) dst(%arg6 : memref<80x128xi32, #tpu.memory_space<vmem>>)
      tpu.yield
    }) : () -> ()
    "tpu.region"() ({
      %run_scoped3A = tpu.sem_alloc : memref<!tpu.dma_semaphore, #tpu.memory_space<semaphore_mem>>
      %dma_start3A = arith.constant 0 : i32
      %dma_start3A_174 = arith.constant 0 : i32
      %dma_start3A_175 = tpu.memref_slice %arg4[%add3A, %dma_start3A, %dma_start3A_174] : memref<32x80x128xi32, #tpu.memory_space<hbm>> -> memref<1x80x128xi32, #tpu.memory_space<hbm>>
      %dma_start3A_176 = tpu.memref_squeeze %dma_start3A_175 : memref<1x80x128xi32, #tpu.memory_space<hbm>> -> memref<80x128xi32, #tpu.memory_space<hbm>>
      %dma_start3A_177 = arith.constant 0 : i32
      %dma_start3A_178 = arith.constant 0 : i32
      %dma_start3A_179 = tpu.memref_slice %arg4[%add3A, %dma_start3A_177, %dma_start3A_178] : memref<32x80x128xi32, #tpu.memory_space<hbm>> -> memref<1x80x128xi32, #tpu.memory_space<hbm>>
      %dma_start3A_180 = tpu.memref_squeeze %dma_start3A_179 : memref<1x80x128xi32, #tpu.memory_space<hbm>> -> memref<80x128xi32, #tpu.memory_space<hbm>>
      tpu.enqueue_dma source(%dma_start3A_180 : memref<80x128xi32, #tpu.memory_space<hbm>>) target(%arg7 : memref<80x128xi32, #tpu.memory_space<vmem>>) target_semaphore(%run_scoped3A : memref<!tpu.dma_semaphore, #tpu.memory_space<semaphore_mem>>)
      %dma_wait3A = arith.constant 0 : i32
      %dma_wait3A_181 = arith.constant 0 : i32
      %dma_wait3A_182 = tpu.memref_slice %arg4[%add3A, %dma_wait3A, %dma_wait3A_181] : memref<32x80x128xi32, #tpu.memory_space<hbm>> -> memref<1x80x128xi32, #tpu.memory_space<hbm>>
      %dma_wait3A_183 = tpu.memref_squeeze %dma_wait3A_182 : memref<1x80x128xi32, #tpu.memory_space<hbm>> -> memref<80x128xi32, #tpu.memory_space<hbm>>
      %dma_wait3A_184 = arith.constant 0 : i32
      %dma_wait3A_185 = arith.constant 0 : i32
      %dma_wait3A_186 = tpu.memref_slice %arg4[%add3A, %dma_wait3A_184, %dma_wait3A_185] : memref<32x80x128xi32, #tpu.memory_space<hbm>> -> memref<1x80x128xi32, #tpu.memory_space<hbm>>
      %dma_wait3A_187 = tpu.memref_squeeze %dma_wait3A_186 : memref<1x80x128xi32, #tpu.memory_space<hbm>> -> memref<80x128xi32, #tpu.memory_space<hbm>>
      tpu.wait_dma2 semaphore(%run_scoped3A : memref<!tpu.dma_semaphore, #tpu.memory_space<semaphore_mem>>) src(%dma_wait3A_187 : memref<80x128xi32, #tpu.memory_space<hbm>>) dst(%arg7 : memref<80x128xi32, #tpu.memory_space<vmem>>)
      tpu.yield
    }) : () -> ()
    %barrier3A = arith.constant 0 : index
    tpu.barrier barrier_id(%barrier3A)
    %scan3A = arith.constant 0 : i32
    %scan3A_163 = arith.constant 0 : i32
    %scan3A_164 = arith.constant 80 : i32
    %scan3A_165 = arith.addi %scan3A_163, %scan3A_164 : i32
    %scan3A_166 = arith.constant 1 : i32
    %scan3A_167 = scf.for %scan3A_174 = %scan3A_163 to %scan3A_165 step %scan3A_166 iter_args(%scan3A_175 = %scan3A) -> (i32)  : i32 {
      %dma_start3A = arith.constant 0 : i32
      %dma_start3A_176 = tpu.memref_slice %arg6[%scan3A_174, %dma_start3A] : memref<80x128xi32, #tpu.memory_space<vmem>> -> memref<1x128xi32, #tpu.memory_space<vmem>>
      %dma_start3A_177 = tpu.memref_squeeze %dma_start3A_176 : memref<1x128xi32, #tpu.memory_space<vmem>> -> memref<128xi32, #tpu.memory_space<vmem>>
      %dma_start3A_178 = arith.constant 0 : i32
      %dma_start3A_179 = tpu.memref_slice %arg2[%dma_start3A_178] : memref<10240xf32, #tpu.memory_space<hbm>> -> memref<10240xf32, #tpu.memory_space<hbm>>
      tpu.enqueue_indirect_dma source(%dma_start3A_179 : memref<10240xf32, #tpu.memory_space<hbm>>) target(%arg8 : memref<128xf32, #tpu.memory_space<vmem>>) offsets(%dma_start3A_177 : memref<128xi32, #tpu.memory_space<vmem>>) semaphore(%arg11 : memref<!tpu.dma_semaphore, #tpu.memory_space<semaphore_mem>>)
      %dma_wait3A = arith.constant 0 : i32
      %dma_wait3A_180 = tpu.memref_slice %arg6[%scan3A_174, %dma_wait3A] : memref<80x128xi32, #tpu.memory_space<vmem>> -> memref<1x128xi32, #tpu.memory_space<vmem>>
      %dma_wait3A_181 = tpu.memref_squeeze %dma_wait3A_180 : memref<1x128xi32, #tpu.memory_space<vmem>> -> memref<128xi32, #tpu.memory_space<vmem>>
      %dma_wait3A_182 = arith.constant 0 : i32
      %dma_wait3A_183 = tpu.memref_slice %arg2[%dma_wait3A_182] : memref<10240xf32, #tpu.memory_space<hbm>> -> memref<10240xf32, #tpu.memory_space<hbm>>
      tpu.wait_indirect_dma semaphore(%arg11 : memref<!tpu.dma_semaphore, #tpu.memory_space<semaphore_mem>>) src(%dma_wait3A_183 : memref<10240xf32, #tpu.memory_space<hbm>>) dst(%arg8 : memref<128xf32, #tpu.memory_space<vmem>>)
      "tpu.region"() ({
        %run_scoped3A = tpu.sem_alloc : memref<!tpu.dma_semaphore, #tpu.memory_space<semaphore_mem>>
        %dma_start3A_185 = arith.constant 0 : i32
        %dma_start3A_186 = tpu.memref_slice %arg7[%scan3A_174, %dma_start3A_185] : memref<80x128xi32, #tpu.memory_space<vmem>> -> memref<1x128xi32, #tpu.memory_space<vmem>>
        %dma_start3A_187 = tpu.memref_squeeze %dma_start3A_186 : memref<1x128xi32, #tpu.memory_space<vmem>> -> memref<128xi32, #tpu.memory_space<vmem>>
        %dma_start3A_188 = arith.constant 0 : i32
        %dma_start3A_189 = tpu.memref_slice %arg10[%dma_start3A_188] : memref<10240xf32, #tpu.memory_space<vmem_shared>> -> memref<10240xf32, #tpu.memory_space<vmem_shared>>
        tpu.enqueue_indirect_dma source(%arg8 : memref<128xf32, #tpu.memory_space<vmem>>) target(%dma_start3A_189 : memref<10240xf32, #tpu.memory_space<vmem_shared>>) offsets(%dma_start3A_187 : memref<128xi32, #tpu.memory_space<vmem>>) semaphore(%run_scoped3A : memref<!tpu.dma_semaphore, #tpu.memory_space<semaphore_mem>>) {add = true}
        %dma_wait3A_190 = arith.constant 0 : i32
        %dma_wait3A_191 = tpu.memref_slice %arg7[%scan3A_174, %dma_wait3A_190] : memref<80x128xi32, #tpu.memory_space<vmem>> -> memref<1x128xi32, #tpu.memory_space<vmem>>
        %dma_wait3A_192 = tpu.memref_squeeze %dma_wait3A_191 : memref<1x128xi32, #tpu.memory_space<vmem>> -> memref<128xi32, #tpu.memory_space<vmem>>
        %dma_wait3A_193 = arith.constant 0 : i32
        %dma_wait3A_194 = tpu.memref_slice %arg10[%dma_wait3A_193] : memref<10240xf32, #tpu.memory_space<vmem_shared>> -> memref<10240xf32, #tpu.memory_space<vmem_shared>>
        tpu.wait_indirect_dma semaphore(%run_scoped3A : memref<!tpu.dma_semaphore, #tpu.memory_space<semaphore_mem>>) src(%arg8 : memref<128xf32, #tpu.memory_space<vmem>>) dst(%dma_wait3A_194 : memref<10240xf32, #tpu.memory_space<vmem_shared>>)
        tpu.yield
      }) : () -> ()
      %scan3A_184 = arith.constant 0 : i32
      scf.yield %scan3A_184 : i32
    }
    %scan3A_168 = arith.constant 80 : i32
    %barrier3A_169 = arith.constant 0 : index
    tpu.barrier barrier_id(%barrier3A_169)
    %mul3A_170 = arith.constant 640 : i32
    %mul3A_171 = arith.muli %arg1, %mul3A_170 : i32
    "tpu.region"() ({
      %run_scoped3A = tpu.sem_alloc : memref<!tpu.dma_semaphore, #tpu.memory_space<semaphore_mem>>
      %dma_start3A = tpu.memref_slice %arg10[%mul3A_171] : memref<10240xf32, #tpu.memory_space<vmem_shared>> -> memref<640xf32, #tpu.memory_space<vmem_shared>>
      %dma_start3A_174 = tpu.memref_slice %arg10[%mul3A_171] : memref<10240xf32, #tpu.memory_space<vmem_shared>> -> memref<640xf32, #tpu.memory_space<vmem_shared>>
      tpu.enqueue_dma source(%dma_start3A_174 : memref<640xf32, #tpu.memory_space<vmem_shared>>) target(%arg9 : memref<640xf32, #tpu.memory_space<vmem>>) target_semaphore(%run_scoped3A : memref<!tpu.dma_semaphore, #tpu.memory_space<semaphore_mem>>)
      %dma_wait3A = tpu.memref_slice %arg10[%mul3A_171] : memref<10240xf32, #tpu.memory_space<vmem_shared>> -> memref<640xf32, #tpu.memory_space<vmem_shared>>
      %dma_wait3A_175 = tpu.memref_slice %arg10[%mul3A_171] : memref<10240xf32, #tpu.memory_space<vmem_shared>> -> memref<640xf32, #tpu.memory_space<vmem_shared>>
      tpu.wait_dma2 semaphore(%run_scoped3A : memref<!tpu.dma_semaphore, #tpu.memory_space<semaphore_mem>>) src(%dma_wait3A_175 : memref<640xf32, #tpu.memory_space<vmem_shared>>) dst(%arg9 : memref<640xf32, #tpu.memory_space<vmem>>)
      tpu.yield
    }) : () -> ()
    %mul3A_172 = arith.constant 640 : i32
    %mul3A_173 = arith.muli %arg1, %mul3A_172 : i32
    "tpu.region"() ({
      %run_scoped3A = tpu.sem_alloc : memref<!tpu.dma_semaphore, #tpu.memory_space<semaphore_mem>>
      %dma_start3A = tpu.memref_slice %arg5[%arg0, %mul3A_173] : memref<2x10240xf32, #tpu.memory_space<hbm>> -> memref<1x640xf32, #tpu.memory_space<hbm>>
      %dma_start3A_174 = tpu.memref_squeeze %dma_start3A : memref<1x640xf32, #tpu.memory_space<hbm>> -> memref<640xf32, #tpu.memory_space<hbm>>
      %dma_start3A_175 = tpu.memref_slice %arg5[%arg0, %mul3A_173] : memref<2x10240xf32, #tpu.memory_space<hbm>> -> memref<1x640xf32, #tpu.memory_space<hbm>>
      %dma_start3A_176 = tpu.memref_squeeze %dma_start3A_175 : memref<1x640xf32, #tpu.memory_space<hbm>> -> memref<640xf32, #tpu.memory_space<hbm>>
      tpu.enqueue_dma source(%arg9 : memref<640xf32, #tpu.memory_space<vmem>>) target(%dma_start3A_176 : memref<640xf32, #tpu.memory_space<hbm>>) target_semaphore(%run_scoped3A : memref<!tpu.dma_semaphore, #tpu.memory_space<semaphore_mem>>)
      %dma_wait3A = tpu.memref_slice %arg5[%arg0, %mul3A_173] : memref<2x10240xf32, #tpu.memory_space<hbm>> -> memref<1x640xf32, #tpu.memory_space<hbm>>
      %dma_wait3A_177 = tpu.memref_squeeze %dma_wait3A : memref<1x640xf32, #tpu.memory_space<hbm>> -> memref<640xf32, #tpu.memory_space<hbm>>
      %dma_wait3A_178 = tpu.memref_slice %arg5[%arg0, %mul3A_173] : memref<2x10240xf32, #tpu.memory_space<hbm>> -> memref<1x640xf32, #tpu.memory_space<hbm>>
      %dma_wait3A_179 = tpu.memref_squeeze %dma_wait3A_178 : memref<1x640xf32, #tpu.memory_space<hbm>> -> memref<640xf32, #tpu.memory_space<hbm>>
      tpu.wait_dma2 semaphore(%run_scoped3A : memref<!tpu.dma_semaphore, #tpu.memory_space<semaphore_mem>>) src(%arg9 : memref<640xf32, #tpu.memory_space<vmem>>) dst(%dma_wait3A_179 : memref<640xf32, #tpu.memory_space<hbm>>)
      tpu.yield
    }) : () -> ()
    return
  }
}

#map = affine_map<(d0, d1) -> (0, 0)>
#map1 = affine_map<(d0, d1) -> (0, 0, 0)>
module attributes {stable_mosaic.version = 14 : i64} {
  func.func @_sc_layer_body(%arg0: i32, %arg1: i32, %arg2: memref<10240x128xf32, #tpu.memory_space<hbm>>, %arg3: memref<32x102x128xi32, #tpu.memory_space<hbm>>, %arg4: memref<32x102x128xi32, #tpu.memory_space<hbm>>, %arg5: memref<32x128xf32, #tpu.memory_space<hbm>>, %arg6: memref<2x10240x128xf32, #tpu.memory_space<hbm>>, %arg7: memref<102x128xi32, #tpu.memory_space<vmem>>, %arg8: memref<102x128xi32, #tpu.memory_space<vmem>>, %arg9: memref<128x128xf32, #tpu.memory_space<vmem>>, %arg10: memref<32x128xf32, #tpu.memory_space<vmem>>, %arg11: memref<10240x128xf32, #tpu.memory_space<vmem_shared>>, %arg12: memref<!tpu.dma_semaphore, #tpu.memory_space<semaphore_mem>>) attributes {dimension_semantics = [#tpu.dimension_semantics<core_parallel>, #tpu.dimension_semantics<subcore_parallel>], iteration_bounds = array<i64: 2, 16>, scalar_prefetch = 0 : i64, scratch_operands = 6 : i64, tpu.core_type = #tpu.core_type<sc_vector_subcore>, window_params = [{transform_indices = #map}, {transform_indices = #map1}, {transform_indices = #map1}, {transform_indices = #map}, {transform_indices = #map1}]} {
    %mul3A = arith.constant 16 : i32
    %mul3A_0 = arith.muli %arg0, %mul3A : i32
    %add3A = arith.addi %mul3A_0, %arg1 : i32
    %eq3A = arith.constant 0 : i32
    %eq3A_1 = arith.cmpi eq, %arg0, %eq3A : i32
    %jit3A = arith.constant 102 : i32
    %jit3A_2 = arith.constant 56 : i32
    %select_n3A = arith.select %eq3A_1, %jit3A, %jit3A_2 : i32
    "tpu.region"() ({
      %run_scoped3A = tpu.sem_alloc : memref<!tpu.dma_semaphore, #tpu.memory_space<semaphore_mem>>
      tpu.enqueue_dma source(%arg5 : memref<32x128xf32, #tpu.memory_space<hbm>>) target(%arg10 : memref<32x128xf32, #tpu.memory_space<vmem>>) target_semaphore(%run_scoped3A : memref<!tpu.dma_semaphore, #tpu.memory_space<semaphore_mem>>)
      tpu.wait_dma2 semaphore(%run_scoped3A : memref<!tpu.dma_semaphore, #tpu.memory_space<semaphore_mem>>) src(%arg5 : memref<32x128xf32, #tpu.memory_space<hbm>>) dst(%arg10 : memref<32x128xf32, #tpu.memory_space<vmem>>)
      tpu.yield
    }) : () -> ()
    %mul3A_3 = arith.constant 640 : i32
    %mul3A_4 = arith.muli %arg1, %mul3A_3 : i32
    %add3A_5 = arith.constant 0 : i32
    %add3A_6 = arith.addi %mul3A_4, %add3A_5 : i32
    "tpu.region"() ({
      %run_scoped3A = tpu.sem_alloc : memref<!tpu.dma_semaphore, #tpu.memory_space<semaphore_mem>>
      %dma_start3A = arith.constant 0 : i32
      %dma_start3A_175 = tpu.memref_slice %arg11[%add3A_6, %dma_start3A] : memref<10240x128xf32, #tpu.memory_space<vmem_shared>> -> memref<32x128xf32, #tpu.memory_space<vmem_shared>>
      %dma_start3A_176 = arith.constant 0 : i32
      %dma_start3A_177 = tpu.memref_slice %arg11[%add3A_6, %dma_start3A_176] : memref<10240x128xf32, #tpu.memory_space<vmem_shared>> -> memref<32x128xf32, #tpu.memory_space<vmem_shared>>
      tpu.enqueue_dma source(%arg10 : memref<32x128xf32, #tpu.memory_space<vmem>>) target(%dma_start3A_177 : memref<32x128xf32, #tpu.memory_space<vmem_shared>>) target_semaphore(%run_scoped3A : memref<!tpu.dma_semaphore, #tpu.memory_space<semaphore_mem>>)
      %dma_wait3A = arith.constant 0 : i32
      %dma_wait3A_178 = tpu.memref_slice %arg11[%add3A_6, %dma_wait3A] : memref<10240x128xf32, #tpu.memory_space<vmem_shared>> -> memref<32x128xf32, #tpu.memory_space<vmem_shared>>
      %dma_wait3A_179 = arith.constant 0 : i32
      %dma_wait3A_180 = tpu.memref_slice %arg11[%add3A_6, %dma_wait3A_179] : memref<10240x128xf32, #tpu.memory_space<vmem_shared>> -> memref<32x128xf32, #tpu.memory_space<vmem_shared>>
      tpu.wait_dma2 semaphore(%run_scoped3A : memref<!tpu.dma_semaphore, #tpu.memory_space<semaphore_mem>>) src(%arg10 : memref<32x128xf32, #tpu.memory_space<vmem>>) dst(%dma_wait3A_180 : memref<32x128xf32, #tpu.memory_space<vmem_shared>>)
      tpu.yield
    }) : () -> ()
    %mul3A_7 = arith.constant 640 : i32
    %mul3A_8 = arith.muli %arg1, %mul3A_7 : i32
    %add3A_9 = arith.constant 32 : i32
    %add3A_10 = arith.addi %mul3A_8, %add3A_9 : i32
    "tpu.region"() ({
      %run_scoped3A = tpu.sem_alloc : memref<!tpu.dma_semaphore, #tpu.memory_space<semaphore_mem>>
      %dma_start3A = arith.constant 0 : i32
      %dma_start3A_175 = tpu.memref_slice %arg11[%add3A_10, %dma_start3A] : memref<10240x128xf32, #tpu.memory_space<vmem_shared>> -> memref<32x128xf32, #tpu.memory_space<vmem_shared>>
      %dma_start3A_176 = arith.constant 0 : i32
      %dma_start3A_177 = tpu.memref_slice %arg11[%add3A_10, %dma_start3A_176] : memref<10240x128xf32, #tpu.memory_space<vmem_shared>> -> memref<32x128xf32, #tpu.memory_space<vmem_shared>>
      tpu.enqueue_dma source(%arg10 : memref<32x128xf32, #tpu.memory_space<vmem>>) target(%dma_start3A_177 : memref<32x128xf32, #tpu.memory_space<vmem_shared>>) target_semaphore(%run_scoped3A : memref<!tpu.dma_semaphore, #tpu.memory_space<semaphore_mem>>)
      %dma_wait3A = arith.constant 0 : i32
      %dma_wait3A_178 = tpu.memref_slice %arg11[%add3A_10, %dma_wait3A] : memref<10240x128xf32, #tpu.memory_space<vmem_shared>> -> memref<32x128xf32, #tpu.memory_space<vmem_shared>>
      %dma_wait3A_179 = arith.constant 0 : i32
      %dma_wait3A_180 = tpu.memref_slice %arg11[%add3A_10, %dma_wait3A_179] : memref<10240x128xf32, #tpu.memory_space<vmem_shared>> -> memref<32x128xf32, #tpu.memory_space<vmem_shared>>
      tpu.wait_dma2 semaphore(%run_scoped3A : memref<!tpu.dma_semaphore, #tpu.memory_space<semaphore_mem>>) src(%arg10 : memref<32x128xf32, #tpu.memory_space<vmem>>) dst(%dma_wait3A_180 : memref<32x128xf32, #tpu.memory_space<vmem_shared>>)
      tpu.yield
    }) : () -> ()
    %mul3A_11 = arith.constant 640 : i32
    %mul3A_12 = arith.muli %arg1, %mul3A_11 : i32
    %add3A_13 = arith.constant 64 : i32
    %add3A_14 = arith.addi %mul3A_12, %add3A_13 : i32
    "tpu.region"() ({
      %run_scoped3A = tpu.sem_alloc : memref<!tpu.dma_semaphore, #tpu.memory_space<semaphore_mem>>
      %dma_start3A = arith.constant 0 : i32
      %dma_start3A_175 = tpu.memref_slice %arg11[%add3A_14, %dma_start3A] : memref<10240x128xf32, #tpu.memory_space<vmem_shared>> -> memref<32x128xf32, #tpu.memory_space<vmem_shared>>
      %dma_start3A_176 = arith.constant 0 : i32
      %dma_start3A_177 = tpu.memref_slice %arg11[%add3A_14, %dma_start3A_176] : memref<10240x128xf32, #tpu.memory_space<vmem_shared>> -> memref<32x128xf32, #tpu.memory_space<vmem_shared>>
      tpu.enqueue_dma source(%arg10 : memref<32x128xf32, #tpu.memory_space<vmem>>) target(%dma_start3A_177 : memref<32x128xf32, #tpu.memory_space<vmem_shared>>) target_semaphore(%run_scoped3A : memref<!tpu.dma_semaphore, #tpu.memory_space<semaphore_mem>>)
      %dma_wait3A = arith.constant 0 : i32
      %dma_wait3A_178 = tpu.memref_slice %arg11[%add3A_14, %dma_wait3A] : memref<10240x128xf32, #tpu.memory_space<vmem_shared>> -> memref<32x128xf32, #tpu.memory_space<vmem_shared>>
      %dma_wait3A_179 = arith.constant 0 : i32
      %dma_wait3A_180 = tpu.memref_slice %arg11[%add3A_14, %dma_wait3A_179] : memref<10240x128xf32, #tpu.memory_space<vmem_shared>> -> memref<32x128xf32, #tpu.memory_space<vmem_shared>>
      tpu.wait_dma2 semaphore(%run_scoped3A : memref<!tpu.dma_semaphore, #tpu.memory_space<semaphore_mem>>) src(%arg10 : memref<32x128xf32, #tpu.memory_space<vmem>>) dst(%dma_wait3A_180 : memref<32x128xf32, #tpu.memory_space<vmem_shared>>)
      tpu.yield
    }) : () -> ()
    %mul3A_15 = arith.constant 640 : i32
    %mul3A_16 = arith.muli %arg1, %mul3A_15 : i32
    %add3A_17 = arith.constant 96 : i32
    %add3A_18 = arith.addi %mul3A_16, %add3A_17 : i32
    "tpu.region"() ({
      %run_scoped3A = tpu.sem_alloc : memref<!tpu.dma_semaphore, #tpu.memory_space<semaphore_mem>>
      %dma_start3A = arith.constant 0 : i32
      %dma_start3A_175 = tpu.memref_slice %arg11[%add3A_18, %dma_start3A] : memref<10240x128xf32, #tpu.memory_space<vmem_shared>> -> memref<32x128xf32, #tpu.memory_space<vmem_shared>>
      %dma_start3A_176 = arith.constant 0 : i32
      %dma_start3A_177 = tpu.memref_slice %arg11[%add3A_18, %dma_start3A_176] : memref<10240x128xf32, #tpu.memory_space<vmem_shared>> -> memref<32x128xf32, #tpu.memory_space<vmem_shared>>
      tpu.enqueue_dma source(%arg10 : memref<32x128xf32, #tpu.memory_space<vmem>>) target(%dma_start3A_177 : memref<32x128xf32, #tpu.memory_space<vmem_shared>>) target_semaphore(%run_scoped3A : memref<!tpu.dma_semaphore, #tpu.memory_space<semaphore_mem>>)
      %dma_wait3A = arith.constant 0 : i32
      %dma_wait3A_178 = tpu.memref_slice %arg11[%add3A_18, %dma_wait3A] : memref<10240x128xf32, #tpu.memory_space<vmem_shared>> -> memref<32x128xf32, #tpu.memory_space<vmem_shared>>
      %dma_wait3A_179 = arith.constant 0 : i32
      %dma_wait3A_180 = tpu.memref_slice %arg11[%add3A_18, %dma_wait3A_179] : memref<10240x128xf32, #tpu.memory_space<vmem_shared>> -> memref<32x128xf32, #tpu.memory_space<vmem_shared>>
      tpu.wait_dma2 semaphore(%run_scoped3A : memref<!tpu.dma_semaphore, #tpu.memory_space<semaphore_mem>>) src(%arg10 : memref<32x128xf32, #tpu.memory_space<vmem>>) dst(%dma_wait3A_180 : memref<32x128xf32, #tpu.memory_space<vmem_shared>>)
      tpu.yield
    }) : () -> ()
    %mul3A_19 = arith.constant 640 : i32
    %mul3A_20 = arith.muli %arg1, %mul3A_19 : i32
    %add3A_21 = arith.constant 128 : i32
    %add3A_22 = arith.addi %mul3A_20, %add3A_21 : i32
    "tpu.region"() ({
      %run_scoped3A = tpu.sem_alloc : memref<!tpu.dma_semaphore, #tpu.memory_space<semaphore_mem>>
      %dma_start3A = arith.constant 0 : i32
      %dma_start3A_175 = tpu.memref_slice %arg11[%add3A_22, %dma_start3A] : memref<10240x128xf32, #tpu.memory_space<vmem_shared>> -> memref<32x128xf32, #tpu.memory_space<vmem_shared>>
      %dma_start3A_176 = arith.constant 0 : i32
      %dma_start3A_177 = tpu.memref_slice %arg11[%add3A_22, %dma_start3A_176] : memref<10240x128xf32, #tpu.memory_space<vmem_shared>> -> memref<32x128xf32, #tpu.memory_space<vmem_shared>>
      tpu.enqueue_dma source(%arg10 : memref<32x128xf32, #tpu.memory_space<vmem>>) target(%dma_start3A_177 : memref<32x128xf32, #tpu.memory_space<vmem_shared>>) target_semaphore(%run_scoped3A : memref<!tpu.dma_semaphore, #tpu.memory_space<semaphore_mem>>)
      %dma_wait3A = arith.constant 0 : i32
      %dma_wait3A_178 = tpu.memref_slice %arg11[%add3A_22, %dma_wait3A] : memref<10240x128xf32, #tpu.memory_space<vmem_shared>> -> memref<32x128xf32, #tpu.memory_space<vmem_shared>>
      %dma_wait3A_179 = arith.constant 0 : i32
      %dma_wait3A_180 = tpu.memref_slice %arg11[%add3A_22, %dma_wait3A_179] : memref<10240x128xf32, #tpu.memory_space<vmem_shared>> -> memref<32x128xf32, #tpu.memory_space<vmem_shared>>
      tpu.wait_dma2 semaphore(%run_scoped3A : memref<!tpu.dma_semaphore, #tpu.memory_space<semaphore_mem>>) src(%arg10 : memref<32x128xf32, #tpu.memory_space<vmem>>) dst(%dma_wait3A_180 : memref<32x128xf32, #tpu.memory_space<vmem_shared>>)
      tpu.yield
    }) : () -> ()
    %mul3A_23 = arith.constant 640 : i32
    %mul3A_24 = arith.muli %arg1, %mul3A_23 : i32
    %add3A_25 = arith.constant 160 : i32
    %add3A_26 = arith.addi %mul3A_24, %add3A_25 : i32
    "tpu.region"() ({
      %run_scoped3A = tpu.sem_alloc : memref<!tpu.dma_semaphore, #tpu.memory_space<semaphore_mem>>
      %dma_start3A = arith.constant 0 : i32
      %dma_start3A_175 = tpu.memref_slice %arg11[%add3A_26, %dma_start3A] : memref<10240x128xf32, #tpu.memory_space<vmem_shared>> -> memref<32x128xf32, #tpu.memory_space<vmem_shared>>
      %dma_start3A_176 = arith.constant 0 : i32
      %dma_start3A_177 = tpu.memref_slice %arg11[%add3A_26, %dma_start3A_176] : memref<10240x128xf32, #tpu.memory_space<vmem_shared>> -> memref<32x128xf32, #tpu.memory_space<vmem_shared>>
      tpu.enqueue_dma source(%arg10 : memref<32x128xf32, #tpu.memory_space<vmem>>) target(%dma_start3A_177 : memref<32x128xf32, #tpu.memory_space<vmem_shared>>) target_semaphore(%run_scoped3A : memref<!tpu.dma_semaphore, #tpu.memory_space<semaphore_mem>>)
      %dma_wait3A = arith.constant 0 : i32
      %dma_wait3A_178 = tpu.memref_slice %arg11[%add3A_26, %dma_wait3A] : memref<10240x128xf32, #tpu.memory_space<vmem_shared>> -> memref<32x128xf32, #tpu.memory_space<vmem_shared>>
      %dma_wait3A_179 = arith.constant 0 : i32
      %dma_wait3A_180 = tpu.memref_slice %arg11[%add3A_26, %dma_wait3A_179] : memref<10240x128xf32, #tpu.memory_space<vmem_shared>> -> memref<32x128xf32, #tpu.memory_space<vmem_shared>>
      tpu.wait_dma2 semaphore(%run_scoped3A : memref<!tpu.dma_semaphore, #tpu.memory_space<semaphore_mem>>) src(%arg10 : memref<32x128xf32, #tpu.memory_space<vmem>>) dst(%dma_wait3A_180 : memref<32x128xf32, #tpu.memory_space<vmem_shared>>)
      tpu.yield
    }) : () -> ()
    %mul3A_27 = arith.constant 640 : i32
    %mul3A_28 = arith.muli %arg1, %mul3A_27 : i32
    %add3A_29 = arith.constant 192 : i32
    %add3A_30 = arith.addi %mul3A_28, %add3A_29 : i32
    "tpu.region"() ({
      %run_scoped3A = tpu.sem_alloc : memref<!tpu.dma_semaphore, #tpu.memory_space<semaphore_mem>>
      %dma_start3A = arith.constant 0 : i32
      %dma_start3A_175 = tpu.memref_slice %arg11[%add3A_30, %dma_start3A] : memref<10240x128xf32, #tpu.memory_space<vmem_shared>> -> memref<32x128xf32, #tpu.memory_space<vmem_shared>>
      %dma_start3A_176 = arith.constant 0 : i32
      %dma_start3A_177 = tpu.memref_slice %arg11[%add3A_30, %dma_start3A_176] : memref<10240x128xf32, #tpu.memory_space<vmem_shared>> -> memref<32x128xf32, #tpu.memory_space<vmem_shared>>
      tpu.enqueue_dma source(%arg10 : memref<32x128xf32, #tpu.memory_space<vmem>>) target(%dma_start3A_177 : memref<32x128xf32, #tpu.memory_space<vmem_shared>>) target_semaphore(%run_scoped3A : memref<!tpu.dma_semaphore, #tpu.memory_space<semaphore_mem>>)
      %dma_wait3A = arith.constant 0 : i32
      %dma_wait3A_178 = tpu.memref_slice %arg11[%add3A_30, %dma_wait3A] : memref<10240x128xf32, #tpu.memory_space<vmem_shared>> -> memref<32x128xf32, #tpu.memory_space<vmem_shared>>
      %dma_wait3A_179 = arith.constant 0 : i32
      %dma_wait3A_180 = tpu.memref_slice %arg11[%add3A_30, %dma_wait3A_179] : memref<10240x128xf32, #tpu.memory_space<vmem_shared>> -> memref<32x128xf32, #tpu.memory_space<vmem_shared>>
      tpu.wait_dma2 semaphore(%run_scoped3A : memref<!tpu.dma_semaphore, #tpu.memory_space<semaphore_mem>>) src(%arg10 : memref<32x128xf32, #tpu.memory_space<vmem>>) dst(%dma_wait3A_180 : memref<32x128xf32, #tpu.memory_space<vmem_shared>>)
      tpu.yield
    }) : () -> ()
    %mul3A_31 = arith.constant 640 : i32
    %mul3A_32 = arith.muli %arg1, %mul3A_31 : i32
    %add3A_33 = arith.constant 224 : i32
    %add3A_34 = arith.addi %mul3A_32, %add3A_33 : i32
    "tpu.region"() ({
      %run_scoped3A = tpu.sem_alloc : memref<!tpu.dma_semaphore, #tpu.memory_space<semaphore_mem>>
      %dma_start3A = arith.constant 0 : i32
      %dma_start3A_175 = tpu.memref_slice %arg11[%add3A_34, %dma_start3A] : memref<10240x128xf32, #tpu.memory_space<vmem_shared>> -> memref<32x128xf32, #tpu.memory_space<vmem_shared>>
      %dma_start3A_176 = arith.constant 0 : i32
      %dma_start3A_177 = tpu.memref_slice %arg11[%add3A_34, %dma_start3A_176] : memref<10240x128xf32, #tpu.memory_space<vmem_shared>> -> memref<32x128xf32, #tpu.memory_space<vmem_shared>>
      tpu.enqueue_dma source(%arg10 : memref<32x128xf32, #tpu.memory_space<vmem>>) target(%dma_start3A_177 : memref<32x128xf32, #tpu.memory_space<vmem_shared>>) target_semaphore(%run_scoped3A : memref<!tpu.dma_semaphore, #tpu.memory_space<semaphore_mem>>)
      %dma_wait3A = arith.constant 0 : i32
      %dma_wait3A_178 = tpu.memref_slice %arg11[%add3A_34, %dma_wait3A] : memref<10240x128xf32, #tpu.memory_space<vmem_shared>> -> memref<32x128xf32, #tpu.memory_space<vmem_shared>>
      %dma_wait3A_179 = arith.constant 0 : i32
      %dma_wait3A_180 = tpu.memref_slice %arg11[%add3A_34, %dma_wait3A_179] : memref<10240x128xf32, #tpu.memory_space<vmem_shared>> -> memref<32x128xf32, #tpu.memory_space<vmem_shared>>
      tpu.wait_dma2 semaphore(%run_scoped3A : memref<!tpu.dma_semaphore, #tpu.memory_space<semaphore_mem>>) src(%arg10 : memref<32x128xf32, #tpu.memory_space<vmem>>) dst(%dma_wait3A_180 : memref<32x128xf32, #tpu.memory_space<vmem_shared>>)
      tpu.yield
    }) : () -> ()
    %mul3A_35 = arith.constant 640 : i32
    %mul3A_36 = arith.muli %arg1, %mul3A_35 : i32
    %add3A_37 = arith.constant 256 : i32
    %add3A_38 = arith.addi %mul3A_36, %add3A_37 : i32
    "tpu.region"() ({
      %run_scoped3A = tpu.sem_alloc : memref<!tpu.dma_semaphore, #tpu.memory_space<semaphore_mem>>
      %dma_start3A = arith.constant 0 : i32
      %dma_start3A_175 = tpu.memref_slice %arg11[%add3A_38, %dma_start3A] : memref<10240x128xf32, #tpu.memory_space<vmem_shared>> -> memref<32x128xf32, #tpu.memory_space<vmem_shared>>
      %dma_start3A_176 = arith.constant 0 : i32
      %dma_start3A_177 = tpu.memref_slice %arg11[%add3A_38, %dma_start3A_176] : memref<10240x128xf32, #tpu.memory_space<vmem_shared>> -> memref<32x128xf32, #tpu.memory_space<vmem_shared>>
      tpu.enqueue_dma source(%arg10 : memref<32x128xf32, #tpu.memory_space<vmem>>) target(%dma_start3A_177 : memref<32x128xf32, #tpu.memory_space<vmem_shared>>) target_semaphore(%run_scoped3A : memref<!tpu.dma_semaphore, #tpu.memory_space<semaphore_mem>>)
      %dma_wait3A = arith.constant 0 : i32
      %dma_wait3A_178 = tpu.memref_slice %arg11[%add3A_38, %dma_wait3A] : memref<10240x128xf32, #tpu.memory_space<vmem_shared>> -> memref<32x128xf32, #tpu.memory_space<vmem_shared>>
      %dma_wait3A_179 = arith.constant 0 : i32
      %dma_wait3A_180 = tpu.memref_slice %arg11[%add3A_38, %dma_wait3A_179] : memref<10240x128xf32, #tpu.memory_space<vmem_shared>> -> memref<32x128xf32, #tpu.memory_space<vmem_shared>>
      tpu.wait_dma2 semaphore(%run_scoped3A : memref<!tpu.dma_semaphore, #tpu.memory_space<semaphore_mem>>) src(%arg10 : memref<32x128xf32, #tpu.memory_space<vmem>>) dst(%dma_wait3A_180 : memref<32x128xf32, #tpu.memory_space<vmem_shared>>)
      tpu.yield
    }) : () -> ()
    %mul3A_39 = arith.constant 640 : i32
    %mul3A_40 = arith.muli %arg1, %mul3A_39 : i32
    %add3A_41 = arith.constant 288 : i32
    %add3A_42 = arith.addi %mul3A_40, %add3A_41 : i32
    "tpu.region"() ({
      %run_scoped3A = tpu.sem_alloc : memref<!tpu.dma_semaphore, #tpu.memory_space<semaphore_mem>>
      %dma_start3A = arith.constant 0 : i32
      %dma_start3A_175 = tpu.memref_slice %arg11[%add3A_42, %dma_start3A] : memref<10240x128xf32, #tpu.memory_space<vmem_shared>> -> memref<32x128xf32, #tpu.memory_space<vmem_shared>>
      %dma_start3A_176 = arith.constant 0 : i32
      %dma_start3A_177 = tpu.memref_slice %arg11[%add3A_42, %dma_start3A_176] : memref<10240x128xf32, #tpu.memory_space<vmem_shared>> -> memref<32x128xf32, #tpu.memory_space<vmem_shared>>
      tpu.enqueue_dma source(%arg10 : memref<32x128xf32, #tpu.memory_space<vmem>>) target(%dma_start3A_177 : memref<32x128xf32, #tpu.memory_space<vmem_shared>>) target_semaphore(%run_scoped3A : memref<!tpu.dma_semaphore, #tpu.memory_space<semaphore_mem>>)
      %dma_wait3A = arith.constant 0 : i32
      %dma_wait3A_178 = tpu.memref_slice %arg11[%add3A_42, %dma_wait3A] : memref<10240x128xf32, #tpu.memory_space<vmem_shared>> -> memref<32x128xf32, #tpu.memory_space<vmem_shared>>
      %dma_wait3A_179 = arith.constant 0 : i32
      %dma_wait3A_180 = tpu.memref_slice %arg11[%add3A_42, %dma_wait3A_179] : memref<10240x128xf32, #tpu.memory_space<vmem_shared>> -> memref<32x128xf32, #tpu.memory_space<vmem_shared>>
      tpu.wait_dma2 semaphore(%run_scoped3A : memref<!tpu.dma_semaphore, #tpu.memory_space<semaphore_mem>>) src(%arg10 : memref<32x128xf32, #tpu.memory_space<vmem>>) dst(%dma_wait3A_180 : memref<32x128xf32, #tpu.memory_space<vmem_shared>>)
      tpu.yield
    }) : () -> ()
    %mul3A_43 = arith.constant 640 : i32
    %mul3A_44 = arith.muli %arg1, %mul3A_43 : i32
    %add3A_45 = arith.constant 320 : i32
    %add3A_46 = arith.addi %mul3A_44, %add3A_45 : i32
    "tpu.region"() ({
      %run_scoped3A = tpu.sem_alloc : memref<!tpu.dma_semaphore, #tpu.memory_space<semaphore_mem>>
      %dma_start3A = arith.constant 0 : i32
      %dma_start3A_175 = tpu.memref_slice %arg11[%add3A_46, %dma_start3A] : memref<10240x128xf32, #tpu.memory_space<vmem_shared>> -> memref<32x128xf32, #tpu.memory_space<vmem_shared>>
      %dma_start3A_176 = arith.constant 0 : i32
      %dma_start3A_177 = tpu.memref_slice %arg11[%add3A_46, %dma_start3A_176] : memref<10240x128xf32, #tpu.memory_space<vmem_shared>> -> memref<32x128xf32, #tpu.memory_space<vmem_shared>>
      tpu.enqueue_dma source(%arg10 : memref<32x128xf32, #tpu.memory_space<vmem>>) target(%dma_start3A_177 : memref<32x128xf32, #tpu.memory_space<vmem_shared>>) target_semaphore(%run_scoped3A : memref<!tpu.dma_semaphore, #tpu.memory_space<semaphore_mem>>)
      %dma_wait3A = arith.constant 0 : i32
      %dma_wait3A_178 = tpu.memref_slice %arg11[%add3A_46, %dma_wait3A] : memref<10240x128xf32, #tpu.memory_space<vmem_shared>> -> memref<32x128xf32, #tpu.memory_space<vmem_shared>>
      %dma_wait3A_179 = arith.constant 0 : i32
      %dma_wait3A_180 = tpu.memref_slice %arg11[%add3A_46, %dma_wait3A_179] : memref<10240x128xf32, #tpu.memory_space<vmem_shared>> -> memref<32x128xf32, #tpu.memory_space<vmem_shared>>
      tpu.wait_dma2 semaphore(%run_scoped3A : memref<!tpu.dma_semaphore, #tpu.memory_space<semaphore_mem>>) src(%arg10 : memref<32x128xf32, #tpu.memory_space<vmem>>) dst(%dma_wait3A_180 : memref<32x128xf32, #tpu.memory_space<vmem_shared>>)
      tpu.yield
    }) : () -> ()
    %mul3A_47 = arith.constant 640 : i32
    %mul3A_48 = arith.muli %arg1, %mul3A_47 : i32
    %add3A_49 = arith.constant 352 : i32
    %add3A_50 = arith.addi %mul3A_48, %add3A_49 : i32
    "tpu.region"() ({
      %run_scoped3A = tpu.sem_alloc : memref<!tpu.dma_semaphore, #tpu.memory_space<semaphore_mem>>
      %dma_start3A = arith.constant 0 : i32
      %dma_start3A_175 = tpu.memref_slice %arg11[%add3A_50, %dma_start3A] : memref<10240x128xf32, #tpu.memory_space<vmem_shared>> -> memref<32x128xf32, #tpu.memory_space<vmem_shared>>
      %dma_start3A_176 = arith.constant 0 : i32
      %dma_start3A_177 = tpu.memref_slice %arg11[%add3A_50, %dma_start3A_176] : memref<10240x128xf32, #tpu.memory_space<vmem_shared>> -> memref<32x128xf32, #tpu.memory_space<vmem_shared>>
      tpu.enqueue_dma source(%arg10 : memref<32x128xf32, #tpu.memory_space<vmem>>) target(%dma_start3A_177 : memref<32x128xf32, #tpu.memory_space<vmem_shared>>) target_semaphore(%run_scoped3A : memref<!tpu.dma_semaphore, #tpu.memory_space<semaphore_mem>>)
      %dma_wait3A = arith.constant 0 : i32
      %dma_wait3A_178 = tpu.memref_slice %arg11[%add3A_50, %dma_wait3A] : memref<10240x128xf32, #tpu.memory_space<vmem_shared>> -> memref<32x128xf32, #tpu.memory_space<vmem_shared>>
      %dma_wait3A_179 = arith.constant 0 : i32
      %dma_wait3A_180 = tpu.memref_slice %arg11[%add3A_50, %dma_wait3A_179] : memref<10240x128xf32, #tpu.memory_space<vmem_shared>> -> memref<32x128xf32, #tpu.memory_space<vmem_shared>>
      tpu.wait_dma2 semaphore(%run_scoped3A : memref<!tpu.dma_semaphore, #tpu.memory_space<semaphore_mem>>) src(%arg10 : memref<32x128xf32, #tpu.memory_space<vmem>>) dst(%dma_wait3A_180 : memref<32x128xf32, #tpu.memory_space<vmem_shared>>)
      tpu.yield
    }) : () -> ()
    %mul3A_51 = arith.constant 640 : i32
    %mul3A_52 = arith.muli %arg1, %mul3A_51 : i32
    %add3A_53 = arith.constant 384 : i32
    %add3A_54 = arith.addi %mul3A_52, %add3A_53 : i32
    "tpu.region"() ({
      %run_scoped3A = tpu.sem_alloc : memref<!tpu.dma_semaphore, #tpu.memory_space<semaphore_mem>>
      %dma_start3A = arith.constant 0 : i32
      %dma_start3A_175 = tpu.memref_slice %arg11[%add3A_54, %dma_start3A] : memref<10240x128xf32, #tpu.memory_space<vmem_shared>> -> memref<32x128xf32, #tpu.memory_space<vmem_shared>>
      %dma_start3A_176 = arith.constant 0 : i32
      %dma_start3A_177 = tpu.memref_slice %arg11[%add3A_54, %dma_start3A_176] : memref<10240x128xf32, #tpu.memory_space<vmem_shared>> -> memref<32x128xf32, #tpu.memory_space<vmem_shared>>
      tpu.enqueue_dma source(%arg10 : memref<32x128xf32, #tpu.memory_space<vmem>>) target(%dma_start3A_177 : memref<32x128xf32, #tpu.memory_space<vmem_shared>>) target_semaphore(%run_scoped3A : memref<!tpu.dma_semaphore, #tpu.memory_space<semaphore_mem>>)
      %dma_wait3A = arith.constant 0 : i32
      %dma_wait3A_178 = tpu.memref_slice %arg11[%add3A_54, %dma_wait3A] : memref<10240x128xf32, #tpu.memory_space<vmem_shared>> -> memref<32x128xf32, #tpu.memory_space<vmem_shared>>
      %dma_wait3A_179 = arith.constant 0 : i32
      %dma_wait3A_180 = tpu.memref_slice %arg11[%add3A_54, %dma_wait3A_179] : memref<10240x128xf32, #tpu.memory_space<vmem_shared>> -> memref<32x128xf32, #tpu.memory_space<vmem_shared>>
      tpu.wait_dma2 semaphore(%run_scoped3A : memref<!tpu.dma_semaphore, #tpu.memory_space<semaphore_mem>>) src(%arg10 : memref<32x128xf32, #tpu.memory_space<vmem>>) dst(%dma_wait3A_180 : memref<32x128xf32, #tpu.memory_space<vmem_shared>>)
      tpu.yield
    }) : () -> ()
    %mul3A_55 = arith.constant 640 : i32
    %mul3A_56 = arith.muli %arg1, %mul3A_55 : i32
    %add3A_57 = arith.constant 416 : i32
    %add3A_58 = arith.addi %mul3A_56, %add3A_57 : i32
    "tpu.region"() ({
      %run_scoped3A = tpu.sem_alloc : memref<!tpu.dma_semaphore, #tpu.memory_space<semaphore_mem>>
      %dma_start3A = arith.constant 0 : i32
      %dma_start3A_175 = tpu.memref_slice %arg11[%add3A_58, %dma_start3A] : memref<10240x128xf32, #tpu.memory_space<vmem_shared>> -> memref<32x128xf32, #tpu.memory_space<vmem_shared>>
      %dma_start3A_176 = arith.constant 0 : i32
      %dma_start3A_177 = tpu.memref_slice %arg11[%add3A_58, %dma_start3A_176] : memref<10240x128xf32, #tpu.memory_space<vmem_shared>> -> memref<32x128xf32, #tpu.memory_space<vmem_shared>>
      tpu.enqueue_dma source(%arg10 : memref<32x128xf32, #tpu.memory_space<vmem>>) target(%dma_start3A_177 : memref<32x128xf32, #tpu.memory_space<vmem_shared>>) target_semaphore(%run_scoped3A : memref<!tpu.dma_semaphore, #tpu.memory_space<semaphore_mem>>)
      %dma_wait3A = arith.constant 0 : i32
      %dma_wait3A_178 = tpu.memref_slice %arg11[%add3A_58, %dma_wait3A] : memref<10240x128xf32, #tpu.memory_space<vmem_shared>> -> memref<32x128xf32, #tpu.memory_space<vmem_shared>>
      %dma_wait3A_179 = arith.constant 0 : i32
      %dma_wait3A_180 = tpu.memref_slice %arg11[%add3A_58, %dma_wait3A_179] : memref<10240x128xf32, #tpu.memory_space<vmem_shared>> -> memref<32x128xf32, #tpu.memory_space<vmem_shared>>
      tpu.wait_dma2 semaphore(%run_scoped3A : memref<!tpu.dma_semaphore, #tpu.memory_space<semaphore_mem>>) src(%arg10 : memref<32x128xf32, #tpu.memory_space<vmem>>) dst(%dma_wait3A_180 : memref<32x128xf32, #tpu.memory_space<vmem_shared>>)
      tpu.yield
    }) : () -> ()
    %mul3A_59 = arith.constant 640 : i32
    %mul3A_60 = arith.muli %arg1, %mul3A_59 : i32
    %add3A_61 = arith.constant 448 : i32
    %add3A_62 = arith.addi %mul3A_60, %add3A_61 : i32
    "tpu.region"() ({
      %run_scoped3A = tpu.sem_alloc : memref<!tpu.dma_semaphore, #tpu.memory_space<semaphore_mem>>
      %dma_start3A = arith.constant 0 : i32
      %dma_start3A_175 = tpu.memref_slice %arg11[%add3A_62, %dma_start3A] : memref<10240x128xf32, #tpu.memory_space<vmem_shared>> -> memref<32x128xf32, #tpu.memory_space<vmem_shared>>
      %dma_start3A_176 = arith.constant 0 : i32
      %dma_start3A_177 = tpu.memref_slice %arg11[%add3A_62, %dma_start3A_176] : memref<10240x128xf32, #tpu.memory_space<vmem_shared>> -> memref<32x128xf32, #tpu.memory_space<vmem_shared>>
      tpu.enqueue_dma source(%arg10 : memref<32x128xf32, #tpu.memory_space<vmem>>) target(%dma_start3A_177 : memref<32x128xf32, #tpu.memory_space<vmem_shared>>) target_semaphore(%run_scoped3A : memref<!tpu.dma_semaphore, #tpu.memory_space<semaphore_mem>>)
      %dma_wait3A = arith.constant 0 : i32
      %dma_wait3A_178 = tpu.memref_slice %arg11[%add3A_62, %dma_wait3A] : memref<10240x128xf32, #tpu.memory_space<vmem_shared>> -> memref<32x128xf32, #tpu.memory_space<vmem_shared>>
      %dma_wait3A_179 = arith.constant 0 : i32
      %dma_wait3A_180 = tpu.memref_slice %arg11[%add3A_62, %dma_wait3A_179] : memref<10240x128xf32, #tpu.memory_space<vmem_shared>> -> memref<32x128xf32, #tpu.memory_space<vmem_shared>>
      tpu.wait_dma2 semaphore(%run_scoped3A : memref<!tpu.dma_semaphore, #tpu.memory_space<semaphore_mem>>) src(%arg10 : memref<32x128xf32, #tpu.memory_space<vmem>>) dst(%dma_wait3A_180 : memref<32x128xf32, #tpu.memory_space<vmem_shared>>)
      tpu.yield
    }) : () -> ()
    %mul3A_63 = arith.constant 640 : i32
    %mul3A_64 = arith.muli %arg1, %mul3A_63 : i32
    %add3A_65 = arith.constant 480 : i32
    %add3A_66 = arith.addi %mul3A_64, %add3A_65 : i32
    "tpu.region"() ({
      %run_scoped3A = tpu.sem_alloc : memref<!tpu.dma_semaphore, #tpu.memory_space<semaphore_mem>>
      %dma_start3A = arith.constant 0 : i32
      %dma_start3A_175 = tpu.memref_slice %arg11[%add3A_66, %dma_start3A] : memref<10240x128xf32, #tpu.memory_space<vmem_shared>> -> memref<32x128xf32, #tpu.memory_space<vmem_shared>>
      %dma_start3A_176 = arith.constant 0 : i32
      %dma_start3A_177 = tpu.memref_slice %arg11[%add3A_66, %dma_start3A_176] : memref<10240x128xf32, #tpu.memory_space<vmem_shared>> -> memref<32x128xf32, #tpu.memory_space<vmem_shared>>
      tpu.enqueue_dma source(%arg10 : memref<32x128xf32, #tpu.memory_space<vmem>>) target(%dma_start3A_177 : memref<32x128xf32, #tpu.memory_space<vmem_shared>>) target_semaphore(%run_scoped3A : memref<!tpu.dma_semaphore, #tpu.memory_space<semaphore_mem>>)
      %dma_wait3A = arith.constant 0 : i32
      %dma_wait3A_178 = tpu.memref_slice %arg11[%add3A_66, %dma_wait3A] : memref<10240x128xf32, #tpu.memory_space<vmem_shared>> -> memref<32x128xf32, #tpu.memory_space<vmem_shared>>
      %dma_wait3A_179 = arith.constant 0 : i32
      %dma_wait3A_180 = tpu.memref_slice %arg11[%add3A_66, %dma_wait3A_179] : memref<10240x128xf32, #tpu.memory_space<vmem_shared>> -> memref<32x128xf32, #tpu.memory_space<vmem_shared>>
      tpu.wait_dma2 semaphore(%run_scoped3A : memref<!tpu.dma_semaphore, #tpu.memory_space<semaphore_mem>>) src(%arg10 : memref<32x128xf32, #tpu.memory_space<vmem>>) dst(%dma_wait3A_180 : memref<32x128xf32, #tpu.memory_space<vmem_shared>>)
      tpu.yield
    }) : () -> ()
    %mul3A_67 = arith.constant 640 : i32
    %mul3A_68 = arith.muli %arg1, %mul3A_67 : i32
    %add3A_69 = arith.constant 512 : i32
    %add3A_70 = arith.addi %mul3A_68, %add3A_69 : i32
    "tpu.region"() ({
      %run_scoped3A = tpu.sem_alloc : memref<!tpu.dma_semaphore, #tpu.memory_space<semaphore_mem>>
      %dma_start3A = arith.constant 0 : i32
      %dma_start3A_175 = tpu.memref_slice %arg11[%add3A_70, %dma_start3A] : memref<10240x128xf32, #tpu.memory_space<vmem_shared>> -> memref<32x128xf32, #tpu.memory_space<vmem_shared>>
      %dma_start3A_176 = arith.constant 0 : i32
      %dma_start3A_177 = tpu.memref_slice %arg11[%add3A_70, %dma_start3A_176] : memref<10240x128xf32, #tpu.memory_space<vmem_shared>> -> memref<32x128xf32, #tpu.memory_space<vmem_shared>>
      tpu.enqueue_dma source(%arg10 : memref<32x128xf32, #tpu.memory_space<vmem>>) target(%dma_start3A_177 : memref<32x128xf32, #tpu.memory_space<vmem_shared>>) target_semaphore(%run_scoped3A : memref<!tpu.dma_semaphore, #tpu.memory_space<semaphore_mem>>)
      %dma_wait3A = arith.constant 0 : i32
      %dma_wait3A_178 = tpu.memref_slice %arg11[%add3A_70, %dma_wait3A] : memref<10240x128xf32, #tpu.memory_space<vmem_shared>> -> memref<32x128xf32, #tpu.memory_space<vmem_shared>>
      %dma_wait3A_179 = arith.constant 0 : i32
      %dma_wait3A_180 = tpu.memref_slice %arg11[%add3A_70, %dma_wait3A_179] : memref<10240x128xf32, #tpu.memory_space<vmem_shared>> -> memref<32x128xf32, #tpu.memory_space<vmem_shared>>
      tpu.wait_dma2 semaphore(%run_scoped3A : memref<!tpu.dma_semaphore, #tpu.memory_space<semaphore_mem>>) src(%arg10 : memref<32x128xf32, #tpu.memory_space<vmem>>) dst(%dma_wait3A_180 : memref<32x128xf32, #tpu.memory_space<vmem_shared>>)
      tpu.yield
    }) : () -> ()
    %mul3A_71 = arith.constant 640 : i32
    %mul3A_72 = arith.muli %arg1, %mul3A_71 : i32
    %add3A_73 = arith.constant 544 : i32
    %add3A_74 = arith.addi %mul3A_72, %add3A_73 : i32
    "tpu.region"() ({
      %run_scoped3A = tpu.sem_alloc : memref<!tpu.dma_semaphore, #tpu.memory_space<semaphore_mem>>
      %dma_start3A = arith.constant 0 : i32
      %dma_start3A_175 = tpu.memref_slice %arg11[%add3A_74, %dma_start3A] : memref<10240x128xf32, #tpu.memory_space<vmem_shared>> -> memref<32x128xf32, #tpu.memory_space<vmem_shared>>
      %dma_start3A_176 = arith.constant 0 : i32
      %dma_start3A_177 = tpu.memref_slice %arg11[%add3A_74, %dma_start3A_176] : memref<10240x128xf32, #tpu.memory_space<vmem_shared>> -> memref<32x128xf32, #tpu.memory_space<vmem_shared>>
      tpu.enqueue_dma source(%arg10 : memref<32x128xf32, #tpu.memory_space<vmem>>) target(%dma_start3A_177 : memref<32x128xf32, #tpu.memory_space<vmem_shared>>) target_semaphore(%run_scoped3A : memref<!tpu.dma_semaphore, #tpu.memory_space<semaphore_mem>>)
      %dma_wait3A = arith.constant 0 : i32
      %dma_wait3A_178 = tpu.memref_slice %arg11[%add3A_74, %dma_wait3A] : memref<10240x128xf32, #tpu.memory_space<vmem_shared>> -> memref<32x128xf32, #tpu.memory_space<vmem_shared>>
      %dma_wait3A_179 = arith.constant 0 : i32
      %dma_wait3A_180 = tpu.memref_slice %arg11[%add3A_74, %dma_wait3A_179] : memref<10240x128xf32, #tpu.memory_space<vmem_shared>> -> memref<32x128xf32, #tpu.memory_space<vmem_shared>>
      tpu.wait_dma2 semaphore(%run_scoped3A : memref<!tpu.dma_semaphore, #tpu.memory_space<semaphore_mem>>) src(%arg10 : memref<32x128xf32, #tpu.memory_space<vmem>>) dst(%dma_wait3A_180 : memref<32x128xf32, #tpu.memory_space<vmem_shared>>)
      tpu.yield
    }) : () -> ()
    %mul3A_75 = arith.constant 640 : i32
    %mul3A_76 = arith.muli %arg1, %mul3A_75 : i32
    %add3A_77 = arith.constant 576 : i32
    %add3A_78 = arith.addi %mul3A_76, %add3A_77 : i32
    "tpu.region"() ({
      %run_scoped3A = tpu.sem_alloc : memref<!tpu.dma_semaphore, #tpu.memory_space<semaphore_mem>>
      %dma_start3A = arith.constant 0 : i32
      %dma_start3A_175 = tpu.memref_slice %arg11[%add3A_78, %dma_start3A] : memref<10240x128xf32, #tpu.memory_space<vmem_shared>> -> memref<32x128xf32, #tpu.memory_space<vmem_shared>>
      %dma_start3A_176 = arith.constant 0 : i32
      %dma_start3A_177 = tpu.memref_slice %arg11[%add3A_78, %dma_start3A_176] : memref<10240x128xf32, #tpu.memory_space<vmem_shared>> -> memref<32x128xf32, #tpu.memory_space<vmem_shared>>
      tpu.enqueue_dma source(%arg10 : memref<32x128xf32, #tpu.memory_space<vmem>>) target(%dma_start3A_177 : memref<32x128xf32, #tpu.memory_space<vmem_shared>>) target_semaphore(%run_scoped3A : memref<!tpu.dma_semaphore, #tpu.memory_space<semaphore_mem>>)
      %dma_wait3A = arith.constant 0 : i32
      %dma_wait3A_178 = tpu.memref_slice %arg11[%add3A_78, %dma_wait3A] : memref<10240x128xf32, #tpu.memory_space<vmem_shared>> -> memref<32x128xf32, #tpu.memory_space<vmem_shared>>
      %dma_wait3A_179 = arith.constant 0 : i32
      %dma_wait3A_180 = tpu.memref_slice %arg11[%add3A_78, %dma_wait3A_179] : memref<10240x128xf32, #tpu.memory_space<vmem_shared>> -> memref<32x128xf32, #tpu.memory_space<vmem_shared>>
      tpu.wait_dma2 semaphore(%run_scoped3A : memref<!tpu.dma_semaphore, #tpu.memory_space<semaphore_mem>>) src(%arg10 : memref<32x128xf32, #tpu.memory_space<vmem>>) dst(%dma_wait3A_180 : memref<32x128xf32, #tpu.memory_space<vmem_shared>>)
      tpu.yield
    }) : () -> ()
    %mul3A_79 = arith.constant 640 : i32
    %mul3A_80 = arith.muli %arg1, %mul3A_79 : i32
    %add3A_81 = arith.constant 608 : i32
    %add3A_82 = arith.addi %mul3A_80, %add3A_81 : i32
    "tpu.region"() ({
      %run_scoped3A = tpu.sem_alloc : memref<!tpu.dma_semaphore, #tpu.memory_space<semaphore_mem>>
      %dma_start3A = arith.constant 0 : i32
      %dma_start3A_175 = tpu.memref_slice %arg11[%add3A_82, %dma_start3A] : memref<10240x128xf32, #tpu.memory_space<vmem_shared>> -> memref<32x128xf32, #tpu.memory_space<vmem_shared>>
      %dma_start3A_176 = arith.constant 0 : i32
      %dma_start3A_177 = tpu.memref_slice %arg11[%add3A_82, %dma_start3A_176] : memref<10240x128xf32, #tpu.memory_space<vmem_shared>> -> memref<32x128xf32, #tpu.memory_space<vmem_shared>>
      tpu.enqueue_dma source(%arg10 : memref<32x128xf32, #tpu.memory_space<vmem>>) target(%dma_start3A_177 : memref<32x128xf32, #tpu.memory_space<vmem_shared>>) target_semaphore(%run_scoped3A : memref<!tpu.dma_semaphore, #tpu.memory_space<semaphore_mem>>)
      %dma_wait3A = arith.constant 0 : i32
      %dma_wait3A_178 = tpu.memref_slice %arg11[%add3A_82, %dma_wait3A] : memref<10240x128xf32, #tpu.memory_space<vmem_shared>> -> memref<32x128xf32, #tpu.memory_space<vmem_shared>>
      %dma_wait3A_179 = arith.constant 0 : i32
      %dma_wait3A_180 = tpu.memref_slice %arg11[%add3A_82, %dma_wait3A_179] : memref<10240x128xf32, #tpu.memory_space<vmem_shared>> -> memref<32x128xf32, #tpu.memory_space<vmem_shared>>
      tpu.wait_dma2 semaphore(%run_scoped3A : memref<!tpu.dma_semaphore, #tpu.memory_space<semaphore_mem>>) src(%arg10 : memref<32x128xf32, #tpu.memory_space<vmem>>) dst(%dma_wait3A_180 : memref<32x128xf32, #tpu.memory_space<vmem_shared>>)
      tpu.yield
    }) : () -> ()
    "tpu.region"() ({
      %run_scoped3A = tpu.sem_alloc : memref<!tpu.dma_semaphore, #tpu.memory_space<semaphore_mem>>
      %dma_start3A = arith.constant 0 : i32
      %dma_start3A_175 = arith.constant 0 : i32
      %dma_start3A_176 = tpu.memref_slice %arg3[%add3A, %dma_start3A, %dma_start3A_175] : memref<32x102x128xi32, #tpu.memory_space<hbm>> -> memref<1x102x128xi32, #tpu.memory_space<hbm>>
      %dma_start3A_177 = tpu.memref_squeeze %dma_start3A_176 : memref<1x102x128xi32, #tpu.memory_space<hbm>> -> memref<102x128xi32, #tpu.memory_space<hbm>>
      %dma_start3A_178 = arith.constant 0 : i32
      %dma_start3A_179 = arith.constant 0 : i32
      %dma_start3A_180 = tpu.memref_slice %arg3[%add3A, %dma_start3A_178, %dma_start3A_179] : memref<32x102x128xi32, #tpu.memory_space<hbm>> -> memref<1x102x128xi32, #tpu.memory_space<hbm>>
      %dma_start3A_181 = tpu.memref_squeeze %dma_start3A_180 : memref<1x102x128xi32, #tpu.memory_space<hbm>> -> memref<102x128xi32, #tpu.memory_space<hbm>>
      tpu.enqueue_dma source(%dma_start3A_181 : memref<102x128xi32, #tpu.memory_space<hbm>>) target(%arg7 : memref<102x128xi32, #tpu.memory_space<vmem>>) target_semaphore(%run_scoped3A : memref<!tpu.dma_semaphore, #tpu.memory_space<semaphore_mem>>)
      %dma_wait3A = arith.constant 0 : i32
      %dma_wait3A_182 = arith.constant 0 : i32
      %dma_wait3A_183 = tpu.memref_slice %arg3[%add3A, %dma_wait3A, %dma_wait3A_182] : memref<32x102x128xi32, #tpu.memory_space<hbm>> -> memref<1x102x128xi32, #tpu.memory_space<hbm>>
      %dma_wait3A_184 = tpu.memref_squeeze %dma_wait3A_183 : memref<1x102x128xi32, #tpu.memory_space<hbm>> -> memref<102x128xi32, #tpu.memory_space<hbm>>
      %dma_wait3A_185 = arith.constant 0 : i32
      %dma_wait3A_186 = arith.constant 0 : i32
      %dma_wait3A_187 = tpu.memref_slice %arg3[%add3A, %dma_wait3A_185, %dma_wait3A_186] : memref<32x102x128xi32, #tpu.memory_space<hbm>> -> memref<1x102x128xi32, #tpu.memory_space<hbm>>
      %dma_wait3A_188 = tpu.memref_squeeze %dma_wait3A_187 : memref<1x102x128xi32, #tpu.memory_space<hbm>> -> memref<102x128xi32, #tpu.memory_space<hbm>>
      tpu.wait_dma2 semaphore(%run_scoped3A : memref<!tpu.dma_semaphore, #tpu.memory_space<semaphore_mem>>) src(%dma_wait3A_188 : memref<102x128xi32, #tpu.memory_space<hbm>>) dst(%arg7 : memref<102x128xi32, #tpu.memory_space<vmem>>)
      tpu.yield
    }) : () -> ()
    "tpu.region"() ({
      %run_scoped3A = tpu.sem_alloc : memref<!tpu.dma_semaphore, #tpu.memory_space<semaphore_mem>>
      %dma_start3A = arith.constant 0 : i32
      %dma_start3A_175 = arith.constant 0 : i32
      %dma_start3A_176 = tpu.memref_slice %arg4[%add3A, %dma_start3A, %dma_start3A_175] : memref<32x102x128xi32, #tpu.memory_space<hbm>> -> memref<1x102x128xi32, #tpu.memory_space<hbm>>
      %dma_start3A_177 = tpu.memref_squeeze %dma_start3A_176 : memref<1x102x128xi32, #tpu.memory_space<hbm>> -> memref<102x128xi32, #tpu.memory_space<hbm>>
      %dma_start3A_178 = arith.constant 0 : i32
      %dma_start3A_179 = arith.constant 0 : i32
      %dma_start3A_180 = tpu.memref_slice %arg4[%add3A, %dma_start3A_178, %dma_start3A_179] : memref<32x102x128xi32, #tpu.memory_space<hbm>> -> memref<1x102x128xi32, #tpu.memory_space<hbm>>
      %dma_start3A_181 = tpu.memref_squeeze %dma_start3A_180 : memref<1x102x128xi32, #tpu.memory_space<hbm>> -> memref<102x128xi32, #tpu.memory_space<hbm>>
      tpu.enqueue_dma source(%dma_start3A_181 : memref<102x128xi32, #tpu.memory_space<hbm>>) target(%arg8 : memref<102x128xi32, #tpu.memory_space<vmem>>) target_semaphore(%run_scoped3A : memref<!tpu.dma_semaphore, #tpu.memory_space<semaphore_mem>>)
      %dma_wait3A = arith.constant 0 : i32
      %dma_wait3A_182 = arith.constant 0 : i32
      %dma_wait3A_183 = tpu.memref_slice %arg4[%add3A, %dma_wait3A, %dma_wait3A_182] : memref<32x102x128xi32, #tpu.memory_space<hbm>> -> memref<1x102x128xi32, #tpu.memory_space<hbm>>
      %dma_wait3A_184 = tpu.memref_squeeze %dma_wait3A_183 : memref<1x102x128xi32, #tpu.memory_space<hbm>> -> memref<102x128xi32, #tpu.memory_space<hbm>>
      %dma_wait3A_185 = arith.constant 0 : i32
      %dma_wait3A_186 = arith.constant 0 : i32
      %dma_wait3A_187 = tpu.memref_slice %arg4[%add3A, %dma_wait3A_185, %dma_wait3A_186] : memref<32x102x128xi32, #tpu.memory_space<hbm>> -> memref<1x102x128xi32, #tpu.memory_space<hbm>>
      %dma_wait3A_188 = tpu.memref_squeeze %dma_wait3A_187 : memref<1x102x128xi32, #tpu.memory_space<hbm>> -> memref<102x128xi32, #tpu.memory_space<hbm>>
      tpu.wait_dma2 semaphore(%run_scoped3A : memref<!tpu.dma_semaphore, #tpu.memory_space<semaphore_mem>>) src(%dma_wait3A_188 : memref<102x128xi32, #tpu.memory_space<hbm>>) dst(%arg8 : memref<102x128xi32, #tpu.memory_space<vmem>>)
      tpu.yield
    }) : () -> ()
    %barrier3A = arith.constant 0 : index
    tpu.barrier barrier_id(%barrier3A)
    %while3A = arith.constant 0 : i32
    %while3A_83 = arith.constant 0 : i32
    %while3A_84 = arith.subi %select_n3A, %while3A : i32
    %while3A_85 = arith.addi %while3A, %while3A_84 : i32
    %while3A_86 = arith.constant 1 : i32
    %while3A_87 = arith.divsi %while3A_84, %while3A_86 : i32
    %while3A_88 = arith.muli %while3A_87, %while3A_86 : i32
    %while3A_89 = arith.addi %while3A, %while3A_88 : i32
    %while3A_90 = arith.constant 1 : i32
    %while3A_91 = scf.for %while3A_175 = %while3A to %while3A_89 step %while3A_90 iter_args(%while3A_176 = %while3A_83) -> (i32)  : i32 {
      %dma_start3A = arith.constant 0 : i32
      %dma_start3A_177 = tpu.memref_slice %arg7[%while3A_175, %dma_start3A] : memref<102x128xi32, #tpu.memory_space<vmem>> -> memref<1x128xi32, #tpu.memory_space<vmem>>
      %dma_start3A_178 = tpu.memref_squeeze %dma_start3A_177 : memref<1x128xi32, #tpu.memory_space<vmem>> -> memref<128xi32, #tpu.memory_space<vmem>>
      %dma_start3A_179 = arith.constant 0 : i32
      %dma_start3A_180 = arith.constant 0 : i32
      %dma_start3A_181 = tpu.memref_slice %arg2[%dma_start3A_179, %dma_start3A_180] : memref<10240x128xf32, #tpu.memory_space<hbm>> -> memref<10240x128xf32, #tpu.memory_space<hbm>>
      tpu.enqueue_indirect_dma source(%dma_start3A_181 : memref<10240x128xf32, #tpu.memory_space<hbm>>) target(%arg9 : memref<128x128xf32, #tpu.memory_space<vmem>>) offsets(%dma_start3A_178 : memref<128xi32, #tpu.memory_space<vmem>>) semaphore(%arg12 : memref<!tpu.dma_semaphore, #tpu.memory_space<semaphore_mem>>)
      %dma_wait3A = arith.constant 0 : i32
      %dma_wait3A_182 = tpu.memref_slice %arg7[%while3A_175, %dma_wait3A] : memref<102x128xi32, #tpu.memory_space<vmem>> -> memref<1x128xi32, #tpu.memory_space<vmem>>
      %dma_wait3A_183 = tpu.memref_squeeze %dma_wait3A_182 : memref<1x128xi32, #tpu.memory_space<vmem>> -> memref<128xi32, #tpu.memory_space<vmem>>
      %dma_wait3A_184 = arith.constant 0 : i32
      %dma_wait3A_185 = arith.constant 0 : i32
      %dma_wait3A_186 = tpu.memref_slice %arg2[%dma_wait3A_184, %dma_wait3A_185] : memref<10240x128xf32, #tpu.memory_space<hbm>> -> memref<10240x128xf32, #tpu.memory_space<hbm>>
      tpu.wait_indirect_dma semaphore(%arg12 : memref<!tpu.dma_semaphore, #tpu.memory_space<semaphore_mem>>) src(%dma_wait3A_186 : memref<10240x128xf32, #tpu.memory_space<hbm>>) dst(%arg9 : memref<128x128xf32, #tpu.memory_space<vmem>>)
      "tpu.region"() ({
        %run_scoped3A = tpu.sem_alloc : memref<!tpu.dma_semaphore, #tpu.memory_space<semaphore_mem>>
        %dma_start3A_188 = arith.constant 0 : i32
        %dma_start3A_189 = tpu.memref_slice %arg8[%while3A_175, %dma_start3A_188] : memref<102x128xi32, #tpu.memory_space<vmem>> -> memref<1x128xi32, #tpu.memory_space<vmem>>
        %dma_start3A_190 = tpu.memref_squeeze %dma_start3A_189 : memref<1x128xi32, #tpu.memory_space<vmem>> -> memref<128xi32, #tpu.memory_space<vmem>>
        %dma_start3A_191 = arith.constant 0 : i32
        %dma_start3A_192 = arith.constant 0 : i32
        %dma_start3A_193 = tpu.memref_slice %arg11[%dma_start3A_191, %dma_start3A_192] : memref<10240x128xf32, #tpu.memory_space<vmem_shared>> -> memref<10240x128xf32, #tpu.memory_space<vmem_shared>>
        tpu.enqueue_indirect_dma source(%arg9 : memref<128x128xf32, #tpu.memory_space<vmem>>) target(%dma_start3A_193 : memref<10240x128xf32, #tpu.memory_space<vmem_shared>>) offsets(%dma_start3A_190 : memref<128xi32, #tpu.memory_space<vmem>>) semaphore(%run_scoped3A : memref<!tpu.dma_semaphore, #tpu.memory_space<semaphore_mem>>) {add = true}
        %dma_wait3A_194 = arith.constant 0 : i32
        %dma_wait3A_195 = tpu.memref_slice %arg8[%while3A_175, %dma_wait3A_194] : memref<102x128xi32, #tpu.memory_space<vmem>> -> memref<1x128xi32, #tpu.memory_space<vmem>>
        %dma_wait3A_196 = tpu.memref_squeeze %dma_wait3A_195 : memref<1x128xi32, #tpu.memory_space<vmem>> -> memref<128xi32, #tpu.memory_space<vmem>>
        %dma_wait3A_197 = arith.constant 0 : i32
        %dma_wait3A_198 = arith.constant 0 : i32
        %dma_wait3A_199 = tpu.memref_slice %arg11[%dma_wait3A_197, %dma_wait3A_198] : memref<10240x128xf32, #tpu.memory_space<vmem_shared>> -> memref<10240x128xf32, #tpu.memory_space<vmem_shared>>
        tpu.wait_indirect_dma semaphore(%run_scoped3A : memref<!tpu.dma_semaphore, #tpu.memory_space<semaphore_mem>>) src(%arg9 : memref<128x128xf32, #tpu.memory_space<vmem>>) dst(%dma_wait3A_199 : memref<10240x128xf32, #tpu.memory_space<vmem_shared>>)
        tpu.yield
      }) : () -> ()
      %while3A_187 = arith.constant 0 : i32
      scf.yield %while3A_187 : i32
    }
    %while3A_92 = arith.constant 1 : i32
    %while3A_93 = scf.for %while3A_175 = %while3A_89 to %while3A_85 step %while3A_92 iter_args(%while3A_176 = %while3A_91) -> (i32)  : i32 {
      %dma_start3A = arith.constant 0 : i32
      %dma_start3A_177 = tpu.memref_slice %arg7[%while3A_175, %dma_start3A] : memref<102x128xi32, #tpu.memory_space<vmem>> -> memref<1x128xi32, #tpu.memory_space<vmem>>
      %dma_start3A_178 = tpu.memref_squeeze %dma_start3A_177 : memref<1x128xi32, #tpu.memory_space<vmem>> -> memref<128xi32, #tpu.memory_space<vmem>>
      %dma_start3A_179 = arith.constant 0 : i32
      %dma_start3A_180 = arith.constant 0 : i32
      %dma_start3A_181 = tpu.memref_slice %arg2[%dma_start3A_179, %dma_start3A_180] : memref<10240x128xf32, #tpu.memory_space<hbm>> -> memref<10240x128xf32, #tpu.memory_space<hbm>>
      tpu.enqueue_indirect_dma source(%dma_start3A_181 : memref<10240x128xf32, #tpu.memory_space<hbm>>) target(%arg9 : memref<128x128xf32, #tpu.memory_space<vmem>>) offsets(%dma_start3A_178 : memref<128xi32, #tpu.memory_space<vmem>>) semaphore(%arg12 : memref<!tpu.dma_semaphore, #tpu.memory_space<semaphore_mem>>)
      %dma_wait3A = arith.constant 0 : i32
      %dma_wait3A_182 = tpu.memref_slice %arg7[%while3A_175, %dma_wait3A] : memref<102x128xi32, #tpu.memory_space<vmem>> -> memref<1x128xi32, #tpu.memory_space<vmem>>
      %dma_wait3A_183 = tpu.memref_squeeze %dma_wait3A_182 : memref<1x128xi32, #tpu.memory_space<vmem>> -> memref<128xi32, #tpu.memory_space<vmem>>
      %dma_wait3A_184 = arith.constant 0 : i32
      %dma_wait3A_185 = arith.constant 0 : i32
      %dma_wait3A_186 = tpu.memref_slice %arg2[%dma_wait3A_184, %dma_wait3A_185] : memref<10240x128xf32, #tpu.memory_space<hbm>> -> memref<10240x128xf32, #tpu.memory_space<hbm>>
      tpu.wait_indirect_dma semaphore(%arg12 : memref<!tpu.dma_semaphore, #tpu.memory_space<semaphore_mem>>) src(%dma_wait3A_186 : memref<10240x128xf32, #tpu.memory_space<hbm>>) dst(%arg9 : memref<128x128xf32, #tpu.memory_space<vmem>>)
      "tpu.region"() ({
        %run_scoped3A = tpu.sem_alloc : memref<!tpu.dma_semaphore, #tpu.memory_space<semaphore_mem>>
        %dma_start3A_188 = arith.constant 0 : i32
        %dma_start3A_189 = tpu.memref_slice %arg8[%while3A_175, %dma_start3A_188] : memref<102x128xi32, #tpu.memory_space<vmem>> -> memref<1x128xi32, #tpu.memory_space<vmem>>
        %dma_start3A_190 = tpu.memref_squeeze %dma_start3A_189 : memref<1x128xi32, #tpu.memory_space<vmem>> -> memref<128xi32, #tpu.memory_space<vmem>>
        %dma_start3A_191 = arith.constant 0 : i32
        %dma_start3A_192 = arith.constant 0 : i32
        %dma_start3A_193 = tpu.memref_slice %arg11[%dma_start3A_191, %dma_start3A_192] : memref<10240x128xf32, #tpu.memory_space<vmem_shared>> -> memref<10240x128xf32, #tpu.memory_space<vmem_shared>>
        tpu.enqueue_indirect_dma source(%arg9 : memref<128x128xf32, #tpu.memory_space<vmem>>) target(%dma_start3A_193 : memref<10240x128xf32, #tpu.memory_space<vmem_shared>>) offsets(%dma_start3A_190 : memref<128xi32, #tpu.memory_space<vmem>>) semaphore(%run_scoped3A : memref<!tpu.dma_semaphore, #tpu.memory_space<semaphore_mem>>) {add = true}
        %dma_wait3A_194 = arith.constant 0 : i32
        %dma_wait3A_195 = tpu.memref_slice %arg8[%while3A_175, %dma_wait3A_194] : memref<102x128xi32, #tpu.memory_space<vmem>> -> memref<1x128xi32, #tpu.memory_space<vmem>>
        %dma_wait3A_196 = tpu.memref_squeeze %dma_wait3A_195 : memref<1x128xi32, #tpu.memory_space<vmem>> -> memref<128xi32, #tpu.memory_space<vmem>>
        %dma_wait3A_197 = arith.constant 0 : i32
        %dma_wait3A_198 = arith.constant 0 : i32
        %dma_wait3A_199 = tpu.memref_slice %arg11[%dma_wait3A_197, %dma_wait3A_198] : memref<10240x128xf32, #tpu.memory_space<vmem_shared>> -> memref<10240x128xf32, #tpu.memory_space<vmem_shared>>
        tpu.wait_indirect_dma semaphore(%run_scoped3A : memref<!tpu.dma_semaphore, #tpu.memory_space<semaphore_mem>>) src(%arg9 : memref<128x128xf32, #tpu.memory_space<vmem>>) dst(%dma_wait3A_199 : memref<10240x128xf32, #tpu.memory_space<vmem_shared>>)
        tpu.yield
      }) : () -> ()
      %while3A_187 = arith.constant 0 : i32
      scf.yield %while3A_187 : i32
    }
    %barrier3A_94 = arith.constant 0 : index
    tpu.barrier barrier_id(%barrier3A_94)
    %mul3A_95 = arith.constant 640 : i32
    %mul3A_96 = arith.muli %arg1, %mul3A_95 : i32
    %add3A_97 = arith.constant 0 : i32
    %add3A_98 = arith.addi %mul3A_96, %add3A_97 : i32
    "tpu.region"() ({
      %run_scoped3A = tpu.sem_alloc : memref<!tpu.dma_semaphore, #tpu.memory_space<semaphore_mem>>
      %dma_start3A = arith.constant 0 : i32
      %dma_start3A_175 = tpu.memref_slice %arg11[%add3A_98, %dma_start3A] : memref<10240x128xf32, #tpu.memory_space<vmem_shared>> -> memref<32x128xf32, #tpu.memory_space<vmem_shared>>
      %dma_start3A_176 = arith.constant 0 : i32
      %dma_start3A_177 = tpu.memref_slice %arg11[%add3A_98, %dma_start3A_176] : memref<10240x128xf32, #tpu.memory_space<vmem_shared>> -> memref<32x128xf32, #tpu.memory_space<vmem_shared>>
      tpu.enqueue_dma source(%dma_start3A_177 : memref<32x128xf32, #tpu.memory_space<vmem_shared>>) target(%arg10 : memref<32x128xf32, #tpu.memory_space<vmem>>) target_semaphore(%run_scoped3A : memref<!tpu.dma_semaphore, #tpu.memory_space<semaphore_mem>>)
      %dma_wait3A = arith.constant 0 : i32
      %dma_wait3A_178 = tpu.memref_slice %arg11[%add3A_98, %dma_wait3A] : memref<10240x128xf32, #tpu.memory_space<vmem_shared>> -> memref<32x128xf32, #tpu.memory_space<vmem_shared>>
      %dma_wait3A_179 = arith.constant 0 : i32
      %dma_wait3A_180 = tpu.memref_slice %arg11[%add3A_98, %dma_wait3A_179] : memref<10240x128xf32, #tpu.memory_space<vmem_shared>> -> memref<32x128xf32, #tpu.memory_space<vmem_shared>>
      tpu.wait_dma2 semaphore(%run_scoped3A : memref<!tpu.dma_semaphore, #tpu.memory_space<semaphore_mem>>) src(%dma_wait3A_180 : memref<32x128xf32, #tpu.memory_space<vmem_shared>>) dst(%arg10 : memref<32x128xf32, #tpu.memory_space<vmem>>)
      tpu.yield
    }) : () -> ()
    "tpu.region"() ({
      %run_scoped3A = tpu.sem_alloc : memref<!tpu.dma_semaphore, #tpu.memory_space<semaphore_mem>>
      %dma_start3A = arith.constant 0 : i32
      %dma_start3A_175 = tpu.memref_slice %arg6[%arg0, %add3A_98, %dma_start3A] : memref<2x10240x128xf32, #tpu.memory_space<hbm>> -> memref<1x32x128xf32, #tpu.memory_space<hbm>>
      %dma_start3A_176 = tpu.memref_squeeze %dma_start3A_175 : memref<1x32x128xf32, #tpu.memory_space<hbm>> -> memref<32x128xf32, #tpu.memory_space<hbm>>
      %dma_start3A_177 = arith.constant 0 : i32
      %dma_start3A_178 = tpu.memref_slice %arg6[%arg0, %add3A_98, %dma_start3A_177] : memref<2x10240x128xf32, #tpu.memory_space<hbm>> -> memref<1x32x128xf32, #tpu.memory_space<hbm>>
      %dma_start3A_179 = tpu.memref_squeeze %dma_start3A_178 : memref<1x32x128xf32, #tpu.memory_space<hbm>> -> memref<32x128xf32, #tpu.memory_space<hbm>>
      tpu.enqueue_dma source(%arg10 : memref<32x128xf32, #tpu.memory_space<vmem>>) target(%dma_start3A_179 : memref<32x128xf32, #tpu.memory_space<hbm>>) target_semaphore(%run_scoped3A : memref<!tpu.dma_semaphore, #tpu.memory_space<semaphore_mem>>)
      %dma_wait3A = arith.constant 0 : i32
      %dma_wait3A_180 = tpu.memref_slice %arg6[%arg0, %add3A_98, %dma_wait3A] : memref<2x10240x128xf32, #tpu.memory_space<hbm>> -> memref<1x32x128xf32, #tpu.memory_space<hbm>>
      %dma_wait3A_181 = tpu.memref_squeeze %dma_wait3A_180 : memref<1x32x128xf32, #tpu.memory_space<hbm>> -> memref<32x128xf32, #tpu.memory_space<hbm>>
      %dma_wait3A_182 = arith.constant 0 : i32
      %dma_wait3A_183 = tpu.memref_slice %arg6[%arg0, %add3A_98, %dma_wait3A_182] : memref<2x10240x128xf32, #tpu.memory_space<hbm>> -> memref<1x32x128xf32, #tpu.memory_space<hbm>>
      %dma_wait3A_184 = tpu.memref_squeeze %dma_wait3A_183 : memref<1x32x128xf32, #tpu.memory_space<hbm>> -> memref<32x128xf32, #tpu.memory_space<hbm>>
      tpu.wait_dma2 semaphore(%run_scoped3A : memref<!tpu.dma_semaphore, #tpu.memory_space<semaphore_mem>>) src(%arg10 : memref<32x128xf32, #tpu.memory_space<vmem>>) dst(%dma_wait3A_184 : memref<32x128xf32, #tpu.memory_space<hbm>>)
      tpu.yield
    }) : () -> ()
    %mul3A_99 = arith.constant 640 : i32
    %mul3A_100 = arith.muli %arg1, %mul3A_99 : i32
    %add3A_101 = arith.constant 32 : i32
    %add3A_102 = arith.addi %mul3A_100, %add3A_101 : i32
    "tpu.region"() ({
      %run_scoped3A = tpu.sem_alloc : memref<!tpu.dma_semaphore, #tpu.memory_space<semaphore_mem>>
      %dma_start3A = arith.constant 0 : i32
      %dma_start3A_175 = tpu.memref_slice %arg11[%add3A_102, %dma_start3A] : memref<10240x128xf32, #tpu.memory_space<vmem_shared>> -> memref<32x128xf32, #tpu.memory_space<vmem_shared>>
      %dma_start3A_176 = arith.constant 0 : i32
      %dma_start3A_177 = tpu.memref_slice %arg11[%add3A_102, %dma_start3A_176] : memref<10240x128xf32, #tpu.memory_space<vmem_shared>> -> memref<32x128xf32, #tpu.memory_space<vmem_shared>>
      tpu.enqueue_dma source(%dma_start3A_177 : memref<32x128xf32, #tpu.memory_space<vmem_shared>>) target(%arg10 : memref<32x128xf32, #tpu.memory_space<vmem>>) target_semaphore(%run_scoped3A : memref<!tpu.dma_semaphore, #tpu.memory_space<semaphore_mem>>)
      %dma_wait3A = arith.constant 0 : i32
      %dma_wait3A_178 = tpu.memref_slice %arg11[%add3A_102, %dma_wait3A] : memref<10240x128xf32, #tpu.memory_space<vmem_shared>> -> memref<32x128xf32, #tpu.memory_space<vmem_shared>>
      %dma_wait3A_179 = arith.constant 0 : i32
      %dma_wait3A_180 = tpu.memref_slice %arg11[%add3A_102, %dma_wait3A_179] : memref<10240x128xf32, #tpu.memory_space<vmem_shared>> -> memref<32x128xf32, #tpu.memory_space<vmem_shared>>
      tpu.wait_dma2 semaphore(%run_scoped3A : memref<!tpu.dma_semaphore, #tpu.memory_space<semaphore_mem>>) src(%dma_wait3A_180 : memref<32x128xf32, #tpu.memory_space<vmem_shared>>) dst(%arg10 : memref<32x128xf32, #tpu.memory_space<vmem>>)
      tpu.yield
    }) : () -> ()
    "tpu.region"() ({
      %run_scoped3A = tpu.sem_alloc : memref<!tpu.dma_semaphore, #tpu.memory_space<semaphore_mem>>
      %dma_start3A = arith.constant 0 : i32
      %dma_start3A_175 = tpu.memref_slice %arg6[%arg0, %add3A_102, %dma_start3A] : memref<2x10240x128xf32, #tpu.memory_space<hbm>> -> memref<1x32x128xf32, #tpu.memory_space<hbm>>
      %dma_start3A_176 = tpu.memref_squeeze %dma_start3A_175 : memref<1x32x128xf32, #tpu.memory_space<hbm>> -> memref<32x128xf32, #tpu.memory_space<hbm>>
      %dma_start3A_177 = arith.constant 0 : i32
      %dma_start3A_178 = tpu.memref_slice %arg6[%arg0, %add3A_102, %dma_start3A_177] : memref<2x10240x128xf32, #tpu.memory_space<hbm>> -> memref<1x32x128xf32, #tpu.memory_space<hbm>>
      %dma_start3A_179 = tpu.memref_squeeze %dma_start3A_178 : memref<1x32x128xf32, #tpu.memory_space<hbm>> -> memref<32x128xf32, #tpu.memory_space<hbm>>
      tpu.enqueue_dma source(%arg10 : memref<32x128xf32, #tpu.memory_space<vmem>>) target(%dma_start3A_179 : memref<32x128xf32, #tpu.memory_space<hbm>>) target_semaphore(%run_scoped3A : memref<!tpu.dma_semaphore, #tpu.memory_space<semaphore_mem>>)
      %dma_wait3A = arith.constant 0 : i32
      %dma_wait3A_180 = tpu.memref_slice %arg6[%arg0, %add3A_102, %dma_wait3A] : memref<2x10240x128xf32, #tpu.memory_space<hbm>> -> memref<1x32x128xf32, #tpu.memory_space<hbm>>
      %dma_wait3A_181 = tpu.memref_squeeze %dma_wait3A_180 : memref<1x32x128xf32, #tpu.memory_space<hbm>> -> memref<32x128xf32, #tpu.memory_space<hbm>>
      %dma_wait3A_182 = arith.constant 0 : i32
      %dma_wait3A_183 = tpu.memref_slice %arg6[%arg0, %add3A_102, %dma_wait3A_182] : memref<2x10240x128xf32, #tpu.memory_space<hbm>> -> memref<1x32x128xf32, #tpu.memory_space<hbm>>
      %dma_wait3A_184 = tpu.memref_squeeze %dma_wait3A_183 : memref<1x32x128xf32, #tpu.memory_space<hbm>> -> memref<32x128xf32, #tpu.memory_space<hbm>>
      tpu.wait_dma2 semaphore(%run_scoped3A : memref<!tpu.dma_semaphore, #tpu.memory_space<semaphore_mem>>) src(%arg10 : memref<32x128xf32, #tpu.memory_space<vmem>>) dst(%dma_wait3A_184 : memref<32x128xf32, #tpu.memory_space<hbm>>)
      tpu.yield
    }) : () -> ()
    %mul3A_103 = arith.constant 640 : i32
    %mul3A_104 = arith.muli %arg1, %mul3A_103 : i32
    %add3A_105 = arith.constant 64 : i32
    %add3A_106 = arith.addi %mul3A_104, %add3A_105 : i32
    "tpu.region"() ({
      %run_scoped3A = tpu.sem_alloc : memref<!tpu.dma_semaphore, #tpu.memory_space<semaphore_mem>>
      %dma_start3A = arith.constant 0 : i32
      %dma_start3A_175 = tpu.memref_slice %arg11[%add3A_106, %dma_start3A] : memref<10240x128xf32, #tpu.memory_space<vmem_shared>> -> memref<32x128xf32, #tpu.memory_space<vmem_shared>>
      %dma_start3A_176 = arith.constant 0 : i32
      %dma_start3A_177 = tpu.memref_slice %arg11[%add3A_106, %dma_start3A_176] : memref<10240x128xf32, #tpu.memory_space<vmem_shared>> -> memref<32x128xf32, #tpu.memory_space<vmem_shared>>
      tpu.enqueue_dma source(%dma_start3A_177 : memref<32x128xf32, #tpu.memory_space<vmem_shared>>) target(%arg10 : memref<32x128xf32, #tpu.memory_space<vmem>>) target_semaphore(%run_scoped3A : memref<!tpu.dma_semaphore, #tpu.memory_space<semaphore_mem>>)
      %dma_wait3A = arith.constant 0 : i32
      %dma_wait3A_178 = tpu.memref_slice %arg11[%add3A_106, %dma_wait3A] : memref<10240x128xf32, #tpu.memory_space<vmem_shared>> -> memref<32x128xf32, #tpu.memory_space<vmem_shared>>
      %dma_wait3A_179 = arith.constant 0 : i32
      %dma_wait3A_180 = tpu.memref_slice %arg11[%add3A_106, %dma_wait3A_179] : memref<10240x128xf32, #tpu.memory_space<vmem_shared>> -> memref<32x128xf32, #tpu.memory_space<vmem_shared>>
      tpu.wait_dma2 semaphore(%run_scoped3A : memref<!tpu.dma_semaphore, #tpu.memory_space<semaphore_mem>>) src(%dma_wait3A_180 : memref<32x128xf32, #tpu.memory_space<vmem_shared>>) dst(%arg10 : memref<32x128xf32, #tpu.memory_space<vmem>>)
      tpu.yield
    }) : () -> ()
    "tpu.region"() ({
      %run_scoped3A = tpu.sem_alloc : memref<!tpu.dma_semaphore, #tpu.memory_space<semaphore_mem>>
      %dma_start3A = arith.constant 0 : i32
      %dma_start3A_175 = tpu.memref_slice %arg6[%arg0, %add3A_106, %dma_start3A] : memref<2x10240x128xf32, #tpu.memory_space<hbm>> -> memref<1x32x128xf32, #tpu.memory_space<hbm>>
      %dma_start3A_176 = tpu.memref_squeeze %dma_start3A_175 : memref<1x32x128xf32, #tpu.memory_space<hbm>> -> memref<32x128xf32, #tpu.memory_space<hbm>>
      %dma_start3A_177 = arith.constant 0 : i32
      %dma_start3A_178 = tpu.memref_slice %arg6[%arg0, %add3A_106, %dma_start3A_177] : memref<2x10240x128xf32, #tpu.memory_space<hbm>> -> memref<1x32x128xf32, #tpu.memory_space<hbm>>
      %dma_start3A_179 = tpu.memref_squeeze %dma_start3A_178 : memref<1x32x128xf32, #tpu.memory_space<hbm>> -> memref<32x128xf32, #tpu.memory_space<hbm>>
      tpu.enqueue_dma source(%arg10 : memref<32x128xf32, #tpu.memory_space<vmem>>) target(%dma_start3A_179 : memref<32x128xf32, #tpu.memory_space<hbm>>) target_semaphore(%run_scoped3A : memref<!tpu.dma_semaphore, #tpu.memory_space<semaphore_mem>>)
      %dma_wait3A = arith.constant 0 : i32
      %dma_wait3A_180 = tpu.memref_slice %arg6[%arg0, %add3A_106, %dma_wait3A] : memref<2x10240x128xf32, #tpu.memory_space<hbm>> -> memref<1x32x128xf32, #tpu.memory_space<hbm>>
      %dma_wait3A_181 = tpu.memref_squeeze %dma_wait3A_180 : memref<1x32x128xf32, #tpu.memory_space<hbm>> -> memref<32x128xf32, #tpu.memory_space<hbm>>
      %dma_wait3A_182 = arith.constant 0 : i32
      %dma_wait3A_183 = tpu.memref_slice %arg6[%arg0, %add3A_106, %dma_wait3A_182] : memref<2x10240x128xf32, #tpu.memory_space<hbm>> -> memref<1x32x128xf32, #tpu.memory_space<hbm>>
      %dma_wait3A_184 = tpu.memref_squeeze %dma_wait3A_183 : memref<1x32x128xf32, #tpu.memory_space<hbm>> -> memref<32x128xf32, #tpu.memory_space<hbm>>
      tpu.wait_dma2 semaphore(%run_scoped3A : memref<!tpu.dma_semaphore, #tpu.memory_space<semaphore_mem>>) src(%arg10 : memref<32x128xf32, #tpu.memory_space<vmem>>) dst(%dma_wait3A_184 : memref<32x128xf32, #tpu.memory_space<hbm>>)
      tpu.yield
    }) : () -> ()
    %mul3A_107 = arith.constant 640 : i32
    %mul3A_108 = arith.muli %arg1, %mul3A_107 : i32
    %add3A_109 = arith.constant 96 : i32
    %add3A_110 = arith.addi %mul3A_108, %add3A_109 : i32
    "tpu.region"() ({
      %run_scoped3A = tpu.sem_alloc : memref<!tpu.dma_semaphore, #tpu.memory_space<semaphore_mem>>
      %dma_start3A = arith.constant 0 : i32
      %dma_start3A_175 = tpu.memref_slice %arg11[%add3A_110, %dma_start3A] : memref<10240x128xf32, #tpu.memory_space<vmem_shared>> -> memref<32x128xf32, #tpu.memory_space<vmem_shared>>
      %dma_start3A_176 = arith.constant 0 : i32
      %dma_start3A_177 = tpu.memref_slice %arg11[%add3A_110, %dma_start3A_176] : memref<10240x128xf32, #tpu.memory_space<vmem_shared>> -> memref<32x128xf32, #tpu.memory_space<vmem_shared>>
      tpu.enqueue_dma source(%dma_start3A_177 : memref<32x128xf32, #tpu.memory_space<vmem_shared>>) target(%arg10 : memref<32x128xf32, #tpu.memory_space<vmem>>) target_semaphore(%run_scoped3A : memref<!tpu.dma_semaphore, #tpu.memory_space<semaphore_mem>>)
      %dma_wait3A = arith.constant 0 : i32
      %dma_wait3A_178 = tpu.memref_slice %arg11[%add3A_110, %dma_wait3A] : memref<10240x128xf32, #tpu.memory_space<vmem_shared>> -> memref<32x128xf32, #tpu.memory_space<vmem_shared>>
      %dma_wait3A_179 = arith.constant 0 : i32
      %dma_wait3A_180 = tpu.memref_slice %arg11[%add3A_110, %dma_wait3A_179] : memref<10240x128xf32, #tpu.memory_space<vmem_shared>> -> memref<32x128xf32, #tpu.memory_space<vmem_shared>>
      tpu.wait_dma2 semaphore(%run_scoped3A : memref<!tpu.dma_semaphore, #tpu.memory_space<semaphore_mem>>) src(%dma_wait3A_180 : memref<32x128xf32, #tpu.memory_space<vmem_shared>>) dst(%arg10 : memref<32x128xf32, #tpu.memory_space<vmem>>)
      tpu.yield
    }) : () -> ()
    "tpu.region"() ({
      %run_scoped3A = tpu.sem_alloc : memref<!tpu.dma_semaphore, #tpu.memory_space<semaphore_mem>>
      %dma_start3A = arith.constant 0 : i32
      %dma_start3A_175 = tpu.memref_slice %arg6[%arg0, %add3A_110, %dma_start3A] : memref<2x10240x128xf32, #tpu.memory_space<hbm>> -> memref<1x32x128xf32, #tpu.memory_space<hbm>>
      %dma_start3A_176 = tpu.memref_squeeze %dma_start3A_175 : memref<1x32x128xf32, #tpu.memory_space<hbm>> -> memref<32x128xf32, #tpu.memory_space<hbm>>
      %dma_start3A_177 = arith.constant 0 : i32
      %dma_start3A_178 = tpu.memref_slice %arg6[%arg0, %add3A_110, %dma_start3A_177] : memref<2x10240x128xf32, #tpu.memory_space<hbm>> -> memref<1x32x128xf32, #tpu.memory_space<hbm>>
      %dma_start3A_179 = tpu.memref_squeeze %dma_start3A_178 : memref<1x32x128xf32, #tpu.memory_space<hbm>> -> memref<32x128xf32, #tpu.memory_space<hbm>>
      tpu.enqueue_dma source(%arg10 : memref<32x128xf32, #tpu.memory_space<vmem>>) target(%dma_start3A_179 : memref<32x128xf32, #tpu.memory_space<hbm>>) target_semaphore(%run_scoped3A : memref<!tpu.dma_semaphore, #tpu.memory_space<semaphore_mem>>)
      %dma_wait3A = arith.constant 0 : i32
      %dma_wait3A_180 = tpu.memref_slice %arg6[%arg0, %add3A_110, %dma_wait3A] : memref<2x10240x128xf32, #tpu.memory_space<hbm>> -> memref<1x32x128xf32, #tpu.memory_space<hbm>>
      %dma_wait3A_181 = tpu.memref_squeeze %dma_wait3A_180 : memref<1x32x128xf32, #tpu.memory_space<hbm>> -> memref<32x128xf32, #tpu.memory_space<hbm>>
      %dma_wait3A_182 = arith.constant 0 : i32
      %dma_wait3A_183 = tpu.memref_slice %arg6[%arg0, %add3A_110, %dma_wait3A_182] : memref<2x10240x128xf32, #tpu.memory_space<hbm>> -> memref<1x32x128xf32, #tpu.memory_space<hbm>>
      %dma_wait3A_184 = tpu.memref_squeeze %dma_wait3A_183 : memref<1x32x128xf32, #tpu.memory_space<hbm>> -> memref<32x128xf32, #tpu.memory_space<hbm>>
      tpu.wait_dma2 semaphore(%run_scoped3A : memref<!tpu.dma_semaphore, #tpu.memory_space<semaphore_mem>>) src(%arg10 : memref<32x128xf32, #tpu.memory_space<vmem>>) dst(%dma_wait3A_184 : memref<32x128xf32, #tpu.memory_space<hbm>>)
      tpu.yield
    }) : () -> ()
    %mul3A_111 = arith.constant 640 : i32
    %mul3A_112 = arith.muli %arg1, %mul3A_111 : i32
    %add3A_113 = arith.constant 128 : i32
    %add3A_114 = arith.addi %mul3A_112, %add3A_113 : i32
    "tpu.region"() ({
      %run_scoped3A = tpu.sem_alloc : memref<!tpu.dma_semaphore, #tpu.memory_space<semaphore_mem>>
      %dma_start3A = arith.constant 0 : i32
      %dma_start3A_175 = tpu.memref_slice %arg11[%add3A_114, %dma_start3A] : memref<10240x128xf32, #tpu.memory_space<vmem_shared>> -> memref<32x128xf32, #tpu.memory_space<vmem_shared>>
      %dma_start3A_176 = arith.constant 0 : i32
      %dma_start3A_177 = tpu.memref_slice %arg11[%add3A_114, %dma_start3A_176] : memref<10240x128xf32, #tpu.memory_space<vmem_shared>> -> memref<32x128xf32, #tpu.memory_space<vmem_shared>>
      tpu.enqueue_dma source(%dma_start3A_177 : memref<32x128xf32, #tpu.memory_space<vmem_shared>>) target(%arg10 : memref<32x128xf32, #tpu.memory_space<vmem>>) target_semaphore(%run_scoped3A : memref<!tpu.dma_semaphore, #tpu.memory_space<semaphore_mem>>)
      %dma_wait3A = arith.constant 0 : i32
      %dma_wait3A_178 = tpu.memref_slice %arg11[%add3A_114, %dma_wait3A] : memref<10240x128xf32, #tpu.memory_space<vmem_shared>> -> memref<32x128xf32, #tpu.memory_space<vmem_shared>>
      %dma_wait3A_179 = arith.constant 0 : i32
      %dma_wait3A_180 = tpu.memref_slice %arg11[%add3A_114, %dma_wait3A_179] : memref<10240x128xf32, #tpu.memory_space<vmem_shared>> -> memref<32x128xf32, #tpu.memory_space<vmem_shared>>
      tpu.wait_dma2 semaphore(%run_scoped3A : memref<!tpu.dma_semaphore, #tpu.memory_space<semaphore_mem>>) src(%dma_wait3A_180 : memref<32x128xf32, #tpu.memory_space<vmem_shared>>) dst(%arg10 : memref<32x128xf32, #tpu.memory_space<vmem>>)
      tpu.yield
    }) : () -> ()
    "tpu.region"() ({
      %run_scoped3A = tpu.sem_alloc : memref<!tpu.dma_semaphore, #tpu.memory_space<semaphore_mem>>
      %dma_start3A = arith.constant 0 : i32
      %dma_start3A_175 = tpu.memref_slice %arg6[%arg0, %add3A_114, %dma_start3A] : memref<2x10240x128xf32, #tpu.memory_space<hbm>> -> memref<1x32x128xf32, #tpu.memory_space<hbm>>
      %dma_start3A_176 = tpu.memref_squeeze %dma_start3A_175 : memref<1x32x128xf32, #tpu.memory_space<hbm>> -> memref<32x128xf32, #tpu.memory_space<hbm>>
      %dma_start3A_177 = arith.constant 0 : i32
      %dma_start3A_178 = tpu.memref_slice %arg6[%arg0, %add3A_114, %dma_start3A_177] : memref<2x10240x128xf32, #tpu.memory_space<hbm>> -> memref<1x32x128xf32, #tpu.memory_space<hbm>>
      %dma_start3A_179 = tpu.memref_squeeze %dma_start3A_178 : memref<1x32x128xf32, #tpu.memory_space<hbm>> -> memref<32x128xf32, #tpu.memory_space<hbm>>
      tpu.enqueue_dma source(%arg10 : memref<32x128xf32, #tpu.memory_space<vmem>>) target(%dma_start3A_179 : memref<32x128xf32, #tpu.memory_space<hbm>>) target_semaphore(%run_scoped3A : memref<!tpu.dma_semaphore, #tpu.memory_space<semaphore_mem>>)
      %dma_wait3A = arith.constant 0 : i32
      %dma_wait3A_180 = tpu.memref_slice %arg6[%arg0, %add3A_114, %dma_wait3A] : memref<2x10240x128xf32, #tpu.memory_space<hbm>> -> memref<1x32x128xf32, #tpu.memory_space<hbm>>
      %dma_wait3A_181 = tpu.memref_squeeze %dma_wait3A_180 : memref<1x32x128xf32, #tpu.memory_space<hbm>> -> memref<32x128xf32, #tpu.memory_space<hbm>>
      %dma_wait3A_182 = arith.constant 0 : i32
      %dma_wait3A_183 = tpu.memref_slice %arg6[%arg0, %add3A_114, %dma_wait3A_182] : memref<2x10240x128xf32, #tpu.memory_space<hbm>> -> memref<1x32x128xf32, #tpu.memory_space<hbm>>
      %dma_wait3A_184 = tpu.memref_squeeze %dma_wait3A_183 : memref<1x32x128xf32, #tpu.memory_space<hbm>> -> memref<32x128xf32, #tpu.memory_space<hbm>>
      tpu.wait_dma2 semaphore(%run_scoped3A : memref<!tpu.dma_semaphore, #tpu.memory_space<semaphore_mem>>) src(%arg10 : memref<32x128xf32, #tpu.memory_space<vmem>>) dst(%dma_wait3A_184 : memref<32x128xf32, #tpu.memory_space<hbm>>)
      tpu.yield
    }) : () -> ()
    %mul3A_115 = arith.constant 640 : i32
    %mul3A_116 = arith.muli %arg1, %mul3A_115 : i32
    %add3A_117 = arith.constant 160 : i32
    %add3A_118 = arith.addi %mul3A_116, %add3A_117 : i32
    "tpu.region"() ({
      %run_scoped3A = tpu.sem_alloc : memref<!tpu.dma_semaphore, #tpu.memory_space<semaphore_mem>>
      %dma_start3A = arith.constant 0 : i32
      %dma_start3A_175 = tpu.memref_slice %arg11[%add3A_118, %dma_start3A] : memref<10240x128xf32, #tpu.memory_space<vmem_shared>> -> memref<32x128xf32, #tpu.memory_space<vmem_shared>>
      %dma_start3A_176 = arith.constant 0 : i32
      %dma_start3A_177 = tpu.memref_slice %arg11[%add3A_118, %dma_start3A_176] : memref<10240x128xf32, #tpu.memory_space<vmem_shared>> -> memref<32x128xf32, #tpu.memory_space<vmem_shared>>
      tpu.enqueue_dma source(%dma_start3A_177 : memref<32x128xf32, #tpu.memory_space<vmem_shared>>) target(%arg10 : memref<32x128xf32, #tpu.memory_space<vmem>>) target_semaphore(%run_scoped3A : memref<!tpu.dma_semaphore, #tpu.memory_space<semaphore_mem>>)
      %dma_wait3A = arith.constant 0 : i32
      %dma_wait3A_178 = tpu.memref_slice %arg11[%add3A_118, %dma_wait3A] : memref<10240x128xf32, #tpu.memory_space<vmem_shared>> -> memref<32x128xf32, #tpu.memory_space<vmem_shared>>
      %dma_wait3A_179 = arith.constant 0 : i32
      %dma_wait3A_180 = tpu.memref_slice %arg11[%add3A_118, %dma_wait3A_179] : memref<10240x128xf32, #tpu.memory_space<vmem_shared>> -> memref<32x128xf32, #tpu.memory_space<vmem_shared>>
      tpu.wait_dma2 semaphore(%run_scoped3A : memref<!tpu.dma_semaphore, #tpu.memory_space<semaphore_mem>>) src(%dma_wait3A_180 : memref<32x128xf32, #tpu.memory_space<vmem_shared>>) dst(%arg10 : memref<32x128xf32, #tpu.memory_space<vmem>>)
      tpu.yield
    }) : () -> ()
    "tpu.region"() ({
      %run_scoped3A = tpu.sem_alloc : memref<!tpu.dma_semaphore, #tpu.memory_space<semaphore_mem>>
      %dma_start3A = arith.constant 0 : i32
      %dma_start3A_175 = tpu.memref_slice %arg6[%arg0, %add3A_118, %dma_start3A] : memref<2x10240x128xf32, #tpu.memory_space<hbm>> -> memref<1x32x128xf32, #tpu.memory_space<hbm>>
      %dma_start3A_176 = tpu.memref_squeeze %dma_start3A_175 : memref<1x32x128xf32, #tpu.memory_space<hbm>> -> memref<32x128xf32, #tpu.memory_space<hbm>>
      %dma_start3A_177 = arith.constant 0 : i32
      %dma_start3A_178 = tpu.memref_slice %arg6[%arg0, %add3A_118, %dma_start3A_177] : memref<2x10240x128xf32, #tpu.memory_space<hbm>> -> memref<1x32x128xf32, #tpu.memory_space<hbm>>
      %dma_start3A_179 = tpu.memref_squeeze %dma_start3A_178 : memref<1x32x128xf32, #tpu.memory_space<hbm>> -> memref<32x128xf32, #tpu.memory_space<hbm>>
      tpu.enqueue_dma source(%arg10 : memref<32x128xf32, #tpu.memory_space<vmem>>) target(%dma_start3A_179 : memref<32x128xf32, #tpu.memory_space<hbm>>) target_semaphore(%run_scoped3A : memref<!tpu.dma_semaphore, #tpu.memory_space<semaphore_mem>>)
      %dma_wait3A = arith.constant 0 : i32
      %dma_wait3A_180 = tpu.memref_slice %arg6[%arg0, %add3A_118, %dma_wait3A] : memref<2x10240x128xf32, #tpu.memory_space<hbm>> -> memref<1x32x128xf32, #tpu.memory_space<hbm>>
      %dma_wait3A_181 = tpu.memref_squeeze %dma_wait3A_180 : memref<1x32x128xf32, #tpu.memory_space<hbm>> -> memref<32x128xf32, #tpu.memory_space<hbm>>
      %dma_wait3A_182 = arith.constant 0 : i32
      %dma_wait3A_183 = tpu.memref_slice %arg6[%arg0, %add3A_118, %dma_wait3A_182] : memref<2x10240x128xf32, #tpu.memory_space<hbm>> -> memref<1x32x128xf32, #tpu.memory_space<hbm>>
      %dma_wait3A_184 = tpu.memref_squeeze %dma_wait3A_183 : memref<1x32x128xf32, #tpu.memory_space<hbm>> -> memref<32x128xf32, #tpu.memory_space<hbm>>
      tpu.wait_dma2 semaphore(%run_scoped3A : memref<!tpu.dma_semaphore, #tpu.memory_space<semaphore_mem>>) src(%arg10 : memref<32x128xf32, #tpu.memory_space<vmem>>) dst(%dma_wait3A_184 : memref<32x128xf32, #tpu.memory_space<hbm>>)
      tpu.yield
    }) : () -> ()
    %mul3A_119 = arith.constant 640 : i32
    %mul3A_120 = arith.muli %arg1, %mul3A_119 : i32
    %add3A_121 = arith.constant 192 : i32
    %add3A_122 = arith.addi %mul3A_120, %add3A_121 : i32
    "tpu.region"() ({
      %run_scoped3A = tpu.sem_alloc : memref<!tpu.dma_semaphore, #tpu.memory_space<semaphore_mem>>
      %dma_start3A = arith.constant 0 : i32
      %dma_start3A_175 = tpu.memref_slice %arg11[%add3A_122, %dma_start3A] : memref<10240x128xf32, #tpu.memory_space<vmem_shared>> -> memref<32x128xf32, #tpu.memory_space<vmem_shared>>
      %dma_start3A_176 = arith.constant 0 : i32
      %dma_start3A_177 = tpu.memref_slice %arg11[%add3A_122, %dma_start3A_176] : memref<10240x128xf32, #tpu.memory_space<vmem_shared>> -> memref<32x128xf32, #tpu.memory_space<vmem_shared>>
      tpu.enqueue_dma source(%dma_start3A_177 : memref<32x128xf32, #tpu.memory_space<vmem_shared>>) target(%arg10 : memref<32x128xf32, #tpu.memory_space<vmem>>) target_semaphore(%run_scoped3A : memref<!tpu.dma_semaphore, #tpu.memory_space<semaphore_mem>>)
      %dma_wait3A = arith.constant 0 : i32
      %dma_wait3A_178 = tpu.memref_slice %arg11[%add3A_122, %dma_wait3A] : memref<10240x128xf32, #tpu.memory_space<vmem_shared>> -> memref<32x128xf32, #tpu.memory_space<vmem_shared>>
      %dma_wait3A_179 = arith.constant 0 : i32
      %dma_wait3A_180 = tpu.memref_slice %arg11[%add3A_122, %dma_wait3A_179] : memref<10240x128xf32, #tpu.memory_space<vmem_shared>> -> memref<32x128xf32, #tpu.memory_space<vmem_shared>>
      tpu.wait_dma2 semaphore(%run_scoped3A : memref<!tpu.dma_semaphore, #tpu.memory_space<semaphore_mem>>) src(%dma_wait3A_180 : memref<32x128xf32, #tpu.memory_space<vmem_shared>>) dst(%arg10 : memref<32x128xf32, #tpu.memory_space<vmem>>)
      tpu.yield
    }) : () -> ()
    "tpu.region"() ({
      %run_scoped3A = tpu.sem_alloc : memref<!tpu.dma_semaphore, #tpu.memory_space<semaphore_mem>>
      %dma_start3A = arith.constant 0 : i32
      %dma_start3A_175 = tpu.memref_slice %arg6[%arg0, %add3A_122, %dma_start3A] : memref<2x10240x128xf32, #tpu.memory_space<hbm>> -> memref<1x32x128xf32, #tpu.memory_space<hbm>>
      %dma_start3A_176 = tpu.memref_squeeze %dma_start3A_175 : memref<1x32x128xf32, #tpu.memory_space<hbm>> -> memref<32x128xf32, #tpu.memory_space<hbm>>
      %dma_start3A_177 = arith.constant 0 : i32
      %dma_start3A_178 = tpu.memref_slice %arg6[%arg0, %add3A_122, %dma_start3A_177] : memref<2x10240x128xf32, #tpu.memory_space<hbm>> -> memref<1x32x128xf32, #tpu.memory_space<hbm>>
      %dma_start3A_179 = tpu.memref_squeeze %dma_start3A_178 : memref<1x32x128xf32, #tpu.memory_space<hbm>> -> memref<32x128xf32, #tpu.memory_space<hbm>>
      tpu.enqueue_dma source(%arg10 : memref<32x128xf32, #tpu.memory_space<vmem>>) target(%dma_start3A_179 : memref<32x128xf32, #tpu.memory_space<hbm>>) target_semaphore(%run_scoped3A : memref<!tpu.dma_semaphore, #tpu.memory_space<semaphore_mem>>)
      %dma_wait3A = arith.constant 0 : i32
      %dma_wait3A_180 = tpu.memref_slice %arg6[%arg0, %add3A_122, %dma_wait3A] : memref<2x10240x128xf32, #tpu.memory_space<hbm>> -> memref<1x32x128xf32, #tpu.memory_space<hbm>>
      %dma_wait3A_181 = tpu.memref_squeeze %dma_wait3A_180 : memref<1x32x128xf32, #tpu.memory_space<hbm>> -> memref<32x128xf32, #tpu.memory_space<hbm>>
      %dma_wait3A_182 = arith.constant 0 : i32
      %dma_wait3A_183 = tpu.memref_slice %arg6[%arg0, %add3A_122, %dma_wait3A_182] : memref<2x10240x128xf32, #tpu.memory_space<hbm>> -> memref<1x32x128xf32, #tpu.memory_space<hbm>>
      %dma_wait3A_184 = tpu.memref_squeeze %dma_wait3A_183 : memref<1x32x128xf32, #tpu.memory_space<hbm>> -> memref<32x128xf32, #tpu.memory_space<hbm>>
      tpu.wait_dma2 semaphore(%run_scoped3A : memref<!tpu.dma_semaphore, #tpu.memory_space<semaphore_mem>>) src(%arg10 : memref<32x128xf32, #tpu.memory_space<vmem>>) dst(%dma_wait3A_184 : memref<32x128xf32, #tpu.memory_space<hbm>>)
      tpu.yield
    }) : () -> ()
    %mul3A_123 = arith.constant 640 : i32
    %mul3A_124 = arith.muli %arg1, %mul3A_123 : i32
    %add3A_125 = arith.constant 224 : i32
    %add3A_126 = arith.addi %mul3A_124, %add3A_125 : i32
    "tpu.region"() ({
      %run_scoped3A = tpu.sem_alloc : memref<!tpu.dma_semaphore, #tpu.memory_space<semaphore_mem>>
      %dma_start3A = arith.constant 0 : i32
      %dma_start3A_175 = tpu.memref_slice %arg11[%add3A_126, %dma_start3A] : memref<10240x128xf32, #tpu.memory_space<vmem_shared>> -> memref<32x128xf32, #tpu.memory_space<vmem_shared>>
      %dma_start3A_176 = arith.constant 0 : i32
      %dma_start3A_177 = tpu.memref_slice %arg11[%add3A_126, %dma_start3A_176] : memref<10240x128xf32, #tpu.memory_space<vmem_shared>> -> memref<32x128xf32, #tpu.memory_space<vmem_shared>>
      tpu.enqueue_dma source(%dma_start3A_177 : memref<32x128xf32, #tpu.memory_space<vmem_shared>>) target(%arg10 : memref<32x128xf32, #tpu.memory_space<vmem>>) target_semaphore(%run_scoped3A : memref<!tpu.dma_semaphore, #tpu.memory_space<semaphore_mem>>)
      %dma_wait3A = arith.constant 0 : i32
      %dma_wait3A_178 = tpu.memref_slice %arg11[%add3A_126, %dma_wait3A] : memref<10240x128xf32, #tpu.memory_space<vmem_shared>> -> memref<32x128xf32, #tpu.memory_space<vmem_shared>>
      %dma_wait3A_179 = arith.constant 0 : i32
      %dma_wait3A_180 = tpu.memref_slice %arg11[%add3A_126, %dma_wait3A_179] : memref<10240x128xf32, #tpu.memory_space<vmem_shared>> -> memref<32x128xf32, #tpu.memory_space<vmem_shared>>
      tpu.wait_dma2 semaphore(%run_scoped3A : memref<!tpu.dma_semaphore, #tpu.memory_space<semaphore_mem>>) src(%dma_wait3A_180 : memref<32x128xf32, #tpu.memory_space<vmem_shared>>) dst(%arg10 : memref<32x128xf32, #tpu.memory_space<vmem>>)
      tpu.yield
    }) : () -> ()
    "tpu.region"() ({
      %run_scoped3A = tpu.sem_alloc : memref<!tpu.dma_semaphore, #tpu.memory_space<semaphore_mem>>
      %dma_start3A = arith.constant 0 : i32
      %dma_start3A_175 = tpu.memref_slice %arg6[%arg0, %add3A_126, %dma_start3A] : memref<2x10240x128xf32, #tpu.memory_space<hbm>> -> memref<1x32x128xf32, #tpu.memory_space<hbm>>
      %dma_start3A_176 = tpu.memref_squeeze %dma_start3A_175 : memref<1x32x128xf32, #tpu.memory_space<hbm>> -> memref<32x128xf32, #tpu.memory_space<hbm>>
      %dma_start3A_177 = arith.constant 0 : i32
      %dma_start3A_178 = tpu.memref_slice %arg6[%arg0, %add3A_126, %dma_start3A_177] : memref<2x10240x128xf32, #tpu.memory_space<hbm>> -> memref<1x32x128xf32, #tpu.memory_space<hbm>>
      %dma_start3A_179 = tpu.memref_squeeze %dma_start3A_178 : memref<1x32x128xf32, #tpu.memory_space<hbm>> -> memref<32x128xf32, #tpu.memory_space<hbm>>
      tpu.enqueue_dma source(%arg10 : memref<32x128xf32, #tpu.memory_space<vmem>>) target(%dma_start3A_179 : memref<32x128xf32, #tpu.memory_space<hbm>>) target_semaphore(%run_scoped3A : memref<!tpu.dma_semaphore, #tpu.memory_space<semaphore_mem>>)
      %dma_wait3A = arith.constant 0 : i32
      %dma_wait3A_180 = tpu.memref_slice %arg6[%arg0, %add3A_126, %dma_wait3A] : memref<2x10240x128xf32, #tpu.memory_space<hbm>> -> memref<1x32x128xf32, #tpu.memory_space<hbm>>
      %dma_wait3A_181 = tpu.memref_squeeze %dma_wait3A_180 : memref<1x32x128xf32, #tpu.memory_space<hbm>> -> memref<32x128xf32, #tpu.memory_space<hbm>>
      %dma_wait3A_182 = arith.constant 0 : i32
      %dma_wait3A_183 = tpu.memref_slice %arg6[%arg0, %add3A_126, %dma_wait3A_182] : memref<2x10240x128xf32, #tpu.memory_space<hbm>> -> memref<1x32x128xf32, #tpu.memory_space<hbm>>
      %dma_wait3A_184 = tpu.memref_squeeze %dma_wait3A_183 : memref<1x32x128xf32, #tpu.memory_space<hbm>> -> memref<32x128xf32, #tpu.memory_space<hbm>>
      tpu.wait_dma2 semaphore(%run_scoped3A : memref<!tpu.dma_semaphore, #tpu.memory_space<semaphore_mem>>) src(%arg10 : memref<32x128xf32, #tpu.memory_space<vmem>>) dst(%dma_wait3A_184 : memref<32x128xf32, #tpu.memory_space<hbm>>)
      tpu.yield
    }) : () -> ()
    %mul3A_127 = arith.constant 640 : i32
    %mul3A_128 = arith.muli %arg1, %mul3A_127 : i32
    %add3A_129 = arith.constant 256 : i32
    %add3A_130 = arith.addi %mul3A_128, %add3A_129 : i32
    "tpu.region"() ({
      %run_scoped3A = tpu.sem_alloc : memref<!tpu.dma_semaphore, #tpu.memory_space<semaphore_mem>>
      %dma_start3A = arith.constant 0 : i32
      %dma_start3A_175 = tpu.memref_slice %arg11[%add3A_130, %dma_start3A] : memref<10240x128xf32, #tpu.memory_space<vmem_shared>> -> memref<32x128xf32, #tpu.memory_space<vmem_shared>>
      %dma_start3A_176 = arith.constant 0 : i32
      %dma_start3A_177 = tpu.memref_slice %arg11[%add3A_130, %dma_start3A_176] : memref<10240x128xf32, #tpu.memory_space<vmem_shared>> -> memref<32x128xf32, #tpu.memory_space<vmem_shared>>
      tpu.enqueue_dma source(%dma_start3A_177 : memref<32x128xf32, #tpu.memory_space<vmem_shared>>) target(%arg10 : memref<32x128xf32, #tpu.memory_space<vmem>>) target_semaphore(%run_scoped3A : memref<!tpu.dma_semaphore, #tpu.memory_space<semaphore_mem>>)
      %dma_wait3A = arith.constant 0 : i32
      %dma_wait3A_178 = tpu.memref_slice %arg11[%add3A_130, %dma_wait3A] : memref<10240x128xf32, #tpu.memory_space<vmem_shared>> -> memref<32x128xf32, #tpu.memory_space<vmem_shared>>
      %dma_wait3A_179 = arith.constant 0 : i32
      %dma_wait3A_180 = tpu.memref_slice %arg11[%add3A_130, %dma_wait3A_179] : memref<10240x128xf32, #tpu.memory_space<vmem_shared>> -> memref<32x128xf32, #tpu.memory_space<vmem_shared>>
      tpu.wait_dma2 semaphore(%run_scoped3A : memref<!tpu.dma_semaphore, #tpu.memory_space<semaphore_mem>>) src(%dma_wait3A_180 : memref<32x128xf32, #tpu.memory_space<vmem_shared>>) dst(%arg10 : memref<32x128xf32, #tpu.memory_space<vmem>>)
      tpu.yield
    }) : () -> ()
    "tpu.region"() ({
      %run_scoped3A = tpu.sem_alloc : memref<!tpu.dma_semaphore, #tpu.memory_space<semaphore_mem>>
      %dma_start3A = arith.constant 0 : i32
      %dma_start3A_175 = tpu.memref_slice %arg6[%arg0, %add3A_130, %dma_start3A] : memref<2x10240x128xf32, #tpu.memory_space<hbm>> -> memref<1x32x128xf32, #tpu.memory_space<hbm>>
      %dma_start3A_176 = tpu.memref_squeeze %dma_start3A_175 : memref<1x32x128xf32, #tpu.memory_space<hbm>> -> memref<32x128xf32, #tpu.memory_space<hbm>>
      %dma_start3A_177 = arith.constant 0 : i32
      %dma_start3A_178 = tpu.memref_slice %arg6[%arg0, %add3A_130, %dma_start3A_177] : memref<2x10240x128xf32, #tpu.memory_space<hbm>> -> memref<1x32x128xf32, #tpu.memory_space<hbm>>
      %dma_start3A_179 = tpu.memref_squeeze %dma_start3A_178 : memref<1x32x128xf32, #tpu.memory_space<hbm>> -> memref<32x128xf32, #tpu.memory_space<hbm>>
      tpu.enqueue_dma source(%arg10 : memref<32x128xf32, #tpu.memory_space<vmem>>) target(%dma_start3A_179 : memref<32x128xf32, #tpu.memory_space<hbm>>) target_semaphore(%run_scoped3A : memref<!tpu.dma_semaphore, #tpu.memory_space<semaphore_mem>>)
      %dma_wait3A = arith.constant 0 : i32
      %dma_wait3A_180 = tpu.memref_slice %arg6[%arg0, %add3A_130, %dma_wait3A] : memref<2x10240x128xf32, #tpu.memory_space<hbm>> -> memref<1x32x128xf32, #tpu.memory_space<hbm>>
      %dma_wait3A_181 = tpu.memref_squeeze %dma_wait3A_180 : memref<1x32x128xf32, #tpu.memory_space<hbm>> -> memref<32x128xf32, #tpu.memory_space<hbm>>
      %dma_wait3A_182 = arith.constant 0 : i32
      %dma_wait3A_183 = tpu.memref_slice %arg6[%arg0, %add3A_130, %dma_wait3A_182] : memref<2x10240x128xf32, #tpu.memory_space<hbm>> -> memref<1x32x128xf32, #tpu.memory_space<hbm>>
      %dma_wait3A_184 = tpu.memref_squeeze %dma_wait3A_183 : memref<1x32x128xf32, #tpu.memory_space<hbm>> -> memref<32x128xf32, #tpu.memory_space<hbm>>
      tpu.wait_dma2 semaphore(%run_scoped3A : memref<!tpu.dma_semaphore, #tpu.memory_space<semaphore_mem>>) src(%arg10 : memref<32x128xf32, #tpu.memory_space<vmem>>) dst(%dma_wait3A_184 : memref<32x128xf32, #tpu.memory_space<hbm>>)
      tpu.yield
    }) : () -> ()
    %mul3A_131 = arith.constant 640 : i32
    %mul3A_132 = arith.muli %arg1, %mul3A_131 : i32
    %add3A_133 = arith.constant 288 : i32
    %add3A_134 = arith.addi %mul3A_132, %add3A_133 : i32
    "tpu.region"() ({
      %run_scoped3A = tpu.sem_alloc : memref<!tpu.dma_semaphore, #tpu.memory_space<semaphore_mem>>
      %dma_start3A = arith.constant 0 : i32
      %dma_start3A_175 = tpu.memref_slice %arg11[%add3A_134, %dma_start3A] : memref<10240x128xf32, #tpu.memory_space<vmem_shared>> -> memref<32x128xf32, #tpu.memory_space<vmem_shared>>
      %dma_start3A_176 = arith.constant 0 : i32
      %dma_start3A_177 = tpu.memref_slice %arg11[%add3A_134, %dma_start3A_176] : memref<10240x128xf32, #tpu.memory_space<vmem_shared>> -> memref<32x128xf32, #tpu.memory_space<vmem_shared>>
      tpu.enqueue_dma source(%dma_start3A_177 : memref<32x128xf32, #tpu.memory_space<vmem_shared>>) target(%arg10 : memref<32x128xf32, #tpu.memory_space<vmem>>) target_semaphore(%run_scoped3A : memref<!tpu.dma_semaphore, #tpu.memory_space<semaphore_mem>>)
      %dma_wait3A = arith.constant 0 : i32
      %dma_wait3A_178 = tpu.memref_slice %arg11[%add3A_134, %dma_wait3A] : memref<10240x128xf32, #tpu.memory_space<vmem_shared>> -> memref<32x128xf32, #tpu.memory_space<vmem_shared>>
      %dma_wait3A_179 = arith.constant 0 : i32
      %dma_wait3A_180 = tpu.memref_slice %arg11[%add3A_134, %dma_wait3A_179] : memref<10240x128xf32, #tpu.memory_space<vmem_shared>> -> memref<32x128xf32, #tpu.memory_space<vmem_shared>>
      tpu.wait_dma2 semaphore(%run_scoped3A : memref<!tpu.dma_semaphore, #tpu.memory_space<semaphore_mem>>) src(%dma_wait3A_180 : memref<32x128xf32, #tpu.memory_space<vmem_shared>>) dst(%arg10 : memref<32x128xf32, #tpu.memory_space<vmem>>)
      tpu.yield
    }) : () -> ()
    "tpu.region"() ({
      %run_scoped3A = tpu.sem_alloc : memref<!tpu.dma_semaphore, #tpu.memory_space<semaphore_mem>>
      %dma_start3A = arith.constant 0 : i32
      %dma_start3A_175 = tpu.memref_slice %arg6[%arg0, %add3A_134, %dma_start3A] : memref<2x10240x128xf32, #tpu.memory_space<hbm>> -> memref<1x32x128xf32, #tpu.memory_space<hbm>>
      %dma_start3A_176 = tpu.memref_squeeze %dma_start3A_175 : memref<1x32x128xf32, #tpu.memory_space<hbm>> -> memref<32x128xf32, #tpu.memory_space<hbm>>
      %dma_start3A_177 = arith.constant 0 : i32
      %dma_start3A_178 = tpu.memref_slice %arg6[%arg0, %add3A_134, %dma_start3A_177] : memref<2x10240x128xf32, #tpu.memory_space<hbm>> -> memref<1x32x128xf32, #tpu.memory_space<hbm>>
      %dma_start3A_179 = tpu.memref_squeeze %dma_start3A_178 : memref<1x32x128xf32, #tpu.memory_space<hbm>> -> memref<32x128xf32, #tpu.memory_space<hbm>>
      tpu.enqueue_dma source(%arg10 : memref<32x128xf32, #tpu.memory_space<vmem>>) target(%dma_start3A_179 : memref<32x128xf32, #tpu.memory_space<hbm>>) target_semaphore(%run_scoped3A : memref<!tpu.dma_semaphore, #tpu.memory_space<semaphore_mem>>)
      %dma_wait3A = arith.constant 0 : i32
      %dma_wait3A_180 = tpu.memref_slice %arg6[%arg0, %add3A_134, %dma_wait3A] : memref<2x10240x128xf32, #tpu.memory_space<hbm>> -> memref<1x32x128xf32, #tpu.memory_space<hbm>>
      %dma_wait3A_181 = tpu.memref_squeeze %dma_wait3A_180 : memref<1x32x128xf32, #tpu.memory_space<hbm>> -> memref<32x128xf32, #tpu.memory_space<hbm>>
      %dma_wait3A_182 = arith.constant 0 : i32
      %dma_wait3A_183 = tpu.memref_slice %arg6[%arg0, %add3A_134, %dma_wait3A_182] : memref<2x10240x128xf32, #tpu.memory_space<hbm>> -> memref<1x32x128xf32, #tpu.memory_space<hbm>>
      %dma_wait3A_184 = tpu.memref_squeeze %dma_wait3A_183 : memref<1x32x128xf32, #tpu.memory_space<hbm>> -> memref<32x128xf32, #tpu.memory_space<hbm>>
      tpu.wait_dma2 semaphore(%run_scoped3A : memref<!tpu.dma_semaphore, #tpu.memory_space<semaphore_mem>>) src(%arg10 : memref<32x128xf32, #tpu.memory_space<vmem>>) dst(%dma_wait3A_184 : memref<32x128xf32, #tpu.memory_space<hbm>>)
      tpu.yield
    }) : () -> ()
    %mul3A_135 = arith.constant 640 : i32
    %mul3A_136 = arith.muli %arg1, %mul3A_135 : i32
    %add3A_137 = arith.constant 320 : i32
    %add3A_138 = arith.addi %mul3A_136, %add3A_137 : i32
    "tpu.region"() ({
      %run_scoped3A = tpu.sem_alloc : memref<!tpu.dma_semaphore, #tpu.memory_space<semaphore_mem>>
      %dma_start3A = arith.constant 0 : i32
      %dma_start3A_175 = tpu.memref_slice %arg11[%add3A_138, %dma_start3A] : memref<10240x128xf32, #tpu.memory_space<vmem_shared>> -> memref<32x128xf32, #tpu.memory_space<vmem_shared>>
      %dma_start3A_176 = arith.constant 0 : i32
      %dma_start3A_177 = tpu.memref_slice %arg11[%add3A_138, %dma_start3A_176] : memref<10240x128xf32, #tpu.memory_space<vmem_shared>> -> memref<32x128xf32, #tpu.memory_space<vmem_shared>>
      tpu.enqueue_dma source(%dma_start3A_177 : memref<32x128xf32, #tpu.memory_space<vmem_shared>>) target(%arg10 : memref<32x128xf32, #tpu.memory_space<vmem>>) target_semaphore(%run_scoped3A : memref<!tpu.dma_semaphore, #tpu.memory_space<semaphore_mem>>)
      %dma_wait3A = arith.constant 0 : i32
      %dma_wait3A_178 = tpu.memref_slice %arg11[%add3A_138, %dma_wait3A] : memref<10240x128xf32, #tpu.memory_space<vmem_shared>> -> memref<32x128xf32, #tpu.memory_space<vmem_shared>>
      %dma_wait3A_179 = arith.constant 0 : i32
      %dma_wait3A_180 = tpu.memref_slice %arg11[%add3A_138, %dma_wait3A_179] : memref<10240x128xf32, #tpu.memory_space<vmem_shared>> -> memref<32x128xf32, #tpu.memory_space<vmem_shared>>
      tpu.wait_dma2 semaphore(%run_scoped3A : memref<!tpu.dma_semaphore, #tpu.memory_space<semaphore_mem>>) src(%dma_wait3A_180 : memref<32x128xf32, #tpu.memory_space<vmem_shared>>) dst(%arg10 : memref<32x128xf32, #tpu.memory_space<vmem>>)
      tpu.yield
    }) : () -> ()
    "tpu.region"() ({
      %run_scoped3A = tpu.sem_alloc : memref<!tpu.dma_semaphore, #tpu.memory_space<semaphore_mem>>
      %dma_start3A = arith.constant 0 : i32
      %dma_start3A_175 = tpu.memref_slice %arg6[%arg0, %add3A_138, %dma_start3A] : memref<2x10240x128xf32, #tpu.memory_space<hbm>> -> memref<1x32x128xf32, #tpu.memory_space<hbm>>
      %dma_start3A_176 = tpu.memref_squeeze %dma_start3A_175 : memref<1x32x128xf32, #tpu.memory_space<hbm>> -> memref<32x128xf32, #tpu.memory_space<hbm>>
      %dma_start3A_177 = arith.constant 0 : i32
      %dma_start3A_178 = tpu.memref_slice %arg6[%arg0, %add3A_138, %dma_start3A_177] : memref<2x10240x128xf32, #tpu.memory_space<hbm>> -> memref<1x32x128xf32, #tpu.memory_space<hbm>>
      %dma_start3A_179 = tpu.memref_squeeze %dma_start3A_178 : memref<1x32x128xf32, #tpu.memory_space<hbm>> -> memref<32x128xf32, #tpu.memory_space<hbm>>
      tpu.enqueue_dma source(%arg10 : memref<32x128xf32, #tpu.memory_space<vmem>>) target(%dma_start3A_179 : memref<32x128xf32, #tpu.memory_space<hbm>>) target_semaphore(%run_scoped3A : memref<!tpu.dma_semaphore, #tpu.memory_space<semaphore_mem>>)
      %dma_wait3A = arith.constant 0 : i32
      %dma_wait3A_180 = tpu.memref_slice %arg6[%arg0, %add3A_138, %dma_wait3A] : memref<2x10240x128xf32, #tpu.memory_space<hbm>> -> memref<1x32x128xf32, #tpu.memory_space<hbm>>
      %dma_wait3A_181 = tpu.memref_squeeze %dma_wait3A_180 : memref<1x32x128xf32, #tpu.memory_space<hbm>> -> memref<32x128xf32, #tpu.memory_space<hbm>>
      %dma_wait3A_182 = arith.constant 0 : i32
      %dma_wait3A_183 = tpu.memref_slice %arg6[%arg0, %add3A_138, %dma_wait3A_182] : memref<2x10240x128xf32, #tpu.memory_space<hbm>> -> memref<1x32x128xf32, #tpu.memory_space<hbm>>
      %dma_wait3A_184 = tpu.memref_squeeze %dma_wait3A_183 : memref<1x32x128xf32, #tpu.memory_space<hbm>> -> memref<32x128xf32, #tpu.memory_space<hbm>>
      tpu.wait_dma2 semaphore(%run_scoped3A : memref<!tpu.dma_semaphore, #tpu.memory_space<semaphore_mem>>) src(%arg10 : memref<32x128xf32, #tpu.memory_space<vmem>>) dst(%dma_wait3A_184 : memref<32x128xf32, #tpu.memory_space<hbm>>)
      tpu.yield
    }) : () -> ()
    %mul3A_139 = arith.constant 640 : i32
    %mul3A_140 = arith.muli %arg1, %mul3A_139 : i32
    %add3A_141 = arith.constant 352 : i32
    %add3A_142 = arith.addi %mul3A_140, %add3A_141 : i32
    "tpu.region"() ({
      %run_scoped3A = tpu.sem_alloc : memref<!tpu.dma_semaphore, #tpu.memory_space<semaphore_mem>>
      %dma_start3A = arith.constant 0 : i32
      %dma_start3A_175 = tpu.memref_slice %arg11[%add3A_142, %dma_start3A] : memref<10240x128xf32, #tpu.memory_space<vmem_shared>> -> memref<32x128xf32, #tpu.memory_space<vmem_shared>>
      %dma_start3A_176 = arith.constant 0 : i32
      %dma_start3A_177 = tpu.memref_slice %arg11[%add3A_142, %dma_start3A_176] : memref<10240x128xf32, #tpu.memory_space<vmem_shared>> -> memref<32x128xf32, #tpu.memory_space<vmem_shared>>
      tpu.enqueue_dma source(%dma_start3A_177 : memref<32x128xf32, #tpu.memory_space<vmem_shared>>) target(%arg10 : memref<32x128xf32, #tpu.memory_space<vmem>>) target_semaphore(%run_scoped3A : memref<!tpu.dma_semaphore, #tpu.memory_space<semaphore_mem>>)
      %dma_wait3A = arith.constant 0 : i32
      %dma_wait3A_178 = tpu.memref_slice %arg11[%add3A_142, %dma_wait3A] : memref<10240x128xf32, #tpu.memory_space<vmem_shared>> -> memref<32x128xf32, #tpu.memory_space<vmem_shared>>
      %dma_wait3A_179 = arith.constant 0 : i32
      %dma_wait3A_180 = tpu.memref_slice %arg11[%add3A_142, %dma_wait3A_179] : memref<10240x128xf32, #tpu.memory_space<vmem_shared>> -> memref<32x128xf32, #tpu.memory_space<vmem_shared>>
      tpu.wait_dma2 semaphore(%run_scoped3A : memref<!tpu.dma_semaphore, #tpu.memory_space<semaphore_mem>>) src(%dma_wait3A_180 : memref<32x128xf32, #tpu.memory_space<vmem_shared>>) dst(%arg10 : memref<32x128xf32, #tpu.memory_space<vmem>>)
      tpu.yield
    }) : () -> ()
    "tpu.region"() ({
      %run_scoped3A = tpu.sem_alloc : memref<!tpu.dma_semaphore, #tpu.memory_space<semaphore_mem>>
      %dma_start3A = arith.constant 0 : i32
      %dma_start3A_175 = tpu.memref_slice %arg6[%arg0, %add3A_142, %dma_start3A] : memref<2x10240x128xf32, #tpu.memory_space<hbm>> -> memref<1x32x128xf32, #tpu.memory_space<hbm>>
      %dma_start3A_176 = tpu.memref_squeeze %dma_start3A_175 : memref<1x32x128xf32, #tpu.memory_space<hbm>> -> memref<32x128xf32, #tpu.memory_space<hbm>>
      %dma_start3A_177 = arith.constant 0 : i32
      %dma_start3A_178 = tpu.memref_slice %arg6[%arg0, %add3A_142, %dma_start3A_177] : memref<2x10240x128xf32, #tpu.memory_space<hbm>> -> memref<1x32x128xf32, #tpu.memory_space<hbm>>
      %dma_start3A_179 = tpu.memref_squeeze %dma_start3A_178 : memref<1x32x128xf32, #tpu.memory_space<hbm>> -> memref<32x128xf32, #tpu.memory_space<hbm>>
      tpu.enqueue_dma source(%arg10 : memref<32x128xf32, #tpu.memory_space<vmem>>) target(%dma_start3A_179 : memref<32x128xf32, #tpu.memory_space<hbm>>) target_semaphore(%run_scoped3A : memref<!tpu.dma_semaphore, #tpu.memory_space<semaphore_mem>>)
      %dma_wait3A = arith.constant 0 : i32
      %dma_wait3A_180 = tpu.memref_slice %arg6[%arg0, %add3A_142, %dma_wait3A] : memref<2x10240x128xf32, #tpu.memory_space<hbm>> -> memref<1x32x128xf32, #tpu.memory_space<hbm>>
      %dma_wait3A_181 = tpu.memref_squeeze %dma_wait3A_180 : memref<1x32x128xf32, #tpu.memory_space<hbm>> -> memref<32x128xf32, #tpu.memory_space<hbm>>
      %dma_wait3A_182 = arith.constant 0 : i32
      %dma_wait3A_183 = tpu.memref_slice %arg6[%arg0, %add3A_142, %dma_wait3A_182] : memref<2x10240x128xf32, #tpu.memory_space<hbm>> -> memref<1x32x128xf32, #tpu.memory_space<hbm>>
      %dma_wait3A_184 = tpu.memref_squeeze %dma_wait3A_183 : memref<1x32x128xf32, #tpu.memory_space<hbm>> -> memref<32x128xf32, #tpu.memory_space<hbm>>
      tpu.wait_dma2 semaphore(%run_scoped3A : memref<!tpu.dma_semaphore, #tpu.memory_space<semaphore_mem>>) src(%arg10 : memref<32x128xf32, #tpu.memory_space<vmem>>) dst(%dma_wait3A_184 : memref<32x128xf32, #tpu.memory_space<hbm>>)
      tpu.yield
    }) : () -> ()
    %mul3A_143 = arith.constant 640 : i32
    %mul3A_144 = arith.muli %arg1, %mul3A_143 : i32
    %add3A_145 = arith.constant 384 : i32
    %add3A_146 = arith.addi %mul3A_144, %add3A_145 : i32
    "tpu.region"() ({
      %run_scoped3A = tpu.sem_alloc : memref<!tpu.dma_semaphore, #tpu.memory_space<semaphore_mem>>
      %dma_start3A = arith.constant 0 : i32
      %dma_start3A_175 = tpu.memref_slice %arg11[%add3A_146, %dma_start3A] : memref<10240x128xf32, #tpu.memory_space<vmem_shared>> -> memref<32x128xf32, #tpu.memory_space<vmem_shared>>
      %dma_start3A_176 = arith.constant 0 : i32
      %dma_start3A_177 = tpu.memref_slice %arg11[%add3A_146, %dma_start3A_176] : memref<10240x128xf32, #tpu.memory_space<vmem_shared>> -> memref<32x128xf32, #tpu.memory_space<vmem_shared>>
      tpu.enqueue_dma source(%dma_start3A_177 : memref<32x128xf32, #tpu.memory_space<vmem_shared>>) target(%arg10 : memref<32x128xf32, #tpu.memory_space<vmem>>) target_semaphore(%run_scoped3A : memref<!tpu.dma_semaphore, #tpu.memory_space<semaphore_mem>>)
      %dma_wait3A = arith.constant 0 : i32
      %dma_wait3A_178 = tpu.memref_slice %arg11[%add3A_146, %dma_wait3A] : memref<10240x128xf32, #tpu.memory_space<vmem_shared>> -> memref<32x128xf32, #tpu.memory_space<vmem_shared>>
      %dma_wait3A_179 = arith.constant 0 : i32
      %dma_wait3A_180 = tpu.memref_slice %arg11[%add3A_146, %dma_wait3A_179] : memref<10240x128xf32, #tpu.memory_space<vmem_shared>> -> memref<32x128xf32, #tpu.memory_space<vmem_shared>>
      tpu.wait_dma2 semaphore(%run_scoped3A : memref<!tpu.dma_semaphore, #tpu.memory_space<semaphore_mem>>) src(%dma_wait3A_180 : memref<32x128xf32, #tpu.memory_space<vmem_shared>>) dst(%arg10 : memref<32x128xf32, #tpu.memory_space<vmem>>)
      tpu.yield
    }) : () -> ()
    "tpu.region"() ({
      %run_scoped3A = tpu.sem_alloc : memref<!tpu.dma_semaphore, #tpu.memory_space<semaphore_mem>>
      %dma_start3A = arith.constant 0 : i32
      %dma_start3A_175 = tpu.memref_slice %arg6[%arg0, %add3A_146, %dma_start3A] : memref<2x10240x128xf32, #tpu.memory_space<hbm>> -> memref<1x32x128xf32, #tpu.memory_space<hbm>>
      %dma_start3A_176 = tpu.memref_squeeze %dma_start3A_175 : memref<1x32x128xf32, #tpu.memory_space<hbm>> -> memref<32x128xf32, #tpu.memory_space<hbm>>
      %dma_start3A_177 = arith.constant 0 : i32
      %dma_start3A_178 = tpu.memref_slice %arg6[%arg0, %add3A_146, %dma_start3A_177] : memref<2x10240x128xf32, #tpu.memory_space<hbm>> -> memref<1x32x128xf32, #tpu.memory_space<hbm>>
      %dma_start3A_179 = tpu.memref_squeeze %dma_start3A_178 : memref<1x32x128xf32, #tpu.memory_space<hbm>> -> memref<32x128xf32, #tpu.memory_space<hbm>>
      tpu.enqueue_dma source(%arg10 : memref<32x128xf32, #tpu.memory_space<vmem>>) target(%dma_start3A_179 : memref<32x128xf32, #tpu.memory_space<hbm>>) target_semaphore(%run_scoped3A : memref<!tpu.dma_semaphore, #tpu.memory_space<semaphore_mem>>)
      %dma_wait3A = arith.constant 0 : i32
      %dma_wait3A_180 = tpu.memref_slice %arg6[%arg0, %add3A_146, %dma_wait3A] : memref<2x10240x128xf32, #tpu.memory_space<hbm>> -> memref<1x32x128xf32, #tpu.memory_space<hbm>>
      %dma_wait3A_181 = tpu.memref_squeeze %dma_wait3A_180 : memref<1x32x128xf32, #tpu.memory_space<hbm>> -> memref<32x128xf32, #tpu.memory_space<hbm>>
      %dma_wait3A_182 = arith.constant 0 : i32
      %dma_wait3A_183 = tpu.memref_slice %arg6[%arg0, %add3A_146, %dma_wait3A_182] : memref<2x10240x128xf32, #tpu.memory_space<hbm>> -> memref<1x32x128xf32, #tpu.memory_space<hbm>>
      %dma_wait3A_184 = tpu.memref_squeeze %dma_wait3A_183 : memref<1x32x128xf32, #tpu.memory_space<hbm>> -> memref<32x128xf32, #tpu.memory_space<hbm>>
      tpu.wait_dma2 semaphore(%run_scoped3A : memref<!tpu.dma_semaphore, #tpu.memory_space<semaphore_mem>>) src(%arg10 : memref<32x128xf32, #tpu.memory_space<vmem>>) dst(%dma_wait3A_184 : memref<32x128xf32, #tpu.memory_space<hbm>>)
      tpu.yield
    }) : () -> ()
    %mul3A_147 = arith.constant 640 : i32
    %mul3A_148 = arith.muli %arg1, %mul3A_147 : i32
    %add3A_149 = arith.constant 416 : i32
    %add3A_150 = arith.addi %mul3A_148, %add3A_149 : i32
    "tpu.region"() ({
      %run_scoped3A = tpu.sem_alloc : memref<!tpu.dma_semaphore, #tpu.memory_space<semaphore_mem>>
      %dma_start3A = arith.constant 0 : i32
      %dma_start3A_175 = tpu.memref_slice %arg11[%add3A_150, %dma_start3A] : memref<10240x128xf32, #tpu.memory_space<vmem_shared>> -> memref<32x128xf32, #tpu.memory_space<vmem_shared>>
      %dma_start3A_176 = arith.constant 0 : i32
      %dma_start3A_177 = tpu.memref_slice %arg11[%add3A_150, %dma_start3A_176] : memref<10240x128xf32, #tpu.memory_space<vmem_shared>> -> memref<32x128xf32, #tpu.memory_space<vmem_shared>>
      tpu.enqueue_dma source(%dma_start3A_177 : memref<32x128xf32, #tpu.memory_space<vmem_shared>>) target(%arg10 : memref<32x128xf32, #tpu.memory_space<vmem>>) target_semaphore(%run_scoped3A : memref<!tpu.dma_semaphore, #tpu.memory_space<semaphore_mem>>)
      %dma_wait3A = arith.constant 0 : i32
      %dma_wait3A_178 = tpu.memref_slice %arg11[%add3A_150, %dma_wait3A] : memref<10240x128xf32, #tpu.memory_space<vmem_shared>> -> memref<32x128xf32, #tpu.memory_space<vmem_shared>>
      %dma_wait3A_179 = arith.constant 0 : i32
      %dma_wait3A_180 = tpu.memref_slice %arg11[%add3A_150, %dma_wait3A_179] : memref<10240x128xf32, #tpu.memory_space<vmem_shared>> -> memref<32x128xf32, #tpu.memory_space<vmem_shared>>
      tpu.wait_dma2 semaphore(%run_scoped3A : memref<!tpu.dma_semaphore, #tpu.memory_space<semaphore_mem>>) src(%dma_wait3A_180 : memref<32x128xf32, #tpu.memory_space<vmem_shared>>) dst(%arg10 : memref<32x128xf32, #tpu.memory_space<vmem>>)
      tpu.yield
    }) : () -> ()
    "tpu.region"() ({
      %run_scoped3A = tpu.sem_alloc : memref<!tpu.dma_semaphore, #tpu.memory_space<semaphore_mem>>
      %dma_start3A = arith.constant 0 : i32
      %dma_start3A_175 = tpu.memref_slice %arg6[%arg0, %add3A_150, %dma_start3A] : memref<2x10240x128xf32, #tpu.memory_space<hbm>> -> memref<1x32x128xf32, #tpu.memory_space<hbm>>
      %dma_start3A_176 = tpu.memref_squeeze %dma_start3A_175 : memref<1x32x128xf32, #tpu.memory_space<hbm>> -> memref<32x128xf32, #tpu.memory_space<hbm>>
      %dma_start3A_177 = arith.constant 0 : i32
      %dma_start3A_178 = tpu.memref_slice %arg6[%arg0, %add3A_150, %dma_start3A_177] : memref<2x10240x128xf32, #tpu.memory_space<hbm>> -> memref<1x32x128xf32, #tpu.memory_space<hbm>>
      %dma_start3A_179 = tpu.memref_squeeze %dma_start3A_178 : memref<1x32x128xf32, #tpu.memory_space<hbm>> -> memref<32x128xf32, #tpu.memory_space<hbm>>
      tpu.enqueue_dma source(%arg10 : memref<32x128xf32, #tpu.memory_space<vmem>>) target(%dma_start3A_179 : memref<32x128xf32, #tpu.memory_space<hbm>>) target_semaphore(%run_scoped3A : memref<!tpu.dma_semaphore, #tpu.memory_space<semaphore_mem>>)
      %dma_wait3A = arith.constant 0 : i32
      %dma_wait3A_180 = tpu.memref_slice %arg6[%arg0, %add3A_150, %dma_wait3A] : memref<2x10240x128xf32, #tpu.memory_space<hbm>> -> memref<1x32x128xf32, #tpu.memory_space<hbm>>
      %dma_wait3A_181 = tpu.memref_squeeze %dma_wait3A_180 : memref<1x32x128xf32, #tpu.memory_space<hbm>> -> memref<32x128xf32, #tpu.memory_space<hbm>>
      %dma_wait3A_182 = arith.constant 0 : i32
      %dma_wait3A_183 = tpu.memref_slice %arg6[%arg0, %add3A_150, %dma_wait3A_182] : memref<2x10240x128xf32, #tpu.memory_space<hbm>> -> memref<1x32x128xf32, #tpu.memory_space<hbm>>
      %dma_wait3A_184 = tpu.memref_squeeze %dma_wait3A_183 : memref<1x32x128xf32, #tpu.memory_space<hbm>> -> memref<32x128xf32, #tpu.memory_space<hbm>>
      tpu.wait_dma2 semaphore(%run_scoped3A : memref<!tpu.dma_semaphore, #tpu.memory_space<semaphore_mem>>) src(%arg10 : memref<32x128xf32, #tpu.memory_space<vmem>>) dst(%dma_wait3A_184 : memref<32x128xf32, #tpu.memory_space<hbm>>)
      tpu.yield
    }) : () -> ()
    %mul3A_151 = arith.constant 640 : i32
    %mul3A_152 = arith.muli %arg1, %mul3A_151 : i32
    %add3A_153 = arith.constant 448 : i32
    %add3A_154 = arith.addi %mul3A_152, %add3A_153 : i32
    "tpu.region"() ({
      %run_scoped3A = tpu.sem_alloc : memref<!tpu.dma_semaphore, #tpu.memory_space<semaphore_mem>>
      %dma_start3A = arith.constant 0 : i32
      %dma_start3A_175 = tpu.memref_slice %arg11[%add3A_154, %dma_start3A] : memref<10240x128xf32, #tpu.memory_space<vmem_shared>> -> memref<32x128xf32, #tpu.memory_space<vmem_shared>>
      %dma_start3A_176 = arith.constant 0 : i32
      %dma_start3A_177 = tpu.memref_slice %arg11[%add3A_154, %dma_start3A_176] : memref<10240x128xf32, #tpu.memory_space<vmem_shared>> -> memref<32x128xf32, #tpu.memory_space<vmem_shared>>
      tpu.enqueue_dma source(%dma_start3A_177 : memref<32x128xf32, #tpu.memory_space<vmem_shared>>) target(%arg10 : memref<32x128xf32, #tpu.memory_space<vmem>>) target_semaphore(%run_scoped3A : memref<!tpu.dma_semaphore, #tpu.memory_space<semaphore_mem>>)
      %dma_wait3A = arith.constant 0 : i32
      %dma_wait3A_178 = tpu.memref_slice %arg11[%add3A_154, %dma_wait3A] : memref<10240x128xf32, #tpu.memory_space<vmem_shared>> -> memref<32x128xf32, #tpu.memory_space<vmem_shared>>
      %dma_wait3A_179 = arith.constant 0 : i32
      %dma_wait3A_180 = tpu.memref_slice %arg11[%add3A_154, %dma_wait3A_179] : memref<10240x128xf32, #tpu.memory_space<vmem_shared>> -> memref<32x128xf32, #tpu.memory_space<vmem_shared>>
      tpu.wait_dma2 semaphore(%run_scoped3A : memref<!tpu.dma_semaphore, #tpu.memory_space<semaphore_mem>>) src(%dma_wait3A_180 : memref<32x128xf32, #tpu.memory_space<vmem_shared>>) dst(%arg10 : memref<32x128xf32, #tpu.memory_space<vmem>>)
      tpu.yield
    }) : () -> ()
    "tpu.region"() ({
      %run_scoped3A = tpu.sem_alloc : memref<!tpu.dma_semaphore, #tpu.memory_space<semaphore_mem>>
      %dma_start3A = arith.constant 0 : i32
      %dma_start3A_175 = tpu.memref_slice %arg6[%arg0, %add3A_154, %dma_start3A] : memref<2x10240x128xf32, #tpu.memory_space<hbm>> -> memref<1x32x128xf32, #tpu.memory_space<hbm>>
      %dma_start3A_176 = tpu.memref_squeeze %dma_start3A_175 : memref<1x32x128xf32, #tpu.memory_space<hbm>> -> memref<32x128xf32, #tpu.memory_space<hbm>>
      %dma_start3A_177 = arith.constant 0 : i32
      %dma_start3A_178 = tpu.memref_slice %arg6[%arg0, %add3A_154, %dma_start3A_177] : memref<2x10240x128xf32, #tpu.memory_space<hbm>> -> memref<1x32x128xf32, #tpu.memory_space<hbm>>
      %dma_start3A_179 = tpu.memref_squeeze %dma_start3A_178 : memref<1x32x128xf32, #tpu.memory_space<hbm>> -> memref<32x128xf32, #tpu.memory_space<hbm>>
      tpu.enqueue_dma source(%arg10 : memref<32x128xf32, #tpu.memory_space<vmem>>) target(%dma_start3A_179 : memref<32x128xf32, #tpu.memory_space<hbm>>) target_semaphore(%run_scoped3A : memref<!tpu.dma_semaphore, #tpu.memory_space<semaphore_mem>>)
      %dma_wait3A = arith.constant 0 : i32
      %dma_wait3A_180 = tpu.memref_slice %arg6[%arg0, %add3A_154, %dma_wait3A] : memref<2x10240x128xf32, #tpu.memory_space<hbm>> -> memref<1x32x128xf32, #tpu.memory_space<hbm>>
      %dma_wait3A_181 = tpu.memref_squeeze %dma_wait3A_180 : memref<1x32x128xf32, #tpu.memory_space<hbm>> -> memref<32x128xf32, #tpu.memory_space<hbm>>
      %dma_wait3A_182 = arith.constant 0 : i32
      %dma_wait3A_183 = tpu.memref_slice %arg6[%arg0, %add3A_154, %dma_wait3A_182] : memref<2x10240x128xf32, #tpu.memory_space<hbm>> -> memref<1x32x128xf32, #tpu.memory_space<hbm>>
      %dma_wait3A_184 = tpu.memref_squeeze %dma_wait3A_183 : memref<1x32x128xf32, #tpu.memory_space<hbm>> -> memref<32x128xf32, #tpu.memory_space<hbm>>
      tpu.wait_dma2 semaphore(%run_scoped3A : memref<!tpu.dma_semaphore, #tpu.memory_space<semaphore_mem>>) src(%arg10 : memref<32x128xf32, #tpu.memory_space<vmem>>) dst(%dma_wait3A_184 : memref<32x128xf32, #tpu.memory_space<hbm>>)
      tpu.yield
    }) : () -> ()
    %mul3A_155 = arith.constant 640 : i32
    %mul3A_156 = arith.muli %arg1, %mul3A_155 : i32
    %add3A_157 = arith.constant 480 : i32
    %add3A_158 = arith.addi %mul3A_156, %add3A_157 : i32
    "tpu.region"() ({
      %run_scoped3A = tpu.sem_alloc : memref<!tpu.dma_semaphore, #tpu.memory_space<semaphore_mem>>
      %dma_start3A = arith.constant 0 : i32
      %dma_start3A_175 = tpu.memref_slice %arg11[%add3A_158, %dma_start3A] : memref<10240x128xf32, #tpu.memory_space<vmem_shared>> -> memref<32x128xf32, #tpu.memory_space<vmem_shared>>
      %dma_start3A_176 = arith.constant 0 : i32
      %dma_start3A_177 = tpu.memref_slice %arg11[%add3A_158, %dma_start3A_176] : memref<10240x128xf32, #tpu.memory_space<vmem_shared>> -> memref<32x128xf32, #tpu.memory_space<vmem_shared>>
      tpu.enqueue_dma source(%dma_start3A_177 : memref<32x128xf32, #tpu.memory_space<vmem_shared>>) target(%arg10 : memref<32x128xf32, #tpu.memory_space<vmem>>) target_semaphore(%run_scoped3A : memref<!tpu.dma_semaphore, #tpu.memory_space<semaphore_mem>>)
      %dma_wait3A = arith.constant 0 : i32
      %dma_wait3A_178 = tpu.memref_slice %arg11[%add3A_158, %dma_wait3A] : memref<10240x128xf32, #tpu.memory_space<vmem_shared>> -> memref<32x128xf32, #tpu.memory_space<vmem_shared>>
      %dma_wait3A_179 = arith.constant 0 : i32
      %dma_wait3A_180 = tpu.memref_slice %arg11[%add3A_158, %dma_wait3A_179] : memref<10240x128xf32, #tpu.memory_space<vmem_shared>> -> memref<32x128xf32, #tpu.memory_space<vmem_shared>>
      tpu.wait_dma2 semaphore(%run_scoped3A : memref<!tpu.dma_semaphore, #tpu.memory_space<semaphore_mem>>) src(%dma_wait3A_180 : memref<32x128xf32, #tpu.memory_space<vmem_shared>>) dst(%arg10 : memref<32x128xf32, #tpu.memory_space<vmem>>)
      tpu.yield
    }) : () -> ()
    "tpu.region"() ({
      %run_scoped3A = tpu.sem_alloc : memref<!tpu.dma_semaphore, #tpu.memory_space<semaphore_mem>>
      %dma_start3A = arith.constant 0 : i32
      %dma_start3A_175 = tpu.memref_slice %arg6[%arg0, %add3A_158, %dma_start3A] : memref<2x10240x128xf32, #tpu.memory_space<hbm>> -> memref<1x32x128xf32, #tpu.memory_space<hbm>>
      %dma_start3A_176 = tpu.memref_squeeze %dma_start3A_175 : memref<1x32x128xf32, #tpu.memory_space<hbm>> -> memref<32x128xf32, #tpu.memory_space<hbm>>
      %dma_start3A_177 = arith.constant 0 : i32
      %dma_start3A_178 = tpu.memref_slice %arg6[%arg0, %add3A_158, %dma_start3A_177] : memref<2x10240x128xf32, #tpu.memory_space<hbm>> -> memref<1x32x128xf32, #tpu.memory_space<hbm>>
      %dma_start3A_179 = tpu.memref_squeeze %dma_start3A_178 : memref<1x32x128xf32, #tpu.memory_space<hbm>> -> memref<32x128xf32, #tpu.memory_space<hbm>>
      tpu.enqueue_dma source(%arg10 : memref<32x128xf32, #tpu.memory_space<vmem>>) target(%dma_start3A_179 : memref<32x128xf32, #tpu.memory_space<hbm>>) target_semaphore(%run_scoped3A : memref<!tpu.dma_semaphore, #tpu.memory_space<semaphore_mem>>)
      %dma_wait3A = arith.constant 0 : i32
      %dma_wait3A_180 = tpu.memref_slice %arg6[%arg0, %add3A_158, %dma_wait3A] : memref<2x10240x128xf32, #tpu.memory_space<hbm>> -> memref<1x32x128xf32, #tpu.memory_space<hbm>>
      %dma_wait3A_181 = tpu.memref_squeeze %dma_wait3A_180 : memref<1x32x128xf32, #tpu.memory_space<hbm>> -> memref<32x128xf32, #tpu.memory_space<hbm>>
      %dma_wait3A_182 = arith.constant 0 : i32
      %dma_wait3A_183 = tpu.memref_slice %arg6[%arg0, %add3A_158, %dma_wait3A_182] : memref<2x10240x128xf32, #tpu.memory_space<hbm>> -> memref<1x32x128xf32, #tpu.memory_space<hbm>>
      %dma_wait3A_184 = tpu.memref_squeeze %dma_wait3A_183 : memref<1x32x128xf32, #tpu.memory_space<hbm>> -> memref<32x128xf32, #tpu.memory_space<hbm>>
      tpu.wait_dma2 semaphore(%run_scoped3A : memref<!tpu.dma_semaphore, #tpu.memory_space<semaphore_mem>>) src(%arg10 : memref<32x128xf32, #tpu.memory_space<vmem>>) dst(%dma_wait3A_184 : memref<32x128xf32, #tpu.memory_space<hbm>>)
      tpu.yield
    }) : () -> ()
    %mul3A_159 = arith.constant 640 : i32
    %mul3A_160 = arith.muli %arg1, %mul3A_159 : i32
    %add3A_161 = arith.constant 512 : i32
    %add3A_162 = arith.addi %mul3A_160, %add3A_161 : i32
    "tpu.region"() ({
      %run_scoped3A = tpu.sem_alloc : memref<!tpu.dma_semaphore, #tpu.memory_space<semaphore_mem>>
      %dma_start3A = arith.constant 0 : i32
      %dma_start3A_175 = tpu.memref_slice %arg11[%add3A_162, %dma_start3A] : memref<10240x128xf32, #tpu.memory_space<vmem_shared>> -> memref<32x128xf32, #tpu.memory_space<vmem_shared>>
      %dma_start3A_176 = arith.constant 0 : i32
      %dma_start3A_177 = tpu.memref_slice %arg11[%add3A_162, %dma_start3A_176] : memref<10240x128xf32, #tpu.memory_space<vmem_shared>> -> memref<32x128xf32, #tpu.memory_space<vmem_shared>>
      tpu.enqueue_dma source(%dma_start3A_177 : memref<32x128xf32, #tpu.memory_space<vmem_shared>>) target(%arg10 : memref<32x128xf32, #tpu.memory_space<vmem>>) target_semaphore(%run_scoped3A : memref<!tpu.dma_semaphore, #tpu.memory_space<semaphore_mem>>)
      %dma_wait3A = arith.constant 0 : i32
      %dma_wait3A_178 = tpu.memref_slice %arg11[%add3A_162, %dma_wait3A] : memref<10240x128xf32, #tpu.memory_space<vmem_shared>> -> memref<32x128xf32, #tpu.memory_space<vmem_shared>>
      %dma_wait3A_179 = arith.constant 0 : i32
      %dma_wait3A_180 = tpu.memref_slice %arg11[%add3A_162, %dma_wait3A_179] : memref<10240x128xf32, #tpu.memory_space<vmem_shared>> -> memref<32x128xf32, #tpu.memory_space<vmem_shared>>
      tpu.wait_dma2 semaphore(%run_scoped3A : memref<!tpu.dma_semaphore, #tpu.memory_space<semaphore_mem>>) src(%dma_wait3A_180 : memref<32x128xf32, #tpu.memory_space<vmem_shared>>) dst(%arg10 : memref<32x128xf32, #tpu.memory_space<vmem>>)
      tpu.yield
    }) : () -> ()
    "tpu.region"() ({
      %run_scoped3A = tpu.sem_alloc : memref<!tpu.dma_semaphore, #tpu.memory_space<semaphore_mem>>
      %dma_start3A = arith.constant 0 : i32
      %dma_start3A_175 = tpu.memref_slice %arg6[%arg0, %add3A_162, %dma_start3A] : memref<2x10240x128xf32, #tpu.memory_space<hbm>> -> memref<1x32x128xf32, #tpu.memory_space<hbm>>
      %dma_start3A_176 = tpu.memref_squeeze %dma_start3A_175 : memref<1x32x128xf32, #tpu.memory_space<hbm>> -> memref<32x128xf32, #tpu.memory_space<hbm>>
      %dma_start3A_177 = arith.constant 0 : i32
      %dma_start3A_178 = tpu.memref_slice %arg6[%arg0, %add3A_162, %dma_start3A_177] : memref<2x10240x128xf32, #tpu.memory_space<hbm>> -> memref<1x32x128xf32, #tpu.memory_space<hbm>>
      %dma_start3A_179 = tpu.memref_squeeze %dma_start3A_178 : memref<1x32x128xf32, #tpu.memory_space<hbm>> -> memref<32x128xf32, #tpu.memory_space<hbm>>
      tpu.enqueue_dma source(%arg10 : memref<32x128xf32, #tpu.memory_space<vmem>>) target(%dma_start3A_179 : memref<32x128xf32, #tpu.memory_space<hbm>>) target_semaphore(%run_scoped3A : memref<!tpu.dma_semaphore, #tpu.memory_space<semaphore_mem>>)
      %dma_wait3A = arith.constant 0 : i32
      %dma_wait3A_180 = tpu.memref_slice %arg6[%arg0, %add3A_162, %dma_wait3A] : memref<2x10240x128xf32, #tpu.memory_space<hbm>> -> memref<1x32x128xf32, #tpu.memory_space<hbm>>
      %dma_wait3A_181 = tpu.memref_squeeze %dma_wait3A_180 : memref<1x32x128xf32, #tpu.memory_space<hbm>> -> memref<32x128xf32, #tpu.memory_space<hbm>>
      %dma_wait3A_182 = arith.constant 0 : i32
      %dma_wait3A_183 = tpu.memref_slice %arg6[%arg0, %add3A_162, %dma_wait3A_182] : memref<2x10240x128xf32, #tpu.memory_space<hbm>> -> memref<1x32x128xf32, #tpu.memory_space<hbm>>
      %dma_wait3A_184 = tpu.memref_squeeze %dma_wait3A_183 : memref<1x32x128xf32, #tpu.memory_space<hbm>> -> memref<32x128xf32, #tpu.memory_space<hbm>>
      tpu.wait_dma2 semaphore(%run_scoped3A : memref<!tpu.dma_semaphore, #tpu.memory_space<semaphore_mem>>) src(%arg10 : memref<32x128xf32, #tpu.memory_space<vmem>>) dst(%dma_wait3A_184 : memref<32x128xf32, #tpu.memory_space<hbm>>)
      tpu.yield
    }) : () -> ()
    %mul3A_163 = arith.constant 640 : i32
    %mul3A_164 = arith.muli %arg1, %mul3A_163 : i32
    %add3A_165 = arith.constant 544 : i32
    %add3A_166 = arith.addi %mul3A_164, %add3A_165 : i32
    "tpu.region"() ({
      %run_scoped3A = tpu.sem_alloc : memref<!tpu.dma_semaphore, #tpu.memory_space<semaphore_mem>>
      %dma_start3A = arith.constant 0 : i32
      %dma_start3A_175 = tpu.memref_slice %arg11[%add3A_166, %dma_start3A] : memref<10240x128xf32, #tpu.memory_space<vmem_shared>> -> memref<32x128xf32, #tpu.memory_space<vmem_shared>>
      %dma_start3A_176 = arith.constant 0 : i32
      %dma_start3A_177 = tpu.memref_slice %arg11[%add3A_166, %dma_start3A_176] : memref<10240x128xf32, #tpu.memory_space<vmem_shared>> -> memref<32x128xf32, #tpu.memory_space<vmem_shared>>
      tpu.enqueue_dma source(%dma_start3A_177 : memref<32x128xf32, #tpu.memory_space<vmem_shared>>) target(%arg10 : memref<32x128xf32, #tpu.memory_space<vmem>>) target_semaphore(%run_scoped3A : memref<!tpu.dma_semaphore, #tpu.memory_space<semaphore_mem>>)
      %dma_wait3A = arith.constant 0 : i32
      %dma_wait3A_178 = tpu.memref_slice %arg11[%add3A_166, %dma_wait3A] : memref<10240x128xf32, #tpu.memory_space<vmem_shared>> -> memref<32x128xf32, #tpu.memory_space<vmem_shared>>
      %dma_wait3A_179 = arith.constant 0 : i32
      %dma_wait3A_180 = tpu.memref_slice %arg11[%add3A_166, %dma_wait3A_179] : memref<10240x128xf32, #tpu.memory_space<vmem_shared>> -> memref<32x128xf32, #tpu.memory_space<vmem_shared>>
      tpu.wait_dma2 semaphore(%run_scoped3A : memref<!tpu.dma_semaphore, #tpu.memory_space<semaphore_mem>>) src(%dma_wait3A_180 : memref<32x128xf32, #tpu.memory_space<vmem_shared>>) dst(%arg10 : memref<32x128xf32, #tpu.memory_space<vmem>>)
      tpu.yield
    }) : () -> ()
    "tpu.region"() ({
      %run_scoped3A = tpu.sem_alloc : memref<!tpu.dma_semaphore, #tpu.memory_space<semaphore_mem>>
      %dma_start3A = arith.constant 0 : i32
      %dma_start3A_175 = tpu.memref_slice %arg6[%arg0, %add3A_166, %dma_start3A] : memref<2x10240x128xf32, #tpu.memory_space<hbm>> -> memref<1x32x128xf32, #tpu.memory_space<hbm>>
      %dma_start3A_176 = tpu.memref_squeeze %dma_start3A_175 : memref<1x32x128xf32, #tpu.memory_space<hbm>> -> memref<32x128xf32, #tpu.memory_space<hbm>>
      %dma_start3A_177 = arith.constant 0 : i32
      %dma_start3A_178 = tpu.memref_slice %arg6[%arg0, %add3A_166, %dma_start3A_177] : memref<2x10240x128xf32, #tpu.memory_space<hbm>> -> memref<1x32x128xf32, #tpu.memory_space<hbm>>
      %dma_start3A_179 = tpu.memref_squeeze %dma_start3A_178 : memref<1x32x128xf32, #tpu.memory_space<hbm>> -> memref<32x128xf32, #tpu.memory_space<hbm>>
      tpu.enqueue_dma source(%arg10 : memref<32x128xf32, #tpu.memory_space<vmem>>) target(%dma_start3A_179 : memref<32x128xf32, #tpu.memory_space<hbm>>) target_semaphore(%run_scoped3A : memref<!tpu.dma_semaphore, #tpu.memory_space<semaphore_mem>>)
      %dma_wait3A = arith.constant 0 : i32
      %dma_wait3A_180 = tpu.memref_slice %arg6[%arg0, %add3A_166, %dma_wait3A] : memref<2x10240x128xf32, #tpu.memory_space<hbm>> -> memref<1x32x128xf32, #tpu.memory_space<hbm>>
      %dma_wait3A_181 = tpu.memref_squeeze %dma_wait3A_180 : memref<1x32x128xf32, #tpu.memory_space<hbm>> -> memref<32x128xf32, #tpu.memory_space<hbm>>
      %dma_wait3A_182 = arith.constant 0 : i32
      %dma_wait3A_183 = tpu.memref_slice %arg6[%arg0, %add3A_166, %dma_wait3A_182] : memref<2x10240x128xf32, #tpu.memory_space<hbm>> -> memref<1x32x128xf32, #tpu.memory_space<hbm>>
      %dma_wait3A_184 = tpu.memref_squeeze %dma_wait3A_183 : memref<1x32x128xf32, #tpu.memory_space<hbm>> -> memref<32x128xf32, #tpu.memory_space<hbm>>
      tpu.wait_dma2 semaphore(%run_scoped3A : memref<!tpu.dma_semaphore, #tpu.memory_space<semaphore_mem>>) src(%arg10 : memref<32x128xf32, #tpu.memory_space<vmem>>) dst(%dma_wait3A_184 : memref<32x128xf32, #tpu.memory_space<hbm>>)
      tpu.yield
    }) : () -> ()
    %mul3A_167 = arith.constant 640 : i32
    %mul3A_168 = arith.muli %arg1, %mul3A_167 : i32
    %add3A_169 = arith.constant 576 : i32
    %add3A_170 = arith.addi %mul3A_168, %add3A_169 : i32
    "tpu.region"() ({
      %run_scoped3A = tpu.sem_alloc : memref<!tpu.dma_semaphore, #tpu.memory_space<semaphore_mem>>
      %dma_start3A = arith.constant 0 : i32
      %dma_start3A_175 = tpu.memref_slice %arg11[%add3A_170, %dma_start3A] : memref<10240x128xf32, #tpu.memory_space<vmem_shared>> -> memref<32x128xf32, #tpu.memory_space<vmem_shared>>
      %dma_start3A_176 = arith.constant 0 : i32
      %dma_start3A_177 = tpu.memref_slice %arg11[%add3A_170, %dma_start3A_176] : memref<10240x128xf32, #tpu.memory_space<vmem_shared>> -> memref<32x128xf32, #tpu.memory_space<vmem_shared>>
      tpu.enqueue_dma source(%dma_start3A_177 : memref<32x128xf32, #tpu.memory_space<vmem_shared>>) target(%arg10 : memref<32x128xf32, #tpu.memory_space<vmem>>) target_semaphore(%run_scoped3A : memref<!tpu.dma_semaphore, #tpu.memory_space<semaphore_mem>>)
      %dma_wait3A = arith.constant 0 : i32
      %dma_wait3A_178 = tpu.memref_slice %arg11[%add3A_170, %dma_wait3A] : memref<10240x128xf32, #tpu.memory_space<vmem_shared>> -> memref<32x128xf32, #tpu.memory_space<vmem_shared>>
      %dma_wait3A_179 = arith.constant 0 : i32
      %dma_wait3A_180 = tpu.memref_slice %arg11[%add3A_170, %dma_wait3A_179] : memref<10240x128xf32, #tpu.memory_space<vmem_shared>> -> memref<32x128xf32, #tpu.memory_space<vmem_shared>>
      tpu.wait_dma2 semaphore(%run_scoped3A : memref<!tpu.dma_semaphore, #tpu.memory_space<semaphore_mem>>) src(%dma_wait3A_180 : memref<32x128xf32, #tpu.memory_space<vmem_shared>>) dst(%arg10 : memref<32x128xf32, #tpu.memory_space<vmem>>)
      tpu.yield
    }) : () -> ()
    "tpu.region"() ({
      %run_scoped3A = tpu.sem_alloc : memref<!tpu.dma_semaphore, #tpu.memory_space<semaphore_mem>>
      %dma_start3A = arith.constant 0 : i32
      %dma_start3A_175 = tpu.memref_slice %arg6[%arg0, %add3A_170, %dma_start3A] : memref<2x10240x128xf32, #tpu.memory_space<hbm>> -> memref<1x32x128xf32, #tpu.memory_space<hbm>>
      %dma_start3A_176 = tpu.memref_squeeze %dma_start3A_175 : memref<1x32x128xf32, #tpu.memory_space<hbm>> -> memref<32x128xf32, #tpu.memory_space<hbm>>
      %dma_start3A_177 = arith.constant 0 : i32
      %dma_start3A_178 = tpu.memref_slice %arg6[%arg0, %add3A_170, %dma_start3A_177] : memref<2x10240x128xf32, #tpu.memory_space<hbm>> -> memref<1x32x128xf32, #tpu.memory_space<hbm>>
      %dma_start3A_179 = tpu.memref_squeeze %dma_start3A_178 : memref<1x32x128xf32, #tpu.memory_space<hbm>> -> memref<32x128xf32, #tpu.memory_space<hbm>>
      tpu.enqueue_dma source(%arg10 : memref<32x128xf32, #tpu.memory_space<vmem>>) target(%dma_start3A_179 : memref<32x128xf32, #tpu.memory_space<hbm>>) target_semaphore(%run_scoped3A : memref<!tpu.dma_semaphore, #tpu.memory_space<semaphore_mem>>)
      %dma_wait3A = arith.constant 0 : i32
      %dma_wait3A_180 = tpu.memref_slice %arg6[%arg0, %add3A_170, %dma_wait3A] : memref<2x10240x128xf32, #tpu.memory_space<hbm>> -> memref<1x32x128xf32, #tpu.memory_space<hbm>>
      %dma_wait3A_181 = tpu.memref_squeeze %dma_wait3A_180 : memref<1x32x128xf32, #tpu.memory_space<hbm>> -> memref<32x128xf32, #tpu.memory_space<hbm>>
      %dma_wait3A_182 = arith.constant 0 : i32
      %dma_wait3A_183 = tpu.memref_slice %arg6[%arg0, %add3A_170, %dma_wait3A_182] : memref<2x10240x128xf32, #tpu.memory_space<hbm>> -> memref<1x32x128xf32, #tpu.memory_space<hbm>>
      %dma_wait3A_184 = tpu.memref_squeeze %dma_wait3A_183 : memref<1x32x128xf32, #tpu.memory_space<hbm>> -> memref<32x128xf32, #tpu.memory_space<hbm>>
      tpu.wait_dma2 semaphore(%run_scoped3A : memref<!tpu.dma_semaphore, #tpu.memory_space<semaphore_mem>>) src(%arg10 : memref<32x128xf32, #tpu.memory_space<vmem>>) dst(%dma_wait3A_184 : memref<32x128xf32, #tpu.memory_space<hbm>>)
      tpu.yield
    }) : () -> ()
    %mul3A_171 = arith.constant 640 : i32
    %mul3A_172 = arith.muli %arg1, %mul3A_171 : i32
    %add3A_173 = arith.constant 608 : i32
    %add3A_174 = arith.addi %mul3A_172, %add3A_173 : i32
    "tpu.region"() ({
      %run_scoped3A = tpu.sem_alloc : memref<!tpu.dma_semaphore, #tpu.memory_space<semaphore_mem>>
      %dma_start3A = arith.constant 0 : i32
      %dma_start3A_175 = tpu.memref_slice %arg11[%add3A_174, %dma_start3A] : memref<10240x128xf32, #tpu.memory_space<vmem_shared>> -> memref<32x128xf32, #tpu.memory_space<vmem_shared>>
      %dma_start3A_176 = arith.constant 0 : i32
      %dma_start3A_177 = tpu.memref_slice %arg11[%add3A_174, %dma_start3A_176] : memref<10240x128xf32, #tpu.memory_space<vmem_shared>> -> memref<32x128xf32, #tpu.memory_space<vmem_shared>>
      tpu.enqueue_dma source(%dma_start3A_177 : memref<32x128xf32, #tpu.memory_space<vmem_shared>>) target(%arg10 : memref<32x128xf32, #tpu.memory_space<vmem>>) target_semaphore(%run_scoped3A : memref<!tpu.dma_semaphore, #tpu.memory_space<semaphore_mem>>)
      %dma_wait3A = arith.constant 0 : i32
      %dma_wait3A_178 = tpu.memref_slice %arg11[%add3A_174, %dma_wait3A] : memref<10240x128xf32, #tpu.memory_space<vmem_shared>> -> memref<32x128xf32, #tpu.memory_space<vmem_shared>>
      %dma_wait3A_179 = arith.constant 0 : i32
      %dma_wait3A_180 = tpu.memref_slice %arg11[%add3A_174, %dma_wait3A_179] : memref<10240x128xf32, #tpu.memory_space<vmem_shared>> -> memref<32x128xf32, #tpu.memory_space<vmem_shared>>
      tpu.wait_dma2 semaphore(%run_scoped3A : memref<!tpu.dma_semaphore, #tpu.memory_space<semaphore_mem>>) src(%dma_wait3A_180 : memref<32x128xf32, #tpu.memory_space<vmem_shared>>) dst(%arg10 : memref<32x128xf32, #tpu.memory_space<vmem>>)
      tpu.yield
    }) : () -> ()
    "tpu.region"() ({
      %run_scoped3A = tpu.sem_alloc : memref<!tpu.dma_semaphore, #tpu.memory_space<semaphore_mem>>
      %dma_start3A = arith.constant 0 : i32
      %dma_start3A_175 = tpu.memref_slice %arg6[%arg0, %add3A_174, %dma_start3A] : memref<2x10240x128xf32, #tpu.memory_space<hbm>> -> memref<1x32x128xf32, #tpu.memory_space<hbm>>
      %dma_start3A_176 = tpu.memref_squeeze %dma_start3A_175 : memref<1x32x128xf32, #tpu.memory_space<hbm>> -> memref<32x128xf32, #tpu.memory_space<hbm>>
      %dma_start3A_177 = arith.constant 0 : i32
      %dma_start3A_178 = tpu.memref_slice %arg6[%arg0, %add3A_174, %dma_start3A_177] : memref<2x10240x128xf32, #tpu.memory_space<hbm>> -> memref<1x32x128xf32, #tpu.memory_space<hbm>>
      %dma_start3A_179 = tpu.memref_squeeze %dma_start3A_178 : memref<1x32x128xf32, #tpu.memory_space<hbm>> -> memref<32x128xf32, #tpu.memory_space<hbm>>
      tpu.enqueue_dma source(%arg10 : memref<32x128xf32, #tpu.memory_space<vmem>>) target(%dma_start3A_179 : memref<32x128xf32, #tpu.memory_space<hbm>>) target_semaphore(%run_scoped3A : memref<!tpu.dma_semaphore, #tpu.memory_space<semaphore_mem>>)
      %dma_wait3A = arith.constant 0 : i32
      %dma_wait3A_180 = tpu.memref_slice %arg6[%arg0, %add3A_174, %dma_wait3A] : memref<2x10240x128xf32, #tpu.memory_space<hbm>> -> memref<1x32x128xf32, #tpu.memory_space<hbm>>
      %dma_wait3A_181 = tpu.memref_squeeze %dma_wait3A_180 : memref<1x32x128xf32, #tpu.memory_space<hbm>> -> memref<32x128xf32, #tpu.memory_space<hbm>>
      %dma_wait3A_182 = arith.constant 0 : i32
      %dma_wait3A_183 = tpu.memref_slice %arg6[%arg0, %add3A_174, %dma_wait3A_182] : memref<2x10240x128xf32, #tpu.memory_space<hbm>> -> memref<1x32x128xf32, #tpu.memory_space<hbm>>
      %dma_wait3A_184 = tpu.memref_squeeze %dma_wait3A_183 : memref<1x32x128xf32, #tpu.memory_space<hbm>> -> memref<32x128xf32, #tpu.memory_space<hbm>>
      tpu.wait_dma2 semaphore(%run_scoped3A : memref<!tpu.dma_semaphore, #tpu.memory_space<semaphore_mem>>) src(%arg10 : memref<32x128xf32, #tpu.memory_space<vmem>>) dst(%dma_wait3A_184 : memref<32x128xf32, #tpu.memory_space<hbm>>)
      tpu.yield
    }) : () -> ()
    return
  }
}

#map = affine_map<(d0, d1) -> (0, 0)>
#map1 = affine_map<(d0, d1) -> (0, 0, 0)>
module attributes {stable_mosaic.version = 14 : i64} {
  func.func @_sc_layer_body(%arg0: i32, %arg1: i32, %arg2: memref<10240x128xf32, #tpu.memory_space<hbm>>, %arg3: memref<32x102x128xi32, #tpu.memory_space<hbm>>, %arg4: memref<32x102x128xi32, #tpu.memory_space<hbm>>, %arg5: memref<32x128xf32, #tpu.memory_space<hbm>>, %arg6: memref<2x10240x128xf32, #tpu.memory_space<hbm>>, %arg7: memref<102x128xi32, #tpu.memory_space<vmem>>, %arg8: memref<102x128xi32, #tpu.memory_space<vmem>>, %arg9: memref<128x128xf32, #tpu.memory_space<vmem>>, %arg10: memref<32x128xf32, #tpu.memory_space<vmem>>, %arg11: memref<10240x128xf32, #tpu.memory_space<vmem_shared>>, %arg12: memref<!tpu.dma_semaphore, #tpu.memory_space<semaphore_mem>>) attributes {dimension_semantics = [#tpu.dimension_semantics<core_parallel>, #tpu.dimension_semantics<subcore_parallel>], iteration_bounds = array<i64: 2, 16>, scalar_prefetch = 0 : i64, scratch_operands = 6 : i64, tpu.core_type = #tpu.core_type<sc_vector_subcore>, window_params = [{transform_indices = #map}, {transform_indices = #map1}, {transform_indices = #map1}, {transform_indices = #map}, {transform_indices = #map1}]} {
    %mul3A = arith.constant 16 : i32
    %mul3A_0 = arith.muli %arg0, %mul3A : i32
    %add3A = arith.addi %mul3A_0, %arg1 : i32
    %eq3A = arith.constant 0 : i32
    %eq3A_1 = arith.cmpi eq, %arg0, %eq3A : i32
    %jit3A = arith.constant 102 : i32
    %jit3A_2 = arith.constant 56 : i32
    %select_n3A = arith.select %eq3A_1, %jit3A, %jit3A_2 : i32
    "tpu.region"() ({
      %run_scoped3A = tpu.sem_alloc : memref<!tpu.dma_semaphore, #tpu.memory_space<semaphore_mem>>
      tpu.enqueue_dma source(%arg5 : memref<32x128xf32, #tpu.memory_space<hbm>>) target(%arg10 : memref<32x128xf32, #tpu.memory_space<vmem>>) target_semaphore(%run_scoped3A : memref<!tpu.dma_semaphore, #tpu.memory_space<semaphore_mem>>)
      tpu.wait_dma2 semaphore(%run_scoped3A : memref<!tpu.dma_semaphore, #tpu.memory_space<semaphore_mem>>) src(%arg5 : memref<32x128xf32, #tpu.memory_space<hbm>>) dst(%arg10 : memref<32x128xf32, #tpu.memory_space<vmem>>)
      tpu.yield
    }) : () -> ()
    %mul3A_3 = arith.constant 640 : i32
    %mul3A_4 = arith.muli %arg1, %mul3A_3 : i32
    %add3A_5 = arith.constant 0 : i32
    %add3A_6 = arith.addi %mul3A_4, %add3A_5 : i32
    "tpu.region"() ({
      %run_scoped3A = tpu.sem_alloc : memref<!tpu.dma_semaphore, #tpu.memory_space<semaphore_mem>>
      %dma_start3A = arith.constant 0 : i32
      %dma_start3A_175 = tpu.memref_slice %arg11[%add3A_6, %dma_start3A] : memref<10240x128xf32, #tpu.memory_space<vmem_shared>> -> memref<32x128xf32, #tpu.memory_space<vmem_shared>>
      %dma_start3A_176 = arith.constant 0 : i32
      %dma_start3A_177 = tpu.memref_slice %arg11[%add3A_6, %dma_start3A_176] : memref<10240x128xf32, #tpu.memory_space<vmem_shared>> -> memref<32x128xf32, #tpu.memory_space<vmem_shared>>
      tpu.enqueue_dma source(%arg10 : memref<32x128xf32, #tpu.memory_space<vmem>>) target(%dma_start3A_177 : memref<32x128xf32, #tpu.memory_space<vmem_shared>>) target_semaphore(%run_scoped3A : memref<!tpu.dma_semaphore, #tpu.memory_space<semaphore_mem>>)
      %dma_wait3A = arith.constant 0 : i32
      %dma_wait3A_178 = tpu.memref_slice %arg11[%add3A_6, %dma_wait3A] : memref<10240x128xf32, #tpu.memory_space<vmem_shared>> -> memref<32x128xf32, #tpu.memory_space<vmem_shared>>
      %dma_wait3A_179 = arith.constant 0 : i32
      %dma_wait3A_180 = tpu.memref_slice %arg11[%add3A_6, %dma_wait3A_179] : memref<10240x128xf32, #tpu.memory_space<vmem_shared>> -> memref<32x128xf32, #tpu.memory_space<vmem_shared>>
      tpu.wait_dma2 semaphore(%run_scoped3A : memref<!tpu.dma_semaphore, #tpu.memory_space<semaphore_mem>>) src(%arg10 : memref<32x128xf32, #tpu.memory_space<vmem>>) dst(%dma_wait3A_180 : memref<32x128xf32, #tpu.memory_space<vmem_shared>>)
      tpu.yield
    }) : () -> ()
    %mul3A_7 = arith.constant 640 : i32
    %mul3A_8 = arith.muli %arg1, %mul3A_7 : i32
    %add3A_9 = arith.constant 32 : i32
    %add3A_10 = arith.addi %mul3A_8, %add3A_9 : i32
    "tpu.region"() ({
      %run_scoped3A = tpu.sem_alloc : memref<!tpu.dma_semaphore, #tpu.memory_space<semaphore_mem>>
      %dma_start3A = arith.constant 0 : i32
      %dma_start3A_175 = tpu.memref_slice %arg11[%add3A_10, %dma_start3A] : memref<10240x128xf32, #tpu.memory_space<vmem_shared>> -> memref<32x128xf32, #tpu.memory_space<vmem_shared>>
      %dma_start3A_176 = arith.constant 0 : i32
      %dma_start3A_177 = tpu.memref_slice %arg11[%add3A_10, %dma_start3A_176] : memref<10240x128xf32, #tpu.memory_space<vmem_shared>> -> memref<32x128xf32, #tpu.memory_space<vmem_shared>>
      tpu.enqueue_dma source(%arg10 : memref<32x128xf32, #tpu.memory_space<vmem>>) target(%dma_start3A_177 : memref<32x128xf32, #tpu.memory_space<vmem_shared>>) target_semaphore(%run_scoped3A : memref<!tpu.dma_semaphore, #tpu.memory_space<semaphore_mem>>)
      %dma_wait3A = arith.constant 0 : i32
      %dma_wait3A_178 = tpu.memref_slice %arg11[%add3A_10, %dma_wait3A] : memref<10240x128xf32, #tpu.memory_space<vmem_shared>> -> memref<32x128xf32, #tpu.memory_space<vmem_shared>>
      %dma_wait3A_179 = arith.constant 0 : i32
      %dma_wait3A_180 = tpu.memref_slice %arg11[%add3A_10, %dma_wait3A_179] : memref<10240x128xf32, #tpu.memory_space<vmem_shared>> -> memref<32x128xf32, #tpu.memory_space<vmem_shared>>
      tpu.wait_dma2 semaphore(%run_scoped3A : memref<!tpu.dma_semaphore, #tpu.memory_space<semaphore_mem>>) src(%arg10 : memref<32x128xf32, #tpu.memory_space<vmem>>) dst(%dma_wait3A_180 : memref<32x128xf32, #tpu.memory_space<vmem_shared>>)
      tpu.yield
    }) : () -> ()
    %mul3A_11 = arith.constant 640 : i32
    %mul3A_12 = arith.muli %arg1, %mul3A_11 : i32
    %add3A_13 = arith.constant 64 : i32
    %add3A_14 = arith.addi %mul3A_12, %add3A_13 : i32
    "tpu.region"() ({
      %run_scoped3A = tpu.sem_alloc : memref<!tpu.dma_semaphore, #tpu.memory_space<semaphore_mem>>
      %dma_start3A = arith.constant 0 : i32
      %dma_start3A_175 = tpu.memref_slice %arg11[%add3A_14, %dma_start3A] : memref<10240x128xf32, #tpu.memory_space<vmem_shared>> -> memref<32x128xf32, #tpu.memory_space<vmem_shared>>
      %dma_start3A_176 = arith.constant 0 : i32
      %dma_start3A_177 = tpu.memref_slice %arg11[%add3A_14, %dma_start3A_176] : memref<10240x128xf32, #tpu.memory_space<vmem_shared>> -> memref<32x128xf32, #tpu.memory_space<vmem_shared>>
      tpu.enqueue_dma source(%arg10 : memref<32x128xf32, #tpu.memory_space<vmem>>) target(%dma_start3A_177 : memref<32x128xf32, #tpu.memory_space<vmem_shared>>) target_semaphore(%run_scoped3A : memref<!tpu.dma_semaphore, #tpu.memory_space<semaphore_mem>>)
      %dma_wait3A = arith.constant 0 : i32
      %dma_wait3A_178 = tpu.memref_slice %arg11[%add3A_14, %dma_wait3A] : memref<10240x128xf32, #tpu.memory_space<vmem_shared>> -> memref<32x128xf32, #tpu.memory_space<vmem_shared>>
      %dma_wait3A_179 = arith.constant 0 : i32
      %dma_wait3A_180 = tpu.memref_slice %arg11[%add3A_14, %dma_wait3A_179] : memref<10240x128xf32, #tpu.memory_space<vmem_shared>> -> memref<32x128xf32, #tpu.memory_space<vmem_shared>>
      tpu.wait_dma2 semaphore(%run_scoped3A : memref<!tpu.dma_semaphore, #tpu.memory_space<semaphore_mem>>) src(%arg10 : memref<32x128xf32, #tpu.memory_space<vmem>>) dst(%dma_wait3A_180 : memref<32x128xf32, #tpu.memory_space<vmem_shared>>)
      tpu.yield
    }) : () -> ()
    %mul3A_15 = arith.constant 640 : i32
    %mul3A_16 = arith.muli %arg1, %mul3A_15 : i32
    %add3A_17 = arith.constant 96 : i32
    %add3A_18 = arith.addi %mul3A_16, %add3A_17 : i32
    "tpu.region"() ({
      %run_scoped3A = tpu.sem_alloc : memref<!tpu.dma_semaphore, #tpu.memory_space<semaphore_mem>>
      %dma_start3A = arith.constant 0 : i32
      %dma_start3A_175 = tpu.memref_slice %arg11[%add3A_18, %dma_start3A] : memref<10240x128xf32, #tpu.memory_space<vmem_shared>> -> memref<32x128xf32, #tpu.memory_space<vmem_shared>>
      %dma_start3A_176 = arith.constant 0 : i32
      %dma_start3A_177 = tpu.memref_slice %arg11[%add3A_18, %dma_start3A_176] : memref<10240x128xf32, #tpu.memory_space<vmem_shared>> -> memref<32x128xf32, #tpu.memory_space<vmem_shared>>
      tpu.enqueue_dma source(%arg10 : memref<32x128xf32, #tpu.memory_space<vmem>>) target(%dma_start3A_177 : memref<32x128xf32, #tpu.memory_space<vmem_shared>>) target_semaphore(%run_scoped3A : memref<!tpu.dma_semaphore, #tpu.memory_space<semaphore_mem>>)
      %dma_wait3A = arith.constant 0 : i32
      %dma_wait3A_178 = tpu.memref_slice %arg11[%add3A_18, %dma_wait3A] : memref<10240x128xf32, #tpu.memory_space<vmem_shared>> -> memref<32x128xf32, #tpu.memory_space<vmem_shared>>
      %dma_wait3A_179 = arith.constant 0 : i32
      %dma_wait3A_180 = tpu.memref_slice %arg11[%add3A_18, %dma_wait3A_179] : memref<10240x128xf32, #tpu.memory_space<vmem_shared>> -> memref<32x128xf32, #tpu.memory_space<vmem_shared>>
      tpu.wait_dma2 semaphore(%run_scoped3A : memref<!tpu.dma_semaphore, #tpu.memory_space<semaphore_mem>>) src(%arg10 : memref<32x128xf32, #tpu.memory_space<vmem>>) dst(%dma_wait3A_180 : memref<32x128xf32, #tpu.memory_space<vmem_shared>>)
      tpu.yield
    }) : () -> ()
    %mul3A_19 = arith.constant 640 : i32
    %mul3A_20 = arith.muli %arg1, %mul3A_19 : i32
    %add3A_21 = arith.constant 128 : i32
    %add3A_22 = arith.addi %mul3A_20, %add3A_21 : i32
    "tpu.region"() ({
      %run_scoped3A = tpu.sem_alloc : memref<!tpu.dma_semaphore, #tpu.memory_space<semaphore_mem>>
      %dma_start3A = arith.constant 0 : i32
      %dma_start3A_175 = tpu.memref_slice %arg11[%add3A_22, %dma_start3A] : memref<10240x128xf32, #tpu.memory_space<vmem_shared>> -> memref<32x128xf32, #tpu.memory_space<vmem_shared>>
      %dma_start3A_176 = arith.constant 0 : i32
      %dma_start3A_177 = tpu.memref_slice %arg11[%add3A_22, %dma_start3A_176] : memref<10240x128xf32, #tpu.memory_space<vmem_shared>> -> memref<32x128xf32, #tpu.memory_space<vmem_shared>>
      tpu.enqueue_dma source(%arg10 : memref<32x128xf32, #tpu.memory_space<vmem>>) target(%dma_start3A_177 : memref<32x128xf32, #tpu.memory_space<vmem_shared>>) target_semaphore(%run_scoped3A : memref<!tpu.dma_semaphore, #tpu.memory_space<semaphore_mem>>)
      %dma_wait3A = arith.constant 0 : i32
      %dma_wait3A_178 = tpu.memref_slice %arg11[%add3A_22, %dma_wait3A] : memref<10240x128xf32, #tpu.memory_space<vmem_shared>> -> memref<32x128xf32, #tpu.memory_space<vmem_shared>>
      %dma_wait3A_179 = arith.constant 0 : i32
      %dma_wait3A_180 = tpu.memref_slice %arg11[%add3A_22, %dma_wait3A_179] : memref<10240x128xf32, #tpu.memory_space<vmem_shared>> -> memref<32x128xf32, #tpu.memory_space<vmem_shared>>
      tpu.wait_dma2 semaphore(%run_scoped3A : memref<!tpu.dma_semaphore, #tpu.memory_space<semaphore_mem>>) src(%arg10 : memref<32x128xf32, #tpu.memory_space<vmem>>) dst(%dma_wait3A_180 : memref<32x128xf32, #tpu.memory_space<vmem_shared>>)
      tpu.yield
    }) : () -> ()
    %mul3A_23 = arith.constant 640 : i32
    %mul3A_24 = arith.muli %arg1, %mul3A_23 : i32
    %add3A_25 = arith.constant 160 : i32
    %add3A_26 = arith.addi %mul3A_24, %add3A_25 : i32
    "tpu.region"() ({
      %run_scoped3A = tpu.sem_alloc : memref<!tpu.dma_semaphore, #tpu.memory_space<semaphore_mem>>
      %dma_start3A = arith.constant 0 : i32
      %dma_start3A_175 = tpu.memref_slice %arg11[%add3A_26, %dma_start3A] : memref<10240x128xf32, #tpu.memory_space<vmem_shared>> -> memref<32x128xf32, #tpu.memory_space<vmem_shared>>
      %dma_start3A_176 = arith.constant 0 : i32
      %dma_start3A_177 = tpu.memref_slice %arg11[%add3A_26, %dma_start3A_176] : memref<10240x128xf32, #tpu.memory_space<vmem_shared>> -> memref<32x128xf32, #tpu.memory_space<vmem_shared>>
      tpu.enqueue_dma source(%arg10 : memref<32x128xf32, #tpu.memory_space<vmem>>) target(%dma_start3A_177 : memref<32x128xf32, #tpu.memory_space<vmem_shared>>) target_semaphore(%run_scoped3A : memref<!tpu.dma_semaphore, #tpu.memory_space<semaphore_mem>>)
      %dma_wait3A = arith.constant 0 : i32
      %dma_wait3A_178 = tpu.memref_slice %arg11[%add3A_26, %dma_wait3A] : memref<10240x128xf32, #tpu.memory_space<vmem_shared>> -> memref<32x128xf32, #tpu.memory_space<vmem_shared>>
      %dma_wait3A_179 = arith.constant 0 : i32
      %dma_wait3A_180 = tpu.memref_slice %arg11[%add3A_26, %dma_wait3A_179] : memref<10240x128xf32, #tpu.memory_space<vmem_shared>> -> memref<32x128xf32, #tpu.memory_space<vmem_shared>>
      tpu.wait_dma2 semaphore(%run_scoped3A : memref<!tpu.dma_semaphore, #tpu.memory_space<semaphore_mem>>) src(%arg10 : memref<32x128xf32, #tpu.memory_space<vmem>>) dst(%dma_wait3A_180 : memref<32x128xf32, #tpu.memory_space<vmem_shared>>)
      tpu.yield
    }) : () -> ()
    %mul3A_27 = arith.constant 640 : i32
    %mul3A_28 = arith.muli %arg1, %mul3A_27 : i32
    %add3A_29 = arith.constant 192 : i32
    %add3A_30 = arith.addi %mul3A_28, %add3A_29 : i32
    "tpu.region"() ({
      %run_scoped3A = tpu.sem_alloc : memref<!tpu.dma_semaphore, #tpu.memory_space<semaphore_mem>>
      %dma_start3A = arith.constant 0 : i32
      %dma_start3A_175 = tpu.memref_slice %arg11[%add3A_30, %dma_start3A] : memref<10240x128xf32, #tpu.memory_space<vmem_shared>> -> memref<32x128xf32, #tpu.memory_space<vmem_shared>>
      %dma_start3A_176 = arith.constant 0 : i32
      %dma_start3A_177 = tpu.memref_slice %arg11[%add3A_30, %dma_start3A_176] : memref<10240x128xf32, #tpu.memory_space<vmem_shared>> -> memref<32x128xf32, #tpu.memory_space<vmem_shared>>
      tpu.enqueue_dma source(%arg10 : memref<32x128xf32, #tpu.memory_space<vmem>>) target(%dma_start3A_177 : memref<32x128xf32, #tpu.memory_space<vmem_shared>>) target_semaphore(%run_scoped3A : memref<!tpu.dma_semaphore, #tpu.memory_space<semaphore_mem>>)
      %dma_wait3A = arith.constant 0 : i32
      %dma_wait3A_178 = tpu.memref_slice %arg11[%add3A_30, %dma_wait3A] : memref<10240x128xf32, #tpu.memory_space<vmem_shared>> -> memref<32x128xf32, #tpu.memory_space<vmem_shared>>
      %dma_wait3A_179 = arith.constant 0 : i32
      %dma_wait3A_180 = tpu.memref_slice %arg11[%add3A_30, %dma_wait3A_179] : memref<10240x128xf32, #tpu.memory_space<vmem_shared>> -> memref<32x128xf32, #tpu.memory_space<vmem_shared>>
      tpu.wait_dma2 semaphore(%run_scoped3A : memref<!tpu.dma_semaphore, #tpu.memory_space<semaphore_mem>>) src(%arg10 : memref<32x128xf32, #tpu.memory_space<vmem>>) dst(%dma_wait3A_180 : memref<32x128xf32, #tpu.memory_space<vmem_shared>>)
      tpu.yield
    }) : () -> ()
    %mul3A_31 = arith.constant 640 : i32
    %mul3A_32 = arith.muli %arg1, %mul3A_31 : i32
    %add3A_33 = arith.constant 224 : i32
    %add3A_34 = arith.addi %mul3A_32, %add3A_33 : i32
    "tpu.region"() ({
      %run_scoped3A = tpu.sem_alloc : memref<!tpu.dma_semaphore, #tpu.memory_space<semaphore_mem>>
      %dma_start3A = arith.constant 0 : i32
      %dma_start3A_175 = tpu.memref_slice %arg11[%add3A_34, %dma_start3A] : memref<10240x128xf32, #tpu.memory_space<vmem_shared>> -> memref<32x128xf32, #tpu.memory_space<vmem_shared>>
      %dma_start3A_176 = arith.constant 0 : i32
      %dma_start3A_177 = tpu.memref_slice %arg11[%add3A_34, %dma_start3A_176] : memref<10240x128xf32, #tpu.memory_space<vmem_shared>> -> memref<32x128xf32, #tpu.memory_space<vmem_shared>>
      tpu.enqueue_dma source(%arg10 : memref<32x128xf32, #tpu.memory_space<vmem>>) target(%dma_start3A_177 : memref<32x128xf32, #tpu.memory_space<vmem_shared>>) target_semaphore(%run_scoped3A : memref<!tpu.dma_semaphore, #tpu.memory_space<semaphore_mem>>)
      %dma_wait3A = arith.constant 0 : i32
      %dma_wait3A_178 = tpu.memref_slice %arg11[%add3A_34, %dma_wait3A] : memref<10240x128xf32, #tpu.memory_space<vmem_shared>> -> memref<32x128xf32, #tpu.memory_space<vmem_shared>>
      %dma_wait3A_179 = arith.constant 0 : i32
      %dma_wait3A_180 = tpu.memref_slice %arg11[%add3A_34, %dma_wait3A_179] : memref<10240x128xf32, #tpu.memory_space<vmem_shared>> -> memref<32x128xf32, #tpu.memory_space<vmem_shared>>
      tpu.wait_dma2 semaphore(%run_scoped3A : memref<!tpu.dma_semaphore, #tpu.memory_space<semaphore_mem>>) src(%arg10 : memref<32x128xf32, #tpu.memory_space<vmem>>) dst(%dma_wait3A_180 : memref<32x128xf32, #tpu.memory_space<vmem_shared>>)
      tpu.yield
    }) : () -> ()
    %mul3A_35 = arith.constant 640 : i32
    %mul3A_36 = arith.muli %arg1, %mul3A_35 : i32
    %add3A_37 = arith.constant 256 : i32
    %add3A_38 = arith.addi %mul3A_36, %add3A_37 : i32
    "tpu.region"() ({
      %run_scoped3A = tpu.sem_alloc : memref<!tpu.dma_semaphore, #tpu.memory_space<semaphore_mem>>
      %dma_start3A = arith.constant 0 : i32
      %dma_start3A_175 = tpu.memref_slice %arg11[%add3A_38, %dma_start3A] : memref<10240x128xf32, #tpu.memory_space<vmem_shared>> -> memref<32x128xf32, #tpu.memory_space<vmem_shared>>
      %dma_start3A_176 = arith.constant 0 : i32
      %dma_start3A_177 = tpu.memref_slice %arg11[%add3A_38, %dma_start3A_176] : memref<10240x128xf32, #tpu.memory_space<vmem_shared>> -> memref<32x128xf32, #tpu.memory_space<vmem_shared>>
      tpu.enqueue_dma source(%arg10 : memref<32x128xf32, #tpu.memory_space<vmem>>) target(%dma_start3A_177 : memref<32x128xf32, #tpu.memory_space<vmem_shared>>) target_semaphore(%run_scoped3A : memref<!tpu.dma_semaphore, #tpu.memory_space<semaphore_mem>>)
      %dma_wait3A = arith.constant 0 : i32
      %dma_wait3A_178 = tpu.memref_slice %arg11[%add3A_38, %dma_wait3A] : memref<10240x128xf32, #tpu.memory_space<vmem_shared>> -> memref<32x128xf32, #tpu.memory_space<vmem_shared>>
      %dma_wait3A_179 = arith.constant 0 : i32
      %dma_wait3A_180 = tpu.memref_slice %arg11[%add3A_38, %dma_wait3A_179] : memref<10240x128xf32, #tpu.memory_space<vmem_shared>> -> memref<32x128xf32, #tpu.memory_space<vmem_shared>>
      tpu.wait_dma2 semaphore(%run_scoped3A : memref<!tpu.dma_semaphore, #tpu.memory_space<semaphore_mem>>) src(%arg10 : memref<32x128xf32, #tpu.memory_space<vmem>>) dst(%dma_wait3A_180 : memref<32x128xf32, #tpu.memory_space<vmem_shared>>)
      tpu.yield
    }) : () -> ()
    %mul3A_39 = arith.constant 640 : i32
    %mul3A_40 = arith.muli %arg1, %mul3A_39 : i32
    %add3A_41 = arith.constant 288 : i32
    %add3A_42 = arith.addi %mul3A_40, %add3A_41 : i32
    "tpu.region"() ({
      %run_scoped3A = tpu.sem_alloc : memref<!tpu.dma_semaphore, #tpu.memory_space<semaphore_mem>>
      %dma_start3A = arith.constant 0 : i32
      %dma_start3A_175 = tpu.memref_slice %arg11[%add3A_42, %dma_start3A] : memref<10240x128xf32, #tpu.memory_space<vmem_shared>> -> memref<32x128xf32, #tpu.memory_space<vmem_shared>>
      %dma_start3A_176 = arith.constant 0 : i32
      %dma_start3A_177 = tpu.memref_slice %arg11[%add3A_42, %dma_start3A_176] : memref<10240x128xf32, #tpu.memory_space<vmem_shared>> -> memref<32x128xf32, #tpu.memory_space<vmem_shared>>
      tpu.enqueue_dma source(%arg10 : memref<32x128xf32, #tpu.memory_space<vmem>>) target(%dma_start3A_177 : memref<32x128xf32, #tpu.memory_space<vmem_shared>>) target_semaphore(%run_scoped3A : memref<!tpu.dma_semaphore, #tpu.memory_space<semaphore_mem>>)
      %dma_wait3A = arith.constant 0 : i32
      %dma_wait3A_178 = tpu.memref_slice %arg11[%add3A_42, %dma_wait3A] : memref<10240x128xf32, #tpu.memory_space<vmem_shared>> -> memref<32x128xf32, #tpu.memory_space<vmem_shared>>
      %dma_wait3A_179 = arith.constant 0 : i32
      %dma_wait3A_180 = tpu.memref_slice %arg11[%add3A_42, %dma_wait3A_179] : memref<10240x128xf32, #tpu.memory_space<vmem_shared>> -> memref<32x128xf32, #tpu.memory_space<vmem_shared>>
      tpu.wait_dma2 semaphore(%run_scoped3A : memref<!tpu.dma_semaphore, #tpu.memory_space<semaphore_mem>>) src(%arg10 : memref<32x128xf32, #tpu.memory_space<vmem>>) dst(%dma_wait3A_180 : memref<32x128xf32, #tpu.memory_space<vmem_shared>>)
      tpu.yield
    }) : () -> ()
    %mul3A_43 = arith.constant 640 : i32
    %mul3A_44 = arith.muli %arg1, %mul3A_43 : i32
    %add3A_45 = arith.constant 320 : i32
    %add3A_46 = arith.addi %mul3A_44, %add3A_45 : i32
    "tpu.region"() ({
      %run_scoped3A = tpu.sem_alloc : memref<!tpu.dma_semaphore, #tpu.memory_space<semaphore_mem>>
      %dma_start3A = arith.constant 0 : i32
      %dma_start3A_175 = tpu.memref_slice %arg11[%add3A_46, %dma_start3A] : memref<10240x128xf32, #tpu.memory_space<vmem_shared>> -> memref<32x128xf32, #tpu.memory_space<vmem_shared>>
      %dma_start3A_176 = arith.constant 0 : i32
      %dma_start3A_177 = tpu.memref_slice %arg11[%add3A_46, %dma_start3A_176] : memref<10240x128xf32, #tpu.memory_space<vmem_shared>> -> memref<32x128xf32, #tpu.memory_space<vmem_shared>>
      tpu.enqueue_dma source(%arg10 : memref<32x128xf32, #tpu.memory_space<vmem>>) target(%dma_start3A_177 : memref<32x128xf32, #tpu.memory_space<vmem_shared>>) target_semaphore(%run_scoped3A : memref<!tpu.dma_semaphore, #tpu.memory_space<semaphore_mem>>)
      %dma_wait3A = arith.constant 0 : i32
      %dma_wait3A_178 = tpu.memref_slice %arg11[%add3A_46, %dma_wait3A] : memref<10240x128xf32, #tpu.memory_space<vmem_shared>> -> memref<32x128xf32, #tpu.memory_space<vmem_shared>>
      %dma_wait3A_179 = arith.constant 0 : i32
      %dma_wait3A_180 = tpu.memref_slice %arg11[%add3A_46, %dma_wait3A_179] : memref<10240x128xf32, #tpu.memory_space<vmem_shared>> -> memref<32x128xf32, #tpu.memory_space<vmem_shared>>
      tpu.wait_dma2 semaphore(%run_scoped3A : memref<!tpu.dma_semaphore, #tpu.memory_space<semaphore_mem>>) src(%arg10 : memref<32x128xf32, #tpu.memory_space<vmem>>) dst(%dma_wait3A_180 : memref<32x128xf32, #tpu.memory_space<vmem_shared>>)
      tpu.yield
    }) : () -> ()
    %mul3A_47 = arith.constant 640 : i32
    %mul3A_48 = arith.muli %arg1, %mul3A_47 : i32
    %add3A_49 = arith.constant 352 : i32
    %add3A_50 = arith.addi %mul3A_48, %add3A_49 : i32
    "tpu.region"() ({
      %run_scoped3A = tpu.sem_alloc : memref<!tpu.dma_semaphore, #tpu.memory_space<semaphore_mem>>
      %dma_start3A = arith.constant 0 : i32
      %dma_start3A_175 = tpu.memref_slice %arg11[%add3A_50, %dma_start3A] : memref<10240x128xf32, #tpu.memory_space<vmem_shared>> -> memref<32x128xf32, #tpu.memory_space<vmem_shared>>
      %dma_start3A_176 = arith.constant 0 : i32
      %dma_start3A_177 = tpu.memref_slice %arg11[%add3A_50, %dma_start3A_176] : memref<10240x128xf32, #tpu.memory_space<vmem_shared>> -> memref<32x128xf32, #tpu.memory_space<vmem_shared>>
      tpu.enqueue_dma source(%arg10 : memref<32x128xf32, #tpu.memory_space<vmem>>) target(%dma_start3A_177 : memref<32x128xf32, #tpu.memory_space<vmem_shared>>) target_semaphore(%run_scoped3A : memref<!tpu.dma_semaphore, #tpu.memory_space<semaphore_mem>>)
      %dma_wait3A = arith.constant 0 : i32
      %dma_wait3A_178 = tpu.memref_slice %arg11[%add3A_50, %dma_wait3A] : memref<10240x128xf32, #tpu.memory_space<vmem_shared>> -> memref<32x128xf32, #tpu.memory_space<vmem_shared>>
      %dma_wait3A_179 = arith.constant 0 : i32
      %dma_wait3A_180 = tpu.memref_slice %arg11[%add3A_50, %dma_wait3A_179] : memref<10240x128xf32, #tpu.memory_space<vmem_shared>> -> memref<32x128xf32, #tpu.memory_space<vmem_shared>>
      tpu.wait_dma2 semaphore(%run_scoped3A : memref<!tpu.dma_semaphore, #tpu.memory_space<semaphore_mem>>) src(%arg10 : memref<32x128xf32, #tpu.memory_space<vmem>>) dst(%dma_wait3A_180 : memref<32x128xf32, #tpu.memory_space<vmem_shared>>)
      tpu.yield
    }) : () -> ()
    %mul3A_51 = arith.constant 640 : i32
    %mul3A_52 = arith.muli %arg1, %mul3A_51 : i32
    %add3A_53 = arith.constant 384 : i32
    %add3A_54 = arith.addi %mul3A_52, %add3A_53 : i32
    "tpu.region"() ({
      %run_scoped3A = tpu.sem_alloc : memref<!tpu.dma_semaphore, #tpu.memory_space<semaphore_mem>>
      %dma_start3A = arith.constant 0 : i32
      %dma_start3A_175 = tpu.memref_slice %arg11[%add3A_54, %dma_start3A] : memref<10240x128xf32, #tpu.memory_space<vmem_shared>> -> memref<32x128xf32, #tpu.memory_space<vmem_shared>>
      %dma_start3A_176 = arith.constant 0 : i32
      %dma_start3A_177 = tpu.memref_slice %arg11[%add3A_54, %dma_start3A_176] : memref<10240x128xf32, #tpu.memory_space<vmem_shared>> -> memref<32x128xf32, #tpu.memory_space<vmem_shared>>
      tpu.enqueue_dma source(%arg10 : memref<32x128xf32, #tpu.memory_space<vmem>>) target(%dma_start3A_177 : memref<32x128xf32, #tpu.memory_space<vmem_shared>>) target_semaphore(%run_scoped3A : memref<!tpu.dma_semaphore, #tpu.memory_space<semaphore_mem>>)
      %dma_wait3A = arith.constant 0 : i32
      %dma_wait3A_178 = tpu.memref_slice %arg11[%add3A_54, %dma_wait3A] : memref<10240x128xf32, #tpu.memory_space<vmem_shared>> -> memref<32x128xf32, #tpu.memory_space<vmem_shared>>
      %dma_wait3A_179 = arith.constant 0 : i32
      %dma_wait3A_180 = tpu.memref_slice %arg11[%add3A_54, %dma_wait3A_179] : memref<10240x128xf32, #tpu.memory_space<vmem_shared>> -> memref<32x128xf32, #tpu.memory_space<vmem_shared>>
      tpu.wait_dma2 semaphore(%run_scoped3A : memref<!tpu.dma_semaphore, #tpu.memory_space<semaphore_mem>>) src(%arg10 : memref<32x128xf32, #tpu.memory_space<vmem>>) dst(%dma_wait3A_180 : memref<32x128xf32, #tpu.memory_space<vmem_shared>>)
      tpu.yield
    }) : () -> ()
    %mul3A_55 = arith.constant 640 : i32
    %mul3A_56 = arith.muli %arg1, %mul3A_55 : i32
    %add3A_57 = arith.constant 416 : i32
    %add3A_58 = arith.addi %mul3A_56, %add3A_57 : i32
    "tpu.region"() ({
      %run_scoped3A = tpu.sem_alloc : memref<!tpu.dma_semaphore, #tpu.memory_space<semaphore_mem>>
      %dma_start3A = arith.constant 0 : i32
      %dma_start3A_175 = tpu.memref_slice %arg11[%add3A_58, %dma_start3A] : memref<10240x128xf32, #tpu.memory_space<vmem_shared>> -> memref<32x128xf32, #tpu.memory_space<vmem_shared>>
      %dma_start3A_176 = arith.constant 0 : i32
      %dma_start3A_177 = tpu.memref_slice %arg11[%add3A_58, %dma_start3A_176] : memref<10240x128xf32, #tpu.memory_space<vmem_shared>> -> memref<32x128xf32, #tpu.memory_space<vmem_shared>>
      tpu.enqueue_dma source(%arg10 : memref<32x128xf32, #tpu.memory_space<vmem>>) target(%dma_start3A_177 : memref<32x128xf32, #tpu.memory_space<vmem_shared>>) target_semaphore(%run_scoped3A : memref<!tpu.dma_semaphore, #tpu.memory_space<semaphore_mem>>)
      %dma_wait3A = arith.constant 0 : i32
      %dma_wait3A_178 = tpu.memref_slice %arg11[%add3A_58, %dma_wait3A] : memref<10240x128xf32, #tpu.memory_space<vmem_shared>> -> memref<32x128xf32, #tpu.memory_space<vmem_shared>>
      %dma_wait3A_179 = arith.constant 0 : i32
      %dma_wait3A_180 = tpu.memref_slice %arg11[%add3A_58, %dma_wait3A_179] : memref<10240x128xf32, #tpu.memory_space<vmem_shared>> -> memref<32x128xf32, #tpu.memory_space<vmem_shared>>
      tpu.wait_dma2 semaphore(%run_scoped3A : memref<!tpu.dma_semaphore, #tpu.memory_space<semaphore_mem>>) src(%arg10 : memref<32x128xf32, #tpu.memory_space<vmem>>) dst(%dma_wait3A_180 : memref<32x128xf32, #tpu.memory_space<vmem_shared>>)
      tpu.yield
    }) : () -> ()
    %mul3A_59 = arith.constant 640 : i32
    %mul3A_60 = arith.muli %arg1, %mul3A_59 : i32
    %add3A_61 = arith.constant 448 : i32
    %add3A_62 = arith.addi %mul3A_60, %add3A_61 : i32
    "tpu.region"() ({
      %run_scoped3A = tpu.sem_alloc : memref<!tpu.dma_semaphore, #tpu.memory_space<semaphore_mem>>
      %dma_start3A = arith.constant 0 : i32
      %dma_start3A_175 = tpu.memref_slice %arg11[%add3A_62, %dma_start3A] : memref<10240x128xf32, #tpu.memory_space<vmem_shared>> -> memref<32x128xf32, #tpu.memory_space<vmem_shared>>
      %dma_start3A_176 = arith.constant 0 : i32
      %dma_start3A_177 = tpu.memref_slice %arg11[%add3A_62, %dma_start3A_176] : memref<10240x128xf32, #tpu.memory_space<vmem_shared>> -> memref<32x128xf32, #tpu.memory_space<vmem_shared>>
      tpu.enqueue_dma source(%arg10 : memref<32x128xf32, #tpu.memory_space<vmem>>) target(%dma_start3A_177 : memref<32x128xf32, #tpu.memory_space<vmem_shared>>) target_semaphore(%run_scoped3A : memref<!tpu.dma_semaphore, #tpu.memory_space<semaphore_mem>>)
      %dma_wait3A = arith.constant 0 : i32
      %dma_wait3A_178 = tpu.memref_slice %arg11[%add3A_62, %dma_wait3A] : memref<10240x128xf32, #tpu.memory_space<vmem_shared>> -> memref<32x128xf32, #tpu.memory_space<vmem_shared>>
      %dma_wait3A_179 = arith.constant 0 : i32
      %dma_wait3A_180 = tpu.memref_slice %arg11[%add3A_62, %dma_wait3A_179] : memref<10240x128xf32, #tpu.memory_space<vmem_shared>> -> memref<32x128xf32, #tpu.memory_space<vmem_shared>>
      tpu.wait_dma2 semaphore(%run_scoped3A : memref<!tpu.dma_semaphore, #tpu.memory_space<semaphore_mem>>) src(%arg10 : memref<32x128xf32, #tpu.memory_space<vmem>>) dst(%dma_wait3A_180 : memref<32x128xf32, #tpu.memory_space<vmem_shared>>)
      tpu.yield
    }) : () -> ()
    %mul3A_63 = arith.constant 640 : i32
    %mul3A_64 = arith.muli %arg1, %mul3A_63 : i32
    %add3A_65 = arith.constant 480 : i32
    %add3A_66 = arith.addi %mul3A_64, %add3A_65 : i32
    "tpu.region"() ({
      %run_scoped3A = tpu.sem_alloc : memref<!tpu.dma_semaphore, #tpu.memory_space<semaphore_mem>>
      %dma_start3A = arith.constant 0 : i32
      %dma_start3A_175 = tpu.memref_slice %arg11[%add3A_66, %dma_start3A] : memref<10240x128xf32, #tpu.memory_space<vmem_shared>> -> memref<32x128xf32, #tpu.memory_space<vmem_shared>>
      %dma_start3A_176 = arith.constant 0 : i32
      %dma_start3A_177 = tpu.memref_slice %arg11[%add3A_66, %dma_start3A_176] : memref<10240x128xf32, #tpu.memory_space<vmem_shared>> -> memref<32x128xf32, #tpu.memory_space<vmem_shared>>
      tpu.enqueue_dma source(%arg10 : memref<32x128xf32, #tpu.memory_space<vmem>>) target(%dma_start3A_177 : memref<32x128xf32, #tpu.memory_space<vmem_shared>>) target_semaphore(%run_scoped3A : memref<!tpu.dma_semaphore, #tpu.memory_space<semaphore_mem>>)
      %dma_wait3A = arith.constant 0 : i32
      %dma_wait3A_178 = tpu.memref_slice %arg11[%add3A_66, %dma_wait3A] : memref<10240x128xf32, #tpu.memory_space<vmem_shared>> -> memref<32x128xf32, #tpu.memory_space<vmem_shared>>
      %dma_wait3A_179 = arith.constant 0 : i32
      %dma_wait3A_180 = tpu.memref_slice %arg11[%add3A_66, %dma_wait3A_179] : memref<10240x128xf32, #tpu.memory_space<vmem_shared>> -> memref<32x128xf32, #tpu.memory_space<vmem_shared>>
      tpu.wait_dma2 semaphore(%run_scoped3A : memref<!tpu.dma_semaphore, #tpu.memory_space<semaphore_mem>>) src(%arg10 : memref<32x128xf32, #tpu.memory_space<vmem>>) dst(%dma_wait3A_180 : memref<32x128xf32, #tpu.memory_space<vmem_shared>>)
      tpu.yield
    }) : () -> ()
    %mul3A_67 = arith.constant 640 : i32
    %mul3A_68 = arith.muli %arg1, %mul3A_67 : i32
    %add3A_69 = arith.constant 512 : i32
    %add3A_70 = arith.addi %mul3A_68, %add3A_69 : i32
    "tpu.region"() ({
      %run_scoped3A = tpu.sem_alloc : memref<!tpu.dma_semaphore, #tpu.memory_space<semaphore_mem>>
      %dma_start3A = arith.constant 0 : i32
      %dma_start3A_175 = tpu.memref_slice %arg11[%add3A_70, %dma_start3A] : memref<10240x128xf32, #tpu.memory_space<vmem_shared>> -> memref<32x128xf32, #tpu.memory_space<vmem_shared>>
      %dma_start3A_176 = arith.constant 0 : i32
      %dma_start3A_177 = tpu.memref_slice %arg11[%add3A_70, %dma_start3A_176] : memref<10240x128xf32, #tpu.memory_space<vmem_shared>> -> memref<32x128xf32, #tpu.memory_space<vmem_shared>>
      tpu.enqueue_dma source(%arg10 : memref<32x128xf32, #tpu.memory_space<vmem>>) target(%dma_start3A_177 : memref<32x128xf32, #tpu.memory_space<vmem_shared>>) target_semaphore(%run_scoped3A : memref<!tpu.dma_semaphore, #tpu.memory_space<semaphore_mem>>)
      %dma_wait3A = arith.constant 0 : i32
      %dma_wait3A_178 = tpu.memref_slice %arg11[%add3A_70, %dma_wait3A] : memref<10240x128xf32, #tpu.memory_space<vmem_shared>> -> memref<32x128xf32, #tpu.memory_space<vmem_shared>>
      %dma_wait3A_179 = arith.constant 0 : i32
      %dma_wait3A_180 = tpu.memref_slice %arg11[%add3A_70, %dma_wait3A_179] : memref<10240x128xf32, #tpu.memory_space<vmem_shared>> -> memref<32x128xf32, #tpu.memory_space<vmem_shared>>
      tpu.wait_dma2 semaphore(%run_scoped3A : memref<!tpu.dma_semaphore, #tpu.memory_space<semaphore_mem>>) src(%arg10 : memref<32x128xf32, #tpu.memory_space<vmem>>) dst(%dma_wait3A_180 : memref<32x128xf32, #tpu.memory_space<vmem_shared>>)
      tpu.yield
    }) : () -> ()
    %mul3A_71 = arith.constant 640 : i32
    %mul3A_72 = arith.muli %arg1, %mul3A_71 : i32
    %add3A_73 = arith.constant 544 : i32
    %add3A_74 = arith.addi %mul3A_72, %add3A_73 : i32
    "tpu.region"() ({
      %run_scoped3A = tpu.sem_alloc : memref<!tpu.dma_semaphore, #tpu.memory_space<semaphore_mem>>
      %dma_start3A = arith.constant 0 : i32
      %dma_start3A_175 = tpu.memref_slice %arg11[%add3A_74, %dma_start3A] : memref<10240x128xf32, #tpu.memory_space<vmem_shared>> -> memref<32x128xf32, #tpu.memory_space<vmem_shared>>
      %dma_start3A_176 = arith.constant 0 : i32
      %dma_start3A_177 = tpu.memref_slice %arg11[%add3A_74, %dma_start3A_176] : memref<10240x128xf32, #tpu.memory_space<vmem_shared>> -> memref<32x128xf32, #tpu.memory_space<vmem_shared>>
      tpu.enqueue_dma source(%arg10 : memref<32x128xf32, #tpu.memory_space<vmem>>) target(%dma_start3A_177 : memref<32x128xf32, #tpu.memory_space<vmem_shared>>) target_semaphore(%run_scoped3A : memref<!tpu.dma_semaphore, #tpu.memory_space<semaphore_mem>>)
      %dma_wait3A = arith.constant 0 : i32
      %dma_wait3A_178 = tpu.memref_slice %arg11[%add3A_74, %dma_wait3A] : memref<10240x128xf32, #tpu.memory_space<vmem_shared>> -> memref<32x128xf32, #tpu.memory_space<vmem_shared>>
      %dma_wait3A_179 = arith.constant 0 : i32
      %dma_wait3A_180 = tpu.memref_slice %arg11[%add3A_74, %dma_wait3A_179] : memref<10240x128xf32, #tpu.memory_space<vmem_shared>> -> memref<32x128xf32, #tpu.memory_space<vmem_shared>>
      tpu.wait_dma2 semaphore(%run_scoped3A : memref<!tpu.dma_semaphore, #tpu.memory_space<semaphore_mem>>) src(%arg10 : memref<32x128xf32, #tpu.memory_space<vmem>>) dst(%dma_wait3A_180 : memref<32x128xf32, #tpu.memory_space<vmem_shared>>)
      tpu.yield
    }) : () -> ()
    %mul3A_75 = arith.constant 640 : i32
    %mul3A_76 = arith.muli %arg1, %mul3A_75 : i32
    %add3A_77 = arith.constant 576 : i32
    %add3A_78 = arith.addi %mul3A_76, %add3A_77 : i32
    "tpu.region"() ({
      %run_scoped3A = tpu.sem_alloc : memref<!tpu.dma_semaphore, #tpu.memory_space<semaphore_mem>>
      %dma_start3A = arith.constant 0 : i32
      %dma_start3A_175 = tpu.memref_slice %arg11[%add3A_78, %dma_start3A] : memref<10240x128xf32, #tpu.memory_space<vmem_shared>> -> memref<32x128xf32, #tpu.memory_space<vmem_shared>>
      %dma_start3A_176 = arith.constant 0 : i32
      %dma_start3A_177 = tpu.memref_slice %arg11[%add3A_78, %dma_start3A_176] : memref<10240x128xf32, #tpu.memory_space<vmem_shared>> -> memref<32x128xf32, #tpu.memory_space<vmem_shared>>
      tpu.enqueue_dma source(%arg10 : memref<32x128xf32, #tpu.memory_space<vmem>>) target(%dma_start3A_177 : memref<32x128xf32, #tpu.memory_space<vmem_shared>>) target_semaphore(%run_scoped3A : memref<!tpu.dma_semaphore, #tpu.memory_space<semaphore_mem>>)
      %dma_wait3A = arith.constant 0 : i32
      %dma_wait3A_178 = tpu.memref_slice %arg11[%add3A_78, %dma_wait3A] : memref<10240x128xf32, #tpu.memory_space<vmem_shared>> -> memref<32x128xf32, #tpu.memory_space<vmem_shared>>
      %dma_wait3A_179 = arith.constant 0 : i32
      %dma_wait3A_180 = tpu.memref_slice %arg11[%add3A_78, %dma_wait3A_179] : memref<10240x128xf32, #tpu.memory_space<vmem_shared>> -> memref<32x128xf32, #tpu.memory_space<vmem_shared>>
      tpu.wait_dma2 semaphore(%run_scoped3A : memref<!tpu.dma_semaphore, #tpu.memory_space<semaphore_mem>>) src(%arg10 : memref<32x128xf32, #tpu.memory_space<vmem>>) dst(%dma_wait3A_180 : memref<32x128xf32, #tpu.memory_space<vmem_shared>>)
      tpu.yield
    }) : () -> ()
    %mul3A_79 = arith.constant 640 : i32
    %mul3A_80 = arith.muli %arg1, %mul3A_79 : i32
    %add3A_81 = arith.constant 608 : i32
    %add3A_82 = arith.addi %mul3A_80, %add3A_81 : i32
    "tpu.region"() ({
      %run_scoped3A = tpu.sem_alloc : memref<!tpu.dma_semaphore, #tpu.memory_space<semaphore_mem>>
      %dma_start3A = arith.constant 0 : i32
      %dma_start3A_175 = tpu.memref_slice %arg11[%add3A_82, %dma_start3A] : memref<10240x128xf32, #tpu.memory_space<vmem_shared>> -> memref<32x128xf32, #tpu.memory_space<vmem_shared>>
      %dma_start3A_176 = arith.constant 0 : i32
      %dma_start3A_177 = tpu.memref_slice %arg11[%add3A_82, %dma_start3A_176] : memref<10240x128xf32, #tpu.memory_space<vmem_shared>> -> memref<32x128xf32, #tpu.memory_space<vmem_shared>>
      tpu.enqueue_dma source(%arg10 : memref<32x128xf32, #tpu.memory_space<vmem>>) target(%dma_start3A_177 : memref<32x128xf32, #tpu.memory_space<vmem_shared>>) target_semaphore(%run_scoped3A : memref<!tpu.dma_semaphore, #tpu.memory_space<semaphore_mem>>)
      %dma_wait3A = arith.constant 0 : i32
      %dma_wait3A_178 = tpu.memref_slice %arg11[%add3A_82, %dma_wait3A] : memref<10240x128xf32, #tpu.memory_space<vmem_shared>> -> memref<32x128xf32, #tpu.memory_space<vmem_shared>>
      %dma_wait3A_179 = arith.constant 0 : i32
      %dma_wait3A_180 = tpu.memref_slice %arg11[%add3A_82, %dma_wait3A_179] : memref<10240x128xf32, #tpu.memory_space<vmem_shared>> -> memref<32x128xf32, #tpu.memory_space<vmem_shared>>
      tpu.wait_dma2 semaphore(%run_scoped3A : memref<!tpu.dma_semaphore, #tpu.memory_space<semaphore_mem>>) src(%arg10 : memref<32x128xf32, #tpu.memory_space<vmem>>) dst(%dma_wait3A_180 : memref<32x128xf32, #tpu.memory_space<vmem_shared>>)
      tpu.yield
    }) : () -> ()
    "tpu.region"() ({
      %run_scoped3A = tpu.sem_alloc : memref<!tpu.dma_semaphore, #tpu.memory_space<semaphore_mem>>
      %dma_start3A = arith.constant 0 : i32
      %dma_start3A_175 = arith.constant 0 : i32
      %dma_start3A_176 = tpu.memref_slice %arg3[%add3A, %dma_start3A, %dma_start3A_175] : memref<32x102x128xi32, #tpu.memory_space<hbm>> -> memref<1x102x128xi32, #tpu.memory_space<hbm>>
      %dma_start3A_177 = tpu.memref_squeeze %dma_start3A_176 : memref<1x102x128xi32, #tpu.memory_space<hbm>> -> memref<102x128xi32, #tpu.memory_space<hbm>>
      %dma_start3A_178 = arith.constant 0 : i32
      %dma_start3A_179 = arith.constant 0 : i32
      %dma_start3A_180 = tpu.memref_slice %arg3[%add3A, %dma_start3A_178, %dma_start3A_179] : memref<32x102x128xi32, #tpu.memory_space<hbm>> -> memref<1x102x128xi32, #tpu.memory_space<hbm>>
      %dma_start3A_181 = tpu.memref_squeeze %dma_start3A_180 : memref<1x102x128xi32, #tpu.memory_space<hbm>> -> memref<102x128xi32, #tpu.memory_space<hbm>>
      tpu.enqueue_dma source(%dma_start3A_181 : memref<102x128xi32, #tpu.memory_space<hbm>>) target(%arg7 : memref<102x128xi32, #tpu.memory_space<vmem>>) target_semaphore(%run_scoped3A : memref<!tpu.dma_semaphore, #tpu.memory_space<semaphore_mem>>)
      %dma_wait3A = arith.constant 0 : i32
      %dma_wait3A_182 = arith.constant 0 : i32
      %dma_wait3A_183 = tpu.memref_slice %arg3[%add3A, %dma_wait3A, %dma_wait3A_182] : memref<32x102x128xi32, #tpu.memory_space<hbm>> -> memref<1x102x128xi32, #tpu.memory_space<hbm>>
      %dma_wait3A_184 = tpu.memref_squeeze %dma_wait3A_183 : memref<1x102x128xi32, #tpu.memory_space<hbm>> -> memref<102x128xi32, #tpu.memory_space<hbm>>
      %dma_wait3A_185 = arith.constant 0 : i32
      %dma_wait3A_186 = arith.constant 0 : i32
      %dma_wait3A_187 = tpu.memref_slice %arg3[%add3A, %dma_wait3A_185, %dma_wait3A_186] : memref<32x102x128xi32, #tpu.memory_space<hbm>> -> memref<1x102x128xi32, #tpu.memory_space<hbm>>
      %dma_wait3A_188 = tpu.memref_squeeze %dma_wait3A_187 : memref<1x102x128xi32, #tpu.memory_space<hbm>> -> memref<102x128xi32, #tpu.memory_space<hbm>>
      tpu.wait_dma2 semaphore(%run_scoped3A : memref<!tpu.dma_semaphore, #tpu.memory_space<semaphore_mem>>) src(%dma_wait3A_188 : memref<102x128xi32, #tpu.memory_space<hbm>>) dst(%arg7 : memref<102x128xi32, #tpu.memory_space<vmem>>)
      tpu.yield
    }) : () -> ()
    "tpu.region"() ({
      %run_scoped3A = tpu.sem_alloc : memref<!tpu.dma_semaphore, #tpu.memory_space<semaphore_mem>>
      %dma_start3A = arith.constant 0 : i32
      %dma_start3A_175 = arith.constant 0 : i32
      %dma_start3A_176 = tpu.memref_slice %arg4[%add3A, %dma_start3A, %dma_start3A_175] : memref<32x102x128xi32, #tpu.memory_space<hbm>> -> memref<1x102x128xi32, #tpu.memory_space<hbm>>
      %dma_start3A_177 = tpu.memref_squeeze %dma_start3A_176 : memref<1x102x128xi32, #tpu.memory_space<hbm>> -> memref<102x128xi32, #tpu.memory_space<hbm>>
      %dma_start3A_178 = arith.constant 0 : i32
      %dma_start3A_179 = arith.constant 0 : i32
      %dma_start3A_180 = tpu.memref_slice %arg4[%add3A, %dma_start3A_178, %dma_start3A_179] : memref<32x102x128xi32, #tpu.memory_space<hbm>> -> memref<1x102x128xi32, #tpu.memory_space<hbm>>
      %dma_start3A_181 = tpu.memref_squeeze %dma_start3A_180 : memref<1x102x128xi32, #tpu.memory_space<hbm>> -> memref<102x128xi32, #tpu.memory_space<hbm>>
      tpu.enqueue_dma source(%dma_start3A_181 : memref<102x128xi32, #tpu.memory_space<hbm>>) target(%arg8 : memref<102x128xi32, #tpu.memory_space<vmem>>) target_semaphore(%run_scoped3A : memref<!tpu.dma_semaphore, #tpu.memory_space<semaphore_mem>>)
      %dma_wait3A = arith.constant 0 : i32
      %dma_wait3A_182 = arith.constant 0 : i32
      %dma_wait3A_183 = tpu.memref_slice %arg4[%add3A, %dma_wait3A, %dma_wait3A_182] : memref<32x102x128xi32, #tpu.memory_space<hbm>> -> memref<1x102x128xi32, #tpu.memory_space<hbm>>
      %dma_wait3A_184 = tpu.memref_squeeze %dma_wait3A_183 : memref<1x102x128xi32, #tpu.memory_space<hbm>> -> memref<102x128xi32, #tpu.memory_space<hbm>>
      %dma_wait3A_185 = arith.constant 0 : i32
      %dma_wait3A_186 = arith.constant 0 : i32
      %dma_wait3A_187 = tpu.memref_slice %arg4[%add3A, %dma_wait3A_185, %dma_wait3A_186] : memref<32x102x128xi32, #tpu.memory_space<hbm>> -> memref<1x102x128xi32, #tpu.memory_space<hbm>>
      %dma_wait3A_188 = tpu.memref_squeeze %dma_wait3A_187 : memref<1x102x128xi32, #tpu.memory_space<hbm>> -> memref<102x128xi32, #tpu.memory_space<hbm>>
      tpu.wait_dma2 semaphore(%run_scoped3A : memref<!tpu.dma_semaphore, #tpu.memory_space<semaphore_mem>>) src(%dma_wait3A_188 : memref<102x128xi32, #tpu.memory_space<hbm>>) dst(%arg8 : memref<102x128xi32, #tpu.memory_space<vmem>>)
      tpu.yield
    }) : () -> ()
    %barrier3A = arith.constant 0 : index
    tpu.barrier barrier_id(%barrier3A)
    %while3A = arith.constant 0 : i32
    %while3A_83 = arith.constant 0 : i32
    %while3A_84 = arith.subi %select_n3A, %while3A : i32
    %while3A_85 = arith.addi %while3A, %while3A_84 : i32
    %while3A_86 = arith.constant 1 : i32
    %while3A_87 = arith.divsi %while3A_84, %while3A_86 : i32
    %while3A_88 = arith.muli %while3A_87, %while3A_86 : i32
    %while3A_89 = arith.addi %while3A, %while3A_88 : i32
    %while3A_90 = arith.constant 1 : i32
    %while3A_91 = scf.for %while3A_175 = %while3A to %while3A_89 step %while3A_90 iter_args(%while3A_176 = %while3A_83) -> (i32)  : i32 {
      %dma_start3A = arith.constant 0 : i32
      %dma_start3A_177 = tpu.memref_slice %arg7[%while3A_175, %dma_start3A] : memref<102x128xi32, #tpu.memory_space<vmem>> -> memref<1x128xi32, #tpu.memory_space<vmem>>
      %dma_start3A_178 = tpu.memref_squeeze %dma_start3A_177 : memref<1x128xi32, #tpu.memory_space<vmem>> -> memref<128xi32, #tpu.memory_space<vmem>>
      %dma_start3A_179 = arith.constant 0 : i32
      %dma_start3A_180 = arith.constant 0 : i32
      %dma_start3A_181 = tpu.memref_slice %arg2[%dma_start3A_179, %dma_start3A_180] : memref<10240x128xf32, #tpu.memory_space<hbm>> -> memref<10240x128xf32, #tpu.memory_space<hbm>>
      tpu.enqueue_indirect_dma source(%dma_start3A_181 : memref<10240x128xf32, #tpu.memory_space<hbm>>) target(%arg9 : memref<128x128xf32, #tpu.memory_space<vmem>>) offsets(%dma_start3A_178 : memref<128xi32, #tpu.memory_space<vmem>>) semaphore(%arg12 : memref<!tpu.dma_semaphore, #tpu.memory_space<semaphore_mem>>)
      %dma_wait3A = arith.constant 0 : i32
      %dma_wait3A_182 = tpu.memref_slice %arg7[%while3A_175, %dma_wait3A] : memref<102x128xi32, #tpu.memory_space<vmem>> -> memref<1x128xi32, #tpu.memory_space<vmem>>
      %dma_wait3A_183 = tpu.memref_squeeze %dma_wait3A_182 : memref<1x128xi32, #tpu.memory_space<vmem>> -> memref<128xi32, #tpu.memory_space<vmem>>
      %dma_wait3A_184 = arith.constant 0 : i32
      %dma_wait3A_185 = arith.constant 0 : i32
      %dma_wait3A_186 = tpu.memref_slice %arg2[%dma_wait3A_184, %dma_wait3A_185] : memref<10240x128xf32, #tpu.memory_space<hbm>> -> memref<10240x128xf32, #tpu.memory_space<hbm>>
      tpu.wait_indirect_dma semaphore(%arg12 : memref<!tpu.dma_semaphore, #tpu.memory_space<semaphore_mem>>) src(%dma_wait3A_186 : memref<10240x128xf32, #tpu.memory_space<hbm>>) dst(%arg9 : memref<128x128xf32, #tpu.memory_space<vmem>>)
      "tpu.region"() ({
        %run_scoped3A = tpu.sem_alloc : memref<!tpu.dma_semaphore, #tpu.memory_space<semaphore_mem>>
        %dma_start3A_188 = arith.constant 0 : i32
        %dma_start3A_189 = tpu.memref_slice %arg8[%while3A_175, %dma_start3A_188] : memref<102x128xi32, #tpu.memory_space<vmem>> -> memref<1x128xi32, #tpu.memory_space<vmem>>
        %dma_start3A_190 = tpu.memref_squeeze %dma_start3A_189 : memref<1x128xi32, #tpu.memory_space<vmem>> -> memref<128xi32, #tpu.memory_space<vmem>>
        %dma_start3A_191 = arith.constant 0 : i32
        %dma_start3A_192 = arith.constant 0 : i32
        %dma_start3A_193 = tpu.memref_slice %arg11[%dma_start3A_191, %dma_start3A_192] : memref<10240x128xf32, #tpu.memory_space<vmem_shared>> -> memref<10240x128xf32, #tpu.memory_space<vmem_shared>>
        tpu.enqueue_indirect_dma source(%arg9 : memref<128x128xf32, #tpu.memory_space<vmem>>) target(%dma_start3A_193 : memref<10240x128xf32, #tpu.memory_space<vmem_shared>>) offsets(%dma_start3A_190 : memref<128xi32, #tpu.memory_space<vmem>>) semaphore(%run_scoped3A : memref<!tpu.dma_semaphore, #tpu.memory_space<semaphore_mem>>) {add = true}
        %dma_wait3A_194 = arith.constant 0 : i32
        %dma_wait3A_195 = tpu.memref_slice %arg8[%while3A_175, %dma_wait3A_194] : memref<102x128xi32, #tpu.memory_space<vmem>> -> memref<1x128xi32, #tpu.memory_space<vmem>>
        %dma_wait3A_196 = tpu.memref_squeeze %dma_wait3A_195 : memref<1x128xi32, #tpu.memory_space<vmem>> -> memref<128xi32, #tpu.memory_space<vmem>>
        %dma_wait3A_197 = arith.constant 0 : i32
        %dma_wait3A_198 = arith.constant 0 : i32
        %dma_wait3A_199 = tpu.memref_slice %arg11[%dma_wait3A_197, %dma_wait3A_198] : memref<10240x128xf32, #tpu.memory_space<vmem_shared>> -> memref<10240x128xf32, #tpu.memory_space<vmem_shared>>
        tpu.wait_indirect_dma semaphore(%run_scoped3A : memref<!tpu.dma_semaphore, #tpu.memory_space<semaphore_mem>>) src(%arg9 : memref<128x128xf32, #tpu.memory_space<vmem>>) dst(%dma_wait3A_199 : memref<10240x128xf32, #tpu.memory_space<vmem_shared>>)
        tpu.yield
      }) : () -> ()
      %while3A_187 = arith.constant 0 : i32
      scf.yield %while3A_187 : i32
    }
    %while3A_92 = arith.constant 1 : i32
    %while3A_93 = scf.for %while3A_175 = %while3A_89 to %while3A_85 step %while3A_92 iter_args(%while3A_176 = %while3A_91) -> (i32)  : i32 {
      %dma_start3A = arith.constant 0 : i32
      %dma_start3A_177 = tpu.memref_slice %arg7[%while3A_175, %dma_start3A] : memref<102x128xi32, #tpu.memory_space<vmem>> -> memref<1x128xi32, #tpu.memory_space<vmem>>
      %dma_start3A_178 = tpu.memref_squeeze %dma_start3A_177 : memref<1x128xi32, #tpu.memory_space<vmem>> -> memref<128xi32, #tpu.memory_space<vmem>>
      %dma_start3A_179 = arith.constant 0 : i32
      %dma_start3A_180 = arith.constant 0 : i32
      %dma_start3A_181 = tpu.memref_slice %arg2[%dma_start3A_179, %dma_start3A_180] : memref<10240x128xf32, #tpu.memory_space<hbm>> -> memref<10240x128xf32, #tpu.memory_space<hbm>>
      tpu.enqueue_indirect_dma source(%dma_start3A_181 : memref<10240x128xf32, #tpu.memory_space<hbm>>) target(%arg9 : memref<128x128xf32, #tpu.memory_space<vmem>>) offsets(%dma_start3A_178 : memref<128xi32, #tpu.memory_space<vmem>>) semaphore(%arg12 : memref<!tpu.dma_semaphore, #tpu.memory_space<semaphore_mem>>)
      %dma_wait3A = arith.constant 0 : i32
      %dma_wait3A_182 = tpu.memref_slice %arg7[%while3A_175, %dma_wait3A] : memref<102x128xi32, #tpu.memory_space<vmem>> -> memref<1x128xi32, #tpu.memory_space<vmem>>
      %dma_wait3A_183 = tpu.memref_squeeze %dma_wait3A_182 : memref<1x128xi32, #tpu.memory_space<vmem>> -> memref<128xi32, #tpu.memory_space<vmem>>
      %dma_wait3A_184 = arith.constant 0 : i32
      %dma_wait3A_185 = arith.constant 0 : i32
      %dma_wait3A_186 = tpu.memref_slice %arg2[%dma_wait3A_184, %dma_wait3A_185] : memref<10240x128xf32, #tpu.memory_space<hbm>> -> memref<10240x128xf32, #tpu.memory_space<hbm>>
      tpu.wait_indirect_dma semaphore(%arg12 : memref<!tpu.dma_semaphore, #tpu.memory_space<semaphore_mem>>) src(%dma_wait3A_186 : memref<10240x128xf32, #tpu.memory_space<hbm>>) dst(%arg9 : memref<128x128xf32, #tpu.memory_space<vmem>>)
      "tpu.region"() ({
        %run_scoped3A = tpu.sem_alloc : memref<!tpu.dma_semaphore, #tpu.memory_space<semaphore_mem>>
        %dma_start3A_188 = arith.constant 0 : i32
        %dma_start3A_189 = tpu.memref_slice %arg8[%while3A_175, %dma_start3A_188] : memref<102x128xi32, #tpu.memory_space<vmem>> -> memref<1x128xi32, #tpu.memory_space<vmem>>
        %dma_start3A_190 = tpu.memref_squeeze %dma_start3A_189 : memref<1x128xi32, #tpu.memory_space<vmem>> -> memref<128xi32, #tpu.memory_space<vmem>>
        %dma_start3A_191 = arith.constant 0 : i32
        %dma_start3A_192 = arith.constant 0 : i32
        %dma_start3A_193 = tpu.memref_slice %arg11[%dma_start3A_191, %dma_start3A_192] : memref<10240x128xf32, #tpu.memory_space<vmem_shared>> -> memref<10240x128xf32, #tpu.memory_space<vmem_shared>>
        tpu.enqueue_indirect_dma source(%arg9 : memref<128x128xf32, #tpu.memory_space<vmem>>) target(%dma_start3A_193 : memref<10240x128xf32, #tpu.memory_space<vmem_shared>>) offsets(%dma_start3A_190 : memref<128xi32, #tpu.memory_space<vmem>>) semaphore(%run_scoped3A : memref<!tpu.dma_semaphore, #tpu.memory_space<semaphore_mem>>) {add = true}
        %dma_wait3A_194 = arith.constant 0 : i32
        %dma_wait3A_195 = tpu.memref_slice %arg8[%while3A_175, %dma_wait3A_194] : memref<102x128xi32, #tpu.memory_space<vmem>> -> memref<1x128xi32, #tpu.memory_space<vmem>>
        %dma_wait3A_196 = tpu.memref_squeeze %dma_wait3A_195 : memref<1x128xi32, #tpu.memory_space<vmem>> -> memref<128xi32, #tpu.memory_space<vmem>>
        %dma_wait3A_197 = arith.constant 0 : i32
        %dma_wait3A_198 = arith.constant 0 : i32
        %dma_wait3A_199 = tpu.memref_slice %arg11[%dma_wait3A_197, %dma_wait3A_198] : memref<10240x128xf32, #tpu.memory_space<vmem_shared>> -> memref<10240x128xf32, #tpu.memory_space<vmem_shared>>
        tpu.wait_indirect_dma semaphore(%run_scoped3A : memref<!tpu.dma_semaphore, #tpu.memory_space<semaphore_mem>>) src(%arg9 : memref<128x128xf32, #tpu.memory_space<vmem>>) dst(%dma_wait3A_199 : memref<10240x128xf32, #tpu.memory_space<vmem_shared>>)
        tpu.yield
      }) : () -> ()
      %while3A_187 = arith.constant 0 : i32
      scf.yield %while3A_187 : i32
    }
    %barrier3A_94 = arith.constant 0 : index
    tpu.barrier barrier_id(%barrier3A_94)
    %mul3A_95 = arith.constant 640 : i32
    %mul3A_96 = arith.muli %arg1, %mul3A_95 : i32
    %add3A_97 = arith.constant 0 : i32
    %add3A_98 = arith.addi %mul3A_96, %add3A_97 : i32
    "tpu.region"() ({
      %run_scoped3A = tpu.sem_alloc : memref<!tpu.dma_semaphore, #tpu.memory_space<semaphore_mem>>
      %dma_start3A = arith.constant 0 : i32
      %dma_start3A_175 = tpu.memref_slice %arg11[%add3A_98, %dma_start3A] : memref<10240x128xf32, #tpu.memory_space<vmem_shared>> -> memref<32x128xf32, #tpu.memory_space<vmem_shared>>
      %dma_start3A_176 = arith.constant 0 : i32
      %dma_start3A_177 = tpu.memref_slice %arg11[%add3A_98, %dma_start3A_176] : memref<10240x128xf32, #tpu.memory_space<vmem_shared>> -> memref<32x128xf32, #tpu.memory_space<vmem_shared>>
      tpu.enqueue_dma source(%dma_start3A_177 : memref<32x128xf32, #tpu.memory_space<vmem_shared>>) target(%arg10 : memref<32x128xf32, #tpu.memory_space<vmem>>) target_semaphore(%run_scoped3A : memref<!tpu.dma_semaphore, #tpu.memory_space<semaphore_mem>>)
      %dma_wait3A = arith.constant 0 : i32
      %dma_wait3A_178 = tpu.memref_slice %arg11[%add3A_98, %dma_wait3A] : memref<10240x128xf32, #tpu.memory_space<vmem_shared>> -> memref<32x128xf32, #tpu.memory_space<vmem_shared>>
      %dma_wait3A_179 = arith.constant 0 : i32
      %dma_wait3A_180 = tpu.memref_slice %arg11[%add3A_98, %dma_wait3A_179] : memref<10240x128xf32, #tpu.memory_space<vmem_shared>> -> memref<32x128xf32, #tpu.memory_space<vmem_shared>>
      tpu.wait_dma2 semaphore(%run_scoped3A : memref<!tpu.dma_semaphore, #tpu.memory_space<semaphore_mem>>) src(%dma_wait3A_180 : memref<32x128xf32, #tpu.memory_space<vmem_shared>>) dst(%arg10 : memref<32x128xf32, #tpu.memory_space<vmem>>)
      tpu.yield
    }) : () -> ()
    "tpu.region"() ({
      %run_scoped3A = tpu.sem_alloc : memref<!tpu.dma_semaphore, #tpu.memory_space<semaphore_mem>>
      %dma_start3A = arith.constant 0 : i32
      %dma_start3A_175 = tpu.memref_slice %arg6[%arg0, %add3A_98, %dma_start3A] : memref<2x10240x128xf32, #tpu.memory_space<hbm>> -> memref<1x32x128xf32, #tpu.memory_space<hbm>>
      %dma_start3A_176 = tpu.memref_squeeze %dma_start3A_175 : memref<1x32x128xf32, #tpu.memory_space<hbm>> -> memref<32x128xf32, #tpu.memory_space<hbm>>
      %dma_start3A_177 = arith.constant 0 : i32
      %dma_start3A_178 = tpu.memref_slice %arg6[%arg0, %add3A_98, %dma_start3A_177] : memref<2x10240x128xf32, #tpu.memory_space<hbm>> -> memref<1x32x128xf32, #tpu.memory_space<hbm>>
      %dma_start3A_179 = tpu.memref_squeeze %dma_start3A_178 : memref<1x32x128xf32, #tpu.memory_space<hbm>> -> memref<32x128xf32, #tpu.memory_space<hbm>>
      tpu.enqueue_dma source(%arg10 : memref<32x128xf32, #tpu.memory_space<vmem>>) target(%dma_start3A_179 : memref<32x128xf32, #tpu.memory_space<hbm>>) target_semaphore(%run_scoped3A : memref<!tpu.dma_semaphore, #tpu.memory_space<semaphore_mem>>)
      %dma_wait3A = arith.constant 0 : i32
      %dma_wait3A_180 = tpu.memref_slice %arg6[%arg0, %add3A_98, %dma_wait3A] : memref<2x10240x128xf32, #tpu.memory_space<hbm>> -> memref<1x32x128xf32, #tpu.memory_space<hbm>>
      %dma_wait3A_181 = tpu.memref_squeeze %dma_wait3A_180 : memref<1x32x128xf32, #tpu.memory_space<hbm>> -> memref<32x128xf32, #tpu.memory_space<hbm>>
      %dma_wait3A_182 = arith.constant 0 : i32
      %dma_wait3A_183 = tpu.memref_slice %arg6[%arg0, %add3A_98, %dma_wait3A_182] : memref<2x10240x128xf32, #tpu.memory_space<hbm>> -> memref<1x32x128xf32, #tpu.memory_space<hbm>>
      %dma_wait3A_184 = tpu.memref_squeeze %dma_wait3A_183 : memref<1x32x128xf32, #tpu.memory_space<hbm>> -> memref<32x128xf32, #tpu.memory_space<hbm>>
      tpu.wait_dma2 semaphore(%run_scoped3A : memref<!tpu.dma_semaphore, #tpu.memory_space<semaphore_mem>>) src(%arg10 : memref<32x128xf32, #tpu.memory_space<vmem>>) dst(%dma_wait3A_184 : memref<32x128xf32, #tpu.memory_space<hbm>>)
      tpu.yield
    }) : () -> ()
    %mul3A_99 = arith.constant 640 : i32
    %mul3A_100 = arith.muli %arg1, %mul3A_99 : i32
    %add3A_101 = arith.constant 32 : i32
    %add3A_102 = arith.addi %mul3A_100, %add3A_101 : i32
    "tpu.region"() ({
      %run_scoped3A = tpu.sem_alloc : memref<!tpu.dma_semaphore, #tpu.memory_space<semaphore_mem>>
      %dma_start3A = arith.constant 0 : i32
      %dma_start3A_175 = tpu.memref_slice %arg11[%add3A_102, %dma_start3A] : memref<10240x128xf32, #tpu.memory_space<vmem_shared>> -> memref<32x128xf32, #tpu.memory_space<vmem_shared>>
      %dma_start3A_176 = arith.constant 0 : i32
      %dma_start3A_177 = tpu.memref_slice %arg11[%add3A_102, %dma_start3A_176] : memref<10240x128xf32, #tpu.memory_space<vmem_shared>> -> memref<32x128xf32, #tpu.memory_space<vmem_shared>>
      tpu.enqueue_dma source(%dma_start3A_177 : memref<32x128xf32, #tpu.memory_space<vmem_shared>>) target(%arg10 : memref<32x128xf32, #tpu.memory_space<vmem>>) target_semaphore(%run_scoped3A : memref<!tpu.dma_semaphore, #tpu.memory_space<semaphore_mem>>)
      %dma_wait3A = arith.constant 0 : i32
      %dma_wait3A_178 = tpu.memref_slice %arg11[%add3A_102, %dma_wait3A] : memref<10240x128xf32, #tpu.memory_space<vmem_shared>> -> memref<32x128xf32, #tpu.memory_space<vmem_shared>>
      %dma_wait3A_179 = arith.constant 0 : i32
      %dma_wait3A_180 = tpu.memref_slice %arg11[%add3A_102, %dma_wait3A_179] : memref<10240x128xf32, #tpu.memory_space<vmem_shared>> -> memref<32x128xf32, #tpu.memory_space<vmem_shared>>
      tpu.wait_dma2 semaphore(%run_scoped3A : memref<!tpu.dma_semaphore, #tpu.memory_space<semaphore_mem>>) src(%dma_wait3A_180 : memref<32x128xf32, #tpu.memory_space<vmem_shared>>) dst(%arg10 : memref<32x128xf32, #tpu.memory_space<vmem>>)
      tpu.yield
    }) : () -> ()
    "tpu.region"() ({
      %run_scoped3A = tpu.sem_alloc : memref<!tpu.dma_semaphore, #tpu.memory_space<semaphore_mem>>
      %dma_start3A = arith.constant 0 : i32
      %dma_start3A_175 = tpu.memref_slice %arg6[%arg0, %add3A_102, %dma_start3A] : memref<2x10240x128xf32, #tpu.memory_space<hbm>> -> memref<1x32x128xf32, #tpu.memory_space<hbm>>
      %dma_start3A_176 = tpu.memref_squeeze %dma_start3A_175 : memref<1x32x128xf32, #tpu.memory_space<hbm>> -> memref<32x128xf32, #tpu.memory_space<hbm>>
      %dma_start3A_177 = arith.constant 0 : i32
      %dma_start3A_178 = tpu.memref_slice %arg6[%arg0, %add3A_102, %dma_start3A_177] : memref<2x10240x128xf32, #tpu.memory_space<hbm>> -> memref<1x32x128xf32, #tpu.memory_space<hbm>>
      %dma_start3A_179 = tpu.memref_squeeze %dma_start3A_178 : memref<1x32x128xf32, #tpu.memory_space<hbm>> -> memref<32x128xf32, #tpu.memory_space<hbm>>
      tpu.enqueue_dma source(%arg10 : memref<32x128xf32, #tpu.memory_space<vmem>>) target(%dma_start3A_179 : memref<32x128xf32, #tpu.memory_space<hbm>>) target_semaphore(%run_scoped3A : memref<!tpu.dma_semaphore, #tpu.memory_space<semaphore_mem>>)
      %dma_wait3A = arith.constant 0 : i32
      %dma_wait3A_180 = tpu.memref_slice %arg6[%arg0, %add3A_102, %dma_wait3A] : memref<2x10240x128xf32, #tpu.memory_space<hbm>> -> memref<1x32x128xf32, #tpu.memory_space<hbm>>
      %dma_wait3A_181 = tpu.memref_squeeze %dma_wait3A_180 : memref<1x32x128xf32, #tpu.memory_space<hbm>> -> memref<32x128xf32, #tpu.memory_space<hbm>>
      %dma_wait3A_182 = arith.constant 0 : i32
      %dma_wait3A_183 = tpu.memref_slice %arg6[%arg0, %add3A_102, %dma_wait3A_182] : memref<2x10240x128xf32, #tpu.memory_space<hbm>> -> memref<1x32x128xf32, #tpu.memory_space<hbm>>
      %dma_wait3A_184 = tpu.memref_squeeze %dma_wait3A_183 : memref<1x32x128xf32, #tpu.memory_space<hbm>> -> memref<32x128xf32, #tpu.memory_space<hbm>>
      tpu.wait_dma2 semaphore(%run_scoped3A : memref<!tpu.dma_semaphore, #tpu.memory_space<semaphore_mem>>) src(%arg10 : memref<32x128xf32, #tpu.memory_space<vmem>>) dst(%dma_wait3A_184 : memref<32x128xf32, #tpu.memory_space<hbm>>)
      tpu.yield
    }) : () -> ()
    %mul3A_103 = arith.constant 640 : i32
    %mul3A_104 = arith.muli %arg1, %mul3A_103 : i32
    %add3A_105 = arith.constant 64 : i32
    %add3A_106 = arith.addi %mul3A_104, %add3A_105 : i32
    "tpu.region"() ({
      %run_scoped3A = tpu.sem_alloc : memref<!tpu.dma_semaphore, #tpu.memory_space<semaphore_mem>>
      %dma_start3A = arith.constant 0 : i32
      %dma_start3A_175 = tpu.memref_slice %arg11[%add3A_106, %dma_start3A] : memref<10240x128xf32, #tpu.memory_space<vmem_shared>> -> memref<32x128xf32, #tpu.memory_space<vmem_shared>>
      %dma_start3A_176 = arith.constant 0 : i32
      %dma_start3A_177 = tpu.memref_slice %arg11[%add3A_106, %dma_start3A_176] : memref<10240x128xf32, #tpu.memory_space<vmem_shared>> -> memref<32x128xf32, #tpu.memory_space<vmem_shared>>
      tpu.enqueue_dma source(%dma_start3A_177 : memref<32x128xf32, #tpu.memory_space<vmem_shared>>) target(%arg10 : memref<32x128xf32, #tpu.memory_space<vmem>>) target_semaphore(%run_scoped3A : memref<!tpu.dma_semaphore, #tpu.memory_space<semaphore_mem>>)
      %dma_wait3A = arith.constant 0 : i32
      %dma_wait3A_178 = tpu.memref_slice %arg11[%add3A_106, %dma_wait3A] : memref<10240x128xf32, #tpu.memory_space<vmem_shared>> -> memref<32x128xf32, #tpu.memory_space<vmem_shared>>
      %dma_wait3A_179 = arith.constant 0 : i32
      %dma_wait3A_180 = tpu.memref_slice %arg11[%add3A_106, %dma_wait3A_179] : memref<10240x128xf32, #tpu.memory_space<vmem_shared>> -> memref<32x128xf32, #tpu.memory_space<vmem_shared>>
      tpu.wait_dma2 semaphore(%run_scoped3A : memref<!tpu.dma_semaphore, #tpu.memory_space<semaphore_mem>>) src(%dma_wait3A_180 : memref<32x128xf32, #tpu.memory_space<vmem_shared>>) dst(%arg10 : memref<32x128xf32, #tpu.memory_space<vmem>>)
      tpu.yield
    }) : () -> ()
    "tpu.region"() ({
      %run_scoped3A = tpu.sem_alloc : memref<!tpu.dma_semaphore, #tpu.memory_space<semaphore_mem>>
      %dma_start3A = arith.constant 0 : i32
      %dma_start3A_175 = tpu.memref_slice %arg6[%arg0, %add3A_106, %dma_start3A] : memref<2x10240x128xf32, #tpu.memory_space<hbm>> -> memref<1x32x128xf32, #tpu.memory_space<hbm>>
      %dma_start3A_176 = tpu.memref_squeeze %dma_start3A_175 : memref<1x32x128xf32, #tpu.memory_space<hbm>> -> memref<32x128xf32, #tpu.memory_space<hbm>>
      %dma_start3A_177 = arith.constant 0 : i32
      %dma_start3A_178 = tpu.memref_slice %arg6[%arg0, %add3A_106, %dma_start3A_177] : memref<2x10240x128xf32, #tpu.memory_space<hbm>> -> memref<1x32x128xf32, #tpu.memory_space<hbm>>
      %dma_start3A_179 = tpu.memref_squeeze %dma_start3A_178 : memref<1x32x128xf32, #tpu.memory_space<hbm>> -> memref<32x128xf32, #tpu.memory_space<hbm>>
      tpu.enqueue_dma source(%arg10 : memref<32x128xf32, #tpu.memory_space<vmem>>) target(%dma_start3A_179 : memref<32x128xf32, #tpu.memory_space<hbm>>) target_semaphore(%run_scoped3A : memref<!tpu.dma_semaphore, #tpu.memory_space<semaphore_mem>>)
      %dma_wait3A = arith.constant 0 : i32
      %dma_wait3A_180 = tpu.memref_slice %arg6[%arg0, %add3A_106, %dma_wait3A] : memref<2x10240x128xf32, #tpu.memory_space<hbm>> -> memref<1x32x128xf32, #tpu.memory_space<hbm>>
      %dma_wait3A_181 = tpu.memref_squeeze %dma_wait3A_180 : memref<1x32x128xf32, #tpu.memory_space<hbm>> -> memref<32x128xf32, #tpu.memory_space<hbm>>
      %dma_wait3A_182 = arith.constant 0 : i32
      %dma_wait3A_183 = tpu.memref_slice %arg6[%arg0, %add3A_106, %dma_wait3A_182] : memref<2x10240x128xf32, #tpu.memory_space<hbm>> -> memref<1x32x128xf32, #tpu.memory_space<hbm>>
      %dma_wait3A_184 = tpu.memref_squeeze %dma_wait3A_183 : memref<1x32x128xf32, #tpu.memory_space<hbm>> -> memref<32x128xf32, #tpu.memory_space<hbm>>
      tpu.wait_dma2 semaphore(%run_scoped3A : memref<!tpu.dma_semaphore, #tpu.memory_space<semaphore_mem>>) src(%arg10 : memref<32x128xf32, #tpu.memory_space<vmem>>) dst(%dma_wait3A_184 : memref<32x128xf32, #tpu.memory_space<hbm>>)
      tpu.yield
    }) : () -> ()
    %mul3A_107 = arith.constant 640 : i32
    %mul3A_108 = arith.muli %arg1, %mul3A_107 : i32
    %add3A_109 = arith.constant 96 : i32
    %add3A_110 = arith.addi %mul3A_108, %add3A_109 : i32
    "tpu.region"() ({
      %run_scoped3A = tpu.sem_alloc : memref<!tpu.dma_semaphore, #tpu.memory_space<semaphore_mem>>
      %dma_start3A = arith.constant 0 : i32
      %dma_start3A_175 = tpu.memref_slice %arg11[%add3A_110, %dma_start3A] : memref<10240x128xf32, #tpu.memory_space<vmem_shared>> -> memref<32x128xf32, #tpu.memory_space<vmem_shared>>
      %dma_start3A_176 = arith.constant 0 : i32
      %dma_start3A_177 = tpu.memref_slice %arg11[%add3A_110, %dma_start3A_176] : memref<10240x128xf32, #tpu.memory_space<vmem_shared>> -> memref<32x128xf32, #tpu.memory_space<vmem_shared>>
      tpu.enqueue_dma source(%dma_start3A_177 : memref<32x128xf32, #tpu.memory_space<vmem_shared>>) target(%arg10 : memref<32x128xf32, #tpu.memory_space<vmem>>) target_semaphore(%run_scoped3A : memref<!tpu.dma_semaphore, #tpu.memory_space<semaphore_mem>>)
      %dma_wait3A = arith.constant 0 : i32
      %dma_wait3A_178 = tpu.memref_slice %arg11[%add3A_110, %dma_wait3A] : memref<10240x128xf32, #tpu.memory_space<vmem_shared>> -> memref<32x128xf32, #tpu.memory_space<vmem_shared>>
      %dma_wait3A_179 = arith.constant 0 : i32
      %dma_wait3A_180 = tpu.memref_slice %arg11[%add3A_110, %dma_wait3A_179] : memref<10240x128xf32, #tpu.memory_space<vmem_shared>> -> memref<32x128xf32, #tpu.memory_space<vmem_shared>>
      tpu.wait_dma2 semaphore(%run_scoped3A : memref<!tpu.dma_semaphore, #tpu.memory_space<semaphore_mem>>) src(%dma_wait3A_180 : memref<32x128xf32, #tpu.memory_space<vmem_shared>>) dst(%arg10 : memref<32x128xf32, #tpu.memory_space<vmem>>)
      tpu.yield
    }) : () -> ()
    "tpu.region"() ({
      %run_scoped3A = tpu.sem_alloc : memref<!tpu.dma_semaphore, #tpu.memory_space<semaphore_mem>>
      %dma_start3A = arith.constant 0 : i32
      %dma_start3A_175 = tpu.memref_slice %arg6[%arg0, %add3A_110, %dma_start3A] : memref<2x10240x128xf32, #tpu.memory_space<hbm>> -> memref<1x32x128xf32, #tpu.memory_space<hbm>>
      %dma_start3A_176 = tpu.memref_squeeze %dma_start3A_175 : memref<1x32x128xf32, #tpu.memory_space<hbm>> -> memref<32x128xf32, #tpu.memory_space<hbm>>
      %dma_start3A_177 = arith.constant 0 : i32
      %dma_start3A_178 = tpu.memref_slice %arg6[%arg0, %add3A_110, %dma_start3A_177] : memref<2x10240x128xf32, #tpu.memory_space<hbm>> -> memref<1x32x128xf32, #tpu.memory_space<hbm>>
      %dma_start3A_179 = tpu.memref_squeeze %dma_start3A_178 : memref<1x32x128xf32, #tpu.memory_space<hbm>> -> memref<32x128xf32, #tpu.memory_space<hbm>>
      tpu.enqueue_dma source(%arg10 : memref<32x128xf32, #tpu.memory_space<vmem>>) target(%dma_start3A_179 : memref<32x128xf32, #tpu.memory_space<hbm>>) target_semaphore(%run_scoped3A : memref<!tpu.dma_semaphore, #tpu.memory_space<semaphore_mem>>)
      %dma_wait3A = arith.constant 0 : i32
      %dma_wait3A_180 = tpu.memref_slice %arg6[%arg0, %add3A_110, %dma_wait3A] : memref<2x10240x128xf32, #tpu.memory_space<hbm>> -> memref<1x32x128xf32, #tpu.memory_space<hbm>>
      %dma_wait3A_181 = tpu.memref_squeeze %dma_wait3A_180 : memref<1x32x128xf32, #tpu.memory_space<hbm>> -> memref<32x128xf32, #tpu.memory_space<hbm>>
      %dma_wait3A_182 = arith.constant 0 : i32
      %dma_wait3A_183 = tpu.memref_slice %arg6[%arg0, %add3A_110, %dma_wait3A_182] : memref<2x10240x128xf32, #tpu.memory_space<hbm>> -> memref<1x32x128xf32, #tpu.memory_space<hbm>>
      %dma_wait3A_184 = tpu.memref_squeeze %dma_wait3A_183 : memref<1x32x128xf32, #tpu.memory_space<hbm>> -> memref<32x128xf32, #tpu.memory_space<hbm>>
      tpu.wait_dma2 semaphore(%run_scoped3A : memref<!tpu.dma_semaphore, #tpu.memory_space<semaphore_mem>>) src(%arg10 : memref<32x128xf32, #tpu.memory_space<vmem>>) dst(%dma_wait3A_184 : memref<32x128xf32, #tpu.memory_space<hbm>>)
      tpu.yield
    }) : () -> ()
    %mul3A_111 = arith.constant 640 : i32
    %mul3A_112 = arith.muli %arg1, %mul3A_111 : i32
    %add3A_113 = arith.constant 128 : i32
    %add3A_114 = arith.addi %mul3A_112, %add3A_113 : i32
    "tpu.region"() ({
      %run_scoped3A = tpu.sem_alloc : memref<!tpu.dma_semaphore, #tpu.memory_space<semaphore_mem>>
      %dma_start3A = arith.constant 0 : i32
      %dma_start3A_175 = tpu.memref_slice %arg11[%add3A_114, %dma_start3A] : memref<10240x128xf32, #tpu.memory_space<vmem_shared>> -> memref<32x128xf32, #tpu.memory_space<vmem_shared>>
      %dma_start3A_176 = arith.constant 0 : i32
      %dma_start3A_177 = tpu.memref_slice %arg11[%add3A_114, %dma_start3A_176] : memref<10240x128xf32, #tpu.memory_space<vmem_shared>> -> memref<32x128xf32, #tpu.memory_space<vmem_shared>>
      tpu.enqueue_dma source(%dma_start3A_177 : memref<32x128xf32, #tpu.memory_space<vmem_shared>>) target(%arg10 : memref<32x128xf32, #tpu.memory_space<vmem>>) target_semaphore(%run_scoped3A : memref<!tpu.dma_semaphore, #tpu.memory_space<semaphore_mem>>)
      %dma_wait3A = arith.constant 0 : i32
      %dma_wait3A_178 = tpu.memref_slice %arg11[%add3A_114, %dma_wait3A] : memref<10240x128xf32, #tpu.memory_space<vmem_shared>> -> memref<32x128xf32, #tpu.memory_space<vmem_shared>>
      %dma_wait3A_179 = arith.constant 0 : i32
      %dma_wait3A_180 = tpu.memref_slice %arg11[%add3A_114, %dma_wait3A_179] : memref<10240x128xf32, #tpu.memory_space<vmem_shared>> -> memref<32x128xf32, #tpu.memory_space<vmem_shared>>
      tpu.wait_dma2 semaphore(%run_scoped3A : memref<!tpu.dma_semaphore, #tpu.memory_space<semaphore_mem>>) src(%dma_wait3A_180 : memref<32x128xf32, #tpu.memory_space<vmem_shared>>) dst(%arg10 : memref<32x128xf32, #tpu.memory_space<vmem>>)
      tpu.yield
    }) : () -> ()
    "tpu.region"() ({
      %run_scoped3A = tpu.sem_alloc : memref<!tpu.dma_semaphore, #tpu.memory_space<semaphore_mem>>
      %dma_start3A = arith.constant 0 : i32
      %dma_start3A_175 = tpu.memref_slice %arg6[%arg0, %add3A_114, %dma_start3A] : memref<2x10240x128xf32, #tpu.memory_space<hbm>> -> memref<1x32x128xf32, #tpu.memory_space<hbm>>
      %dma_start3A_176 = tpu.memref_squeeze %dma_start3A_175 : memref<1x32x128xf32, #tpu.memory_space<hbm>> -> memref<32x128xf32, #tpu.memory_space<hbm>>
      %dma_start3A_177 = arith.constant 0 : i32
      %dma_start3A_178 = tpu.memref_slice %arg6[%arg0, %add3A_114, %dma_start3A_177] : memref<2x10240x128xf32, #tpu.memory_space<hbm>> -> memref<1x32x128xf32, #tpu.memory_space<hbm>>
      %dma_start3A_179 = tpu.memref_squeeze %dma_start3A_178 : memref<1x32x128xf32, #tpu.memory_space<hbm>> -> memref<32x128xf32, #tpu.memory_space<hbm>>
      tpu.enqueue_dma source(%arg10 : memref<32x128xf32, #tpu.memory_space<vmem>>) target(%dma_start3A_179 : memref<32x128xf32, #tpu.memory_space<hbm>>) target_semaphore(%run_scoped3A : memref<!tpu.dma_semaphore, #tpu.memory_space<semaphore_mem>>)
      %dma_wait3A = arith.constant 0 : i32
      %dma_wait3A_180 = tpu.memref_slice %arg6[%arg0, %add3A_114, %dma_wait3A] : memref<2x10240x128xf32, #tpu.memory_space<hbm>> -> memref<1x32x128xf32, #tpu.memory_space<hbm>>
      %dma_wait3A_181 = tpu.memref_squeeze %dma_wait3A_180 : memref<1x32x128xf32, #tpu.memory_space<hbm>> -> memref<32x128xf32, #tpu.memory_space<hbm>>
      %dma_wait3A_182 = arith.constant 0 : i32
      %dma_wait3A_183 = tpu.memref_slice %arg6[%arg0, %add3A_114, %dma_wait3A_182] : memref<2x10240x128xf32, #tpu.memory_space<hbm>> -> memref<1x32x128xf32, #tpu.memory_space<hbm>>
      %dma_wait3A_184 = tpu.memref_squeeze %dma_wait3A_183 : memref<1x32x128xf32, #tpu.memory_space<hbm>> -> memref<32x128xf32, #tpu.memory_space<hbm>>
      tpu.wait_dma2 semaphore(%run_scoped3A : memref<!tpu.dma_semaphore, #tpu.memory_space<semaphore_mem>>) src(%arg10 : memref<32x128xf32, #tpu.memory_space<vmem>>) dst(%dma_wait3A_184 : memref<32x128xf32, #tpu.memory_space<hbm>>)
      tpu.yield
    }) : () -> ()
    %mul3A_115 = arith.constant 640 : i32
    %mul3A_116 = arith.muli %arg1, %mul3A_115 : i32
    %add3A_117 = arith.constant 160 : i32
    %add3A_118 = arith.addi %mul3A_116, %add3A_117 : i32
    "tpu.region"() ({
      %run_scoped3A = tpu.sem_alloc : memref<!tpu.dma_semaphore, #tpu.memory_space<semaphore_mem>>
      %dma_start3A = arith.constant 0 : i32
      %dma_start3A_175 = tpu.memref_slice %arg11[%add3A_118, %dma_start3A] : memref<10240x128xf32, #tpu.memory_space<vmem_shared>> -> memref<32x128xf32, #tpu.memory_space<vmem_shared>>
      %dma_start3A_176 = arith.constant 0 : i32
      %dma_start3A_177 = tpu.memref_slice %arg11[%add3A_118, %dma_start3A_176] : memref<10240x128xf32, #tpu.memory_space<vmem_shared>> -> memref<32x128xf32, #tpu.memory_space<vmem_shared>>
      tpu.enqueue_dma source(%dma_start3A_177 : memref<32x128xf32, #tpu.memory_space<vmem_shared>>) target(%arg10 : memref<32x128xf32, #tpu.memory_space<vmem>>) target_semaphore(%run_scoped3A : memref<!tpu.dma_semaphore, #tpu.memory_space<semaphore_mem>>)
      %dma_wait3A = arith.constant 0 : i32
      %dma_wait3A_178 = tpu.memref_slice %arg11[%add3A_118, %dma_wait3A] : memref<10240x128xf32, #tpu.memory_space<vmem_shared>> -> memref<32x128xf32, #tpu.memory_space<vmem_shared>>
      %dma_wait3A_179 = arith.constant 0 : i32
      %dma_wait3A_180 = tpu.memref_slice %arg11[%add3A_118, %dma_wait3A_179] : memref<10240x128xf32, #tpu.memory_space<vmem_shared>> -> memref<32x128xf32, #tpu.memory_space<vmem_shared>>
      tpu.wait_dma2 semaphore(%run_scoped3A : memref<!tpu.dma_semaphore, #tpu.memory_space<semaphore_mem>>) src(%dma_wait3A_180 : memref<32x128xf32, #tpu.memory_space<vmem_shared>>) dst(%arg10 : memref<32x128xf32, #tpu.memory_space<vmem>>)
      tpu.yield
    }) : () -> ()
    "tpu.region"() ({
      %run_scoped3A = tpu.sem_alloc : memref<!tpu.dma_semaphore, #tpu.memory_space<semaphore_mem>>
      %dma_start3A = arith.constant 0 : i32
      %dma_start3A_175 = tpu.memref_slice %arg6[%arg0, %add3A_118, %dma_start3A] : memref<2x10240x128xf32, #tpu.memory_space<hbm>> -> memref<1x32x128xf32, #tpu.memory_space<hbm>>
      %dma_start3A_176 = tpu.memref_squeeze %dma_start3A_175 : memref<1x32x128xf32, #tpu.memory_space<hbm>> -> memref<32x128xf32, #tpu.memory_space<hbm>>
      %dma_start3A_177 = arith.constant 0 : i32
      %dma_start3A_178 = tpu.memref_slice %arg6[%arg0, %add3A_118, %dma_start3A_177] : memref<2x10240x128xf32, #tpu.memory_space<hbm>> -> memref<1x32x128xf32, #tpu.memory_space<hbm>>
      %dma_start3A_179 = tpu.memref_squeeze %dma_start3A_178 : memref<1x32x128xf32, #tpu.memory_space<hbm>> -> memref<32x128xf32, #tpu.memory_space<hbm>>
      tpu.enqueue_dma source(%arg10 : memref<32x128xf32, #tpu.memory_space<vmem>>) target(%dma_start3A_179 : memref<32x128xf32, #tpu.memory_space<hbm>>) target_semaphore(%run_scoped3A : memref<!tpu.dma_semaphore, #tpu.memory_space<semaphore_mem>>)
      %dma_wait3A = arith.constant 0 : i32
      %dma_wait3A_180 = tpu.memref_slice %arg6[%arg0, %add3A_118, %dma_wait3A] : memref<2x10240x128xf32, #tpu.memory_space<hbm>> -> memref<1x32x128xf32, #tpu.memory_space<hbm>>
      %dma_wait3A_181 = tpu.memref_squeeze %dma_wait3A_180 : memref<1x32x128xf32, #tpu.memory_space<hbm>> -> memref<32x128xf32, #tpu.memory_space<hbm>>
      %dma_wait3A_182 = arith.constant 0 : i32
      %dma_wait3A_183 = tpu.memref_slice %arg6[%arg0, %add3A_118, %dma_wait3A_182] : memref<2x10240x128xf32, #tpu.memory_space<hbm>> -> memref<1x32x128xf32, #tpu.memory_space<hbm>>
      %dma_wait3A_184 = tpu.memref_squeeze %dma_wait3A_183 : memref<1x32x128xf32, #tpu.memory_space<hbm>> -> memref<32x128xf32, #tpu.memory_space<hbm>>
      tpu.wait_dma2 semaphore(%run_scoped3A : memref<!tpu.dma_semaphore, #tpu.memory_space<semaphore_mem>>) src(%arg10 : memref<32x128xf32, #tpu.memory_space<vmem>>) dst(%dma_wait3A_184 : memref<32x128xf32, #tpu.memory_space<hbm>>)
      tpu.yield
    }) : () -> ()
    %mul3A_119 = arith.constant 640 : i32
    %mul3A_120 = arith.muli %arg1, %mul3A_119 : i32
    %add3A_121 = arith.constant 192 : i32
    %add3A_122 = arith.addi %mul3A_120, %add3A_121 : i32
    "tpu.region"() ({
      %run_scoped3A = tpu.sem_alloc : memref<!tpu.dma_semaphore, #tpu.memory_space<semaphore_mem>>
      %dma_start3A = arith.constant 0 : i32
      %dma_start3A_175 = tpu.memref_slice %arg11[%add3A_122, %dma_start3A] : memref<10240x128xf32, #tpu.memory_space<vmem_shared>> -> memref<32x128xf32, #tpu.memory_space<vmem_shared>>
      %dma_start3A_176 = arith.constant 0 : i32
      %dma_start3A_177 = tpu.memref_slice %arg11[%add3A_122, %dma_start3A_176] : memref<10240x128xf32, #tpu.memory_space<vmem_shared>> -> memref<32x128xf32, #tpu.memory_space<vmem_shared>>
      tpu.enqueue_dma source(%dma_start3A_177 : memref<32x128xf32, #tpu.memory_space<vmem_shared>>) target(%arg10 : memref<32x128xf32, #tpu.memory_space<vmem>>) target_semaphore(%run_scoped3A : memref<!tpu.dma_semaphore, #tpu.memory_space<semaphore_mem>>)
      %dma_wait3A = arith.constant 0 : i32
      %dma_wait3A_178 = tpu.memref_slice %arg11[%add3A_122, %dma_wait3A] : memref<10240x128xf32, #tpu.memory_space<vmem_shared>> -> memref<32x128xf32, #tpu.memory_space<vmem_shared>>
      %dma_wait3A_179 = arith.constant 0 : i32
      %dma_wait3A_180 = tpu.memref_slice %arg11[%add3A_122, %dma_wait3A_179] : memref<10240x128xf32, #tpu.memory_space<vmem_shared>> -> memref<32x128xf32, #tpu.memory_space<vmem_shared>>
      tpu.wait_dma2 semaphore(%run_scoped3A : memref<!tpu.dma_semaphore, #tpu.memory_space<semaphore_mem>>) src(%dma_wait3A_180 : memref<32x128xf32, #tpu.memory_space<vmem_shared>>) dst(%arg10 : memref<32x128xf32, #tpu.memory_space<vmem>>)
      tpu.yield
    }) : () -> ()
    "tpu.region"() ({
      %run_scoped3A = tpu.sem_alloc : memref<!tpu.dma_semaphore, #tpu.memory_space<semaphore_mem>>
      %dma_start3A = arith.constant 0 : i32
      %dma_start3A_175 = tpu.memref_slice %arg6[%arg0, %add3A_122, %dma_start3A] : memref<2x10240x128xf32, #tpu.memory_space<hbm>> -> memref<1x32x128xf32, #tpu.memory_space<hbm>>
      %dma_start3A_176 = tpu.memref_squeeze %dma_start3A_175 : memref<1x32x128xf32, #tpu.memory_space<hbm>> -> memref<32x128xf32, #tpu.memory_space<hbm>>
      %dma_start3A_177 = arith.constant 0 : i32
      %dma_start3A_178 = tpu.memref_slice %arg6[%arg0, %add3A_122, %dma_start3A_177] : memref<2x10240x128xf32, #tpu.memory_space<hbm>> -> memref<1x32x128xf32, #tpu.memory_space<hbm>>
      %dma_start3A_179 = tpu.memref_squeeze %dma_start3A_178 : memref<1x32x128xf32, #tpu.memory_space<hbm>> -> memref<32x128xf32, #tpu.memory_space<hbm>>
      tpu.enqueue_dma source(%arg10 : memref<32x128xf32, #tpu.memory_space<vmem>>) target(%dma_start3A_179 : memref<32x128xf32, #tpu.memory_space<hbm>>) target_semaphore(%run_scoped3A : memref<!tpu.dma_semaphore, #tpu.memory_space<semaphore_mem>>)
      %dma_wait3A = arith.constant 0 : i32
      %dma_wait3A_180 = tpu.memref_slice %arg6[%arg0, %add3A_122, %dma_wait3A] : memref<2x10240x128xf32, #tpu.memory_space<hbm>> -> memref<1x32x128xf32, #tpu.memory_space<hbm>>
      %dma_wait3A_181 = tpu.memref_squeeze %dma_wait3A_180 : memref<1x32x128xf32, #tpu.memory_space<hbm>> -> memref<32x128xf32, #tpu.memory_space<hbm>>
      %dma_wait3A_182 = arith.constant 0 : i32
      %dma_wait3A_183 = tpu.memref_slice %arg6[%arg0, %add3A_122, %dma_wait3A_182] : memref<2x10240x128xf32, #tpu.memory_space<hbm>> -> memref<1x32x128xf32, #tpu.memory_space<hbm>>
      %dma_wait3A_184 = tpu.memref_squeeze %dma_wait3A_183 : memref<1x32x128xf32, #tpu.memory_space<hbm>> -> memref<32x128xf32, #tpu.memory_space<hbm>>
      tpu.wait_dma2 semaphore(%run_scoped3A : memref<!tpu.dma_semaphore, #tpu.memory_space<semaphore_mem>>) src(%arg10 : memref<32x128xf32, #tpu.memory_space<vmem>>) dst(%dma_wait3A_184 : memref<32x128xf32, #tpu.memory_space<hbm>>)
      tpu.yield
    }) : () -> ()
    %mul3A_123 = arith.constant 640 : i32
    %mul3A_124 = arith.muli %arg1, %mul3A_123 : i32
    %add3A_125 = arith.constant 224 : i32
    %add3A_126 = arith.addi %mul3A_124, %add3A_125 : i32
    "tpu.region"() ({
      %run_scoped3A = tpu.sem_alloc : memref<!tpu.dma_semaphore, #tpu.memory_space<semaphore_mem>>
      %dma_start3A = arith.constant 0 : i32
      %dma_start3A_175 = tpu.memref_slice %arg11[%add3A_126, %dma_start3A] : memref<10240x128xf32, #tpu.memory_space<vmem_shared>> -> memref<32x128xf32, #tpu.memory_space<vmem_shared>>
      %dma_start3A_176 = arith.constant 0 : i32
      %dma_start3A_177 = tpu.memref_slice %arg11[%add3A_126, %dma_start3A_176] : memref<10240x128xf32, #tpu.memory_space<vmem_shared>> -> memref<32x128xf32, #tpu.memory_space<vmem_shared>>
      tpu.enqueue_dma source(%dma_start3A_177 : memref<32x128xf32, #tpu.memory_space<vmem_shared>>) target(%arg10 : memref<32x128xf32, #tpu.memory_space<vmem>>) target_semaphore(%run_scoped3A : memref<!tpu.dma_semaphore, #tpu.memory_space<semaphore_mem>>)
      %dma_wait3A = arith.constant 0 : i32
      %dma_wait3A_178 = tpu.memref_slice %arg11[%add3A_126, %dma_wait3A] : memref<10240x128xf32, #tpu.memory_space<vmem_shared>> -> memref<32x128xf32, #tpu.memory_space<vmem_shared>>
      %dma_wait3A_179 = arith.constant 0 : i32
      %dma_wait3A_180 = tpu.memref_slice %arg11[%add3A_126, %dma_wait3A_179] : memref<10240x128xf32, #tpu.memory_space<vmem_shared>> -> memref<32x128xf32, #tpu.memory_space<vmem_shared>>
      tpu.wait_dma2 semaphore(%run_scoped3A : memref<!tpu.dma_semaphore, #tpu.memory_space<semaphore_mem>>) src(%dma_wait3A_180 : memref<32x128xf32, #tpu.memory_space<vmem_shared>>) dst(%arg10 : memref<32x128xf32, #tpu.memory_space<vmem>>)
      tpu.yield
    }) : () -> ()
    "tpu.region"() ({
      %run_scoped3A = tpu.sem_alloc : memref<!tpu.dma_semaphore, #tpu.memory_space<semaphore_mem>>
      %dma_start3A = arith.constant 0 : i32
      %dma_start3A_175 = tpu.memref_slice %arg6[%arg0, %add3A_126, %dma_start3A] : memref<2x10240x128xf32, #tpu.memory_space<hbm>> -> memref<1x32x128xf32, #tpu.memory_space<hbm>>
      %dma_start3A_176 = tpu.memref_squeeze %dma_start3A_175 : memref<1x32x128xf32, #tpu.memory_space<hbm>> -> memref<32x128xf32, #tpu.memory_space<hbm>>
      %dma_start3A_177 = arith.constant 0 : i32
      %dma_start3A_178 = tpu.memref_slice %arg6[%arg0, %add3A_126, %dma_start3A_177] : memref<2x10240x128xf32, #tpu.memory_space<hbm>> -> memref<1x32x128xf32, #tpu.memory_space<hbm>>
      %dma_start3A_179 = tpu.memref_squeeze %dma_start3A_178 : memref<1x32x128xf32, #tpu.memory_space<hbm>> -> memref<32x128xf32, #tpu.memory_space<hbm>>
      tpu.enqueue_dma source(%arg10 : memref<32x128xf32, #tpu.memory_space<vmem>>) target(%dma_start3A_179 : memref<32x128xf32, #tpu.memory_space<hbm>>) target_semaphore(%run_scoped3A : memref<!tpu.dma_semaphore, #tpu.memory_space<semaphore_mem>>)
      %dma_wait3A = arith.constant 0 : i32
      %dma_wait3A_180 = tpu.memref_slice %arg6[%arg0, %add3A_126, %dma_wait3A] : memref<2x10240x128xf32, #tpu.memory_space<hbm>> -> memref<1x32x128xf32, #tpu.memory_space<hbm>>
      %dma_wait3A_181 = tpu.memref_squeeze %dma_wait3A_180 : memref<1x32x128xf32, #tpu.memory_space<hbm>> -> memref<32x128xf32, #tpu.memory_space<hbm>>
      %dma_wait3A_182 = arith.constant 0 : i32
      %dma_wait3A_183 = tpu.memref_slice %arg6[%arg0, %add3A_126, %dma_wait3A_182] : memref<2x10240x128xf32, #tpu.memory_space<hbm>> -> memref<1x32x128xf32, #tpu.memory_space<hbm>>
      %dma_wait3A_184 = tpu.memref_squeeze %dma_wait3A_183 : memref<1x32x128xf32, #tpu.memory_space<hbm>> -> memref<32x128xf32, #tpu.memory_space<hbm>>
      tpu.wait_dma2 semaphore(%run_scoped3A : memref<!tpu.dma_semaphore, #tpu.memory_space<semaphore_mem>>) src(%arg10 : memref<32x128xf32, #tpu.memory_space<vmem>>) dst(%dma_wait3A_184 : memref<32x128xf32, #tpu.memory_space<hbm>>)
      tpu.yield
    }) : () -> ()
    %mul3A_127 = arith.constant 640 : i32
    %mul3A_128 = arith.muli %arg1, %mul3A_127 : i32
    %add3A_129 = arith.constant 256 : i32
    %add3A_130 = arith.addi %mul3A_128, %add3A_129 : i32
    "tpu.region"() ({
      %run_scoped3A = tpu.sem_alloc : memref<!tpu.dma_semaphore, #tpu.memory_space<semaphore_mem>>
      %dma_start3A = arith.constant 0 : i32
      %dma_start3A_175 = tpu.memref_slice %arg11[%add3A_130, %dma_start3A] : memref<10240x128xf32, #tpu.memory_space<vmem_shared>> -> memref<32x128xf32, #tpu.memory_space<vmem_shared>>
      %dma_start3A_176 = arith.constant 0 : i32
      %dma_start3A_177 = tpu.memref_slice %arg11[%add3A_130, %dma_start3A_176] : memref<10240x128xf32, #tpu.memory_space<vmem_shared>> -> memref<32x128xf32, #tpu.memory_space<vmem_shared>>
      tpu.enqueue_dma source(%dma_start3A_177 : memref<32x128xf32, #tpu.memory_space<vmem_shared>>) target(%arg10 : memref<32x128xf32, #tpu.memory_space<vmem>>) target_semaphore(%run_scoped3A : memref<!tpu.dma_semaphore, #tpu.memory_space<semaphore_mem>>)
      %dma_wait3A = arith.constant 0 : i32
      %dma_wait3A_178 = tpu.memref_slice %arg11[%add3A_130, %dma_wait3A] : memref<10240x128xf32, #tpu.memory_space<vmem_shared>> -> memref<32x128xf32, #tpu.memory_space<vmem_shared>>
      %dma_wait3A_179 = arith.constant 0 : i32
      %dma_wait3A_180 = tpu.memref_slice %arg11[%add3A_130, %dma_wait3A_179] : memref<10240x128xf32, #tpu.memory_space<vmem_shared>> -> memref<32x128xf32, #tpu.memory_space<vmem_shared>>
      tpu.wait_dma2 semaphore(%run_scoped3A : memref<!tpu.dma_semaphore, #tpu.memory_space<semaphore_mem>>) src(%dma_wait3A_180 : memref<32x128xf32, #tpu.memory_space<vmem_shared>>) dst(%arg10 : memref<32x128xf32, #tpu.memory_space<vmem>>)
      tpu.yield
    }) : () -> ()
    "tpu.region"() ({
      %run_scoped3A = tpu.sem_alloc : memref<!tpu.dma_semaphore, #tpu.memory_space<semaphore_mem>>
      %dma_start3A = arith.constant 0 : i32
      %dma_start3A_175 = tpu.memref_slice %arg6[%arg0, %add3A_130, %dma_start3A] : memref<2x10240x128xf32, #tpu.memory_space<hbm>> -> memref<1x32x128xf32, #tpu.memory_space<hbm>>
      %dma_start3A_176 = tpu.memref_squeeze %dma_start3A_175 : memref<1x32x128xf32, #tpu.memory_space<hbm>> -> memref<32x128xf32, #tpu.memory_space<hbm>>
      %dma_start3A_177 = arith.constant 0 : i32
      %dma_start3A_178 = tpu.memref_slice %arg6[%arg0, %add3A_130, %dma_start3A_177] : memref<2x10240x128xf32, #tpu.memory_space<hbm>> -> memref<1x32x128xf32, #tpu.memory_space<hbm>>
      %dma_start3A_179 = tpu.memref_squeeze %dma_start3A_178 : memref<1x32x128xf32, #tpu.memory_space<hbm>> -> memref<32x128xf32, #tpu.memory_space<hbm>>
      tpu.enqueue_dma source(%arg10 : memref<32x128xf32, #tpu.memory_space<vmem>>) target(%dma_start3A_179 : memref<32x128xf32, #tpu.memory_space<hbm>>) target_semaphore(%run_scoped3A : memref<!tpu.dma_semaphore, #tpu.memory_space<semaphore_mem>>)
      %dma_wait3A = arith.constant 0 : i32
      %dma_wait3A_180 = tpu.memref_slice %arg6[%arg0, %add3A_130, %dma_wait3A] : memref<2x10240x128xf32, #tpu.memory_space<hbm>> -> memref<1x32x128xf32, #tpu.memory_space<hbm>>
      %dma_wait3A_181 = tpu.memref_squeeze %dma_wait3A_180 : memref<1x32x128xf32, #tpu.memory_space<hbm>> -> memref<32x128xf32, #tpu.memory_space<hbm>>
      %dma_wait3A_182 = arith.constant 0 : i32
      %dma_wait3A_183 = tpu.memref_slice %arg6[%arg0, %add3A_130, %dma_wait3A_182] : memref<2x10240x128xf32, #tpu.memory_space<hbm>> -> memref<1x32x128xf32, #tpu.memory_space<hbm>>
      %dma_wait3A_184 = tpu.memref_squeeze %dma_wait3A_183 : memref<1x32x128xf32, #tpu.memory_space<hbm>> -> memref<32x128xf32, #tpu.memory_space<hbm>>
      tpu.wait_dma2 semaphore(%run_scoped3A : memref<!tpu.dma_semaphore, #tpu.memory_space<semaphore_mem>>) src(%arg10 : memref<32x128xf32, #tpu.memory_space<vmem>>) dst(%dma_wait3A_184 : memref<32x128xf32, #tpu.memory_space<hbm>>)
      tpu.yield
    }) : () -> ()
    %mul3A_131 = arith.constant 640 : i32
    %mul3A_132 = arith.muli %arg1, %mul3A_131 : i32
    %add3A_133 = arith.constant 288 : i32
    %add3A_134 = arith.addi %mul3A_132, %add3A_133 : i32
    "tpu.region"() ({
      %run_scoped3A = tpu.sem_alloc : memref<!tpu.dma_semaphore, #tpu.memory_space<semaphore_mem>>
      %dma_start3A = arith.constant 0 : i32
      %dma_start3A_175 = tpu.memref_slice %arg11[%add3A_134, %dma_start3A] : memref<10240x128xf32, #tpu.memory_space<vmem_shared>> -> memref<32x128xf32, #tpu.memory_space<vmem_shared>>
      %dma_start3A_176 = arith.constant 0 : i32
      %dma_start3A_177 = tpu.memref_slice %arg11[%add3A_134, %dma_start3A_176] : memref<10240x128xf32, #tpu.memory_space<vmem_shared>> -> memref<32x128xf32, #tpu.memory_space<vmem_shared>>
      tpu.enqueue_dma source(%dma_start3A_177 : memref<32x128xf32, #tpu.memory_space<vmem_shared>>) target(%arg10 : memref<32x128xf32, #tpu.memory_space<vmem>>) target_semaphore(%run_scoped3A : memref<!tpu.dma_semaphore, #tpu.memory_space<semaphore_mem>>)
      %dma_wait3A = arith.constant 0 : i32
      %dma_wait3A_178 = tpu.memref_slice %arg11[%add3A_134, %dma_wait3A] : memref<10240x128xf32, #tpu.memory_space<vmem_shared>> -> memref<32x128xf32, #tpu.memory_space<vmem_shared>>
      %dma_wait3A_179 = arith.constant 0 : i32
      %dma_wait3A_180 = tpu.memref_slice %arg11[%add3A_134, %dma_wait3A_179] : memref<10240x128xf32, #tpu.memory_space<vmem_shared>> -> memref<32x128xf32, #tpu.memory_space<vmem_shared>>
      tpu.wait_dma2 semaphore(%run_scoped3A : memref<!tpu.dma_semaphore, #tpu.memory_space<semaphore_mem>>) src(%dma_wait3A_180 : memref<32x128xf32, #tpu.memory_space<vmem_shared>>) dst(%arg10 : memref<32x128xf32, #tpu.memory_space<vmem>>)
      tpu.yield
    }) : () -> ()
    "tpu.region"() ({
      %run_scoped3A = tpu.sem_alloc : memref<!tpu.dma_semaphore, #tpu.memory_space<semaphore_mem>>
      %dma_start3A = arith.constant 0 : i32
      %dma_start3A_175 = tpu.memref_slice %arg6[%arg0, %add3A_134, %dma_start3A] : memref<2x10240x128xf32, #tpu.memory_space<hbm>> -> memref<1x32x128xf32, #tpu.memory_space<hbm>>
      %dma_start3A_176 = tpu.memref_squeeze %dma_start3A_175 : memref<1x32x128xf32, #tpu.memory_space<hbm>> -> memref<32x128xf32, #tpu.memory_space<hbm>>
      %dma_start3A_177 = arith.constant 0 : i32
      %dma_start3A_178 = tpu.memref_slice %arg6[%arg0, %add3A_134, %dma_start3A_177] : memref<2x10240x128xf32, #tpu.memory_space<hbm>> -> memref<1x32x128xf32, #tpu.memory_space<hbm>>
      %dma_start3A_179 = tpu.memref_squeeze %dma_start3A_178 : memref<1x32x128xf32, #tpu.memory_space<hbm>> -> memref<32x128xf32, #tpu.memory_space<hbm>>
      tpu.enqueue_dma source(%arg10 : memref<32x128xf32, #tpu.memory_space<vmem>>) target(%dma_start3A_179 : memref<32x128xf32, #tpu.memory_space<hbm>>) target_semaphore(%run_scoped3A : memref<!tpu.dma_semaphore, #tpu.memory_space<semaphore_mem>>)
      %dma_wait3A = arith.constant 0 : i32
      %dma_wait3A_180 = tpu.memref_slice %arg6[%arg0, %add3A_134, %dma_wait3A] : memref<2x10240x128xf32, #tpu.memory_space<hbm>> -> memref<1x32x128xf32, #tpu.memory_space<hbm>>
      %dma_wait3A_181 = tpu.memref_squeeze %dma_wait3A_180 : memref<1x32x128xf32, #tpu.memory_space<hbm>> -> memref<32x128xf32, #tpu.memory_space<hbm>>
      %dma_wait3A_182 = arith.constant 0 : i32
      %dma_wait3A_183 = tpu.memref_slice %arg6[%arg0, %add3A_134, %dma_wait3A_182] : memref<2x10240x128xf32, #tpu.memory_space<hbm>> -> memref<1x32x128xf32, #tpu.memory_space<hbm>>
      %dma_wait3A_184 = tpu.memref_squeeze %dma_wait3A_183 : memref<1x32x128xf32, #tpu.memory_space<hbm>> -> memref<32x128xf32, #tpu.memory_space<hbm>>
      tpu.wait_dma2 semaphore(%run_scoped3A : memref<!tpu.dma_semaphore, #tpu.memory_space<semaphore_mem>>) src(%arg10 : memref<32x128xf32, #tpu.memory_space<vmem>>) dst(%dma_wait3A_184 : memref<32x128xf32, #tpu.memory_space<hbm>>)
      tpu.yield
    }) : () -> ()
    %mul3A_135 = arith.constant 640 : i32
    %mul3A_136 = arith.muli %arg1, %mul3A_135 : i32
    %add3A_137 = arith.constant 320 : i32
    %add3A_138 = arith.addi %mul3A_136, %add3A_137 : i32
    "tpu.region"() ({
      %run_scoped3A = tpu.sem_alloc : memref<!tpu.dma_semaphore, #tpu.memory_space<semaphore_mem>>
      %dma_start3A = arith.constant 0 : i32
      %dma_start3A_175 = tpu.memref_slice %arg11[%add3A_138, %dma_start3A] : memref<10240x128xf32, #tpu.memory_space<vmem_shared>> -> memref<32x128xf32, #tpu.memory_space<vmem_shared>>
      %dma_start3A_176 = arith.constant 0 : i32
      %dma_start3A_177 = tpu.memref_slice %arg11[%add3A_138, %dma_start3A_176] : memref<10240x128xf32, #tpu.memory_space<vmem_shared>> -> memref<32x128xf32, #tpu.memory_space<vmem_shared>>
      tpu.enqueue_dma source(%dma_start3A_177 : memref<32x128xf32, #tpu.memory_space<vmem_shared>>) target(%arg10 : memref<32x128xf32, #tpu.memory_space<vmem>>) target_semaphore(%run_scoped3A : memref<!tpu.dma_semaphore, #tpu.memory_space<semaphore_mem>>)
      %dma_wait3A = arith.constant 0 : i32
      %dma_wait3A_178 = tpu.memref_slice %arg11[%add3A_138, %dma_wait3A] : memref<10240x128xf32, #tpu.memory_space<vmem_shared>> -> memref<32x128xf32, #tpu.memory_space<vmem_shared>>
      %dma_wait3A_179 = arith.constant 0 : i32
      %dma_wait3A_180 = tpu.memref_slice %arg11[%add3A_138, %dma_wait3A_179] : memref<10240x128xf32, #tpu.memory_space<vmem_shared>> -> memref<32x128xf32, #tpu.memory_space<vmem_shared>>
      tpu.wait_dma2 semaphore(%run_scoped3A : memref<!tpu.dma_semaphore, #tpu.memory_space<semaphore_mem>>) src(%dma_wait3A_180 : memref<32x128xf32, #tpu.memory_space<vmem_shared>>) dst(%arg10 : memref<32x128xf32, #tpu.memory_space<vmem>>)
      tpu.yield
    }) : () -> ()
    "tpu.region"() ({
      %run_scoped3A = tpu.sem_alloc : memref<!tpu.dma_semaphore, #tpu.memory_space<semaphore_mem>>
      %dma_start3A = arith.constant 0 : i32
      %dma_start3A_175 = tpu.memref_slice %arg6[%arg0, %add3A_138, %dma_start3A] : memref<2x10240x128xf32, #tpu.memory_space<hbm>> -> memref<1x32x128xf32, #tpu.memory_space<hbm>>
      %dma_start3A_176 = tpu.memref_squeeze %dma_start3A_175 : memref<1x32x128xf32, #tpu.memory_space<hbm>> -> memref<32x128xf32, #tpu.memory_space<hbm>>
      %dma_start3A_177 = arith.constant 0 : i32
      %dma_start3A_178 = tpu.memref_slice %arg6[%arg0, %add3A_138, %dma_start3A_177] : memref<2x10240x128xf32, #tpu.memory_space<hbm>> -> memref<1x32x128xf32, #tpu.memory_space<hbm>>
      %dma_start3A_179 = tpu.memref_squeeze %dma_start3A_178 : memref<1x32x128xf32, #tpu.memory_space<hbm>> -> memref<32x128xf32, #tpu.memory_space<hbm>>
      tpu.enqueue_dma source(%arg10 : memref<32x128xf32, #tpu.memory_space<vmem>>) target(%dma_start3A_179 : memref<32x128xf32, #tpu.memory_space<hbm>>) target_semaphore(%run_scoped3A : memref<!tpu.dma_semaphore, #tpu.memory_space<semaphore_mem>>)
      %dma_wait3A = arith.constant 0 : i32
      %dma_wait3A_180 = tpu.memref_slice %arg6[%arg0, %add3A_138, %dma_wait3A] : memref<2x10240x128xf32, #tpu.memory_space<hbm>> -> memref<1x32x128xf32, #tpu.memory_space<hbm>>
      %dma_wait3A_181 = tpu.memref_squeeze %dma_wait3A_180 : memref<1x32x128xf32, #tpu.memory_space<hbm>> -> memref<32x128xf32, #tpu.memory_space<hbm>>
      %dma_wait3A_182 = arith.constant 0 : i32
      %dma_wait3A_183 = tpu.memref_slice %arg6[%arg0, %add3A_138, %dma_wait3A_182] : memref<2x10240x128xf32, #tpu.memory_space<hbm>> -> memref<1x32x128xf32, #tpu.memory_space<hbm>>
      %dma_wait3A_184 = tpu.memref_squeeze %dma_wait3A_183 : memref<1x32x128xf32, #tpu.memory_space<hbm>> -> memref<32x128xf32, #tpu.memory_space<hbm>>
      tpu.wait_dma2 semaphore(%run_scoped3A : memref<!tpu.dma_semaphore, #tpu.memory_space<semaphore_mem>>) src(%arg10 : memref<32x128xf32, #tpu.memory_space<vmem>>) dst(%dma_wait3A_184 : memref<32x128xf32, #tpu.memory_space<hbm>>)
      tpu.yield
    }) : () -> ()
    %mul3A_139 = arith.constant 640 : i32
    %mul3A_140 = arith.muli %arg1, %mul3A_139 : i32
    %add3A_141 = arith.constant 352 : i32
    %add3A_142 = arith.addi %mul3A_140, %add3A_141 : i32
    "tpu.region"() ({
      %run_scoped3A = tpu.sem_alloc : memref<!tpu.dma_semaphore, #tpu.memory_space<semaphore_mem>>
      %dma_start3A = arith.constant 0 : i32
      %dma_start3A_175 = tpu.memref_slice %arg11[%add3A_142, %dma_start3A] : memref<10240x128xf32, #tpu.memory_space<vmem_shared>> -> memref<32x128xf32, #tpu.memory_space<vmem_shared>>
      %dma_start3A_176 = arith.constant 0 : i32
      %dma_start3A_177 = tpu.memref_slice %arg11[%add3A_142, %dma_start3A_176] : memref<10240x128xf32, #tpu.memory_space<vmem_shared>> -> memref<32x128xf32, #tpu.memory_space<vmem_shared>>
      tpu.enqueue_dma source(%dma_start3A_177 : memref<32x128xf32, #tpu.memory_space<vmem_shared>>) target(%arg10 : memref<32x128xf32, #tpu.memory_space<vmem>>) target_semaphore(%run_scoped3A : memref<!tpu.dma_semaphore, #tpu.memory_space<semaphore_mem>>)
      %dma_wait3A = arith.constant 0 : i32
      %dma_wait3A_178 = tpu.memref_slice %arg11[%add3A_142, %dma_wait3A] : memref<10240x128xf32, #tpu.memory_space<vmem_shared>> -> memref<32x128xf32, #tpu.memory_space<vmem_shared>>
      %dma_wait3A_179 = arith.constant 0 : i32
      %dma_wait3A_180 = tpu.memref_slice %arg11[%add3A_142, %dma_wait3A_179] : memref<10240x128xf32, #tpu.memory_space<vmem_shared>> -> memref<32x128xf32, #tpu.memory_space<vmem_shared>>
      tpu.wait_dma2 semaphore(%run_scoped3A : memref<!tpu.dma_semaphore, #tpu.memory_space<semaphore_mem>>) src(%dma_wait3A_180 : memref<32x128xf32, #tpu.memory_space<vmem_shared>>) dst(%arg10 : memref<32x128xf32, #tpu.memory_space<vmem>>)
      tpu.yield
    }) : () -> ()
    "tpu.region"() ({
      %run_scoped3A = tpu.sem_alloc : memref<!tpu.dma_semaphore, #tpu.memory_space<semaphore_mem>>
      %dma_start3A = arith.constant 0 : i32
      %dma_start3A_175 = tpu.memref_slice %arg6[%arg0, %add3A_142, %dma_start3A] : memref<2x10240x128xf32, #tpu.memory_space<hbm>> -> memref<1x32x128xf32, #tpu.memory_space<hbm>>
      %dma_start3A_176 = tpu.memref_squeeze %dma_start3A_175 : memref<1x32x128xf32, #tpu.memory_space<hbm>> -> memref<32x128xf32, #tpu.memory_space<hbm>>
      %dma_start3A_177 = arith.constant 0 : i32
      %dma_start3A_178 = tpu.memref_slice %arg6[%arg0, %add3A_142, %dma_start3A_177] : memref<2x10240x128xf32, #tpu.memory_space<hbm>> -> memref<1x32x128xf32, #tpu.memory_space<hbm>>
      %dma_start3A_179 = tpu.memref_squeeze %dma_start3A_178 : memref<1x32x128xf32, #tpu.memory_space<hbm>> -> memref<32x128xf32, #tpu.memory_space<hbm>>
      tpu.enqueue_dma source(%arg10 : memref<32x128xf32, #tpu.memory_space<vmem>>) target(%dma_start3A_179 : memref<32x128xf32, #tpu.memory_space<hbm>>) target_semaphore(%run_scoped3A : memref<!tpu.dma_semaphore, #tpu.memory_space<semaphore_mem>>)
      %dma_wait3A = arith.constant 0 : i32
      %dma_wait3A_180 = tpu.memref_slice %arg6[%arg0, %add3A_142, %dma_wait3A] : memref<2x10240x128xf32, #tpu.memory_space<hbm>> -> memref<1x32x128xf32, #tpu.memory_space<hbm>>
      %dma_wait3A_181 = tpu.memref_squeeze %dma_wait3A_180 : memref<1x32x128xf32, #tpu.memory_space<hbm>> -> memref<32x128xf32, #tpu.memory_space<hbm>>
      %dma_wait3A_182 = arith.constant 0 : i32
      %dma_wait3A_183 = tpu.memref_slice %arg6[%arg0, %add3A_142, %dma_wait3A_182] : memref<2x10240x128xf32, #tpu.memory_space<hbm>> -> memref<1x32x128xf32, #tpu.memory_space<hbm>>
      %dma_wait3A_184 = tpu.memref_squeeze %dma_wait3A_183 : memref<1x32x128xf32, #tpu.memory_space<hbm>> -> memref<32x128xf32, #tpu.memory_space<hbm>>
      tpu.wait_dma2 semaphore(%run_scoped3A : memref<!tpu.dma_semaphore, #tpu.memory_space<semaphore_mem>>) src(%arg10 : memref<32x128xf32, #tpu.memory_space<vmem>>) dst(%dma_wait3A_184 : memref<32x128xf32, #tpu.memory_space<hbm>>)
      tpu.yield
    }) : () -> ()
    %mul3A_143 = arith.constant 640 : i32
    %mul3A_144 = arith.muli %arg1, %mul3A_143 : i32
    %add3A_145 = arith.constant 384 : i32
    %add3A_146 = arith.addi %mul3A_144, %add3A_145 : i32
    "tpu.region"() ({
      %run_scoped3A = tpu.sem_alloc : memref<!tpu.dma_semaphore, #tpu.memory_space<semaphore_mem>>
      %dma_start3A = arith.constant 0 : i32
      %dma_start3A_175 = tpu.memref_slice %arg11[%add3A_146, %dma_start3A] : memref<10240x128xf32, #tpu.memory_space<vmem_shared>> -> memref<32x128xf32, #tpu.memory_space<vmem_shared>>
      %dma_start3A_176 = arith.constant 0 : i32
      %dma_start3A_177 = tpu.memref_slice %arg11[%add3A_146, %dma_start3A_176] : memref<10240x128xf32, #tpu.memory_space<vmem_shared>> -> memref<32x128xf32, #tpu.memory_space<vmem_shared>>
      tpu.enqueue_dma source(%dma_start3A_177 : memref<32x128xf32, #tpu.memory_space<vmem_shared>>) target(%arg10 : memref<32x128xf32, #tpu.memory_space<vmem>>) target_semaphore(%run_scoped3A : memref<!tpu.dma_semaphore, #tpu.memory_space<semaphore_mem>>)
      %dma_wait3A = arith.constant 0 : i32
      %dma_wait3A_178 = tpu.memref_slice %arg11[%add3A_146, %dma_wait3A] : memref<10240x128xf32, #tpu.memory_space<vmem_shared>> -> memref<32x128xf32, #tpu.memory_space<vmem_shared>>
      %dma_wait3A_179 = arith.constant 0 : i32
      %dma_wait3A_180 = tpu.memref_slice %arg11[%add3A_146, %dma_wait3A_179] : memref<10240x128xf32, #tpu.memory_space<vmem_shared>> -> memref<32x128xf32, #tpu.memory_space<vmem_shared>>
      tpu.wait_dma2 semaphore(%run_scoped3A : memref<!tpu.dma_semaphore, #tpu.memory_space<semaphore_mem>>) src(%dma_wait3A_180 : memref<32x128xf32, #tpu.memory_space<vmem_shared>>) dst(%arg10 : memref<32x128xf32, #tpu.memory_space<vmem>>)
      tpu.yield
    }) : () -> ()
    "tpu.region"() ({
      %run_scoped3A = tpu.sem_alloc : memref<!tpu.dma_semaphore, #tpu.memory_space<semaphore_mem>>
      %dma_start3A = arith.constant 0 : i32
      %dma_start3A_175 = tpu.memref_slice %arg6[%arg0, %add3A_146, %dma_start3A] : memref<2x10240x128xf32, #tpu.memory_space<hbm>> -> memref<1x32x128xf32, #tpu.memory_space<hbm>>
      %dma_start3A_176 = tpu.memref_squeeze %dma_start3A_175 : memref<1x32x128xf32, #tpu.memory_space<hbm>> -> memref<32x128xf32, #tpu.memory_space<hbm>>
      %dma_start3A_177 = arith.constant 0 : i32
      %dma_start3A_178 = tpu.memref_slice %arg6[%arg0, %add3A_146, %dma_start3A_177] : memref<2x10240x128xf32, #tpu.memory_space<hbm>> -> memref<1x32x128xf32, #tpu.memory_space<hbm>>
      %dma_start3A_179 = tpu.memref_squeeze %dma_start3A_178 : memref<1x32x128xf32, #tpu.memory_space<hbm>> -> memref<32x128xf32, #tpu.memory_space<hbm>>
      tpu.enqueue_dma source(%arg10 : memref<32x128xf32, #tpu.memory_space<vmem>>) target(%dma_start3A_179 : memref<32x128xf32, #tpu.memory_space<hbm>>) target_semaphore(%run_scoped3A : memref<!tpu.dma_semaphore, #tpu.memory_space<semaphore_mem>>)
      %dma_wait3A = arith.constant 0 : i32
      %dma_wait3A_180 = tpu.memref_slice %arg6[%arg0, %add3A_146, %dma_wait3A] : memref<2x10240x128xf32, #tpu.memory_space<hbm>> -> memref<1x32x128xf32, #tpu.memory_space<hbm>>
      %dma_wait3A_181 = tpu.memref_squeeze %dma_wait3A_180 : memref<1x32x128xf32, #tpu.memory_space<hbm>> -> memref<32x128xf32, #tpu.memory_space<hbm>>
      %dma_wait3A_182 = arith.constant 0 : i32
      %dma_wait3A_183 = tpu.memref_slice %arg6[%arg0, %add3A_146, %dma_wait3A_182] : memref<2x10240x128xf32, #tpu.memory_space<hbm>> -> memref<1x32x128xf32, #tpu.memory_space<hbm>>
      %dma_wait3A_184 = tpu.memref_squeeze %dma_wait3A_183 : memref<1x32x128xf32, #tpu.memory_space<hbm>> -> memref<32x128xf32, #tpu.memory_space<hbm>>
      tpu.wait_dma2 semaphore(%run_scoped3A : memref<!tpu.dma_semaphore, #tpu.memory_space<semaphore_mem>>) src(%arg10 : memref<32x128xf32, #tpu.memory_space<vmem>>) dst(%dma_wait3A_184 : memref<32x128xf32, #tpu.memory_space<hbm>>)
      tpu.yield
    }) : () -> ()
    %mul3A_147 = arith.constant 640 : i32
    %mul3A_148 = arith.muli %arg1, %mul3A_147 : i32
    %add3A_149 = arith.constant 416 : i32
    %add3A_150 = arith.addi %mul3A_148, %add3A_149 : i32
    "tpu.region"() ({
      %run_scoped3A = tpu.sem_alloc : memref<!tpu.dma_semaphore, #tpu.memory_space<semaphore_mem>>
      %dma_start3A = arith.constant 0 : i32
      %dma_start3A_175 = tpu.memref_slice %arg11[%add3A_150, %dma_start3A] : memref<10240x128xf32, #tpu.memory_space<vmem_shared>> -> memref<32x128xf32, #tpu.memory_space<vmem_shared>>
      %dma_start3A_176 = arith.constant 0 : i32
      %dma_start3A_177 = tpu.memref_slice %arg11[%add3A_150, %dma_start3A_176] : memref<10240x128xf32, #tpu.memory_space<vmem_shared>> -> memref<32x128xf32, #tpu.memory_space<vmem_shared>>
      tpu.enqueue_dma source(%dma_start3A_177 : memref<32x128xf32, #tpu.memory_space<vmem_shared>>) target(%arg10 : memref<32x128xf32, #tpu.memory_space<vmem>>) target_semaphore(%run_scoped3A : memref<!tpu.dma_semaphore, #tpu.memory_space<semaphore_mem>>)
      %dma_wait3A = arith.constant 0 : i32
      %dma_wait3A_178 = tpu.memref_slice %arg11[%add3A_150, %dma_wait3A] : memref<10240x128xf32, #tpu.memory_space<vmem_shared>> -> memref<32x128xf32, #tpu.memory_space<vmem_shared>>
      %dma_wait3A_179 = arith.constant 0 : i32
      %dma_wait3A_180 = tpu.memref_slice %arg11[%add3A_150, %dma_wait3A_179] : memref<10240x128xf32, #tpu.memory_space<vmem_shared>> -> memref<32x128xf32, #tpu.memory_space<vmem_shared>>
      tpu.wait_dma2 semaphore(%run_scoped3A : memref<!tpu.dma_semaphore, #tpu.memory_space<semaphore_mem>>) src(%dma_wait3A_180 : memref<32x128xf32, #tpu.memory_space<vmem_shared>>) dst(%arg10 : memref<32x128xf32, #tpu.memory_space<vmem>>)
      tpu.yield
    }) : () -> ()
    "tpu.region"() ({
      %run_scoped3A = tpu.sem_alloc : memref<!tpu.dma_semaphore, #tpu.memory_space<semaphore_mem>>
      %dma_start3A = arith.constant 0 : i32
      %dma_start3A_175 = tpu.memref_slice %arg6[%arg0, %add3A_150, %dma_start3A] : memref<2x10240x128xf32, #tpu.memory_space<hbm>> -> memref<1x32x128xf32, #tpu.memory_space<hbm>>
      %dma_start3A_176 = tpu.memref_squeeze %dma_start3A_175 : memref<1x32x128xf32, #tpu.memory_space<hbm>> -> memref<32x128xf32, #tpu.memory_space<hbm>>
      %dma_start3A_177 = arith.constant 0 : i32
      %dma_start3A_178 = tpu.memref_slice %arg6[%arg0, %add3A_150, %dma_start3A_177] : memref<2x10240x128xf32, #tpu.memory_space<hbm>> -> memref<1x32x128xf32, #tpu.memory_space<hbm>>
      %dma_start3A_179 = tpu.memref_squeeze %dma_start3A_178 : memref<1x32x128xf32, #tpu.memory_space<hbm>> -> memref<32x128xf32, #tpu.memory_space<hbm>>
      tpu.enqueue_dma source(%arg10 : memref<32x128xf32, #tpu.memory_space<vmem>>) target(%dma_start3A_179 : memref<32x128xf32, #tpu.memory_space<hbm>>) target_semaphore(%run_scoped3A : memref<!tpu.dma_semaphore, #tpu.memory_space<semaphore_mem>>)
      %dma_wait3A = arith.constant 0 : i32
      %dma_wait3A_180 = tpu.memref_slice %arg6[%arg0, %add3A_150, %dma_wait3A] : memref<2x10240x128xf32, #tpu.memory_space<hbm>> -> memref<1x32x128xf32, #tpu.memory_space<hbm>>
      %dma_wait3A_181 = tpu.memref_squeeze %dma_wait3A_180 : memref<1x32x128xf32, #tpu.memory_space<hbm>> -> memref<32x128xf32, #tpu.memory_space<hbm>>
      %dma_wait3A_182 = arith.constant 0 : i32
      %dma_wait3A_183 = tpu.memref_slice %arg6[%arg0, %add3A_150, %dma_wait3A_182] : memref<2x10240x128xf32, #tpu.memory_space<hbm>> -> memref<1x32x128xf32, #tpu.memory_space<hbm>>
      %dma_wait3A_184 = tpu.memref_squeeze %dma_wait3A_183 : memref<1x32x128xf32, #tpu.memory_space<hbm>> -> memref<32x128xf32, #tpu.memory_space<hbm>>
      tpu.wait_dma2 semaphore(%run_scoped3A : memref<!tpu.dma_semaphore, #tpu.memory_space<semaphore_mem>>) src(%arg10 : memref<32x128xf32, #tpu.memory_space<vmem>>) dst(%dma_wait3A_184 : memref<32x128xf32, #tpu.memory_space<hbm>>)
      tpu.yield
    }) : () -> ()
    %mul3A_151 = arith.constant 640 : i32
    %mul3A_152 = arith.muli %arg1, %mul3A_151 : i32
    %add3A_153 = arith.constant 448 : i32
    %add3A_154 = arith.addi %mul3A_152, %add3A_153 : i32
    "tpu.region"() ({
      %run_scoped3A = tpu.sem_alloc : memref<!tpu.dma_semaphore, #tpu.memory_space<semaphore_mem>>
      %dma_start3A = arith.constant 0 : i32
      %dma_start3A_175 = tpu.memref_slice %arg11[%add3A_154, %dma_start3A] : memref<10240x128xf32, #tpu.memory_space<vmem_shared>> -> memref<32x128xf32, #tpu.memory_space<vmem_shared>>
      %dma_start3A_176 = arith.constant 0 : i32
      %dma_start3A_177 = tpu.memref_slice %arg11[%add3A_154, %dma_start3A_176] : memref<10240x128xf32, #tpu.memory_space<vmem_shared>> -> memref<32x128xf32, #tpu.memory_space<vmem_shared>>
      tpu.enqueue_dma source(%dma_start3A_177 : memref<32x128xf32, #tpu.memory_space<vmem_shared>>) target(%arg10 : memref<32x128xf32, #tpu.memory_space<vmem>>) target_semaphore(%run_scoped3A : memref<!tpu.dma_semaphore, #tpu.memory_space<semaphore_mem>>)
      %dma_wait3A = arith.constant 0 : i32
      %dma_wait3A_178 = tpu.memref_slice %arg11[%add3A_154, %dma_wait3A] : memref<10240x128xf32, #tpu.memory_space<vmem_shared>> -> memref<32x128xf32, #tpu.memory_space<vmem_shared>>
      %dma_wait3A_179 = arith.constant 0 : i32
      %dma_wait3A_180 = tpu.memref_slice %arg11[%add3A_154, %dma_wait3A_179] : memref<10240x128xf32, #tpu.memory_space<vmem_shared>> -> memref<32x128xf32, #tpu.memory_space<vmem_shared>>
      tpu.wait_dma2 semaphore(%run_scoped3A : memref<!tpu.dma_semaphore, #tpu.memory_space<semaphore_mem>>) src(%dma_wait3A_180 : memref<32x128xf32, #tpu.memory_space<vmem_shared>>) dst(%arg10 : memref<32x128xf32, #tpu.memory_space<vmem>>)
      tpu.yield
    }) : () -> ()
    "tpu.region"() ({
      %run_scoped3A = tpu.sem_alloc : memref<!tpu.dma_semaphore, #tpu.memory_space<semaphore_mem>>
      %dma_start3A = arith.constant 0 : i32
      %dma_start3A_175 = tpu.memref_slice %arg6[%arg0, %add3A_154, %dma_start3A] : memref<2x10240x128xf32, #tpu.memory_space<hbm>> -> memref<1x32x128xf32, #tpu.memory_space<hbm>>
      %dma_start3A_176 = tpu.memref_squeeze %dma_start3A_175 : memref<1x32x128xf32, #tpu.memory_space<hbm>> -> memref<32x128xf32, #tpu.memory_space<hbm>>
      %dma_start3A_177 = arith.constant 0 : i32
      %dma_start3A_178 = tpu.memref_slice %arg6[%arg0, %add3A_154, %dma_start3A_177] : memref<2x10240x128xf32, #tpu.memory_space<hbm>> -> memref<1x32x128xf32, #tpu.memory_space<hbm>>
      %dma_start3A_179 = tpu.memref_squeeze %dma_start3A_178 : memref<1x32x128xf32, #tpu.memory_space<hbm>> -> memref<32x128xf32, #tpu.memory_space<hbm>>
      tpu.enqueue_dma source(%arg10 : memref<32x128xf32, #tpu.memory_space<vmem>>) target(%dma_start3A_179 : memref<32x128xf32, #tpu.memory_space<hbm>>) target_semaphore(%run_scoped3A : memref<!tpu.dma_semaphore, #tpu.memory_space<semaphore_mem>>)
      %dma_wait3A = arith.constant 0 : i32
      %dma_wait3A_180 = tpu.memref_slice %arg6[%arg0, %add3A_154, %dma_wait3A] : memref<2x10240x128xf32, #tpu.memory_space<hbm>> -> memref<1x32x128xf32, #tpu.memory_space<hbm>>
      %dma_wait3A_181 = tpu.memref_squeeze %dma_wait3A_180 : memref<1x32x128xf32, #tpu.memory_space<hbm>> -> memref<32x128xf32, #tpu.memory_space<hbm>>
      %dma_wait3A_182 = arith.constant 0 : i32
      %dma_wait3A_183 = tpu.memref_slice %arg6[%arg0, %add3A_154, %dma_wait3A_182] : memref<2x10240x128xf32, #tpu.memory_space<hbm>> -> memref<1x32x128xf32, #tpu.memory_space<hbm>>
      %dma_wait3A_184 = tpu.memref_squeeze %dma_wait3A_183 : memref<1x32x128xf32, #tpu.memory_space<hbm>> -> memref<32x128xf32, #tpu.memory_space<hbm>>
      tpu.wait_dma2 semaphore(%run_scoped3A : memref<!tpu.dma_semaphore, #tpu.memory_space<semaphore_mem>>) src(%arg10 : memref<32x128xf32, #tpu.memory_space<vmem>>) dst(%dma_wait3A_184 : memref<32x128xf32, #tpu.memory_space<hbm>>)
      tpu.yield
    }) : () -> ()
    %mul3A_155 = arith.constant 640 : i32
    %mul3A_156 = arith.muli %arg1, %mul3A_155 : i32
    %add3A_157 = arith.constant 480 : i32
    %add3A_158 = arith.addi %mul3A_156, %add3A_157 : i32
    "tpu.region"() ({
      %run_scoped3A = tpu.sem_alloc : memref<!tpu.dma_semaphore, #tpu.memory_space<semaphore_mem>>
      %dma_start3A = arith.constant 0 : i32
      %dma_start3A_175 = tpu.memref_slice %arg11[%add3A_158, %dma_start3A] : memref<10240x128xf32, #tpu.memory_space<vmem_shared>> -> memref<32x128xf32, #tpu.memory_space<vmem_shared>>
      %dma_start3A_176 = arith.constant 0 : i32
      %dma_start3A_177 = tpu.memref_slice %arg11[%add3A_158, %dma_start3A_176] : memref<10240x128xf32, #tpu.memory_space<vmem_shared>> -> memref<32x128xf32, #tpu.memory_space<vmem_shared>>
      tpu.enqueue_dma source(%dma_start3A_177 : memref<32x128xf32, #tpu.memory_space<vmem_shared>>) target(%arg10 : memref<32x128xf32, #tpu.memory_space<vmem>>) target_semaphore(%run_scoped3A : memref<!tpu.dma_semaphore, #tpu.memory_space<semaphore_mem>>)
      %dma_wait3A = arith.constant 0 : i32
      %dma_wait3A_178 = tpu.memref_slice %arg11[%add3A_158, %dma_wait3A] : memref<10240x128xf32, #tpu.memory_space<vmem_shared>> -> memref<32x128xf32, #tpu.memory_space<vmem_shared>>
      %dma_wait3A_179 = arith.constant 0 : i32
      %dma_wait3A_180 = tpu.memref_slice %arg11[%add3A_158, %dma_wait3A_179] : memref<10240x128xf32, #tpu.memory_space<vmem_shared>> -> memref<32x128xf32, #tpu.memory_space<vmem_shared>>
      tpu.wait_dma2 semaphore(%run_scoped3A : memref<!tpu.dma_semaphore, #tpu.memory_space<semaphore_mem>>) src(%dma_wait3A_180 : memref<32x128xf32, #tpu.memory_space<vmem_shared>>) dst(%arg10 : memref<32x128xf32, #tpu.memory_space<vmem>>)
      tpu.yield
    }) : () -> ()
    "tpu.region"() ({
      %run_scoped3A = tpu.sem_alloc : memref<!tpu.dma_semaphore, #tpu.memory_space<semaphore_mem>>
      %dma_start3A = arith.constant 0 : i32
      %dma_start3A_175 = tpu.memref_slice %arg6[%arg0, %add3A_158, %dma_start3A] : memref<2x10240x128xf32, #tpu.memory_space<hbm>> -> memref<1x32x128xf32, #tpu.memory_space<hbm>>
      %dma_start3A_176 = tpu.memref_squeeze %dma_start3A_175 : memref<1x32x128xf32, #tpu.memory_space<hbm>> -> memref<32x128xf32, #tpu.memory_space<hbm>>
      %dma_start3A_177 = arith.constant 0 : i32
      %dma_start3A_178 = tpu.memref_slice %arg6[%arg0, %add3A_158, %dma_start3A_177] : memref<2x10240x128xf32, #tpu.memory_space<hbm>> -> memref<1x32x128xf32, #tpu.memory_space<hbm>>
      %dma_start3A_179 = tpu.memref_squeeze %dma_start3A_178 : memref<1x32x128xf32, #tpu.memory_space<hbm>> -> memref<32x128xf32, #tpu.memory_space<hbm>>
      tpu.enqueue_dma source(%arg10 : memref<32x128xf32, #tpu.memory_space<vmem>>) target(%dma_start3A_179 : memref<32x128xf32, #tpu.memory_space<hbm>>) target_semaphore(%run_scoped3A : memref<!tpu.dma_semaphore, #tpu.memory_space<semaphore_mem>>)
      %dma_wait3A = arith.constant 0 : i32
      %dma_wait3A_180 = tpu.memref_slice %arg6[%arg0, %add3A_158, %dma_wait3A] : memref<2x10240x128xf32, #tpu.memory_space<hbm>> -> memref<1x32x128xf32, #tpu.memory_space<hbm>>
      %dma_wait3A_181 = tpu.memref_squeeze %dma_wait3A_180 : memref<1x32x128xf32, #tpu.memory_space<hbm>> -> memref<32x128xf32, #tpu.memory_space<hbm>>
      %dma_wait3A_182 = arith.constant 0 : i32
      %dma_wait3A_183 = tpu.memref_slice %arg6[%arg0, %add3A_158, %dma_wait3A_182] : memref<2x10240x128xf32, #tpu.memory_space<hbm>> -> memref<1x32x128xf32, #tpu.memory_space<hbm>>
      %dma_wait3A_184 = tpu.memref_squeeze %dma_wait3A_183 : memref<1x32x128xf32, #tpu.memory_space<hbm>> -> memref<32x128xf32, #tpu.memory_space<hbm>>
      tpu.wait_dma2 semaphore(%run_scoped3A : memref<!tpu.dma_semaphore, #tpu.memory_space<semaphore_mem>>) src(%arg10 : memref<32x128xf32, #tpu.memory_space<vmem>>) dst(%dma_wait3A_184 : memref<32x128xf32, #tpu.memory_space<hbm>>)
      tpu.yield
    }) : () -> ()
    %mul3A_159 = arith.constant 640 : i32
    %mul3A_160 = arith.muli %arg1, %mul3A_159 : i32
    %add3A_161 = arith.constant 512 : i32
    %add3A_162 = arith.addi %mul3A_160, %add3A_161 : i32
    "tpu.region"() ({
      %run_scoped3A = tpu.sem_alloc : memref<!tpu.dma_semaphore, #tpu.memory_space<semaphore_mem>>
      %dma_start3A = arith.constant 0 : i32
      %dma_start3A_175 = tpu.memref_slice %arg11[%add3A_162, %dma_start3A] : memref<10240x128xf32, #tpu.memory_space<vmem_shared>> -> memref<32x128xf32, #tpu.memory_space<vmem_shared>>
      %dma_start3A_176 = arith.constant 0 : i32
      %dma_start3A_177 = tpu.memref_slice %arg11[%add3A_162, %dma_start3A_176] : memref<10240x128xf32, #tpu.memory_space<vmem_shared>> -> memref<32x128xf32, #tpu.memory_space<vmem_shared>>
      tpu.enqueue_dma source(%dma_start3A_177 : memref<32x128xf32, #tpu.memory_space<vmem_shared>>) target(%arg10 : memref<32x128xf32, #tpu.memory_space<vmem>>) target_semaphore(%run_scoped3A : memref<!tpu.dma_semaphore, #tpu.memory_space<semaphore_mem>>)
      %dma_wait3A = arith.constant 0 : i32
      %dma_wait3A_178 = tpu.memref_slice %arg11[%add3A_162, %dma_wait3A] : memref<10240x128xf32, #tpu.memory_space<vmem_shared>> -> memref<32x128xf32, #tpu.memory_space<vmem_shared>>
      %dma_wait3A_179 = arith.constant 0 : i32
      %dma_wait3A_180 = tpu.memref_slice %arg11[%add3A_162, %dma_wait3A_179] : memref<10240x128xf32, #tpu.memory_space<vmem_shared>> -> memref<32x128xf32, #tpu.memory_space<vmem_shared>>
      tpu.wait_dma2 semaphore(%run_scoped3A : memref<!tpu.dma_semaphore, #tpu.memory_space<semaphore_mem>>) src(%dma_wait3A_180 : memref<32x128xf32, #tpu.memory_space<vmem_shared>>) dst(%arg10 : memref<32x128xf32, #tpu.memory_space<vmem>>)
      tpu.yield
    }) : () -> ()
    "tpu.region"() ({
      %run_scoped3A = tpu.sem_alloc : memref<!tpu.dma_semaphore, #tpu.memory_space<semaphore_mem>>
      %dma_start3A = arith.constant 0 : i32
      %dma_start3A_175 = tpu.memref_slice %arg6[%arg0, %add3A_162, %dma_start3A] : memref<2x10240x128xf32, #tpu.memory_space<hbm>> -> memref<1x32x128xf32, #tpu.memory_space<hbm>>
      %dma_start3A_176 = tpu.memref_squeeze %dma_start3A_175 : memref<1x32x128xf32, #tpu.memory_space<hbm>> -> memref<32x128xf32, #tpu.memory_space<hbm>>
      %dma_start3A_177 = arith.constant 0 : i32
      %dma_start3A_178 = tpu.memref_slice %arg6[%arg0, %add3A_162, %dma_start3A_177] : memref<2x10240x128xf32, #tpu.memory_space<hbm>> -> memref<1x32x128xf32, #tpu.memory_space<hbm>>
      %dma_start3A_179 = tpu.memref_squeeze %dma_start3A_178 : memref<1x32x128xf32, #tpu.memory_space<hbm>> -> memref<32x128xf32, #tpu.memory_space<hbm>>
      tpu.enqueue_dma source(%arg10 : memref<32x128xf32, #tpu.memory_space<vmem>>) target(%dma_start3A_179 : memref<32x128xf32, #tpu.memory_space<hbm>>) target_semaphore(%run_scoped3A : memref<!tpu.dma_semaphore, #tpu.memory_space<semaphore_mem>>)
      %dma_wait3A = arith.constant 0 : i32
      %dma_wait3A_180 = tpu.memref_slice %arg6[%arg0, %add3A_162, %dma_wait3A] : memref<2x10240x128xf32, #tpu.memory_space<hbm>> -> memref<1x32x128xf32, #tpu.memory_space<hbm>>
      %dma_wait3A_181 = tpu.memref_squeeze %dma_wait3A_180 : memref<1x32x128xf32, #tpu.memory_space<hbm>> -> memref<32x128xf32, #tpu.memory_space<hbm>>
      %dma_wait3A_182 = arith.constant 0 : i32
      %dma_wait3A_183 = tpu.memref_slice %arg6[%arg0, %add3A_162, %dma_wait3A_182] : memref<2x10240x128xf32, #tpu.memory_space<hbm>> -> memref<1x32x128xf32, #tpu.memory_space<hbm>>
      %dma_wait3A_184 = tpu.memref_squeeze %dma_wait3A_183 : memref<1x32x128xf32, #tpu.memory_space<hbm>> -> memref<32x128xf32, #tpu.memory_space<hbm>>
      tpu.wait_dma2 semaphore(%run_scoped3A : memref<!tpu.dma_semaphore, #tpu.memory_space<semaphore_mem>>) src(%arg10 : memref<32x128xf32, #tpu.memory_space<vmem>>) dst(%dma_wait3A_184 : memref<32x128xf32, #tpu.memory_space<hbm>>)
      tpu.yield
    }) : () -> ()
    %mul3A_163 = arith.constant 640 : i32
    %mul3A_164 = arith.muli %arg1, %mul3A_163 : i32
    %add3A_165 = arith.constant 544 : i32
    %add3A_166 = arith.addi %mul3A_164, %add3A_165 : i32
    "tpu.region"() ({
      %run_scoped3A = tpu.sem_alloc : memref<!tpu.dma_semaphore, #tpu.memory_space<semaphore_mem>>
      %dma_start3A = arith.constant 0 : i32
      %dma_start3A_175 = tpu.memref_slice %arg11[%add3A_166, %dma_start3A] : memref<10240x128xf32, #tpu.memory_space<vmem_shared>> -> memref<32x128xf32, #tpu.memory_space<vmem_shared>>
      %dma_start3A_176 = arith.constant 0 : i32
      %dma_start3A_177 = tpu.memref_slice %arg11[%add3A_166, %dma_start3A_176] : memref<10240x128xf32, #tpu.memory_space<vmem_shared>> -> memref<32x128xf32, #tpu.memory_space<vmem_shared>>
      tpu.enqueue_dma source(%dma_start3A_177 : memref<32x128xf32, #tpu.memory_space<vmem_shared>>) target(%arg10 : memref<32x128xf32, #tpu.memory_space<vmem>>) target_semaphore(%run_scoped3A : memref<!tpu.dma_semaphore, #tpu.memory_space<semaphore_mem>>)
      %dma_wait3A = arith.constant 0 : i32
      %dma_wait3A_178 = tpu.memref_slice %arg11[%add3A_166, %dma_wait3A] : memref<10240x128xf32, #tpu.memory_space<vmem_shared>> -> memref<32x128xf32, #tpu.memory_space<vmem_shared>>
      %dma_wait3A_179 = arith.constant 0 : i32
      %dma_wait3A_180 = tpu.memref_slice %arg11[%add3A_166, %dma_wait3A_179] : memref<10240x128xf32, #tpu.memory_space<vmem_shared>> -> memref<32x128xf32, #tpu.memory_space<vmem_shared>>
      tpu.wait_dma2 semaphore(%run_scoped3A : memref<!tpu.dma_semaphore, #tpu.memory_space<semaphore_mem>>) src(%dma_wait3A_180 : memref<32x128xf32, #tpu.memory_space<vmem_shared>>) dst(%arg10 : memref<32x128xf32, #tpu.memory_space<vmem>>)
      tpu.yield
    }) : () -> ()
    "tpu.region"() ({
      %run_scoped3A = tpu.sem_alloc : memref<!tpu.dma_semaphore, #tpu.memory_space<semaphore_mem>>
      %dma_start3A = arith.constant 0 : i32
      %dma_start3A_175 = tpu.memref_slice %arg6[%arg0, %add3A_166, %dma_start3A] : memref<2x10240x128xf32, #tpu.memory_space<hbm>> -> memref<1x32x128xf32, #tpu.memory_space<hbm>>
      %dma_start3A_176 = tpu.memref_squeeze %dma_start3A_175 : memref<1x32x128xf32, #tpu.memory_space<hbm>> -> memref<32x128xf32, #tpu.memory_space<hbm>>
      %dma_start3A_177 = arith.constant 0 : i32
      %dma_start3A_178 = tpu.memref_slice %arg6[%arg0, %add3A_166, %dma_start3A_177] : memref<2x10240x128xf32, #tpu.memory_space<hbm>> -> memref<1x32x128xf32, #tpu.memory_space<hbm>>
      %dma_start3A_179 = tpu.memref_squeeze %dma_start3A_178 : memref<1x32x128xf32, #tpu.memory_space<hbm>> -> memref<32x128xf32, #tpu.memory_space<hbm>>
      tpu.enqueue_dma source(%arg10 : memref<32x128xf32, #tpu.memory_space<vmem>>) target(%dma_start3A_179 : memref<32x128xf32, #tpu.memory_space<hbm>>) target_semaphore(%run_scoped3A : memref<!tpu.dma_semaphore, #tpu.memory_space<semaphore_mem>>)
      %dma_wait3A = arith.constant 0 : i32
      %dma_wait3A_180 = tpu.memref_slice %arg6[%arg0, %add3A_166, %dma_wait3A] : memref<2x10240x128xf32, #tpu.memory_space<hbm>> -> memref<1x32x128xf32, #tpu.memory_space<hbm>>
      %dma_wait3A_181 = tpu.memref_squeeze %dma_wait3A_180 : memref<1x32x128xf32, #tpu.memory_space<hbm>> -> memref<32x128xf32, #tpu.memory_space<hbm>>
      %dma_wait3A_182 = arith.constant 0 : i32
      %dma_wait3A_183 = tpu.memref_slice %arg6[%arg0, %add3A_166, %dma_wait3A_182] : memref<2x10240x128xf32, #tpu.memory_space<hbm>> -> memref<1x32x128xf32, #tpu.memory_space<hbm>>
      %dma_wait3A_184 = tpu.memref_squeeze %dma_wait3A_183 : memref<1x32x128xf32, #tpu.memory_space<hbm>> -> memref<32x128xf32, #tpu.memory_space<hbm>>
      tpu.wait_dma2 semaphore(%run_scoped3A : memref<!tpu.dma_semaphore, #tpu.memory_space<semaphore_mem>>) src(%arg10 : memref<32x128xf32, #tpu.memory_space<vmem>>) dst(%dma_wait3A_184 : memref<32x128xf32, #tpu.memory_space<hbm>>)
      tpu.yield
    }) : () -> ()
    %mul3A_167 = arith.constant 640 : i32
    %mul3A_168 = arith.muli %arg1, %mul3A_167 : i32
    %add3A_169 = arith.constant 576 : i32
    %add3A_170 = arith.addi %mul3A_168, %add3A_169 : i32
    "tpu.region"() ({
      %run_scoped3A = tpu.sem_alloc : memref<!tpu.dma_semaphore, #tpu.memory_space<semaphore_mem>>
      %dma_start3A = arith.constant 0 : i32
      %dma_start3A_175 = tpu.memref_slice %arg11[%add3A_170, %dma_start3A] : memref<10240x128xf32, #tpu.memory_space<vmem_shared>> -> memref<32x128xf32, #tpu.memory_space<vmem_shared>>
      %dma_start3A_176 = arith.constant 0 : i32
      %dma_start3A_177 = tpu.memref_slice %arg11[%add3A_170, %dma_start3A_176] : memref<10240x128xf32, #tpu.memory_space<vmem_shared>> -> memref<32x128xf32, #tpu.memory_space<vmem_shared>>
      tpu.enqueue_dma source(%dma_start3A_177 : memref<32x128xf32, #tpu.memory_space<vmem_shared>>) target(%arg10 : memref<32x128xf32, #tpu.memory_space<vmem>>) target_semaphore(%run_scoped3A : memref<!tpu.dma_semaphore, #tpu.memory_space<semaphore_mem>>)
      %dma_wait3A = arith.constant 0 : i32
      %dma_wait3A_178 = tpu.memref_slice %arg11[%add3A_170, %dma_wait3A] : memref<10240x128xf32, #tpu.memory_space<vmem_shared>> -> memref<32x128xf32, #tpu.memory_space<vmem_shared>>
      %dma_wait3A_179 = arith.constant 0 : i32
      %dma_wait3A_180 = tpu.memref_slice %arg11[%add3A_170, %dma_wait3A_179] : memref<10240x128xf32, #tpu.memory_space<vmem_shared>> -> memref<32x128xf32, #tpu.memory_space<vmem_shared>>
      tpu.wait_dma2 semaphore(%run_scoped3A : memref<!tpu.dma_semaphore, #tpu.memory_space<semaphore_mem>>) src(%dma_wait3A_180 : memref<32x128xf32, #tpu.memory_space<vmem_shared>>) dst(%arg10 : memref<32x128xf32, #tpu.memory_space<vmem>>)
      tpu.yield
    }) : () -> ()
    "tpu.region"() ({
      %run_scoped3A = tpu.sem_alloc : memref<!tpu.dma_semaphore, #tpu.memory_space<semaphore_mem>>
      %dma_start3A = arith.constant 0 : i32
      %dma_start3A_175 = tpu.memref_slice %arg6[%arg0, %add3A_170, %dma_start3A] : memref<2x10240x128xf32, #tpu.memory_space<hbm>> -> memref<1x32x128xf32, #tpu.memory_space<hbm>>
      %dma_start3A_176 = tpu.memref_squeeze %dma_start3A_175 : memref<1x32x128xf32, #tpu.memory_space<hbm>> -> memref<32x128xf32, #tpu.memory_space<hbm>>
      %dma_start3A_177 = arith.constant 0 : i32
      %dma_start3A_178 = tpu.memref_slice %arg6[%arg0, %add3A_170, %dma_start3A_177] : memref<2x10240x128xf32, #tpu.memory_space<hbm>> -> memref<1x32x128xf32, #tpu.memory_space<hbm>>
      %dma_start3A_179 = tpu.memref_squeeze %dma_start3A_178 : memref<1x32x128xf32, #tpu.memory_space<hbm>> -> memref<32x128xf32, #tpu.memory_space<hbm>>
      tpu.enqueue_dma source(%arg10 : memref<32x128xf32, #tpu.memory_space<vmem>>) target(%dma_start3A_179 : memref<32x128xf32, #tpu.memory_space<hbm>>) target_semaphore(%run_scoped3A : memref<!tpu.dma_semaphore, #tpu.memory_space<semaphore_mem>>)
      %dma_wait3A = arith.constant 0 : i32
      %dma_wait3A_180 = tpu.memref_slice %arg6[%arg0, %add3A_170, %dma_wait3A] : memref<2x10240x128xf32, #tpu.memory_space<hbm>> -> memref<1x32x128xf32, #tpu.memory_space<hbm>>
      %dma_wait3A_181 = tpu.memref_squeeze %dma_wait3A_180 : memref<1x32x128xf32, #tpu.memory_space<hbm>> -> memref<32x128xf32, #tpu.memory_space<hbm>>
      %dma_wait3A_182 = arith.constant 0 : i32
      %dma_wait3A_183 = tpu.memref_slice %arg6[%arg0, %add3A_170, %dma_wait3A_182] : memref<2x10240x128xf32, #tpu.memory_space<hbm>> -> memref<1x32x128xf32, #tpu.memory_space<hbm>>
      %dma_wait3A_184 = tpu.memref_squeeze %dma_wait3A_183 : memref<1x32x128xf32, #tpu.memory_space<hbm>> -> memref<32x128xf32, #tpu.memory_space<hbm>>
      tpu.wait_dma2 semaphore(%run_scoped3A : memref<!tpu.dma_semaphore, #tpu.memory_space<semaphore_mem>>) src(%arg10 : memref<32x128xf32, #tpu.memory_space<vmem>>) dst(%dma_wait3A_184 : memref<32x128xf32, #tpu.memory_space<hbm>>)
      tpu.yield
    }) : () -> ()
    %mul3A_171 = arith.constant 640 : i32
    %mul3A_172 = arith.muli %arg1, %mul3A_171 : i32
    %add3A_173 = arith.constant 608 : i32
    %add3A_174 = arith.addi %mul3A_172, %add3A_173 : i32
    "tpu.region"() ({
      %run_scoped3A = tpu.sem_alloc : memref<!tpu.dma_semaphore, #tpu.memory_space<semaphore_mem>>
      %dma_start3A = arith.constant 0 : i32
      %dma_start3A_175 = tpu.memref_slice %arg11[%add3A_174, %dma_start3A] : memref<10240x128xf32, #tpu.memory_space<vmem_shared>> -> memref<32x128xf32, #tpu.memory_space<vmem_shared>>
      %dma_start3A_176 = arith.constant 0 : i32
      %dma_start3A_177 = tpu.memref_slice %arg11[%add3A_174, %dma_start3A_176] : memref<10240x128xf32, #tpu.memory_space<vmem_shared>> -> memref<32x128xf32, #tpu.memory_space<vmem_shared>>
      tpu.enqueue_dma source(%dma_start3A_177 : memref<32x128xf32, #tpu.memory_space<vmem_shared>>) target(%arg10 : memref<32x128xf32, #tpu.memory_space<vmem>>) target_semaphore(%run_scoped3A : memref<!tpu.dma_semaphore, #tpu.memory_space<semaphore_mem>>)
      %dma_wait3A = arith.constant 0 : i32
      %dma_wait3A_178 = tpu.memref_slice %arg11[%add3A_174, %dma_wait3A] : memref<10240x128xf32, #tpu.memory_space<vmem_shared>> -> memref<32x128xf32, #tpu.memory_space<vmem_shared>>
      %dma_wait3A_179 = arith.constant 0 : i32
      %dma_wait3A_180 = tpu.memref_slice %arg11[%add3A_174, %dma_wait3A_179] : memref<10240x128xf32, #tpu.memory_space<vmem_shared>> -> memref<32x128xf32, #tpu.memory_space<vmem_shared>>
      tpu.wait_dma2 semaphore(%run_scoped3A : memref<!tpu.dma_semaphore, #tpu.memory_space<semaphore_mem>>) src(%dma_wait3A_180 : memref<32x128xf32, #tpu.memory_space<vmem_shared>>) dst(%arg10 : memref<32x128xf32, #tpu.memory_space<vmem>>)
      tpu.yield
    }) : () -> ()
    "tpu.region"() ({
      %run_scoped3A = tpu.sem_alloc : memref<!tpu.dma_semaphore, #tpu.memory_space<semaphore_mem>>
      %dma_start3A = arith.constant 0 : i32
      %dma_start3A_175 = tpu.memref_slice %arg6[%arg0, %add3A_174, %dma_start3A] : memref<2x10240x128xf32, #tpu.memory_space<hbm>> -> memref<1x32x128xf32, #tpu.memory_space<hbm>>
      %dma_start3A_176 = tpu.memref_squeeze %dma_start3A_175 : memref<1x32x128xf32, #tpu.memory_space<hbm>> -> memref<32x128xf32, #tpu.memory_space<hbm>>
      %dma_start3A_177 = arith.constant 0 : i32
      %dma_start3A_178 = tpu.memref_slice %arg6[%arg0, %add3A_174, %dma_start3A_177] : memref<2x10240x128xf32, #tpu.memory_space<hbm>> -> memref<1x32x128xf32, #tpu.memory_space<hbm>>
      %dma_start3A_179 = tpu.memref_squeeze %dma_start3A_178 : memref<1x32x128xf32, #tpu.memory_space<hbm>> -> memref<32x128xf32, #tpu.memory_space<hbm>>
      tpu.enqueue_dma source(%arg10 : memref<32x128xf32, #tpu.memory_space<vmem>>) target(%dma_start3A_179 : memref<32x128xf32, #tpu.memory_space<hbm>>) target_semaphore(%run_scoped3A : memref<!tpu.dma_semaphore, #tpu.memory_space<semaphore_mem>>)
      %dma_wait3A = arith.constant 0 : i32
      %dma_wait3A_180 = tpu.memref_slice %arg6[%arg0, %add3A_174, %dma_wait3A] : memref<2x10240x128xf32, #tpu.memory_space<hbm>> -> memref<1x32x128xf32, #tpu.memory_space<hbm>>
      %dma_wait3A_181 = tpu.memref_squeeze %dma_wait3A_180 : memref<1x32x128xf32, #tpu.memory_space<hbm>> -> memref<32x128xf32, #tpu.memory_space<hbm>>
      %dma_wait3A_182 = arith.constant 0 : i32
      %dma_wait3A_183 = tpu.memref_slice %arg6[%arg0, %add3A_174, %dma_wait3A_182] : memref<2x10240x128xf32, #tpu.memory_space<hbm>> -> memref<1x32x128xf32, #tpu.memory_space<hbm>>
      %dma_wait3A_184 = tpu.memref_squeeze %dma_wait3A_183 : memref<1x32x128xf32, #tpu.memory_space<hbm>> -> memref<32x128xf32, #tpu.memory_space<hbm>>
      tpu.wait_dma2 semaphore(%run_scoped3A : memref<!tpu.dma_semaphore, #tpu.memory_space<semaphore_mem>>) src(%arg10 : memref<32x128xf32, #tpu.memory_space<vmem>>) dst(%dma_wait3A_184 : memref<32x128xf32, #tpu.memory_space<hbm>>)
      tpu.yield
    }) : () -> ()
    return
  }
}

#map = affine_map<(d0, d1) -> (0)>
#map1 = affine_map<(d0, d1) -> (0, 0, 0)>
#map2 = affine_map<(d0, d1) -> (0, 0)>
module attributes {stable_mosaic.version = 14 : i64} {
  func.func @_sc_scalar_body(%arg0: i32, %arg1: i32, %arg2: memref<10240xf32, #tpu.memory_space<hbm>>, %arg3: memref<32x80x128xi32, #tpu.memory_space<hbm>>, %arg4: memref<32x80x128xi32, #tpu.memory_space<hbm>>, %arg5: memref<2x10240xf32, #tpu.memory_space<hbm>>, %arg6: memref<80x128xi32, #tpu.memory_space<vmem>>, %arg7: memref<80x128xi32, #tpu.memory_space<vmem>>, %arg8: memref<128xf32, #tpu.memory_space<vmem>>, %arg9: memref<640xf32, #tpu.memory_space<vmem>>, %arg10: memref<10240xf32, #tpu.memory_space<vmem_shared>>, %arg11: memref<!tpu.dma_semaphore, #tpu.memory_space<semaphore_mem>>) attributes {dimension_semantics = [#tpu.dimension_semantics<core_parallel>, #tpu.dimension_semantics<subcore_parallel>], iteration_bounds = array<i64: 2, 16>, scalar_prefetch = 0 : i64, scratch_operands = 6 : i64, tpu.core_type = #tpu.core_type<sc_vector_subcore>, window_params = [{transform_indices = #map}, {transform_indices = #map1}, {transform_indices = #map1}, {transform_indices = #map2}]} {
    %mul3A = arith.constant 16 : i32
    %mul3A_0 = arith.muli %arg0, %mul3A : i32
    %add3A = arith.addi %mul3A_0, %arg1 : i32
    %broadcast_in_dim3A = arith.constant 0.000000e+00 : f32
    %broadcast_in_dim3A_1 = vector.broadcast %broadcast_in_dim3A : f32 to vector<16xf32>
    %swap3A = arith.constant 0 : index
    %swap3A_2 = tpu.vector_load %arg9[%swap3A] {strides = array<i32>} : memref<640xf32, #tpu.memory_space<vmem>>, vector<16xf32>,
    %swap3A_3 = vector.shape_cast %swap3A_2 : vector<16xf32> to vector<16xf32>
    %swap3A_4 = vector.shape_cast %broadcast_in_dim3A_1 : vector<16xf32> to vector<16xf32>
    tpu.vector_store %arg9[%swap3A], %swap3A_4 {strides = array<i32>} : memref<640xf32, #tpu.memory_space<vmem>>, vector<16xf32>,
    %swap3A_5 = arith.constant 16 : index
    %swap3A_6 = tpu.vector_load %arg9[%swap3A_5] {strides = array<i32>} : memref<640xf32, #tpu.memory_space<vmem>>, vector<16xf32>,
    %swap3A_7 = vector.shape_cast %swap3A_6 : vector<16xf32> to vector<16xf32>
    %swap3A_8 = vector.shape_cast %broadcast_in_dim3A_1 : vector<16xf32> to vector<16xf32>
    tpu.vector_store %arg9[%swap3A_5], %swap3A_8 {strides = array<i32>} : memref<640xf32, #tpu.memory_space<vmem>>, vector<16xf32>,
    %swap3A_9 = arith.constant 32 : index
    %swap3A_10 = tpu.vector_load %arg9[%swap3A_9] {strides = array<i32>} : memref<640xf32, #tpu.memory_space<vmem>>, vector<16xf32>,
    %swap3A_11 = vector.shape_cast %swap3A_10 : vector<16xf32> to vector<16xf32>
    %swap3A_12 = vector.shape_cast %broadcast_in_dim3A_1 : vector<16xf32> to vector<16xf32>
    tpu.vector_store %arg9[%swap3A_9], %swap3A_12 {strides = array<i32>} : memref<640xf32, #tpu.memory_space<vmem>>, vector<16xf32>,
    %swap3A_13 = arith.constant 48 : index
    %swap3A_14 = tpu.vector_load %arg9[%swap3A_13] {strides = array<i32>} : memref<640xf32, #tpu.memory_space<vmem>>, vector<16xf32>,
    %swap3A_15 = vector.shape_cast %swap3A_14 : vector<16xf32> to vector<16xf32>
    %swap3A_16 = vector.shape_cast %broadcast_in_dim3A_1 : vector<16xf32> to vector<16xf32>
    tpu.vector_store %arg9[%swap3A_13], %swap3A_16 {strides = array<i32>} : memref<640xf32, #tpu.memory_space<vmem>>, vector<16xf32>,
    %swap3A_17 = arith.constant 64 : index
    %swap3A_18 = tpu.vector_load %arg9[%swap3A_17] {strides = array<i32>} : memref<640xf32, #tpu.memory_space<vmem>>, vector<16xf32>,
    %swap3A_19 = vector.shape_cast %swap3A_18 : vector<16xf32> to vector<16xf32>
    %swap3A_20 = vector.shape_cast %broadcast_in_dim3A_1 : vector<16xf32> to vector<16xf32>
    tpu.vector_store %arg9[%swap3A_17], %swap3A_20 {strides = array<i32>} : memref<640xf32, #tpu.memory_space<vmem>>, vector<16xf32>,
    %swap3A_21 = arith.constant 80 : index
    %swap3A_22 = tpu.vector_load %arg9[%swap3A_21] {strides = array<i32>} : memref<640xf32, #tpu.memory_space<vmem>>, vector<16xf32>,
    %swap3A_23 = vector.shape_cast %swap3A_22 : vector<16xf32> to vector<16xf32>
    %swap3A_24 = vector.shape_cast %broadcast_in_dim3A_1 : vector<16xf32> to vector<16xf32>
    tpu.vector_store %arg9[%swap3A_21], %swap3A_24 {strides = array<i32>} : memref<640xf32, #tpu.memory_space<vmem>>, vector<16xf32>,
    %swap3A_25 = arith.constant 96 : index
    %swap3A_26 = tpu.vector_load %arg9[%swap3A_25] {strides = array<i32>} : memref<640xf32, #tpu.memory_space<vmem>>, vector<16xf32>,
    %swap3A_27 = vector.shape_cast %swap3A_26 : vector<16xf32> to vector<16xf32>
    %swap3A_28 = vector.shape_cast %broadcast_in_dim3A_1 : vector<16xf32> to vector<16xf32>
    tpu.vector_store %arg9[%swap3A_25], %swap3A_28 {strides = array<i32>} : memref<640xf32, #tpu.memory_space<vmem>>, vector<16xf32>,
    %swap3A_29 = arith.constant 112 : index
    %swap3A_30 = tpu.vector_load %arg9[%swap3A_29] {strides = array<i32>} : memref<640xf32, #tpu.memory_space<vmem>>, vector<16xf32>,
    %swap3A_31 = vector.shape_cast %swap3A_30 : vector<16xf32> to vector<16xf32>
    %swap3A_32 = vector.shape_cast %broadcast_in_dim3A_1 : vector<16xf32> to vector<16xf32>
    tpu.vector_store %arg9[%swap3A_29], %swap3A_32 {strides = array<i32>} : memref<640xf32, #tpu.memory_space<vmem>>, vector<16xf32>,
    %swap3A_33 = arith.constant 128 : index
    %swap3A_34 = tpu.vector_load %arg9[%swap3A_33] {strides = array<i32>} : memref<640xf32, #tpu.memory_space<vmem>>, vector<16xf32>,
    %swap3A_35 = vector.shape_cast %swap3A_34 : vector<16xf32> to vector<16xf32>
    %swap3A_36 = vector.shape_cast %broadcast_in_dim3A_1 : vector<16xf32> to vector<16xf32>
    tpu.vector_store %arg9[%swap3A_33], %swap3A_36 {strides = array<i32>} : memref<640xf32, #tpu.memory_space<vmem>>, vector<16xf32>,
    %swap3A_37 = arith.constant 144 : index
    %swap3A_38 = tpu.vector_load %arg9[%swap3A_37] {strides = array<i32>} : memref<640xf32, #tpu.memory_space<vmem>>, vector<16xf32>,
    %swap3A_39 = vector.shape_cast %swap3A_38 : vector<16xf32> to vector<16xf32>
    %swap3A_40 = vector.shape_cast %broadcast_in_dim3A_1 : vector<16xf32> to vector<16xf32>
    tpu.vector_store %arg9[%swap3A_37], %swap3A_40 {strides = array<i32>} : memref<640xf32, #tpu.memory_space<vmem>>, vector<16xf32>,
    %swap3A_41 = arith.constant 160 : index
    %swap3A_42 = tpu.vector_load %arg9[%swap3A_41] {strides = array<i32>} : memref<640xf32, #tpu.memory_space<vmem>>, vector<16xf32>,
    %swap3A_43 = vector.shape_cast %swap3A_42 : vector<16xf32> to vector<16xf32>
    %swap3A_44 = vector.shape_cast %broadcast_in_dim3A_1 : vector<16xf32> to vector<16xf32>
    tpu.vector_store %arg9[%swap3A_41], %swap3A_44 {strides = array<i32>} : memref<640xf32, #tpu.memory_space<vmem>>, vector<16xf32>,
    %swap3A_45 = arith.constant 176 : index
    %swap3A_46 = tpu.vector_load %arg9[%swap3A_45] {strides = array<i32>} : memref<640xf32, #tpu.memory_space<vmem>>, vector<16xf32>,
    %swap3A_47 = vector.shape_cast %swap3A_46 : vector<16xf32> to vector<16xf32>
    %swap3A_48 = vector.shape_cast %broadcast_in_dim3A_1 : vector<16xf32> to vector<16xf32>
    tpu.vector_store %arg9[%swap3A_45], %swap3A_48 {strides = array<i32>} : memref<640xf32, #tpu.memory_space<vmem>>, vector<16xf32>,
    %swap3A_49 = arith.constant 192 : index
    %swap3A_50 = tpu.vector_load %arg9[%swap3A_49] {strides = array<i32>} : memref<640xf32, #tpu.memory_space<vmem>>, vector<16xf32>,
    %swap3A_51 = vector.shape_cast %swap3A_50 : vector<16xf32> to vector<16xf32>
    %swap3A_52 = vector.shape_cast %broadcast_in_dim3A_1 : vector<16xf32> to vector<16xf32>
    tpu.vector_store %arg9[%swap3A_49], %swap3A_52 {strides = array<i32>} : memref<640xf32, #tpu.memory_space<vmem>>, vector<16xf32>,
    %swap3A_53 = arith.constant 208 : index
    %swap3A_54 = tpu.vector_load %arg9[%swap3A_53] {strides = array<i32>} : memref<640xf32, #tpu.memory_space<vmem>>, vector<16xf32>,
    %swap3A_55 = vector.shape_cast %swap3A_54 : vector<16xf32> to vector<16xf32>
    %swap3A_56 = vector.shape_cast %broadcast_in_dim3A_1 : vector<16xf32> to vector<16xf32>
    tpu.vector_store %arg9[%swap3A_53], %swap3A_56 {strides = array<i32>} : memref<640xf32, #tpu.memory_space<vmem>>, vector<16xf32>,
    %swap3A_57 = arith.constant 224 : index
    %swap3A_58 = tpu.vector_load %arg9[%swap3A_57] {strides = array<i32>} : memref<640xf32, #tpu.memory_space<vmem>>, vector<16xf32>,
    %swap3A_59 = vector.shape_cast %swap3A_58 : vector<16xf32> to vector<16xf32>
    %swap3A_60 = vector.shape_cast %broadcast_in_dim3A_1 : vector<16xf32> to vector<16xf32>
    tpu.vector_store %arg9[%swap3A_57], %swap3A_60 {strides = array<i32>} : memref<640xf32, #tpu.memory_space<vmem>>, vector<16xf32>,
    %swap3A_61 = arith.constant 240 : index
    %swap3A_62 = tpu.vector_load %arg9[%swap3A_61] {strides = array<i32>} : memref<640xf32, #tpu.memory_space<vmem>>, vector<16xf32>,
    %swap3A_63 = vector.shape_cast %swap3A_62 : vector<16xf32> to vector<16xf32>
    %swap3A_64 = vector.shape_cast %broadcast_in_dim3A_1 : vector<16xf32> to vector<16xf32>
    tpu.vector_store %arg9[%swap3A_61], %swap3A_64 {strides = array<i32>} : memref<640xf32, #tpu.memory_space<vmem>>, vector<16xf32>,
    %swap3A_65 = arith.constant 256 : index
    %swap3A_66 = tpu.vector_load %arg9[%swap3A_65] {strides = array<i32>} : memref<640xf32, #tpu.memory_space<vmem>>, vector<16xf32>,
    %swap3A_67 = vector.shape_cast %swap3A_66 : vector<16xf32> to vector<16xf32>
    %swap3A_68 = vector.shape_cast %broadcast_in_dim3A_1 : vector<16xf32> to vector<16xf32>
    tpu.vector_store %arg9[%swap3A_65], %swap3A_68 {strides = array<i32>} : memref<640xf32, #tpu.memory_space<vmem>>, vector<16xf32>,
    %swap3A_69 = arith.constant 272 : index
    %swap3A_70 = tpu.vector_load %arg9[%swap3A_69] {strides = array<i32>} : memref<640xf32, #tpu.memory_space<vmem>>, vector<16xf32>,
    %swap3A_71 = vector.shape_cast %swap3A_70 : vector<16xf32> to vector<16xf32>
    %swap3A_72 = vector.shape_cast %broadcast_in_dim3A_1 : vector<16xf32> to vector<16xf32>
    tpu.vector_store %arg9[%swap3A_69], %swap3A_72 {strides = array<i32>} : memref<640xf32, #tpu.memory_space<vmem>>, vector<16xf32>,
    %swap3A_73 = arith.constant 288 : index
    %swap3A_74 = tpu.vector_load %arg9[%swap3A_73] {strides = array<i32>} : memref<640xf32, #tpu.memory_space<vmem>>, vector<16xf32>,
    %swap3A_75 = vector.shape_cast %swap3A_74 : vector<16xf32> to vector<16xf32>
    %swap3A_76 = vector.shape_cast %broadcast_in_dim3A_1 : vector<16xf32> to vector<16xf32>
    tpu.vector_store %arg9[%swap3A_73], %swap3A_76 {strides = array<i32>} : memref<640xf32, #tpu.memory_space<vmem>>, vector<16xf32>,
    %swap3A_77 = arith.constant 304 : index
    %swap3A_78 = tpu.vector_load %arg9[%swap3A_77] {strides = array<i32>} : memref<640xf32, #tpu.memory_space<vmem>>, vector<16xf32>,
    %swap3A_79 = vector.shape_cast %swap3A_78 : vector<16xf32> to vector<16xf32>
    %swap3A_80 = vector.shape_cast %broadcast_in_dim3A_1 : vector<16xf32> to vector<16xf32>
    tpu.vector_store %arg9[%swap3A_77], %swap3A_80 {strides = array<i32>} : memref<640xf32, #tpu.memory_space<vmem>>, vector<16xf32>,
    %swap3A_81 = arith.constant 320 : index
    %swap3A_82 = tpu.vector_load %arg9[%swap3A_81] {strides = array<i32>} : memref<640xf32, #tpu.memory_space<vmem>>, vector<16xf32>,
    %swap3A_83 = vector.shape_cast %swap3A_82 : vector<16xf32> to vector<16xf32>
    %swap3A_84 = vector.shape_cast %broadcast_in_dim3A_1 : vector<16xf32> to vector<16xf32>
    tpu.vector_store %arg9[%swap3A_81], %swap3A_84 {strides = array<i32>} : memref<640xf32, #tpu.memory_space<vmem>>, vector<16xf32>,
    %swap3A_85 = arith.constant 336 : index
    %swap3A_86 = tpu.vector_load %arg9[%swap3A_85] {strides = array<i32>} : memref<640xf32, #tpu.memory_space<vmem>>, vector<16xf32>,
    %swap3A_87 = vector.shape_cast %swap3A_86 : vector<16xf32> to vector<16xf32>
    %swap3A_88 = vector.shape_cast %broadcast_in_dim3A_1 : vector<16xf32> to vector<16xf32>
    tpu.vector_store %arg9[%swap3A_85], %swap3A_88 {strides = array<i32>} : memref<640xf32, #tpu.memory_space<vmem>>, vector<16xf32>,
    %swap3A_89 = arith.constant 352 : index
    %swap3A_90 = tpu.vector_load %arg9[%swap3A_89] {strides = array<i32>} : memref<640xf32, #tpu.memory_space<vmem>>, vector<16xf32>,
    %swap3A_91 = vector.shape_cast %swap3A_90 : vector<16xf32> to vector<16xf32>
    %swap3A_92 = vector.shape_cast %broadcast_in_dim3A_1 : vector<16xf32> to vector<16xf32>
    tpu.vector_store %arg9[%swap3A_89], %swap3A_92 {strides = array<i32>} : memref<640xf32, #tpu.memory_space<vmem>>, vector<16xf32>,
    %swap3A_93 = arith.constant 368 : index
    %swap3A_94 = tpu.vector_load %arg9[%swap3A_93] {strides = array<i32>} : memref<640xf32, #tpu.memory_space<vmem>>, vector<16xf32>,
    %swap3A_95 = vector.shape_cast %swap3A_94 : vector<16xf32> to vector<16xf32>
    %swap3A_96 = vector.shape_cast %broadcast_in_dim3A_1 : vector<16xf32> to vector<16xf32>
    tpu.vector_store %arg9[%swap3A_93], %swap3A_96 {strides = array<i32>} : memref<640xf32, #tpu.memory_space<vmem>>, vector<16xf32>,
    %swap3A_97 = arith.constant 384 : index
    %swap3A_98 = tpu.vector_load %arg9[%swap3A_97] {strides = array<i32>} : memref<640xf32, #tpu.memory_space<vmem>>, vector<16xf32>,
    %swap3A_99 = vector.shape_cast %swap3A_98 : vector<16xf32> to vector<16xf32>
    %swap3A_100 = vector.shape_cast %broadcast_in_dim3A_1 : vector<16xf32> to vector<16xf32>
    tpu.vector_store %arg9[%swap3A_97], %swap3A_100 {strides = array<i32>} : memref<640xf32, #tpu.memory_space<vmem>>, vector<16xf32>,
    %swap3A_101 = arith.constant 400 : index
    %swap3A_102 = tpu.vector_load %arg9[%swap3A_101] {strides = array<i32>} : memref<640xf32, #tpu.memory_space<vmem>>, vector<16xf32>,
    %swap3A_103 = vector.shape_cast %swap3A_102 : vector<16xf32> to vector<16xf32>
    %swap3A_104 = vector.shape_cast %broadcast_in_dim3A_1 : vector<16xf32> to vector<16xf32>
    tpu.vector_store %arg9[%swap3A_101], %swap3A_104 {strides = array<i32>} : memref<640xf32, #tpu.memory_space<vmem>>, vector<16xf32>,
    %swap3A_105 = arith.constant 416 : index
    %swap3A_106 = tpu.vector_load %arg9[%swap3A_105] {strides = array<i32>} : memref<640xf32, #tpu.memory_space<vmem>>, vector<16xf32>,
    %swap3A_107 = vector.shape_cast %swap3A_106 : vector<16xf32> to vector<16xf32>
    %swap3A_108 = vector.shape_cast %broadcast_in_dim3A_1 : vector<16xf32> to vector<16xf32>
    tpu.vector_store %arg9[%swap3A_105], %swap3A_108 {strides = array<i32>} : memref<640xf32, #tpu.memory_space<vmem>>, vector<16xf32>,
    %swap3A_109 = arith.constant 432 : index
    %swap3A_110 = tpu.vector_load %arg9[%swap3A_109] {strides = array<i32>} : memref<640xf32, #tpu.memory_space<vmem>>, vector<16xf32>,
    %swap3A_111 = vector.shape_cast %swap3A_110 : vector<16xf32> to vector<16xf32>
    %swap3A_112 = vector.shape_cast %broadcast_in_dim3A_1 : vector<16xf32> to vector<16xf32>
    tpu.vector_store %arg9[%swap3A_109], %swap3A_112 {strides = array<i32>} : memref<640xf32, #tpu.memory_space<vmem>>, vector<16xf32>,
    %swap3A_113 = arith.constant 448 : index
    %swap3A_114 = tpu.vector_load %arg9[%swap3A_113] {strides = array<i32>} : memref<640xf32, #tpu.memory_space<vmem>>, vector<16xf32>,
    %swap3A_115 = vector.shape_cast %swap3A_114 : vector<16xf32> to vector<16xf32>
    %swap3A_116 = vector.shape_cast %broadcast_in_dim3A_1 : vector<16xf32> to vector<16xf32>
    tpu.vector_store %arg9[%swap3A_113], %swap3A_116 {strides = array<i32>} : memref<640xf32, #tpu.memory_space<vmem>>, vector<16xf32>,
    %swap3A_117 = arith.constant 464 : index
    %swap3A_118 = tpu.vector_load %arg9[%swap3A_117] {strides = array<i32>} : memref<640xf32, #tpu.memory_space<vmem>>, vector<16xf32>,
    %swap3A_119 = vector.shape_cast %swap3A_118 : vector<16xf32> to vector<16xf32>
    %swap3A_120 = vector.shape_cast %broadcast_in_dim3A_1 : vector<16xf32> to vector<16xf32>
    tpu.vector_store %arg9[%swap3A_117], %swap3A_120 {strides = array<i32>} : memref<640xf32, #tpu.memory_space<vmem>>, vector<16xf32>,
    %swap3A_121 = arith.constant 480 : index
    %swap3A_122 = tpu.vector_load %arg9[%swap3A_121] {strides = array<i32>} : memref<640xf32, #tpu.memory_space<vmem>>, vector<16xf32>,
    %swap3A_123 = vector.shape_cast %swap3A_122 : vector<16xf32> to vector<16xf32>
    %swap3A_124 = vector.shape_cast %broadcast_in_dim3A_1 : vector<16xf32> to vector<16xf32>
    tpu.vector_store %arg9[%swap3A_121], %swap3A_124 {strides = array<i32>} : memref<640xf32, #tpu.memory_space<vmem>>, vector<16xf32>,
    %swap3A_125 = arith.constant 496 : index
    %swap3A_126 = tpu.vector_load %arg9[%swap3A_125] {strides = array<i32>} : memref<640xf32, #tpu.memory_space<vmem>>, vector<16xf32>,
    %swap3A_127 = vector.shape_cast %swap3A_126 : vector<16xf32> to vector<16xf32>
    %swap3A_128 = vector.shape_cast %broadcast_in_dim3A_1 : vector<16xf32> to vector<16xf32>
    tpu.vector_store %arg9[%swap3A_125], %swap3A_128 {strides = array<i32>} : memref<640xf32, #tpu.memory_space<vmem>>, vector<16xf32>,
    %swap3A_129 = arith.constant 512 : index
    %swap3A_130 = tpu.vector_load %arg9[%swap3A_129] {strides = array<i32>} : memref<640xf32, #tpu.memory_space<vmem>>, vector<16xf32>,
    %swap3A_131 = vector.shape_cast %swap3A_130 : vector<16xf32> to vector<16xf32>
    %swap3A_132 = vector.shape_cast %broadcast_in_dim3A_1 : vector<16xf32> to vector<16xf32>
    tpu.vector_store %arg9[%swap3A_129], %swap3A_132 {strides = array<i32>} : memref<640xf32, #tpu.memory_space<vmem>>, vector<16xf32>,
    %swap3A_133 = arith.constant 528 : index
    %swap3A_134 = tpu.vector_load %arg9[%swap3A_133] {strides = array<i32>} : memref<640xf32, #tpu.memory_space<vmem>>, vector<16xf32>,
    %swap3A_135 = vector.shape_cast %swap3A_134 : vector<16xf32> to vector<16xf32>
    %swap3A_136 = vector.shape_cast %broadcast_in_dim3A_1 : vector<16xf32> to vector<16xf32>
    tpu.vector_store %arg9[%swap3A_133], %swap3A_136 {strides = array<i32>} : memref<640xf32, #tpu.memory_space<vmem>>, vector<16xf32>,
    %swap3A_137 = arith.constant 544 : index
    %swap3A_138 = tpu.vector_load %arg9[%swap3A_137] {strides = array<i32>} : memref<640xf32, #tpu.memory_space<vmem>>, vector<16xf32>,
    %swap3A_139 = vector.shape_cast %swap3A_138 : vector<16xf32> to vector<16xf32>
    %swap3A_140 = vector.shape_cast %broadcast_in_dim3A_1 : vector<16xf32> to vector<16xf32>
    tpu.vector_store %arg9[%swap3A_137], %swap3A_140 {strides = array<i32>} : memref<640xf32, #tpu.memory_space<vmem>>, vector<16xf32>,
    %swap3A_141 = arith.constant 560 : index
    %swap3A_142 = tpu.vector_load %arg9[%swap3A_141] {strides = array<i32>} : memref<640xf32, #tpu.memory_space<vmem>>, vector<16xf32>,
    %swap3A_143 = vector.shape_cast %swap3A_142 : vector<16xf32> to vector<16xf32>
    %swap3A_144 = vector.shape_cast %broadcast_in_dim3A_1 : vector<16xf32> to vector<16xf32>
    tpu.vector_store %arg9[%swap3A_141], %swap3A_144 {strides = array<i32>} : memref<640xf32, #tpu.memory_space<vmem>>, vector<16xf32>,
    %swap3A_145 = arith.constant 576 : index
    %swap3A_146 = tpu.vector_load %arg9[%swap3A_145] {strides = array<i32>} : memref<640xf32, #tpu.memory_space<vmem>>, vector<16xf32>,
    %swap3A_147 = vector.shape_cast %swap3A_146 : vector<16xf32> to vector<16xf32>
    %swap3A_148 = vector.shape_cast %broadcast_in_dim3A_1 : vector<16xf32> to vector<16xf32>
    tpu.vector_store %arg9[%swap3A_145], %swap3A_148 {strides = array<i32>} : memref<640xf32, #tpu.memory_space<vmem>>, vector<16xf32>,
    %swap3A_149 = arith.constant 592 : index
    %swap3A_150 = tpu.vector_load %arg9[%swap3A_149] {strides = array<i32>} : memref<640xf32, #tpu.memory_space<vmem>>, vector<16xf32>,
    %swap3A_151 = vector.shape_cast %swap3A_150 : vector<16xf32> to vector<16xf32>
    %swap3A_152 = vector.shape_cast %broadcast_in_dim3A_1 : vector<16xf32> to vector<16xf32>
    tpu.vector_store %arg9[%swap3A_149], %swap3A_152 {strides = array<i32>} : memref<640xf32, #tpu.memory_space<vmem>>, vector<16xf32>,
    %swap3A_153 = arith.constant 608 : index
    %swap3A_154 = tpu.vector_load %arg9[%swap3A_153] {strides = array<i32>} : memref<640xf32, #tpu.memory_space<vmem>>, vector<16xf32>,
    %swap3A_155 = vector.shape_cast %swap3A_154 : vector<16xf32> to vector<16xf32>
    %swap3A_156 = vector.shape_cast %broadcast_in_dim3A_1 : vector<16xf32> to vector<16xf32>
    tpu.vector_store %arg9[%swap3A_153], %swap3A_156 {strides = array<i32>} : memref<640xf32, #tpu.memory_space<vmem>>, vector<16xf32>,
    %swap3A_157 = arith.constant 624 : index
    %swap3A_158 = tpu.vector_load %arg9[%swap3A_157] {strides = array<i32>} : memref<640xf32, #tpu.memory_space<vmem>>, vector<16xf32>,
    %swap3A_159 = vector.shape_cast %swap3A_158 : vector<16xf32> to vector<16xf32>
    %swap3A_160 = vector.shape_cast %broadcast_in_dim3A_1 : vector<16xf32> to vector<16xf32>
    tpu.vector_store %arg9[%swap3A_157], %swap3A_160 {strides = array<i32>} : memref<640xf32, #tpu.memory_space<vmem>>, vector<16xf32>,
    %mul3A_161 = arith.constant 640 : i32
    %mul3A_162 = arith.muli %arg1, %mul3A_161 : i32
    "tpu.region"() ({
      %run_scoped3A = tpu.sem_alloc : memref<!tpu.dma_semaphore, #tpu.memory_space<semaphore_mem>>
      %dma_start3A = tpu.memref_slice %arg10[%mul3A_162] : memref<10240xf32, #tpu.memory_space<vmem_shared>> -> memref<640xf32, #tpu.memory_space<vmem_shared>>
      %dma_start3A_174 = tpu.memref_slice %arg10[%mul3A_162] : memref<10240xf32, #tpu.memory_space<vmem_shared>> -> memref<640xf32, #tpu.memory_space<vmem_shared>>
      tpu.enqueue_dma source(%arg9 : memref<640xf32, #tpu.memory_space<vmem>>) target(%dma_start3A_174 : memref<640xf32, #tpu.memory_space<vmem_shared>>) target_semaphore(%run_scoped3A : memref<!tpu.dma_semaphore, #tpu.memory_space<semaphore_mem>>)
      %dma_wait3A = tpu.memref_slice %arg10[%mul3A_162] : memref<10240xf32, #tpu.memory_space<vmem_shared>> -> memref<640xf32, #tpu.memory_space<vmem_shared>>
      %dma_wait3A_175 = tpu.memref_slice %arg10[%mul3A_162] : memref<10240xf32, #tpu.memory_space<vmem_shared>> -> memref<640xf32, #tpu.memory_space<vmem_shared>>
      tpu.wait_dma2 semaphore(%run_scoped3A : memref<!tpu.dma_semaphore, #tpu.memory_space<semaphore_mem>>) src(%arg9 : memref<640xf32, #tpu.memory_space<vmem>>) dst(%dma_wait3A_175 : memref<640xf32, #tpu.memory_space<vmem_shared>>)
      tpu.yield
    }) : () -> ()
    "tpu.region"() ({
      %run_scoped3A = tpu.sem_alloc : memref<!tpu.dma_semaphore, #tpu.memory_space<semaphore_mem>>
      %dma_start3A = arith.constant 0 : i32
      %dma_start3A_174 = arith.constant 0 : i32
      %dma_start3A_175 = tpu.memref_slice %arg3[%add3A, %dma_start3A, %dma_start3A_174] : memref<32x80x128xi32, #tpu.memory_space<hbm>> -> memref<1x80x128xi32, #tpu.memory_space<hbm>>
      %dma_start3A_176 = tpu.memref_squeeze %dma_start3A_175 : memref<1x80x128xi32, #tpu.memory_space<hbm>> -> memref<80x128xi32, #tpu.memory_space<hbm>>
      %dma_start3A_177 = arith.constant 0 : i32
      %dma_start3A_178 = arith.constant 0 : i32
      %dma_start3A_179 = tpu.memref_slice %arg3[%add3A, %dma_start3A_177, %dma_start3A_178] : memref<32x80x128xi32, #tpu.memory_space<hbm>> -> memref<1x80x128xi32, #tpu.memory_space<hbm>>
      %dma_start3A_180 = tpu.memref_squeeze %dma_start3A_179 : memref<1x80x128xi32, #tpu.memory_space<hbm>> -> memref<80x128xi32, #tpu.memory_space<hbm>>
      tpu.enqueue_dma source(%dma_start3A_180 : memref<80x128xi32, #tpu.memory_space<hbm>>) target(%arg6 : memref<80x128xi32, #tpu.memory_space<vmem>>) target_semaphore(%run_scoped3A : memref<!tpu.dma_semaphore, #tpu.memory_space<semaphore_mem>>)
      %dma_wait3A = arith.constant 0 : i32
      %dma_wait3A_181 = arith.constant 0 : i32
      %dma_wait3A_182 = tpu.memref_slice %arg3[%add3A, %dma_wait3A, %dma_wait3A_181] : memref<32x80x128xi32, #tpu.memory_space<hbm>> -> memref<1x80x128xi32, #tpu.memory_space<hbm>>
      %dma_wait3A_183 = tpu.memref_squeeze %dma_wait3A_182 : memref<1x80x128xi32, #tpu.memory_space<hbm>> -> memref<80x128xi32, #tpu.memory_space<hbm>>
      %dma_wait3A_184 = arith.constant 0 : i32
      %dma_wait3A_185 = arith.constant 0 : i32
      %dma_wait3A_186 = tpu.memref_slice %arg3[%add3A, %dma_wait3A_184, %dma_wait3A_185] : memref<32x80x128xi32, #tpu.memory_space<hbm>> -> memref<1x80x128xi32, #tpu.memory_space<hbm>>
      %dma_wait3A_187 = tpu.memref_squeeze %dma_wait3A_186 : memref<1x80x128xi32, #tpu.memory_space<hbm>> -> memref<80x128xi32, #tpu.memory_space<hbm>>
      tpu.wait_dma2 semaphore(%run_scoped3A : memref<!tpu.dma_semaphore, #tpu.memory_space<semaphore_mem>>) src(%dma_wait3A_187 : memref<80x128xi32, #tpu.memory_space<hbm>>) dst(%arg6 : memref<80x128xi32, #tpu.memory_space<vmem>>)
      tpu.yield
    }) : () -> ()
    "tpu.region"() ({
      %run_scoped3A = tpu.sem_alloc : memref<!tpu.dma_semaphore, #tpu.memory_space<semaphore_mem>>
      %dma_start3A = arith.constant 0 : i32
      %dma_start3A_174 = arith.constant 0 : i32
      %dma_start3A_175 = tpu.memref_slice %arg4[%add3A, %dma_start3A, %dma_start3A_174] : memref<32x80x128xi32, #tpu.memory_space<hbm>> -> memref<1x80x128xi32, #tpu.memory_space<hbm>>
      %dma_start3A_176 = tpu.memref_squeeze %dma_start3A_175 : memref<1x80x128xi32, #tpu.memory_space<hbm>> -> memref<80x128xi32, #tpu.memory_space<hbm>>
      %dma_start3A_177 = arith.constant 0 : i32
      %dma_start3A_178 = arith.constant 0 : i32
      %dma_start3A_179 = tpu.memref_slice %arg4[%add3A, %dma_start3A_177, %dma_start3A_178] : memref<32x80x128xi32, #tpu.memory_space<hbm>> -> memref<1x80x128xi32, #tpu.memory_space<hbm>>
      %dma_start3A_180 = tpu.memref_squeeze %dma_start3A_179 : memref<1x80x128xi32, #tpu.memory_space<hbm>> -> memref<80x128xi32, #tpu.memory_space<hbm>>
      tpu.enqueue_dma source(%dma_start3A_180 : memref<80x128xi32, #tpu.memory_space<hbm>>) target(%arg7 : memref<80x128xi32, #tpu.memory_space<vmem>>) target_semaphore(%run_scoped3A : memref<!tpu.dma_semaphore, #tpu.memory_space<semaphore_mem>>)
      %dma_wait3A = arith.constant 0 : i32
      %dma_wait3A_181 = arith.constant 0 : i32
      %dma_wait3A_182 = tpu.memref_slice %arg4[%add3A, %dma_wait3A, %dma_wait3A_181] : memref<32x80x128xi32, #tpu.memory_space<hbm>> -> memref<1x80x128xi32, #tpu.memory_space<hbm>>
      %dma_wait3A_183 = tpu.memref_squeeze %dma_wait3A_182 : memref<1x80x128xi32, #tpu.memory_space<hbm>> -> memref<80x128xi32, #tpu.memory_space<hbm>>
      %dma_wait3A_184 = arith.constant 0 : i32
      %dma_wait3A_185 = arith.constant 0 : i32
      %dma_wait3A_186 = tpu.memref_slice %arg4[%add3A, %dma_wait3A_184, %dma_wait3A_185] : memref<32x80x128xi32, #tpu.memory_space<hbm>> -> memref<1x80x128xi32, #tpu.memory_space<hbm>>
      %dma_wait3A_187 = tpu.memref_squeeze %dma_wait3A_186 : memref<1x80x128xi32, #tpu.memory_space<hbm>> -> memref<80x128xi32, #tpu.memory_space<hbm>>
      tpu.wait_dma2 semaphore(%run_scoped3A : memref<!tpu.dma_semaphore, #tpu.memory_space<semaphore_mem>>) src(%dma_wait3A_187 : memref<80x128xi32, #tpu.memory_space<hbm>>) dst(%arg7 : memref<80x128xi32, #tpu.memory_space<vmem>>)
      tpu.yield
    }) : () -> ()
    %barrier3A = arith.constant 0 : index
    tpu.barrier barrier_id(%barrier3A)
    %scan3A = arith.constant 0 : i32
    %scan3A_163 = arith.constant 0 : i32
    %scan3A_164 = arith.constant 80 : i32
    %scan3A_165 = arith.addi %scan3A_163, %scan3A_164 : i32
    %scan3A_166 = arith.constant 1 : i32
    %scan3A_167 = scf.for %scan3A_174 = %scan3A_163 to %scan3A_165 step %scan3A_166 iter_args(%scan3A_175 = %scan3A) -> (i32)  : i32 {
      %dma_start3A = arith.constant 0 : i32
      %dma_start3A_176 = tpu.memref_slice %arg6[%scan3A_174, %dma_start3A] : memref<80x128xi32, #tpu.memory_space<vmem>> -> memref<1x128xi32, #tpu.memory_space<vmem>>
      %dma_start3A_177 = tpu.memref_squeeze %dma_start3A_176 : memref<1x128xi32, #tpu.memory_space<vmem>> -> memref<128xi32, #tpu.memory_space<vmem>>
      %dma_start3A_178 = arith.constant 0 : i32
      %dma_start3A_179 = tpu.memref_slice %arg2[%dma_start3A_178] : memref<10240xf32, #tpu.memory_space<hbm>> -> memref<10240xf32, #tpu.memory_space<hbm>>
      tpu.enqueue_indirect_dma source(%dma_start3A_179 : memref<10240xf32, #tpu.memory_space<hbm>>) target(%arg8 : memref<128xf32, #tpu.memory_space<vmem>>) offsets(%dma_start3A_177 : memref<128xi32, #tpu.memory_space<vmem>>) semaphore(%arg11 : memref<!tpu.dma_semaphore, #tpu.memory_space<semaphore_mem>>)
      %dma_wait3A = arith.constant 0 : i32
      %dma_wait3A_180 = tpu.memref_slice %arg6[%scan3A_174, %dma_wait3A] : memref<80x128xi32, #tpu.memory_space<vmem>> -> memref<1x128xi32, #tpu.memory_space<vmem>>
      %dma_wait3A_181 = tpu.memref_squeeze %dma_wait3A_180 : memref<1x128xi32, #tpu.memory_space<vmem>> -> memref<128xi32, #tpu.memory_space<vmem>>
      %dma_wait3A_182 = arith.constant 0 : i32
      %dma_wait3A_183 = tpu.memref_slice %arg2[%dma_wait3A_182] : memref<10240xf32, #tpu.memory_space<hbm>> -> memref<10240xf32, #tpu.memory_space<hbm>>
      tpu.wait_indirect_dma semaphore(%arg11 : memref<!tpu.dma_semaphore, #tpu.memory_space<semaphore_mem>>) src(%dma_wait3A_183 : memref<10240xf32, #tpu.memory_space<hbm>>) dst(%arg8 : memref<128xf32, #tpu.memory_space<vmem>>)
      "tpu.region"() ({
        %run_scoped3A = tpu.sem_alloc : memref<!tpu.dma_semaphore, #tpu.memory_space<semaphore_mem>>
        %dma_start3A_185 = arith.constant 0 : i32
        %dma_start3A_186 = tpu.memref_slice %arg7[%scan3A_174, %dma_start3A_185] : memref<80x128xi32, #tpu.memory_space<vmem>> -> memref<1x128xi32, #tpu.memory_space<vmem>>
        %dma_start3A_187 = tpu.memref_squeeze %dma_start3A_186 : memref<1x128xi32, #tpu.memory_space<vmem>> -> memref<128xi32, #tpu.memory_space<vmem>>
        %dma_start3A_188 = arith.constant 0 : i32
        %dma_start3A_189 = tpu.memref_slice %arg10[%dma_start3A_188] : memref<10240xf32, #tpu.memory_space<vmem_shared>> -> memref<10240xf32, #tpu.memory_space<vmem_shared>>
        tpu.enqueue_indirect_dma source(%arg8 : memref<128xf32, #tpu.memory_space<vmem>>) target(%dma_start3A_189 : memref<10240xf32, #tpu.memory_space<vmem_shared>>) offsets(%dma_start3A_187 : memref<128xi32, #tpu.memory_space<vmem>>) semaphore(%run_scoped3A : memref<!tpu.dma_semaphore, #tpu.memory_space<semaphore_mem>>) {add = true}
        %dma_wait3A_190 = arith.constant 0 : i32
        %dma_wait3A_191 = tpu.memref_slice %arg7[%scan3A_174, %dma_wait3A_190] : memref<80x128xi32, #tpu.memory_space<vmem>> -> memref<1x128xi32, #tpu.memory_space<vmem>>
        %dma_wait3A_192 = tpu.memref_squeeze %dma_wait3A_191 : memref<1x128xi32, #tpu.memory_space<vmem>> -> memref<128xi32, #tpu.memory_space<vmem>>
        %dma_wait3A_193 = arith.constant 0 : i32
        %dma_wait3A_194 = tpu.memref_slice %arg10[%dma_wait3A_193] : memref<10240xf32, #tpu.memory_space<vmem_shared>> -> memref<10240xf32, #tpu.memory_space<vmem_shared>>
        tpu.wait_indirect_dma semaphore(%run_scoped3A : memref<!tpu.dma_semaphore, #tpu.memory_space<semaphore_mem>>) src(%arg8 : memref<128xf32, #tpu.memory_space<vmem>>) dst(%dma_wait3A_194 : memref<10240xf32, #tpu.memory_space<vmem_shared>>)
        tpu.yield
      }) : () -> ()
      %scan3A_184 = arith.constant 0 : i32
      scf.yield %scan3A_184 : i32
    }
    %scan3A_168 = arith.constant 80 : i32
    %barrier3A_169 = arith.constant 0 : index
    tpu.barrier barrier_id(%barrier3A_169)
    %mul3A_170 = arith.constant 640 : i32
    %mul3A_171 = arith.muli %arg1, %mul3A_170 : i32
    "tpu.region"() ({
      %run_scoped3A = tpu.sem_alloc : memref<!tpu.dma_semaphore, #tpu.memory_space<semaphore_mem>>
      %dma_start3A = tpu.memref_slice %arg10[%mul3A_171] : memref<10240xf32, #tpu.memory_space<vmem_shared>> -> memref<640xf32, #tpu.memory_space<vmem_shared>>
      %dma_start3A_174 = tpu.memref_slice %arg10[%mul3A_171] : memref<10240xf32, #tpu.memory_space<vmem_shared>> -> memref<640xf32, #tpu.memory_space<vmem_shared>>
      tpu.enqueue_dma source(%dma_start3A_174 : memref<640xf32, #tpu.memory_space<vmem_shared>>) target(%arg9 : memref<640xf32, #tpu.memory_space<vmem>>) target_semaphore(%run_scoped3A : memref<!tpu.dma_semaphore, #tpu.memory_space<semaphore_mem>>)
      %dma_wait3A = tpu.memref_slice %arg10[%mul3A_171] : memref<10240xf32, #tpu.memory_space<vmem_shared>> -> memref<640xf32, #tpu.memory_space<vmem_shared>>
      %dma_wait3A_175 = tpu.memref_slice %arg10[%mul3A_171] : memref<10240xf32, #tpu.memory_space<vmem_shared>> -> memref<640xf32, #tpu.memory_space<vmem_shared>>
      tpu.wait_dma2 semaphore(%run_scoped3A : memref<!tpu.dma_semaphore, #tpu.memory_space<semaphore_mem>>) src(%dma_wait3A_175 : memref<640xf32, #tpu.memory_space<vmem_shared>>) dst(%arg9 : memref<640xf32, #tpu.memory_space<vmem>>)
      tpu.yield
    }) : () -> ()
    %mul3A_172 = arith.constant 640 : i32
    %mul3A_173 = arith.muli %arg1, %mul3A_172 : i32
    "tpu.region"() ({
      %run_scoped3A = tpu.sem_alloc : memref<!tpu.dma_semaphore, #tpu.memory_space<semaphore_mem>>
      %dma_start3A = tpu.memref_slice %arg5[%arg0, %mul3A_173] : memref<2x10240xf32, #tpu.memory_space<hbm>> -> memref<1x640xf32, #tpu.memory_space<hbm>>
      %dma_start3A_174 = tpu.memref_squeeze %dma_start3A : memref<1x640xf32, #tpu.memory_space<hbm>> -> memref<640xf32, #tpu.memory_space<hbm>>
      %dma_start3A_175 = tpu.memref_slice %arg5[%arg0, %mul3A_173] : memref<2x10240xf32, #tpu.memory_space<hbm>> -> memref<1x640xf32, #tpu.memory_space<hbm>>
      %dma_start3A_176 = tpu.memref_squeeze %dma_start3A_175 : memref<1x640xf32, #tpu.memory_space<hbm>> -> memref<640xf32, #tpu.memory_space<hbm>>
      tpu.enqueue_dma source(%arg9 : memref<640xf32, #tpu.memory_space<vmem>>) target(%dma_start3A_176 : memref<640xf32, #tpu.memory_space<hbm>>) target_semaphore(%run_scoped3A : memref<!tpu.dma_semaphore, #tpu.memory_space<semaphore_mem>>)
      %dma_wait3A = tpu.memref_slice %arg5[%arg0, %mul3A_173] : memref<2x10240xf32, #tpu.memory_space<hbm>> -> memref<1x640xf32, #tpu.memory_space<hbm>>
      %dma_wait3A_177 = tpu.memref_squeeze %dma_wait3A : memref<1x640xf32, #tpu.memory_space<hbm>> -> memref<640xf32, #tpu.memory_space<hbm>>
      %dma_wait3A_178 = tpu.memref_slice %arg5[%arg0, %mul3A_173] : memref<2x10240xf32, #tpu.memory_space<hbm>> -> memref<1x640xf32, #tpu.memory_space<hbm>>
      %dma_wait3A_179 = tpu.memref_squeeze %dma_wait3A_178 : memref<1x640xf32, #tpu.memory_space<hbm>> -> memref<640xf32, #tpu.memory_space<hbm>>
      tpu.wait_dma2 semaphore(%run_scoped3A : memref<!tpu.dma_semaphore, #tpu.memory_space<semaphore_mem>>) src(%arg9 : memref<640xf32, #tpu.memory_space<vmem>>) dst(%dma_wait3A_179 : memref<640xf32, #tpu.memory_space<hbm>>)
      tpu.yield
    }) : () -> ()
    return
  }
}

module attributes {stable_mosaic.version = 14 : i64} {
  func.func @_tc_first_body(%arg0: i32, %arg1: memref<2x1280x1xf32, #tpu.memory_space<vmem>>, %arg2: memref<1280x128xf32, #tpu.memory_space<vmem>>, %arg3: memref<128x128xf32, #tpu.memory_space<vmem>>, %arg4: memref<1280x1xf32, #tpu.memory_space<vmem>>, %arg5: memref<1280x128xf32, #tpu.memory_space<vmem>>) attributes {dimension_semantics = [#tpu.dimension_semantics<arbitrary>], iteration_bounds = array<i64: 8>, scalar_prefetch = 0 : i64, scratch_operands = 0 : i64, tpu.core_type = #tpu.core_type<tc>, window_params = [{transform_indices = @transform_0, window_bounds = array<i64: 2, 1280, 1>}, {transform_indices = @transform_1, window_bounds = array<i64: 1280, 128>}, {pipeline_mode = #tpu.pipeline_mode<synchronous>, transform_indices = @transform_2, window_bounds = array<i64: 128, 128>}, {transform_indices = @transform_3, window_bounds = array<i64: 1280, 1>}, {transform_indices = @transform_4, window_bounds = array<i64: 1280, 128>}]} {
    %get3A = arith.constant 0 : index
    %get3A_0 = arith.constant 0 : index
    %get3A_1 = arith.constant 0 : index
    %get3A_2 = vector.load %arg1[%get3A, %get3A_0, %get3A_1] : memref<2x1280x1xf32, #tpu.memory_space<vmem>>, vector<1x1280x1xf32>
    %get3A_3 = vector.shape_cast %get3A_2 : vector<1x1280x1xf32> to vector<1280x1xf32>
    %get3A_4 = arith.constant 1 : index
    %get3A_5 = arith.constant 0 : index
    %get3A_6 = arith.constant 0 : index
    %get3A_7 = vector.load %arg1[%get3A_4, %get3A_5, %get3A_6] : memref<2x1280x1xf32, #tpu.memory_space<vmem>>, vector<1x1280x1xf32>
    %get3A_8 = vector.shape_cast %get3A_7 : vector<1x1280x1xf32> to vector<1280x1xf32>
    %add3A = arith.addf %get3A_3, %get3A_8 : vector<1280x1xf32>
    %add3A_9 = arith.constant 1.000000e+00 : f32
    %add3A_10 = vector.broadcast %add3A_9 : f32 to vector<1280x1xf32>
    %add3A_11 = arith.addf %add3A, %add3A_10 : vector<1280x1xf32>
    %rsqrt3A = math.rsqrt %add3A_11 : vector<1280x1xf32>
    %swap3A = arith.constant 0 : index
    %swap3A_12 = arith.constant 0 : index
    %swap3A_13 = vector.load %arg4[%swap3A, %swap3A_12] : memref<1280x1xf32, #tpu.memory_space<vmem>>, vector<1280x1xf32>
    tpu.vector_store %arg4[%swap3A, %swap3A_12], %rsqrt3A {strides = array<i32>} : memref<1280x1xf32, #tpu.memory_space<vmem>>, vector<1280x1xf32>,
    %get3A_14 = arith.constant 0 : index
    %get3A_15 = arith.constant 0 : index
    %get3A_16 = vector.load %arg2[%get3A_14, %get3A_15] : memref<1280x128xf32, #tpu.memory_space<vmem>>, vector<1280x128xf32>
    %get3A_17 = arith.constant 0 : index
    %get3A_18 = arith.constant 0 : index
    %get3A_19 = vector.load %arg3[%get3A_17, %get3A_18] : memref<128x128xf32, #tpu.memory_space<vmem>>, vector<128x128xf32>
    %dot_general3A = arith.constant dense<0.000000e+00> : vector<1280x128xf32>
    %dot_general3A_20 = tpu.matmul %get3A_16, %get3A_19, %dot_general3A {dimension_numbers = #tpu.dot_dimension_numbers<[1], [0], [0], [1], [0, 0, 1, 1], [], []>, precision = #tpu.contract_precision<fp32>, transpose_lhs_hint = false} : vector<1280x128xf32>, vector<128x128xf32>, vector<1280x128xf32> -> vector<1280x128xf32>
    %mul3A = vector.broadcast %rsqrt3A : vector<1280x1xf32> to vector<1280x128xf32>
    %mul3A_21 = arith.mulf %mul3A, %dot_general3A_20 : vector<1280x128xf32>
    %swap3A_22 = arith.constant 0 : index
    %swap3A_23 = arith.constant 0 : index
    %swap3A_24 = vector.load %arg5[%swap3A_22, %swap3A_23] : memref<1280x128xf32, #tpu.memory_space<vmem>>, vector<1280x128xf32>
    tpu.vector_store %arg5[%swap3A_22, %swap3A_23], %mul3A_21 {strides = array<i32>} : memref<1280x128xf32, #tpu.memory_space<vmem>>, vector<1280x128xf32>,
    return
  }
  func.func @transform_0(%arg0: i32) -> (i32, i32, i32) {
    %c0_i32 = arith.constant 0 : i32
    %c0_i32_0 = arith.constant 0 : i32
    %c0_i32_1 = arith.constant 0 : i32
    return %c0_i32, %arg0, %c0_i32_0 : i32, i32, i32
  }
  func.func @transform_1(%arg0: i32) -> (i32, i32) {
    %c0_i32 = arith.constant 0 : i32
    %c0_i32_0 = arith.constant 0 : i32
    return %arg0, %c0_i32 : i32, i32
  }
  func.func @transform_2(%arg0: i32) -> (i32, i32) {
    %c0_i32 = arith.constant 0 : i32
    %c0_i32_0 = arith.constant 0 : i32
    %c0_i32_1 = arith.constant 0 : i32
    return %c0_i32, %c0_i32_0 : i32, i32
  }
  func.func @transform_3(%arg0: i32) -> (i32, i32) {
    %c0_i32 = arith.constant 0 : i32
    %c0_i32_0 = arith.constant 0 : i32
    return %arg0, %c0_i32 : i32, i32
  }
  func.func @transform_4(%arg0: i32) -> (i32, i32) {
    %c0_i32 = arith.constant 0 : i32
    %c0_i32_0 = arith.constant 0 : i32
    return %arg0, %c0_i32 : i32, i32
  }
}

module attributes {stable_mosaic.version = 14 : i64} {
  func.func @_tc_mid_body(%arg0: i32, %arg1: memref<2x1280x128xf32, #tpu.memory_space<vmem>>, %arg2: memref<1280x128xf32, #tpu.memory_space<vmem>>, %arg3: memref<1280x1xf32, #tpu.memory_space<vmem>>, %arg4: memref<1x128xf32, #tpu.memory_space<vmem>>, %arg5: memref<128x128xf32, #tpu.memory_space<vmem>>, %arg6: memref<1280x128xf32, #tpu.memory_space<vmem>>) attributes {dimension_semantics = [#tpu.dimension_semantics<arbitrary>], iteration_bounds = array<i64: 8>, scalar_prefetch = 0 : i64, scratch_operands = 0 : i64, tpu.core_type = #tpu.core_type<tc>, window_params = [{transform_indices = @transform_0, window_bounds = array<i64: 2, 1280, 128>}, {transform_indices = @transform_1, window_bounds = array<i64: 1280, 128>}, {transform_indices = @transform_2, window_bounds = array<i64: 1280, 1>}, {pipeline_mode = #tpu.pipeline_mode<synchronous>, transform_indices = @transform_3, window_bounds = array<i64: 1, 128>}, {pipeline_mode = #tpu.pipeline_mode<synchronous>, transform_indices = @transform_4, window_bounds = array<i64: 128, 128>}, {transform_indices = @transform_5, window_bounds = array<i64: 1280, 128>}]} {
    %get3A = arith.constant 0 : index
    %get3A_0 = arith.constant 0 : index
    %get3A_1 = vector.load %arg3[%get3A, %get3A_0] : memref<1280x1xf32, #tpu.memory_space<vmem>>, vector<1280x1xf32>
    %get3A_2 = arith.constant 0 : index
    %get3A_3 = arith.constant 0 : index
    %get3A_4 = arith.constant 0 : index
    %get3A_5 = vector.load %arg1[%get3A_2, %get3A_3, %get3A_4] : memref<2x1280x128xf32, #tpu.memory_space<vmem>>, vector<1x1280x128xf32>
    %get3A_6 = vector.shape_cast %get3A_5 : vector<1x1280x128xf32> to vector<1280x128xf32>
    %get3A_7 = arith.constant 1 : index
    %get3A_8 = arith.constant 0 : index
    %get3A_9 = arith.constant 0 : index
    %get3A_10 = vector.load %arg1[%get3A_7, %get3A_8, %get3A_9] : memref<2x1280x128xf32, #tpu.memory_space<vmem>>, vector<1x1280x128xf32>
    %get3A_11 = vector.shape_cast %get3A_10 : vector<1x1280x128xf32> to vector<1280x128xf32>
    %add3A = arith.addf %get3A_6, %get3A_11 : vector<1280x128xf32>
    %get3A_12 = arith.constant 0 : index
    %get3A_13 = arith.constant 0 : index
    %get3A_14 = vector.load %arg2[%get3A_12, %get3A_13] : memref<1280x128xf32, #tpu.memory_space<vmem>>, vector<1280x128xf32>
    %add3A_15 = arith.addf %add3A, %get3A_14 : vector<1280x128xf32>
    %mul3A = vector.broadcast %get3A_1 : vector<1280x1xf32> to vector<1280x128xf32>
    %mul3A_16 = arith.mulf %mul3A, %add3A_15 : vector<1280x128xf32>
    %get3A_17 = arith.constant 0 : index
    %get3A_18 = arith.constant 0 : index
    %get3A_19 = vector.load %arg4[%get3A_17, %get3A_18] : memref<1x128xf32, #tpu.memory_space<vmem>>, vector<1x128xf32>
    %add3A_20 = vector.broadcast %get3A_19 : vector<1x128xf32> to vector<1280x128xf32>
    %add3A_21 = arith.addf %mul3A_16, %add3A_20 : vector<1280x128xf32>
    %max3A = arith.constant 0.000000e+00 : f32
    %max3A_22 = vector.broadcast %max3A : f32 to vector<1280x128xf32>
    %max3A_23 = arith.maximumf %add3A_21, %max3A_22 : vector<1280x128xf32>
    %get3A_24 = arith.constant 0 : index
    %get3A_25 = arith.constant 0 : index
    %get3A_26 = vector.load %arg5[%get3A_24, %get3A_25] : memref<128x128xf32, #tpu.memory_space<vmem>>, vector<128x128xf32>
    %dot_general3A = arith.constant dense<0.000000e+00> : vector<1280x128xf32>
    %dot_general3A_27 = tpu.matmul %max3A_23, %get3A_26, %dot_general3A {dimension_numbers = #tpu.dot_dimension_numbers<[1], [0], [0], [1], [0, 0, 1, 1], [], []>, precision = #tpu.contract_precision<fp32>, transpose_lhs_hint = false} : vector<1280x128xf32>, vector<128x128xf32>, vector<1280x128xf32> -> vector<1280x128xf32>
    %mul3A_28 = vector.broadcast %get3A_1 : vector<1280x1xf32> to vector<1280x128xf32>
    %mul3A_29 = arith.mulf %mul3A_28, %dot_general3A_27 : vector<1280x128xf32>
    %swap3A = arith.constant 0 : index
    %swap3A_30 = arith.constant 0 : index
    %swap3A_31 = vector.load %arg6[%swap3A, %swap3A_30] : memref<1280x128xf32, #tpu.memory_space<vmem>>, vector<1280x128xf32>
    tpu.vector_store %arg6[%swap3A, %swap3A_30], %mul3A_29 {strides = array<i32>} : memref<1280x128xf32, #tpu.memory_space<vmem>>, vector<1280x128xf32>,
    return
  }
  func.func @transform_0(%arg0: i32) -> (i32, i32, i32) {
    %c0_i32 = arith.constant 0 : i32
    %c0_i32_0 = arith.constant 0 : i32
    %c0_i32_1 = arith.constant 0 : i32
    return %c0_i32, %arg0, %c0_i32_0 : i32, i32, i32
  }
  func.func @transform_1(%arg0: i32) -> (i32, i32) {
    %c0_i32 = arith.constant 0 : i32
    %c0_i32_0 = arith.constant 0 : i32
    return %arg0, %c0_i32 : i32, i32
  }
  func.func @transform_2(%arg0: i32) -> (i32, i32) {
    %c0_i32 = arith.constant 0 : i32
    %c0_i32_0 = arith.constant 0 : i32
    return %arg0, %c0_i32 : i32, i32
  }
  func.func @transform_3(%arg0: i32) -> (i32, i32) {
    %c0_i32 = arith.constant 0 : i32
    %c0_i32_0 = arith.constant 0 : i32
    %c0_i32_1 = arith.constant 0 : i32
    return %c0_i32, %c0_i32_0 : i32, i32
  }
  func.func @transform_4(%arg0: i32) -> (i32, i32) {
    %c0_i32 = arith.constant 0 : i32
    %c0_i32_0 = arith.constant 0 : i32
    %c0_i32_1 = arith.constant 0 : i32
    return %c0_i32, %c0_i32_0 : i32, i32
  }
  func.func @transform_5(%arg0: i32) -> (i32, i32) {
    %c0_i32 = arith.constant 0 : i32
    %c0_i32_0 = arith.constant 0 : i32
    return %arg0, %c0_i32 : i32, i32
  }
}

module attributes {stable_mosaic.version = 14 : i64} {
  func.func @_tc_last_body(%arg0: i32, %arg1: memref<2x1280x128xf32, #tpu.memory_space<vmem>>, %arg2: memref<1280x128xf32, #tpu.memory_space<vmem>>, %arg3: memref<1280x1xf32, #tpu.memory_space<vmem>>, %arg4: memref<1x128xf32, #tpu.memory_space<vmem>>, %arg5: memref<128x128xf32, #tpu.memory_space<vmem>>, %arg6: memref<128x1xf32, #tpu.memory_space<vmem>>, %arg7: memref<1280x1xf32, #tpu.memory_space<vmem>>) attributes {dimension_semantics = [#tpu.dimension_semantics<arbitrary>], iteration_bounds = array<i64: 8>, scalar_prefetch = 0 : i64, scratch_operands = 0 : i64, tpu.core_type = #tpu.core_type<tc>, window_params = [{transform_indices = @transform_0, window_bounds = array<i64: 2, 1280, 128>}, {transform_indices = @transform_1, window_bounds = array<i64: 1280, 128>}, {transform_indices = @transform_2, window_bounds = array<i64: 1280, 1>}, {pipeline_mode = #tpu.pipeline_mode<synchronous>, transform_indices = @transform_3, window_bounds = array<i64: 1, 128>}, {pipeline_mode = #tpu.pipeline_mode<synchronous>, transform_indices = @transform_4, window_bounds = array<i64: 128, 128>}, {pipeline_mode = #tpu.pipeline_mode<synchronous>, transform_indices = @transform_5, window_bounds = array<i64: 128, 1>}, {transform_indices = @transform_6, window_bounds = array<i64: 1280, 1>}]} {
    %get3A = arith.constant 0 : index
    %get3A_0 = arith.constant 0 : index
    %get3A_1 = vector.load %arg3[%get3A, %get3A_0] : memref<1280x1xf32, #tpu.memory_space<vmem>>, vector<1280x1xf32>
    %get3A_2 = arith.constant 0 : index
    %get3A_3 = arith.constant 0 : index
    %get3A_4 = arith.constant 0 : index
    %get3A_5 = vector.load %arg1[%get3A_2, %get3A_3, %get3A_4] : memref<2x1280x128xf32, #tpu.memory_space<vmem>>, vector<1x1280x128xf32>
    %get3A_6 = vector.shape_cast %get3A_5 : vector<1x1280x128xf32> to vector<1280x128xf32>
    %get3A_7 = arith.constant 1 : index
    %get3A_8 = arith.constant 0 : index
    %get3A_9 = arith.constant 0 : index
    %get3A_10 = vector.load %arg1[%get3A_7, %get3A_8, %get3A_9] : memref<2x1280x128xf32, #tpu.memory_space<vmem>>, vector<1x1280x128xf32>
    %get3A_11 = vector.shape_cast %get3A_10 : vector<1x1280x128xf32> to vector<1280x128xf32>
    %add3A = arith.addf %get3A_6, %get3A_11 : vector<1280x128xf32>
    %get3A_12 = arith.constant 0 : index
    %get3A_13 = arith.constant 0 : index
    %get3A_14 = vector.load %arg2[%get3A_12, %get3A_13] : memref<1280x128xf32, #tpu.memory_space<vmem>>, vector<1280x128xf32>
    %add3A_15 = arith.addf %add3A, %get3A_14 : vector<1280x128xf32>
    %mul3A = vector.broadcast %get3A_1 : vector<1280x1xf32> to vector<1280x128xf32>
    %mul3A_16 = arith.mulf %mul3A, %add3A_15 : vector<1280x128xf32>
    %get3A_17 = arith.constant 0 : index
    %get3A_18 = arith.constant 0 : index
    %get3A_19 = vector.load %arg4[%get3A_17, %get3A_18] : memref<1x128xf32, #tpu.memory_space<vmem>>, vector<1x128xf32>
    %add3A_20 = vector.broadcast %get3A_19 : vector<1x128xf32> to vector<1280x128xf32>
    %add3A_21 = arith.addf %mul3A_16, %add3A_20 : vector<1280x128xf32>
    %max3A = arith.constant 0.000000e+00 : f32
    %max3A_22 = vector.broadcast %max3A : f32 to vector<1280x128xf32>
    %max3A_23 = arith.maximumf %add3A_21, %max3A_22 : vector<1280x128xf32>
    %get3A_24 = arith.constant 0 : index
    %get3A_25 = arith.constant 0 : index
    %get3A_26 = vector.load %arg5[%get3A_24, %get3A_25] : memref<128x128xf32, #tpu.memory_space<vmem>>, vector<128x128xf32>
    %dot_general3A = arith.constant dense<0.000000e+00> : vector<1280x128xf32>
    %dot_general3A_27 = tpu.matmul %max3A_23, %get3A_26, %dot_general3A {dimension_numbers = #tpu.dot_dimension_numbers<[1], [0], [0], [1], [0, 0, 1, 1], [], []>, precision = #tpu.contract_precision<fp32>, transpose_lhs_hint = false} : vector<1280x128xf32>, vector<128x128xf32>, vector<1280x128xf32> -> vector<1280x128xf32>
    %get3A_28 = arith.constant 0 : index
    %get3A_29 = arith.constant 0 : index
    %get3A_30 = vector.load %arg6[%get3A_28, %get3A_29] : memref<128x1xf32, #tpu.memory_space<vmem>>, vector<128x1xf32>
    %dot_general3A_31 = arith.constant dense<0.000000e+00> : vector<1280x1xf32>
    %dot_general3A_32 = tpu.matmul %dot_general3A_27, %get3A_30, %dot_general3A_31 {dimension_numbers = #tpu.dot_dimension_numbers<[1], [0], [0], [1], [0, 0, 1, 1], [], []>, precision = #tpu.contract_precision<fp32>, transpose_lhs_hint = false} : vector<1280x128xf32>, vector<128x1xf32>, vector<1280x1xf32> -> vector<1280x1xf32>
    %mul3A_33 = arith.mulf %get3A_1, %dot_general3A_32 : vector<1280x1xf32>
    %swap3A = arith.constant 0 : index
    %swap3A_34 = arith.constant 0 : index
    %swap3A_35 = vector.load %arg7[%swap3A, %swap3A_34] : memref<1280x1xf32, #tpu.memory_space<vmem>>, vector<1280x1xf32>
    tpu.vector_store %arg7[%swap3A, %swap3A_34], %mul3A_33 {strides = array<i32>} : memref<1280x1xf32, #tpu.memory_space<vmem>>, vector<1280x1xf32>,
    return
  }
  func.func @transform_0(%arg0: i32) -> (i32, i32, i32) {
    %c0_i32 = arith.constant 0 : i32
    %c0_i32_0 = arith.constant 0 : i32
    %c0_i32_1 = arith.constant 0 : i32
    return %c0_i32, %arg0, %c0_i32_0 : i32, i32, i32
  }
  func.func @transform_1(%arg0: i32) -> (i32, i32) {
    %c0_i32 = arith.constant 0 : i32
    %c0_i32_0 = arith.constant 0 : i32
    return %arg0, %c0_i32 : i32, i32
  }
  func.func @transform_2(%arg0: i32) -> (i32, i32) {
    %c0_i32 = arith.constant 0 : i32
    %c0_i32_0 = arith.constant 0 : i32
    return %arg0, %c0_i32 : i32, i32
  }
  func.func @transform_3(%arg0: i32) -> (i32, i32) {
    %c0_i32 = arith.constant 0 : i32
    %c0_i32_0 = arith.constant 0 : i32
    %c0_i32_1 = arith.constant 0 : i32
    return %c0_i32, %c0_i32_0 : i32, i32
  }
  func.func @transform_4(%arg0: i32) -> (i32, i32) {
    %c0_i32 = arith.constant 0 : i32
    %c0_i32_0 = arith.constant 0 : i32
    %c0_i32_1 = arith.constant 0 : i32
    return %c0_i32, %c0_i32_0 : i32, i32
  }
  func.func @transform_5(%arg0: i32) -> (i32, i32) {
    %c0_i32 = arith.constant 0 : i32
    %c0_i32_0 = arith.constant 0 : i32
    %c0_i32_1 = arith.constant 0 : i32
    return %c0_i32, %c0_i32_0 : i32, i32
  }
  func.func @transform_6(%arg0: i32) -> (i32, i32) {
    %c0_i32 = arith.constant 0 : i32
    %c0_i32_0 = arith.constant 0 : i32
    return %arg0, %c0_i32 : i32, i32
  }
}

module attributes {stable_mosaic.version = 14 : i64} {
  func.func @_tc_pool_body(%arg0: i32, %arg1: memref<2x1280x1xf32, #tpu.memory_space<vmem>>, %arg2: memref<1280x1xf32, #tpu.memory_space<vmem>>, %arg3: memref<1280x1xf32, #tpu.memory_space<vmem>>, %arg4: memref<1280x1xi32, #tpu.memory_space<vmem>>, %arg5: memref<1x1xf32, #tpu.memory_space<vmem>>, %arg6: memref<1x1xf32, #tpu.memory_space<vmem>>, %arg7: memref<1x64xf32, #tpu.memory_space<vmem>>, %arg8: memref<1x64xf32, #tpu.memory_space<vmem>>, %arg9: memref<1x64xf32, #tpu.memory_space<vmem>>) attributes {dimension_semantics = [#tpu.dimension_semantics<arbitrary>], iteration_bounds = array<i64: 8>, scalar_prefetch = 0 : i64, scratch_operands = 2 : i64, tpu.core_type = #tpu.core_type<tc>, window_params = [{transform_indices = @transform_0, window_bounds = array<i64: 2, 1280, 1>}, {transform_indices = @transform_1, window_bounds = array<i64: 1280, 1>}, {transform_indices = @transform_2, window_bounds = array<i64: 1280, 1>}, {transform_indices = @transform_3, window_bounds = array<i64: 1280, 1>}, {pipeline_mode = #tpu.pipeline_mode<synchronous>, transform_indices = @transform_4, window_bounds = array<i64: 1, 1>}, {pipeline_mode = #tpu.pipeline_mode<synchronous>, transform_indices = @transform_5, window_bounds = array<i64: 1, 1>}, {pipeline_mode = #tpu.pipeline_mode<synchronous>, transform_indices = @transform_6, window_bounds = array<i64: 1, 64>}]} {
    %get3A = arith.constant 0 : index
    %get3A_0 = arith.constant 0 : index
    %get3A_1 = vector.load %arg3[%get3A, %get3A_0] : memref<1280x1xf32, #tpu.memory_space<vmem>>, vector<1280x1xf32>
    %get3A_2 = arith.constant 0 : index
    %get3A_3 = arith.constant 0 : index
    %get3A_4 = arith.constant 0 : index
    %get3A_5 = vector.load %arg1[%get3A_2, %get3A_3, %get3A_4] : memref<2x1280x1xf32, #tpu.memory_space<vmem>>, vector<1x1280x1xf32>
    %get3A_6 = vector.shape_cast %get3A_5 : vector<1x1280x1xf32> to vector<1280x1xf32>
    %get3A_7 = arith.constant 1 : index
    %get3A_8 = arith.constant 0 : index
    %get3A_9 = arith.constant 0 : index
    %get3A_10 = vector.load %arg1[%get3A_7, %get3A_8, %get3A_9] : memref<2x1280x1xf32, #tpu.memory_space<vmem>>, vector<1x1280x1xf32>
    %get3A_11 = vector.shape_cast %get3A_10 : vector<1x1280x1xf32> to vector<1280x1xf32>
    %add3A = arith.addf %get3A_6, %get3A_11 : vector<1280x1xf32>
    %get3A_12 = arith.constant 0 : index
    %get3A_13 = arith.constant 0 : index
    %get3A_14 = vector.load %arg2[%get3A_12, %get3A_13] : memref<1280x1xf32, #tpu.memory_space<vmem>>, vector<1280x1xf32>
    %add3A_15 = arith.addf %add3A, %get3A_14 : vector<1280x1xf32>
    %mul3A = arith.mulf %get3A_1, %add3A_15 : vector<1280x1xf32>
    %get3A_16 = arith.constant 0 : index
    %get3A_17 = arith.constant 0 : index
    %get3A_18 = vector.load %arg5[%get3A_16, %get3A_17] : memref<1x1xf32, #tpu.memory_space<vmem>>, vector<1x1xf32>
    %get3A_19 = vector.extract %get3A_18[0, 0] : f32 from vector<1x1xf32>
    %add3A_20 = vector.broadcast %get3A_19 : f32 to vector<1280x1xf32>
    %add3A_21 = arith.addf %mul3A, %add3A_20 : vector<1280x1xf32>
    %iota3A = tpu.iota {dimensions = array<i32: 0>} : vector<1280x1xi32>
    %mul3A_22 = arith.constant 1280 : i32
    %mul3A_23 = arith.muli %arg0, %mul3A_22 : i32
    %add3A_24 = vector.broadcast %mul3A_23 : i32 to vector<1280x1xi32>
    %add3A_25 = arith.addi %iota3A, %add3A_24 : vector<1280x1xi32>
    %lt3A = arith.constant 10000 : i32
    %lt3A_26 = vector.broadcast %lt3A : i32 to vector<1280x1xi32>
    %lt3A_27 = arith.cmpi slt, %add3A_25, %lt3A_26 : vector<1280x1xi32>
    %jit3A = arith.constant 0.000000e+00 : f32
    %broadcast_in_dim3A = vector.broadcast %jit3A : f32 to vector<1280x1xf32>
    %select_n3A = arith.select %lt3A_27, %add3A_21, %broadcast_in_dim3A : vector<1280x1xi1>, vector<1280x1xf32>
    %iota3A_28 = tpu.iota {dimensions = array<i32: 1>} : vector<1x64xi32>
    %get3A_29 = arith.constant 0 : index
    %get3A_30 = arith.constant 0 : index
    %get3A_31 = vector.load %arg4[%get3A_29, %get3A_30] : memref<1280x1xi32, #tpu.memory_space<vmem>>, vector<1280x1xi32>
    %eq3A = vector.broadcast %get3A_31 : vector<1280x1xi32> to vector<1280x64xi32>
    %eq3A_32 = vector.broadcast %iota3A_28 : vector<1x64xi32> to vector<1280x64xi32>
    %eq3A_33 = arith.cmpi eq, %eq3A, %eq3A_32 : vector<1280x64xi32>
    %and3A = vector.broadcast %lt3A_27 : vector<1280x1xi1> to vector<1280x64xi1>
    %and3A_34 = arith.andi %eq3A_33, %and3A : vector<1280x64xi1>
    %jit3A_35 = arith.constant 0.000000e+00 : f32
    %broadcast_in_dim3A_36 = vector.shape_cast %select_n3A : vector<1280x1xf32> to vector<1280x1xf32>
    %broadcast_in_dim3A_37 = vector.broadcast %broadcast_in_dim3A_36 : vector<1280x1xf32> to vector<1280x64xf32>
    %broadcast_in_dim3A_38 = vector.broadcast %jit3A_35 : f32 to vector<1280x64xf32>
    %select_n3A_39 = arith.select %and3A_34, %broadcast_in_dim3A_37, %broadcast_in_dim3A_38 : vector<1280x64xi1>, vector<1280x64xf32>
    %reduce_sum3A = arith.constant dense<0.000000e+00> : vector<64xf32>
    %reduce_sum3A_40 = vector.multi_reduction <add>, %select_n3A_39, %reduce_sum3A [0] : vector<1280x64xf32> to vector<64xf32>
    %broadcast_in_dim3A_41 = vector.shape_cast %reduce_sum3A_40 : vector<64xf32> to vector<1x64xf32>
    %jit3A_42 = arith.constant 1.000000e+00 : f32
    %jit3A_43 = arith.constant 0.000000e+00 : f32
    %broadcast_in_dim3A_44 = vector.broadcast %jit3A_42 : f32 to vector<1280x64xf32>
    %broadcast_in_dim3A_45 = vector.broadcast %jit3A_43 : f32 to vector<1280x64xf32>
    %select_n3A_46 = arith.select %and3A_34, %broadcast_in_dim3A_44, %broadcast_in_dim3A_45 : vector<1280x64xi1>, vector<1280x64xf32>
    %reduce_sum3A_47 = arith.constant dense<0.000000e+00> : vector<64xf32>
    %reduce_sum3A_48 = vector.multi_reduction <add>, %select_n3A_46, %reduce_sum3A_47 [0] : vector<1280x64xf32> to vector<64xf32>
    %broadcast_in_dim3A_49 = vector.shape_cast %reduce_sum3A_48 : vector<64xf32> to vector<1x64xf32>
    %eq3A_50 = arith.constant 0 : i32
    %eq3A_51 = arith.cmpi eq, %arg0, %eq3A_50 : i32
    %convert_element_type3A = arith.extui %eq3A_51 : i1 to i32
    %cond3A = arith.constant 0 : i32
    %cond3A_52 = arith.cmpi ne, %convert_element_type3A, %cond3A : i32
    scf.if %cond3A_52 {
      %broadcast_in_dim3A_71 = arith.constant 0.000000e+00 : f32
      %broadcast_in_dim3A_72 = vector.broadcast %broadcast_in_dim3A_71 : f32 to vector<1x64xf32>
      %swap3A_73 = arith.constant 0 : index
      %swap3A_74 = arith.constant 0 : index
      %swap3A_75 = vector.load %arg8[%swap3A_73, %swap3A_74] : memref<1x64xf32, #tpu.memory_space<vmem>>, vector<1x64xf32>
      tpu.vector_store %arg8[%swap3A_73, %swap3A_74], %broadcast_in_dim3A_72 {strides = array<i32>} : memref<1x64xf32, #tpu.memory_space<vmem>>, vector<1x64xf32>,
      %broadcast_in_dim3A_76 = arith.constant 0.000000e+00 : f32
      %broadcast_in_dim3A_77 = vector.broadcast %broadcast_in_dim3A_76 : f32 to vector<1x64xf32>
      %swap3A_78 = arith.constant 0 : index
      %swap3A_79 = arith.constant 0 : index
      %swap3A_80 = vector.load %arg9[%swap3A_78, %swap3A_79] : memref<1x64xf32, #tpu.memory_space<vmem>>, vector<1x64xf32>
      tpu.vector_store %arg9[%swap3A_78, %swap3A_79], %broadcast_in_dim3A_77 {strides = array<i32>} : memref<1x64xf32, #tpu.memory_space<vmem>>, vector<1x64xf32>,
    } else {
    }
    %get3A_53 = arith.constant 0 : index
    %get3A_54 = arith.constant 0 : index
    %get3A_55 = vector.load %arg8[%get3A_53, %get3A_54] : memref<1x64xf32, #tpu.memory_space<vmem>>, vector<1x64xf32>
    %add3A_56 = arith.addf %get3A_55, %broadcast_in_dim3A_41 : vector<1x64xf32>
    %swap3A = arith.constant 0 : index
    %swap3A_57 = arith.constant 0 : index
    %swap3A_58 = vector.load %arg8[%swap3A, %swap3A_57] : memref<1x64xf32, #tpu.memory_space<vmem>>, vector<1x64xf32>
    tpu.vector_store %arg8[%swap3A, %swap3A_57], %add3A_56 {strides = array<i32>} : memref<1x64xf32, #tpu.memory_space<vmem>>, vector<1x64xf32>,
    %get3A_59 = arith.constant 0 : index
    %get3A_60 = arith.constant 0 : index
    %get3A_61 = vector.load %arg9[%get3A_59, %get3A_60] : memref<1x64xf32, #tpu.memory_space<vmem>>, vector<1x64xf32>
    %add3A_62 = arith.addf %get3A_61, %broadcast_in_dim3A_49 : vector<1x64xf32>
    %swap3A_63 = arith.constant 0 : index
    %swap3A_64 = arith.constant 0 : index
    %swap3A_65 = vector.load %arg9[%swap3A_63, %swap3A_64] : memref<1x64xf32, #tpu.memory_space<vmem>>, vector<1x64xf32>
    tpu.vector_store %arg9[%swap3A_63, %swap3A_64], %add3A_62 {strides = array<i32>} : memref<1x64xf32, #tpu.memory_space<vmem>>, vector<1x64xf32>,
    %eq3A_66 = arith.constant 7 : i32
    %eq3A_67 = arith.cmpi eq, %arg0, %eq3A_66 : i32
    %convert_element_type3A_68 = arith.extui %eq3A_67 : i1 to i32
    %cond3A_69 = arith.constant 0 : i32
    %cond3A_70 = arith.cmpi ne, %convert_element_type3A_68, %cond3A_69 : i32
    scf.if %cond3A_70 {
      %get3A_71 = arith.constant 0 : index
      %get3A_72 = arith.constant 0 : index
      %get3A_73 = vector.load %arg8[%get3A_71, %get3A_72] : memref<1x64xf32, #tpu.memory_space<vmem>>, vector<1x64xf32>
      %get3A_74 = arith.constant 0 : index
      %get3A_75 = arith.constant 0 : index
      %get3A_76 = vector.load %arg9[%get3A_74, %get3A_75] : memref<1x64xf32, #tpu.memory_space<vmem>>, vector<1x64xf32>
      %max3A = arith.constant 1.000000e+00 : f32
      %max3A_77 = vector.broadcast %max3A : f32 to vector<1x64xf32>
      %max3A_78 = arith.maximumf %get3A_76, %max3A_77 : vector<1x64xf32>
      %div3A = arith.divf %get3A_73, %max3A_78 : vector<1x64xf32>
      %get3A_79 = arith.constant 0 : index
      %get3A_80 = arith.constant 0 : index
      %get3A_81 = vector.load %arg6[%get3A_79, %get3A_80] : memref<1x1xf32, #tpu.memory_space<vmem>>, vector<1x1xf32>
      %get3A_82 = vector.extract %get3A_81[0, 0] : f32 from vector<1x1xf32>
      %add3A_83 = vector.broadcast %get3A_82 : f32 to vector<1x64xf32>
      %add3A_84 = arith.addf %div3A, %add3A_83 : vector<1x64xf32>
      %swap3A_85 = arith.constant 0 : index
      %swap3A_86 = arith.constant 0 : index
      %swap3A_87 = vector.load %arg7[%swap3A_85, %swap3A_86] : memref<1x64xf32, #tpu.memory_space<vmem>>, vector<1x64xf32>
      tpu.vector_store %arg7[%swap3A_85, %swap3A_86], %add3A_84 {strides = array<i32>} : memref<1x64xf32, #tpu.memory_space<vmem>>, vector<1x64xf32>,
    } else {
    }
    return
  }
  func.func @transform_0(%arg0: i32) -> (i32, i32, i32) {
    %c0_i32 = arith.constant 0 : i32
    %c0_i32_0 = arith.constant 0 : i32
    %c0_i32_1 = arith.constant 0 : i32
    return %c0_i32, %arg0, %c0_i32_0 : i32, i32, i32
  }
  func.func @transform_1(%arg0: i32) -> (i32, i32) {
    %c0_i32 = arith.constant 0 : i32
    %c0_i32_0 = arith.constant 0 : i32
    return %arg0, %c0_i32 : i32, i32
  }
  func.func @transform_2(%arg0: i32) -> (i32, i32) {
    %c0_i32 = arith.constant 0 : i32
    %c0_i32_0 = arith.constant 0 : i32
    return %arg0, %c0_i32 : i32, i32
  }
  func.func @transform_3(%arg0: i32) -> (i32, i32) {
    %c0_i32 = arith.constant 0 : i32
    %c0_i32_0 = arith.constant 0 : i32
    return %arg0, %c0_i32 : i32, i32
  }
  func.func @transform_4(%arg0: i32) -> (i32, i32) {
    %c0_i32 = arith.constant 0 : i32
    %c0_i32_0 = arith.constant 0 : i32
    %c0_i32_1 = arith.constant 0 : i32
    return %c0_i32, %c0_i32_0 : i32, i32
  }
  func.func @transform_5(%arg0: i32) -> (i32, i32) {
    %c0_i32 = arith.constant 0 : i32
    %c0_i32_0 = arith.constant 0 : i32
    %c0_i32_1 = arith.constant 0 : i32
    return %c0_i32, %c0_i32_0 : i32, i32
  }
  func.func @transform_6(%arg0: i32) -> (i32, i32) {
    %c0_i32 = arith.constant 0 : i32
    %c0_i32_0 = arith.constant 0 : i32
    %c0_i32_1 = arith.constant 0 : i32
    return %c0_i32, %c0_i32_0 : i32, i32
  }
}

</mosaic_0001>

<sc_bundles>
// kernel: kernel.10.cloned.1.call-start
scs
__scs_entry_jumppad:
0x0: {  	(pc) =	sbr.rel $0x88, $3  }
0x1: {  	(tag) =	ssettag $0x0;
	lr =	simm.s32 $0x1  }
0x2: {  	[smem:$0x3F96] =	sst lr;
	_ =	strace $0xD0000000  }
0x3: {  	_ = 	snop  }
0x4: {  	_ = 	snop  }
0x5: {  	_ = 	snop  }
0x6: {  	_ = 	snop  }
0x7: {  	_ = 	snop  }
__scs_overlays_trampoline_lowered:
0x8: {  	[smem:$0x3FA5] =	sst s0  }
0x9: {  	[smem:$0x3FA6] =	sst s1  }
0xa: {  	[smem:$0x3FA7] =	sst s2  }
0xb: {  	[smem:$0x3FA8] =	sst s3  }
0xc: {  	[smem:$0x3FA9] =	sst s4  }
0xd: {  	[smem:$0x3FAA] =	sst s5  }
0xe: {  	[smem:$0x3FAB] =	sst s6  }
0xf: {  	[smem:$0x3FAC] =	sst s7  }
0x10: {  	[smem:$0x3FAD] =	sst s8  }
0x11: {  	[smem:$0x3FAE] =	sst s9;
	s0 =	simm.s32 @!p0 $0x0  }
0x12: {  	s1 =	sld [smem:$0x3F94];
	s0 =	simm.s32 @p0 $0x1  }
0x13: {  	[smem:$0x3FAF] =	sst s0;
	s0 =	simm.s32 @!p1 $0x0  }
0x14: {  	s2 =	sld [smem:$0x3F93];
	s0 =	simm.s32 @p1 $0x1  }
0x15: {  	[smem:$0x3FB0] =	sst s0;
	s0 =	simm.s32 @!p2 $0x0  }
0x16: {  	s3 =	sld [smem:$0x3FDB];
	s0 =	simm.s32 @p2 $0x1  }
0x17: {  	s4 =	simm.s32 $0x1BF5;
	[smem:$0x3FB2] =	sst s0  }
0x18: {  	s0 =	sld [smem:$0x3F95];
	_ =	swait.ge [sflag:s4], $0x0  }
0x19: {  	s7 =	sld [smem:$0x3F96]  }
0x1a: {  	s8 =	sadd.s32 $0xFFFFE003, lr  }
0x1b: {  	s9 =	sadd.s32 $0xFFFFFEF7, lr;
	s5 =	simm.s32 $0xFFFFFFFF;
	p2 =	slt.u32 s8, $0xFFFFF086  }
0x1c: {  	p1 =	slt.u32 s9, $0xF7A;
	s5 =	simm.s32 @!p2 $0x0  }
0x1d: {  	s5 =	simm.s32 @p1 $0x1;
	p0 =	seq.s32 s7, s2  }
0x1e: {  	s7 =	smul.u32 @!p0 $0xF7A, s2;
	p2 =	seq.s32 @!p0 s5, $0x0  }
0x1f: {  	s9 =	smul.u32 $0xF7A, s1;
	s8 =	simm.s32 @!p0 $0x1BF5;
	p2 =	por !p2, p0  }
0x20: {  	[sflag:s8] =	ssyncset.s32 @!p0 $0xFFFFF086;
	s6 =	sadd.s32 @!p0 s3, s7;
	s7 =	simm.s32 @!p0 $0x108  }
0x21: {  	s3 =	sadd.s32 s3, s9;
	s6 =	sadd.s32 @!p0 $0x88, s6;
	s7 =	simm.s32 @p2 $0x1082  }
0x22: {  	[simem:s7], [sflag:s8] =	dma.local @!p0 [hbm:s6], $0xF7A  }
0x23: {  	s9 =	sor.u32 $0xD0000000, s2;
	s6 =	simm.s32 $0x108;
	_ =	swait.ge @!p0 [sflag:s8], $0x0  }
0x24: {  	s3 =	sadd.s32 $0x88, s3;
	s6 =	simm.s32 @!p1 $0x1082;
	[sflag:s4] =	ssyncset.s32 $0xFFFFF086  }
0x25: {  	[simem:s6], [sflag:s4] =	dma.local [hbm:s3], $0xF7A  }
0x26: {  	[smem:$0x3F96] =	sst s1;
	(tag) =	ssettag s2;
	_ =	strace s9  }
0x27: {  	s1 =	sld [smem:$0x3FA6]  }
0x28: {  	s2 =	sld [smem:$0x3FA7]  }
0x29: {  	s4 =	sld [smem:$0x3FA9]  }
0x2a: {  	p0 =	seq.s32 s5, $0x0;
	s5 =	sld [smem:$0x3FAA]  }
0x2b: {  	s6 =	sld [smem:$0x3FAB]  }
0x2c: {  	s7 =	sld [smem:$0x3FAC]  }
0x2d: {  	s3 =	simm.s32 $0x108;
	s8 =	sld [smem:$0x3FAD]  }
0x2e: {  	s3 =	simm.s32 @!p0 $0x1082;
	s9 =	sld [smem:$0x3FAE]  }
0x2f: {  	lr =	sadd.s32 s0, s3;
	s0 =	sld [smem:$0x3FA5]  }
0x30: {  	s3 =	sld [smem:$0x3FA8]  }
0x31: {  	[smem:$0x3FB1] =	sst s10  }
0x32: {  	s10 =	sld [smem:$0x3FAF];
	_ =	sdelay $0x3  }
0x33: {  	p0 =	seq.s32 s10, $0x1;
	s10 =	sld [smem:$0x3FB1];
	_ =	sdelay $0x3  }
0x34: {  	[smem:$0x3FB1] =	sst s10  }
0x35: {  	s10 =	sld [smem:$0x3FB0];
	_ =	sdelay $0x3  }
0x36: {  	p1 =	seq.s32 s10, $0x1;
	s10 =	sld [smem:$0x3FB1];
	_ =	sdelay $0x3  }
0x37: {  	[smem:$0x3FB1] =	sst s10  }
0x38: {  	s10 =	sld [smem:$0x3FB2]  }
0x39: {  	_ = 	snop;
	(pc) =	sbr.ind lr, $3  }
0x3a: {  	_ = 	snop  }
0x3b: {  	_ = 	snop  }
0x3c: {  	p2 =	seq.s32 s10, $0x1;
	s10 =	sld [smem:$0x3FB1]  }
0x3d: {  	_ =	shalt  }
0x3e: {  	_ =	shalt  }
0x3f: {  	_ =	shalt  }
0x40: {  	_ =	shalt  }
0x41: {  	_ =	shalt  }
0x42: {  	_ =	shalt  }
0x43: {  	_ =	shalt  }
0x44: {  	_ =	shalt  }
0x45: {  	_ =	shalt  }
0x46: {  	_ =	shalt  }
0x47: {  	_ =	shalt  }
0x48: {  	_ =	shalt  }
0x49: {  	_ =	shalt  }
0x4a: {  	_ =	shalt  }
0x4b: {  	_ =	shalt  }
0x4c: {  	_ =	shalt  }
0x4d: {  	_ =	shalt  }
0x4e: {  	_ =	shalt  }
0x4f: {  	_ =	shalt  }
0x50: {  	_ =	shalt  }
0x51: {  	_ =	shalt  }
0x52: {  	_ =	shalt  }
0x53: {  	_ =	shalt  }
0x54: {  	_ =	shalt  }
0x55: {  	_ =	shalt  }
0x56: {  	_ =	shalt  }
0x57: {  	_ =	shalt  }
0x58: {  	_ =	shalt  }
0x59: {  	_ =	shalt  }
0x5a: {  	_ =	shalt  }
0x5b: {  	_ =	shalt  }
0x5c: {  	_ =	shalt  }
0x5d: {  	_ =	shalt  }
0x5e: {  	_ =	shalt  }
0x5f: {  	_ =	shalt  }
0x60: {  	_ =	shalt  }
0x61: {  	_ =	shalt  }
0x62: {  	_ =	shalt  }
0x63: {  	_ =	shalt  }
0x64: {  	_ =	shalt  }
0x65: {  	_ =	shalt  }
0x66: {  	_ =	shalt  }
0x67: {  	_ =	shalt  }
0x68: {  	_ =	shalt  }
0x69: {  	_ =	shalt  }
0x6a: {  	_ =	shalt  }
0x6b: {  	_ =	shalt  }
0x6c: {  	_ =	shalt  }
0x6d: {  	_ =	shalt  }
0x6e: {  	_ =	shalt  }
0x6f: {  	_ =	shalt  }
0x70: {  	_ =	shalt  }
0x71: {  	_ =	shalt  }
0x72: {  	_ =	shalt  }
0x73: {  	_ =	shalt  }
0x74: {  	_ =	shalt  }
0x75: {  	_ =	shalt  }
0x76: {  	_ =	shalt  }
0x77: {  	_ =	shalt  }
0x78: {  	_ =	shalt  }
0x79: {  	_ =	shalt  }
0x7a: {  	_ =	shalt  }
0x7b: {  	_ =	shalt  }
0x7c: {  	_ =	shalt  }
0x7d: {  	_ =	shalt  }
0x7e: {  	_ =	shalt  }
0x7f: {  	_ =	shalt  }
0x80: {  	_ =	shalt  }
0x81: {  	_ =	shalt  }
0x82: {  	_ =	shalt  }
0x83: {  	_ =	shalt  }
0x84: {  	_ =	shalt  }
0x85: {  	_ =	shalt  }
0x86: {  	_ =	shalt  }
0x87: {  	_ =	shalt  }
.Lfunc_end0:
.L_simem_size_0:
called_computation_lowered:
.L_overlay_start_0:
0x88: {  	s2 =	sld [smem:$0x3FD9]  }
0x89: {  	s3 =	sld [smem:$0x3FFE];
	_ =	sdelay $0x1  }
0x8a: {  	s1 =	srdreg.scid  }
0x8b: {  	s0 =	sand.u32 $0x1, s1  }
0x8c: {  	s16 =	sshll.u32 s0, $0xA;
	s2 =	sadd.s32 s3, s2  }
0x8d: {  	s2 =	sadd.s32 s2, s16  }
0x8e: {  	[smem:$0x3FBD] =	sst s2  }
0x8f: {  	_ = 	snop  }
0x90: {  	(tm) =	ssettm $0x1  }
0x91: {  	s17 =	sld [smem:$0x3FFB];
	_ =	sdelay $0x3  }
0x92: {  	_ =	strace s17  }
0x93: {  	s2 =	sld [smem:$0x3FFC];
	_ =	sdelay $0x3  }
0x94: {  	_ =	strace s2  }
0x95: {  	s2 =	sld [smem:$0x3FFD];
	_ =	sdelay $0x3  }
0x96: {  	_ =	strace s2  }
0x97: {  	_ =	strace $0x8FFFFFFF  }
0x98: {  	s18 =	sld [smem:$0x3FDB];
	_ =	sdelay $0x1  }
0x99: {  	s19 =	simm.s32 $_scs_section_size  }
0x9a: {  	s4 =	simm.s32 $_size__tile_overlayer_lowered;
	s5 =	simm.s32 $_tile_overlayer_lowered  }
0x9b: {  	s22 =	simm.s32 $0x1BFF;
	s21 =	sshll.u32 s5, $0x1;
	s2 =	sadd.s32 s19, s18  }
0x9c: {  	s6 =	simm.s32 $0x0;
	s20 =	sshll.u32 s4, $0x1;
	s4 =	sadd.s32 s21, s2  }
0x9d: {  	[timem:s6], [sflag:s22] =	dma.local [hbm:s4], s20  }
0x9e: {  	_ =	swait.ge [sflag:s22], s20  }
0x9f: {  	s3 =	ssub.s32 $0x0, s20;
	[sflag:s22] =	ssyncset.done $0x0  }
0xa0: {  	[sflag:s22] =	ssyncadd.s32 s3;
	_ =	sdelay $0x1  }
0xa1: {  	s23 =	simm.s32 $0x1B8B  }
0xa2: {  	_ =	swait.ge [sflag:s23], $0x1  }
0xa3: {  	[sflag:s23] =	ssyncset.done $0x0  }
0xa4: {  	s25 =	simm.s32 $0x1B8E;
	s24 =	sld [smem:$0x3FFE];
	[sflag:s23] =	ssyncadd.s32 $0xFFFFFFFF  }
0xa5: {  	s26 =	simm.s32 $execute0_lowered;
	[smem:$0x3FD2] =	sst s25  }
0xa6: {  	s4 =	sshll.u32 s26, $0x1;
	_ =	strace $0x80000046;
	[dreg:$0x1] =	wrdreg $0xFFFFFFFF  }
0xa7: {  	s28 =	simm.s32 $_size_execute0_lowered;
	s2 =	sadd.s32 s2, s4;
	[dreg:$0x0] =	wrdreg $0x0  }
0xa8: {  	s4 =	sshll.u32 s28, $0x1;
	[dreg:$0x2] =	wrdreg s2  }
0xa9: {  	[dreg:$0x3] =	wrdreg s4  }
0xaa: {  	[dreg:$0x4] =	wrdreg $0xC0  }
0xab: {  	_ =	task [dreg:s6], $0x5FFFF  }
0xac: {  	[dreg:$0x1] =	wrdreg $0xFFFFFFFF  }
0xad: {  	[dreg:$0x0] =	wrdreg $0x60  }
0xae: {  	[dreg:$0x2] =	wrdreg s24  }
0xaf: {  	[dreg:$0x3] =	wrdreg $0x53000  }
0xb0: {  	[dreg:$0x4] =	wrdreg $0x9  }
0xb1: {  	_ =	task.clear_ibuf [dreg:s6], $0x5FFFF;
	_ =	strace $0x90000046  }
0xb2: {  	s29 =	simm.s32 $0x9;
	_ =	strace $0x80000048  }
0xb3: {  	_ =	swait.ge [sflag:s29], $0x1  }
0xb4: {  	[sflag:s29] =	ssyncadd.s32 $0xFFFFFFFF  }
0xb5: {  	_ =	strace $0x90000048  }
0xb6: {  	_ =	sfence  }
0xb7: {  	s30 =	sld [smem:$0x0];
	_ =	sdelay $0x2  }
0xb8: {  	s31 =	sshll.u32 s1, $0xD;
	s1 =	sshrl.u32 s1, $0x2  }
0xb9: {  	s3 =	sand.u32 $0x4000, s31;
	s1 =	sadd.s32 s1, s30  }
0xba: {  	s0 =	sor.u32 s3, s0;
	s1 =	sshll.u32 s1, $0x11  }
0xbb: {  	s0 =	sor.u32 s1, s0  }
0xbc: {  	s0 =	sadd.s32 $0x8F2B, s0  }
0xbd: {  	[sflag:s0] =	ssyncadd.remote.s32 $0x1  }
0xbe: {  	_ =	sfence.sel $0xFFFF  }
0xbf: {  	[dreg:$0x0] =	wrdreg $0xFFFFFFFF;
	(pc) =	sbr.abs _section_cstart, $3  }
0xc0: {  	[dreg:$0x1] =	wrdreg $0xFFFFFFFF  }
0xc1: {  	_ =	task.clear_ibuf [dreg:s6], $0x2FFFF;
	_ =	strace $0x9FFFFFFF  }
0xc2: {  	(tm) =	ssettm $0x7FFFFFFF  }
0xc3: {  	_ =	shalt  }
tec
execute0_lowered:
.L_overlay_start_1:
0x0: {  	(tag) =	ssettag $0x1  }
0x1: {  	s0 =	srdreg.scid;
	s5 =	rddreg [dreg:$0x0]  }
0x2: {  	s2 =	rddreg [dreg:$0x1];
	s1 =	stileid.u32  }
0x3: {  	s3 =	simm.s32 $0x0;
	s11 =	simm.s32 $0x2;
	s12 =	simm.s32 $0x2800  }
0x4: {  	s13 =	simm.s32 $0x80;
	s14 =	simm.s32 $0x5000;
	s15 =	simm.s32 $0x1  }
0x5: {  	s16 =	simm.s32 $0x100;
	s6 =	sand.u32 $0x1, s0;
	s0 =	rddreg [dreg:$0x2]  }
0x6: {  	s17 =	simm.s32 $0x0;
	[smem:$0x7FF] =	sst s3;
	s8 =	smul.u32 $0x500, s1  }
0x7: {  	s10 =	smul.u32 $0xA00, s1;
	s4 =	sshll.u32 s6, $0x4;
	_ =	strace $0x80000047  }
0x8: {  	s9 =	sshll.u32 s6, $0x7;
	s6 =	ssub.s32 $0x2, s6;
	s4 =	sor.u32 s1, s4  }
0x9: {  	s8 =	sor.u32 s9, s8;
	s31 =	sshrl.u32 s6, $0x1;
	s10 =	sshrl.u32 s10, $0x2  }
0xa: {  	s7 =	smul.u32 $0x500, s4;
	s8 =	sshrl.u32 s8, $0x3;
	s9 =	ssub.s32 s6, s31  }
0xb: {  	s4 =	sadd.s32 $0x15E00, s5;
	s8 =	sadd.s32 s8, s5;
	s9 =	smax.u32 s9, $0x1  }
0xc: {  	s7 =	sadd.s32 s7, s5;
	s5 =	sadd.s32 s10, s2;
	s8 =	sadd.s32 $0x16400, s8  }
0xd: {  	v0 =	vimm.f32 $0.0e+00;
	s10 =	simm.s32 $0x5080;
	s6 =	sadd.s32 $0x1E00, s7;
	s7 =	sadd.s32 $0xBE00, s7  }
.LBB2_1:
0xe: {  	[tilespmem:$0x5080] =	vst v0  }
0xf: {  	[tilespmem:$0x5090] =	vst v0  }
0x10: {  	[tilespmem:$0x50A0] =	vst v0  }
0x11: {  	[tilespmem:$0x50B0] =	vst v0  }
0x12: {  	[tilespmem:$0x50C0] =	vst v0  }
0x13: {  	[tilespmem:$0x50D0] =	vst v0  }
0x14: {  	[tilespmem:$0x50E0] =	vst v0  }
0x15: {  	[tilespmem:$0x50F0] =	vst v0  }
0x16: {  	[tilespmem:$0x5100] =	vst v0  }
0x17: {  	[tilespmem:$0x5110] =	vst v0  }
0x18: {  	[tilespmem:$0x5120] =	vst v0  }
0x19: {  	[tilespmem:$0x5130] =	vst v0  }
0x1a: {  	[tilespmem:$0x5140] =	vst v0  }
0x1b: {  	[tilespmem:$0x5150] =	vst v0  }
0x1c: {  	[tilespmem:$0x5160] =	vst v0  }
0x1d: {  	[tilespmem:$0x5170] =	vst v0  }
0x1e: {  	[tilespmem:$0x5180] =	vst v0  }
0x1f: {  	[tilespmem:$0x5190] =	vst v0  }
0x20: {  	[tilespmem:$0x51A0] =	vst v0  }
0x21: {  	[tilespmem:$0x51B0] =	vst v0  }
0x22: {  	[tilespmem:$0x51C0] =	vst v0  }
0x23: {  	[tilespmem:$0x51D0] =	vst v0  }
0x24: {  	[tilespmem:$0x51E0] =	vst v0  }
0x25: {  	[tilespmem:$0x51F0] =	vst v0  }
0x26: {  	[tilespmem:$0x5200] =	vst v0  }
0x27: {  	[tilespmem:$0x5210] =	vst v0  }
0x28: {  	[tilespmem:$0x5220] =	vst v0  }
0x29: {  	[tilespmem:$0x5230] =	vst v0  }
0x2a: {  	[tilespmem:$0x5240] =	vst v0  }
0x2b: {  	[tilespmem:$0x5250] =	vst v0  }
0x2c: {  	[tilespmem:$0x5260] =	vst v0  }
0x2d: {  	[tilespmem:$0x5270] =	vst v0  }
0x2e: {  	[tilespmem:$0x5280] =	vst v0  }
0x2f: {  	[tilespmem:$0x5290] =	vst v0  }
0x30: {  	[tilespmem:$0x52A0] =	vst v0  }
0x31: {  	[tilespmem:$0x52B0] =	vst v0  }
0x32: {  	[tilespmem:$0x52C0] =	vst v0  }
0x33: {  	[tilespmem:$0x52D0] =	vst v0  }
0x34: {  	[tilespmem:$0x52E0] =	vst v0  }
0x35: {  	[tilespmem:$0x52F0] =	vst v0  }
0x36: {  	[spmem:s5] =	stream.linear.scatter [tilespmem:s10], [sflag:$0x2], $0x280, $0x38;
	[tilespmem:$0x5580] =	vst v63  }
0x37: {  	_ =	swait.ge [sflag:s11], $0x280  }
0x38: {  	[sflag:s11] =	ssyncset.done $0x0  }
0x39: {  	[sflag:s11] =	ssyncadd.s32 $0xFFFFFD80  }
0x3a: {  	[tilespmem:s3], [sflag:$0x2] =	stream.linear.gather [hbm4b:s6+s3], $0x2800, $0x38;
	[tilespmem:$0x5580] =	vst v63  }
0x3b: {  	_ =	swait.ge [sflag:s11], $0x2800  }
0x3c: {  	[sflag:s11] =	ssyncset.done $0x0  }
0x3d: {  	[sflag:s11] =	ssyncadd.s32 $0xFFFFD800  }
0x3e: {  	[tilespmem:s12], [sflag:$0x2] =	stream.linear.gather [hbm4b:s7+s3], $0x2800, $0x38;
	[tilespmem:$0x5580] =	vst v63  }
0x3f: {  	_ =	swait.ge [sflag:s11], $0x2800  }
0x40: {  	[sflag:s11] =	ssyncset.done $0x0  }
0x41: {  	[sflag:s11] =	ssyncadd.s32 $0xFFFFD800  }
0x42: {  	s18 =	simm.s32 $0x0;
	[bflag:$0x0] =	sbarrier.arrive $0xFFFF  }
0x43: {  	[tilespmem:s14], [sflag:$0x1] =	stream.indirect.gather [hbm4b:s4+s13], $0x1, s18, s13, $0xb8;
	[tilespmem:$0x5580] =	vst v63  }
0x44: {  	_ =	swait.ge [sflag:s15], $0x80  }
0x45: {  	[sflag:s15] =	ssyncset.done $0x0  }
0x46: {  	s31 =	simm.s32 $0x2800;
	[sflag:s15] =	ssyncadd.s32 $0xFFFFFF80  }
0x47: {  	[spmem:s2] =	stream.indirect.scatter.add.f32 [tilespmem:s14], [sflag:$0x2], $0x1, s31, s13, $0xb8;
	[tilespmem:$0x5580] =	vst v63  }
0x48: {  	_ =	swait.ge [sflag:s11], $0x80  }
0x49: {  	s19 =	simm.s32 $0x400;
	s18 =	simm.s32 $0x200;
	[sflag:s11] =	ssyncset.done $0x0  }
.LBB2_2:
0x4a: {  	s20 =	sshra.s32 s18, $0x2  }
0x4b: {  	[sflag:s11] =	ssyncadd.s32 $0xFFFFFF80;
	s18 =	smov.u32 s19;
	s21 =	sadd.s32 $0x200, s19  }
0x4c: {  	[tilespmem:s14], [sflag:$0x1] =	stream.indirect.gather [hbm4b:s4+s13], $0x1, s20, s13, $0xb8;
	[tilespmem:$0x5580] =	vst v63  }
0x4d: {  	p0 =	sne.s32 s19, $0x9E00;
	_ =	swait.ge [sflag:s15], $0x80  }
.Ltmp0:
0x4e: {  	[sflag:s15] =	ssyncset.done $0x0;
	(pc) =	sbr.rel @p0 .LBB2_2-.Ltmp0, $4  }
0x4f: {  	s19 =	sadd.s32 $0x2800, s20;
	[sflag:s15] =	ssyncadd.s32 $0xFFFFFF80  }
0x50: {  	[spmem:s2] =	stream.indirect.scatter.add.f32 [tilespmem:s14], [sflag:$0x2], $0x1, s19, s13, $0xb8;
	[tilespmem:$0x5580] =	vst v63  }
0x51: {  	_ =	swait.ge [sflag:s11], $0x80  }
0x52: {  	s19 =	smov.u32 s21;
	[sflag:s11] =	ssyncset.done $0x0  }
0x53: {  	s18 =	sshra.s32 s18, $0x2;
	[sflag:s11] =	ssyncadd.s32 $0xFFFFFF80  }
0x54: {  	[tilespmem:s14], [sflag:$0x1] =	stream.indirect.gather [hbm4b:s4+s13], $0x1, s18, s13, $0xb8;
	[tilespmem:$0x5580] =	vst v63  }
0x55: {  	_ =	swait.ge [sflag:s15], $0x80  }
0x56: {  	[sflag:s15] =	ssyncset.done $0x0  }
0x57: {  	s18 =	sadd.s32 $0x2800, s18;
	[sflag:s15] =	ssyncadd.s32 $0xFFFFFF80  }
0x58: {  	[spmem:s2] =	stream.indirect.scatter.add.f32 [tilespmem:s14], [sflag:$0x2], $0x1, s18, s13, $0xb8;
	[tilespmem:$0x5580] =	vst v63  }
0x59: {  	_ =	swait.ge [sflag:s11], $0x80  }
0x5a: {  	[sflag:s11] =	ssyncset.done $0x0  }
0x5b: {  	[sflag:s11] =	ssyncadd.s32 $0xFFFFFF80  }
0x5c: {  	[bflag:$0x0] =	sbarrier.arrive $0xFFFF  }
0x5d: {  	[tilespmem:s10], [sflag:$0x2] =	stream.linear.gather [spmem:s5], $0x280, $0x38;
	[tilespmem:$0x5580] =	vst v63  }
0x5e: {  	s17 =	sadd.s32 $0x1, s17;
	_ =	swait.ge [sflag:s11], $0x280  }
0x5f: {  	p0 =	sne.s32 s17, s9;
	[sflag:s11] =	ssyncset.done $0x0  }
.Ltmp1:
0x60: {  	[sflag:s11] =	ssyncadd.s32 $0xFFFFFD80;
	(pc) =	sbr.rel @p0 .LBB2_1-.Ltmp1, $4  }
0x61: {  	[hbm4b:s8+s13] =	stream.strided.scatter [tilespmem:s10], [sflag:$0x2], $0x280, s16, s13, $0x38;
	[tilespmem:$0x5580] =	vst v63  }
0x62: {  	_ =	swait.ge [sflag:s11], $0x280  }
0x63: {  	[sflag:s11] =	ssyncset.done $0x0  }
0x64: {  	[sflag:s11] =	ssyncadd.s32 $0xFFFFFD80  }
0x65: {  	_ =	sfence.sel $0x180000  }
0x66: {  	[bflag:$0x0] =	sbarrier.arrive $0xFFFF  }
0x67: {  	p0 =	sne.s32 s1, $0x0;
	_ =	strace $0x90000047  }
0x68: {  	s0 =	sadd.s32 @!p0 $0x100000, s0;
	[bflag:$0x2] =	sbarrier.arrive $0xFFFF  }
0x69: {  	[sflag:s0] =	ssyncadd.tile.s32 @!p0 $0x1;
	_ =	shalt  }
.Lfunc_end2:
_tile_overlayer_lowered:
.L_overlay_start_2:
0x6a: {  	(tag) =	ssettag $0x2  }
0x6b: {  	s0 =	rddreg [dreg:$0x0];
	s2 =	stileid.u32  }
0x6c: {  	s1 =	rddreg [dreg:$0x1];
	p0 =	sne.s32 s2, $0x0  }
0x6d: {  	s3 =	rddreg [dreg:$0x2];
	[bflag:$0x3] =	sbarrier.arrive $0xFFFF;
	s2 =	simm.s32 @!p0 $0x1C02  }
0x6e: {  	[timem:s3], [sflag:s2] =	dma.local @!p0 [hbm:s0], s1  }
0x6f: {  	s0 =	simm.s32 @!p0 $0x2  }
0x70: {  	_ =	swait.ge @!p0 [sflag:s0], s1  }
0x71: {  	s1 =	ssub.s32 @!p0 $0x0, s1;
	[sflag:s0] =	ssyncset.done @!p0 $0x0  }
0x72: {  	[sflag:s0] =	ssyncadd.s32 @!p0 s1  }
0x73: {  	[bflag:$0x3] =	sbarrier.arrive $0xFFFF  }
0x74: {  	_ =	shalt  }

// kernel: kernel.13.cloned.1.call-start
scs
__scs_entry_jumppad:
0x0: {  	(pc) =	sbr.rel $0x88, $3  }
0x1: {  	(tag) =	ssettag $0x0;
	lr =	simm.s32 $0x1  }
0x2: {  	[smem:$0x3F96] =	sst lr;
	_ =	strace $0xD0000000  }
0x3: {  	_ = 	snop  }
0x4: {  	_ = 	snop  }
0x5: {  	_ = 	snop  }
0x6: {  	_ = 	snop  }
0x7: {  	_ = 	snop  }
__scs_overlays_trampoline_lowered:
0x8: {  	[smem:$0x3FA5] =	sst s0  }
0x9: {  	[smem:$0x3FA6] =	sst s1  }
0xa: {  	[smem:$0x3FA7] =	sst s2  }
0xb: {  	[smem:$0x3FA8] =	sst s3  }
0xc: {  	[smem:$0x3FA9] =	sst s4  }
0xd: {  	[smem:$0x3FAA] =	sst s5  }
0xe: {  	[smem:$0x3FAB] =	sst s6  }
0xf: {  	[smem:$0x3FAC] =	sst s7  }
0x10: {  	[smem:$0x3FAD] =	sst s8  }
0x11: {  	[smem:$0x3FAE] =	sst s9;
	s0 =	simm.s32 @!p0 $0x0  }
0x12: {  	s1 =	sld [smem:$0x3F94];
	s0 =	simm.s32 @p0 $0x1  }
0x13: {  	[smem:$0x3FAF] =	sst s0;
	s0 =	simm.s32 @!p1 $0x0  }
0x14: {  	s2 =	sld [smem:$0x3F93];
	s0 =	simm.s32 @p1 $0x1  }
0x15: {  	[smem:$0x3FB0] =	sst s0;
	s0 =	simm.s32 @!p2 $0x0  }
0x16: {  	s3 =	sld [smem:$0x3FDB];
	s0 =	simm.s32 @p2 $0x1  }
0x17: {  	s4 =	simm.s32 $0x1BF5;
	[smem:$0x3FB2] =	sst s0  }
0x18: {  	s0 =	sld [smem:$0x3F95];
	_ =	swait.ge [sflag:s4], $0x0  }
0x19: {  	s7 =	sld [smem:$0x3F96]  }
0x1a: {  	s8 =	sadd.s32 $0xFFFFE003, lr  }
0x1b: {  	s9 =	sadd.s32 $0xFFFFFEF7, lr;
	s5 =	simm.s32 $0xFFFFFFFF;
	p2 =	slt.u32 s8, $0xFFFFF086  }
0x1c: {  	p1 =	slt.u32 s9, $0xF7A;
	s5 =	simm.s32 @!p2 $0x0  }
0x1d: {  	s5 =	simm.s32 @p1 $0x1;
	p0 =	seq.s32 s7, s2  }
0x1e: {  	s7 =	smul.u32 @!p0 $0xF7A, s2;
	p2 =	seq.s32 @!p0 s5, $0x0  }
0x1f: {  	s9 =	smul.u32 $0xF7A, s1;
	s8 =	simm.s32 @!p0 $0x1BF5;
	p2 =	por !p2, p0  }
0x20: {  	[sflag:s8] =	ssyncset.s32 @!p0 $0xFFFFF086;
	s6 =	sadd.s32 @!p0 s3, s7;
	s7 =	simm.s32 @!p0 $0x108  }
0x21: {  	s3 =	sadd.s32 s3, s9;
	s6 =	sadd.s32 @!p0 $0x88, s6;
	s7 =	simm.s32 @p2 $0x1082  }
0x22: {  	[simem:s7], [sflag:s8] =	dma.local @!p0 [hbm:s6], $0xF7A  }
0x23: {  	s9 =	sor.u32 $0xD0000000, s2;
	s6 =	simm.s32 $0x108;
	_ =	swait.ge @!p0 [sflag:s8], $0x0  }
0x24: {  	s3 =	sadd.s32 $0x88, s3;
	s6 =	simm.s32 @!p1 $0x1082;
	[sflag:s4] =	ssyncset.s32 $0xFFFFF086  }
0x25: {  	[simem:s6], [sflag:s4] =	dma.local [hbm:s3], $0xF7A  }
0x26: {  	[smem:$0x3F96] =	sst s1;
	(tag) =	ssettag s2;
	_ =	strace s9  }
0x27: {  	s1 =	sld [smem:$0x3FA6]  }
0x28: {  	s2 =	sld [smem:$0x3FA7]  }
0x29: {  	s4 =	sld [smem:$0x3FA9]  }
0x2a: {  	p0 =	seq.s32 s5, $0x0;
	s5 =	sld [smem:$0x3FAA]  }
0x2b: {  	s6 =	sld [smem:$0x3FAB]  }
0x2c: {  	s7 =	sld [smem:$0x3FAC]  }
0x2d: {  	s3 =	simm.s32 $0x108;
	s8 =	sld [smem:$0x3FAD]  }
0x2e: {  	s3 =	simm.s32 @!p0 $0x1082;
	s9 =	sld [smem:$0x3FAE]  }
0x2f: {  	lr =	sadd.s32 s0, s3;
	s0 =	sld [smem:$0x3FA5]  }
0x30: {  	s3 =	sld [smem:$0x3FA8]  }
0x31: {  	[smem:$0x3FB1] =	sst s10  }
0x32: {  	s10 =	sld [smem:$0x3FAF];
	_ =	sdelay $0x3  }
0x33: {  	p0 =	seq.s32 s10, $0x1;
	s10 =	sld [smem:$0x3FB1];
	_ =	sdelay $0x3  }
0x34: {  	[smem:$0x3FB1] =	sst s10  }
0x35: {  	s10 =	sld [smem:$0x3FB0];
	_ =	sdelay $0x3  }
0x36: {  	p1 =	seq.s32 s10, $0x1;
	s10 =	sld [smem:$0x3FB1];
	_ =	sdelay $0x3  }
0x37: {  	[smem:$0x3FB1] =	sst s10  }
0x38: {  	s10 =	sld [smem:$0x3FB2]  }
0x39: {  	_ = 	snop;
	(pc) =	sbr.ind lr, $3  }
0x3a: {  	_ = 	snop  }
0x3b: {  	_ = 	snop  }
0x3c: {  	p2 =	seq.s32 s10, $0x1;
	s10 =	sld [smem:$0x3FB1]  }
0x3d: {  	_ =	shalt  }
0x3e: {  	_ =	shalt  }
0x3f: {  	_ =	shalt  }
0x40: {  	_ =	shalt  }
0x41: {  	_ =	shalt  }
0x42: {  	_ =	shalt  }
0x43: {  	_ =	shalt  }
0x44: {  	_ =	shalt  }
0x45: {  	_ =	shalt  }
0x46: {  	_ =	shalt  }
0x47: {  	_ =	shalt  }
0x48: {  	_ =	shalt  }
0x49: {  	_ =	shalt  }
0x4a: {  	_ =	shalt  }
0x4b: {  	_ =	shalt  }
0x4c: {  	_ =	shalt  }
0x4d: {  	_ =	shalt  }
0x4e: {  	_ =	shalt  }
0x4f: {  	_ =	shalt  }
0x50: {  	_ =	shalt  }
0x51: {  	_ =	shalt  }
0x52: {  	_ =	shalt  }
0x53: {  	_ =	shalt  }
0x54: {  	_ =	shalt  }
0x55: {  	_ =	shalt  }
0x56: {  	_ =	shalt  }
0x57: {  	_ =	shalt  }
0x58: {  	_ =	shalt  }
0x59: {  	_ =	shalt  }
0x5a: {  	_ =	shalt  }
0x5b: {  	_ =	shalt  }
0x5c: {  	_ =	shalt  }
0x5d: {  	_ =	shalt  }
0x5e: {  	_ =	shalt  }
0x5f: {  	_ =	shalt  }
0x60: {  	_ =	shalt  }
0x61: {  	_ =	shalt  }
0x62: {  	_ =	shalt  }
0x63: {  	_ =	shalt  }
0x64: {  	_ =	shalt  }
0x65: {  	_ =	shalt  }
0x66: {  	_ =	shalt  }
0x67: {  	_ =	shalt  }
0x68: {  	_ =	shalt  }
0x69: {  	_ =	shalt  }
0x6a: {  	_ =	shalt  }
0x6b: {  	_ =	shalt  }
0x6c: {  	_ =	shalt  }
0x6d: {  	_ =	shalt  }
0x6e: {  	_ =	shalt  }
0x6f: {  	_ =	shalt  }
0x70: {  	_ =	shalt  }
0x71: {  	_ =	shalt  }
0x72: {  	_ =	shalt  }
0x73: {  	_ =	shalt  }
0x74: {  	_ =	shalt  }
0x75: {  	_ =	shalt  }
0x76: {  	_ =	shalt  }
0x77: {  	_ =	shalt  }
0x78: {  	_ =	shalt  }
0x79: {  	_ =	shalt  }
0x7a: {  	_ =	shalt  }
0x7b: {  	_ =	shalt  }
0x7c: {  	_ =	shalt  }
0x7d: {  	_ =	shalt  }
0x7e: {  	_ =	shalt  }
0x7f: {  	_ =	shalt  }
0x80: {  	_ =	shalt  }
0x81: {  	_ =	shalt  }
0x82: {  	_ =	shalt  }
0x83: {  	_ =	shalt  }
0x84: {  	_ =	shalt  }
0x85: {  	_ =	shalt  }
0x86: {  	_ =	shalt  }
0x87: {  	_ =	shalt  }
.Lfunc_end0:
.L_simem_size_0:
called_computation.1_lowered:
.L_overlay_start_0:
0x88: {  	s2 =	sld [smem:$0x3FD9]  }
0x89: {  	s3 =	sld [smem:$0x3FFE];
	_ =	sdelay $0x1  }
0x8a: {  	s1 =	srdreg.scid  }
0x8b: {  	s0 =	sand.u32 $0x1, s1  }
0x8c: {  	s16 =	sshll.u32 s0, $0xA;
	s2 =	sadd.s32 s3, s2  }
0x8d: {  	s2 =	sadd.s32 s2, s16  }
0x8e: {  	[smem:$0x3FBD] =	sst s2  }
0x8f: {  	_ = 	snop  }
0x90: {  	(tm) =	ssettm $0x1  }
0x91: {  	s17 =	sld [smem:$0x3FFB];
	_ =	sdelay $0x3  }
0x92: {  	_ =	strace s17  }
0x93: {  	s2 =	sld [smem:$0x3FFC];
	_ =	sdelay $0x3  }
0x94: {  	_ =	strace s2  }
0x95: {  	s2 =	sld [smem:$0x3FFD];
	_ =	sdelay $0x3  }
0x96: {  	_ =	strace s2  }
0x97: {  	_ =	strace $0x8FFFFFFF  }
0x98: {  	s18 =	sld [smem:$0x3FDB];
	_ =	sdelay $0x1  }
0x99: {  	s19 =	simm.s32 $_scs_section_size  }
0x9a: {  	s4 =	simm.s32 $_size__tile_overlayer_lowered;
	s5 =	simm.s32 $_tile_overlayer_lowered  }
0x9b: {  	s22 =	simm.s32 $0x1BFF;
	s21 =	sshll.u32 s5, $0x1;
	s2 =	sadd.s32 s19, s18  }
0x9c: {  	s6 =	simm.s32 $0x0;
	s20 =	sshll.u32 s4, $0x1;
	s4 =	sadd.s32 s21, s2  }
0x9d: {  	[timem:s6], [sflag:s22] =	dma.local [hbm:s4], s20  }
0x9e: {  	_ =	swait.ge [sflag:s22], s20  }
0x9f: {  	s3 =	ssub.s32 $0x0, s20;
	[sflag:s22] =	ssyncset.done $0x0  }
0xa0: {  	[sflag:s22] =	ssyncadd.s32 s3;
	_ =	sdelay $0x1  }
0xa1: {  	s23 =	simm.s32 $0x1B8B  }
0xa2: {  	_ =	swait.ge [sflag:s23], $0x1  }
0xa3: {  	[sflag:s23] =	ssyncset.done $0x0  }
0xa4: {  	s25 =	simm.s32 $0x1B8E;
	s24 =	sld [smem:$0x3FFE];
	[sflag:s23] =	ssyncadd.s32 $0xFFFFFFFF  }
0xa5: {  	s26 =	simm.s32 $execute0_lowered;
	[smem:$0x3FD2] =	sst s25  }
0xa6: {  	s4 =	sshll.u32 s26, $0x1;
	_ =	strace $0x80000049;
	[dreg:$0x1] =	wrdreg $0xFFFFFFFF  }
0xa7: {  	s28 =	simm.s32 $_size_execute0_lowered;
	s2 =	sadd.s32 s2, s4;
	[dreg:$0x0] =	wrdreg $0x0  }
0xa8: {  	s4 =	sshll.u32 s28, $0x1;
	[dreg:$0x2] =	wrdreg s2  }
0xa9: {  	[dreg:$0x3] =	wrdreg s4  }
0xaa: {  	[dreg:$0x4] =	wrdreg $0xC0  }
0xab: {  	_ =	task [dreg:s6], $0x5FFFF  }
0xac: {  	[dreg:$0x1] =	wrdreg $0xFFFFFFFF  }
0xad: {  	[dreg:$0x0] =	wrdreg $0x60  }
0xae: {  	[dreg:$0x2] =	wrdreg s24  }
0xaf: {  	[dreg:$0x3] =	wrdreg $0xB8000  }
0xb0: {  	[dreg:$0x4] =	wrdreg $0x9  }
0xb1: {  	_ =	task.clear_ibuf [dreg:s6], $0x5FFFF;
	_ =	strace $0x90000049  }
0xb2: {  	s29 =	simm.s32 $0x9;
	_ =	strace $0x8000004B  }
0xb3: {  	_ =	swait.ge [sflag:s29], $0x1  }
0xb4: {  	[sflag:s29] =	ssyncadd.s32 $0xFFFFFFFF  }
0xb5: {  	_ =	strace $0x9000004B  }
0xb6: {  	_ =	sfence  }
0xb7: {  	s30 =	sld [smem:$0x0];
	_ =	sdelay $0x2  }
0xb8: {  	s31 =	sshll.u32 s1, $0xD;
	s1 =	sshrl.u32 s1, $0x2  }
0xb9: {  	s3 =	sand.u32 $0x4000, s31;
	s1 =	sadd.s32 s1, s30  }
0xba: {  	s0 =	sor.u32 s3, s0;
	s1 =	sshll.u32 s1, $0x11  }
0xbb: {  	s0 =	sor.u32 s1, s0  }
0xbc: {  	s0 =	sadd.s32 $0x8F2B, s0  }
0xbd: {  	[sflag:s0] =	ssyncadd.remote.s32 $0x1  }
0xbe: {  	_ =	sfence.sel $0xFFFF  }
0xbf: {  	[dreg:$0x0] =	wrdreg $0xFFFFFFFF;
	(pc) =	sbr.abs _section_cstart, $3  }
0xc0: {  	[dreg:$0x1] =	wrdreg $0xFFFFFFFF  }
0xc1: {  	_ =	task.clear_ibuf [dreg:s6], $0x2FFFF;
	_ =	strace $0x9FFFFFFF  }
0xc2: {  	(tm) =	ssettm $0x7FFFFFFF  }
0xc3: {  	_ =	shalt  }
tec
execute0_lowered:
.L_overlay_start_1:
0x0: {  	(tag) =	ssettag $0x1  }
0x1: {  	s2 =	srdreg.scid  }
0x2: {  	s0 =	rddreg [dreg:$0x0];
	s28 =	stileid.u32;
	s17 =	sand.u32 $0x1, s2  }
0x3: {  	s1 =	simm.s32 $0x0;
	s24 =	smul.u32 $0x14000, s28;
	s2 =	sshll.u32 s17, $0x4  }
0x4: {  	s3 =	ssub.s32 $0x2, s17;
	p0 =	seq.s32 s17, $0x0;
	s22 =	smul.u32 $0x140000, s17  }
0x5: {  	s2 =	sor.u32 s28, s2;
	s4 =	sshrl.u32 s3, $0x1;
	s5 =	sadd.s32 $0x4000, s24  }
0x6: {  	s6 =	sadd.s32 $0x5000, s24;
	s7 =	sadd.s32 $0x6000, s24;
	s8 =	sadd.s32 $0x7000, s24  }
0x7: {  	s9 =	sadd.s32 $0x8000, s24;
	s10 =	sadd.s32 $0x9000, s24;
	s11 =	sadd.s32 $0xA000, s24  }
0x8: {  	s12 =	sadd.s32 $0xB000, s24;
	s13 =	sadd.s32 $0xC000, s24;
	s14 =	sadd.s32 $0xD000, s24  }
0x9: {  	s15 =	sadd.s32 $0xE000, s24;
	s17 =	sadd.s32 $0xF000, s24;
	s18 =	sadd.s32 $0x10000, s24  }
0xa: {  	s19 =	sadd.s32 $0x11000, s24;
	s21 =	sadd.s32 $0x12000, s24;
	s23 =	sadd.s32 $0x13000, s24  }
0xb: {  	s20 =	smul.u32 $0x680, s2;
	s16 =	ssub.s32 s3, s4;
	s2 =	sor.u32 $0x1000, s24  }
0xc: {  	s3 =	sor.u32 $0x2000, s24;
	s4 =	sor.u32 $0x3000, s24;
	s24 =	sadd.s32 s24, s22  }
0xd: {  	[smem:$0x7FF] =	sst s1;
	s25 =	sadd.s32 $0x58E00, s0;
	s24 =	sshrl.u32 s24, $0x3  }
0xe: {  	s26 =	sadd.s32 s22, s2;
	s31 =	sadd.s32 s22, s3;
	s24 =	sadd.s32 s25, s24  }
0xf: {  	s16 =	smax.u32 s16, $0x1;
	s26 =	sshrl.u32 s26, $0x3;
	[dreg:$0x3] =	wrdreg s24  }
0x10: {  	s24 =	sadd.s32 s25, s26;
	s26 =	sshrl.u32 s31, $0x3;
	s31 =	sadd.s32 s22, s4  }
0x11: {  	[dreg:$0x4] =	wrdreg s24;
	s24 =	sadd.s32 s25, s26;
	s26 =	sshrl.u32 s31, $0x3  }
0x12: {  	s31 =	sadd.s32 s22, s5;
	[dreg:$0x5] =	wrdreg s24;
	s24 =	sadd.s32 s25, s26  }
0x13: {  	s26 =	sshrl.u32 s31, $0x3;
	s31 =	sadd.s32 s22, s6;
	[dreg:$0x6] =	wrdreg s24  }
0x14: {  	s24 =	sadd.s32 s25, s26;
	s26 =	sshrl.u32 s31, $0x3;
	s31 =	sadd.s32 s22, s7  }
0x15: {  	[dreg:$0x7] =	wrdreg s24;
	s24 =	sadd.s32 s25, s26;
	s26 =	sshrl.u32 s31, $0x3  }
0x16: {  	s31 =	sadd.s32 s22, s8;
	[dreg:$0x8] =	wrdreg s24;
	s24 =	sadd.s32 s25, s26  }
0x17: {  	s26 =	sshrl.u32 s31, $0x3;
	s31 =	sadd.s32 s22, s9;
	[dreg:$0x9] =	wrdreg s24  }
0x18: {  	s24 =	sadd.s32 s25, s26;
	s26 =	sshrl.u32 s31, $0x3;
	s31 =	sadd.s32 s22, s10  }
0x19: {  	[dreg:$0xa] =	wrdreg s24;
	s24 =	sadd.s32 s25, s26;
	s26 =	sshrl.u32 s31, $0x3  }
0x1a: {  	s31 =	sadd.s32 s22, s11;
	[dreg:$0xb] =	wrdreg s24;
	s24 =	sadd.s32 s25, s26  }
0x1b: {  	s26 =	sshrl.u32 s31, $0x3;
	s31 =	sadd.s32 s22, s12;
	[dreg:$0xc] =	wrdreg s24  }
0x1c: {  	s24 =	sadd.s32 s25, s26;
	s26 =	sshrl.u32 s31, $0x3;
	s31 =	sadd.s32 s22, s13  }
0x1d: {  	[dreg:$0xd] =	wrdreg s24;
	s24 =	sadd.s32 s25, s26;
	s26 =	sshrl.u32 s31, $0x3  }
0x1e: {  	s31 =	sadd.s32 s22, s14;
	[dreg:$0xe] =	wrdreg s24;
	s24 =	sadd.s32 s25, s26  }
0x1f: {  	s26 =	sshrl.u32 s31, $0x3;
	s31 =	sadd.s32 s22, s15;
	[dreg:$0xf] =	wrdreg s24  }
0x20: {  	s24 =	sadd.s32 s25, s26;
	s26 =	sshrl.u32 s31, $0x3;
	s31 =	sadd.s32 s22, s17  }
0x21: {  	[dreg:$0x10] =	wrdreg s24;
	s24 =	sadd.s32 s25, s26;
	s26 =	sshrl.u32 s31, $0x3  }
0x22: {  	s31 =	sadd.s32 s22, s18;
	[dreg:$0x11] =	wrdreg s24;
	s24 =	sadd.s32 s25, s26  }
0x23: {  	s26 =	sshrl.u32 s31, $0x3;
	s31 =	sadd.s32 s22, s19;
	[dreg:$0x12] =	wrdreg s24  }
0x24: {  	s24 =	sadd.s32 s25, s26;
	s26 =	sshrl.u32 s31, $0x3;
	s31 =	sadd.s32 s22, s21  }
0x25: {  	s22 =	sadd.s32 s22, s23;
	[dreg:$0x13] =	wrdreg s24;
	s24 =	sadd.s32 s25, s26  }
0x26: {  	s26 =	sshrl.u32 s31, $0x3;
	s31 =	sshrl.u32 s22, $0x3;
	s22 =	rddreg [dreg:$0x1]  }
0x27: {  	[dreg:$0x14] =	wrdreg s24;
	s24 =	sadd.s32 s25, s26;
	s26 =	smul.u32 $0x50000, s28  }
0x28: {  	s28 =	sadd.s32 s20, s0;
	s20 =	simm.s32 $0x66;
	s30 =	sadd.s32 s3, s22  }
0x29: {  	s3 =	sadd.s32 s7, s22;
	s7 =	sadd.s32 s11, s22;
	s11 =	sadd.s32 s14, s22  }
0x2a: {  	s14 =	sadd.s32 s17, s22;
	s17 =	simm.s32 $0x0;
	[dreg:$0x15] =	wrdreg s24  }
0x2b: {  	s24 =	sadd.s32 s25, s31;
	s20 =	simm.s32 @!p0 $0x38;
	s25 =	sadd.s32 s2, s22  }
0x2c: {  	[dreg:$0x16] =	wrdreg s24;
	s24 =	sadd.s32 $0x30E00, s0;
	s0 =	sadd.s32 $0x15E00, s0  }
0x2d: {  	s31 =	sshrl.u32 s26, $0x2;
	_ =	strace $0x8000004A;
	[dreg:$0x17] =	wrdreg s0  }
0x2e: {  	s26 =	sadd.s32 s23, s22;
	s23 =	sadd.s32 $0x23E00, s28;
	[dreg:$0x18] =	wrdreg s20  }
0x2f: {  	s2 =	sadd.s32 s6, s22;
	s6 =	sadd.s32 s10, s22;
	[smem:$0x7FB] =	sst s23  }
0x30: {  	s10 =	sadd.s32 s13, s22;
	s13 =	sadd.s32 s19, s22;
	[smem:$0x7FD] =	sst s16  }
0x31: {  	s19 =	simm.s32 $0xA800;
	s29 =	sadd.s32 s31, s22;
	[dreg:$0x1a] =	wrdreg s14  }
0x32: {  	s20 =	sadd.s32 s4, s22;
	s0 =	sadd.s32 s5, s22;
	[dreg:$0x1b] =	wrdreg s13  }
0x33: {  	s4 =	sadd.s32 s8, s22;
	s5 =	sadd.s32 s9, s22;
	[dreg:$0x1d] =	wrdreg s11  }
0x34: {  	s9 =	sadd.s32 s12, s22;
	s12 =	sadd.s32 s15, s22;
	[dreg:$0x1e] =	wrdreg s26  }
0x35: {  	s8 =	sadd.s32 s18, s22;
	s31 =	sadd.s32 $0x16E00, s28;
	[dreg:$0x1f] =	wrdreg s6  }
0x36: {  	s15 =	sadd.s32 s21, s22;
	s28 =	smov.u32 s25;
	[smem:$0x7FC] =	sst s31  }
0x37: {  	s21 =	simm.s32 $0x2;
	s23 =	simm.s32 $0x80;
	[dreg:$0x19] =	wrdreg s8  }
0x38: {  	s25 =	simm.s32 $0x6800;
	s16 =	simm.s32 $0x1;
	[dreg:$0x1c] =	wrdreg s15  }
.LBB2_1:
0x39: {  	s18 =	rddreg [dreg:$0x17]  }
0x3a: {  	[tilespmem:s19], [sflag:$0x2] =	stream.linear.gather [hbm4b:s18+s1], $0x1000, $0x38;
	[tilespmem:$0x1F800] =	vst v63  }
0x3b: {  	_ =	swait.ge [sflag:s21], $0x1000  }
0x3c: {  	[sflag:s21] =	ssyncset.done $0x0  }
0x3d: {  	[sflag:s21] =	ssyncadd.s32 $0xFFFFF000  }
0x3e: {  	[spmem:s29] =	stream.linear.scatter [tilespmem:s19], [sflag:$0x2], $0x1000, $0x38;
	[tilespmem:$0x1F800] =	vst v63  }
0x3f: {  	_ =	swait.ge [sflag:s21], $0x1000  }
0x40: {  	[sflag:s21] =	ssyncset.done $0x0  }
0x41: {  	[sflag:s21] =	ssyncadd.s32 $0xFFFFF000  }
0x42: {  	[spmem:s28] =	stream.linear.scatter [tilespmem:s19], [sflag:$0x2], $0x1000, $0x38;
	[tilespmem:$0x1F800] =	vst v63  }
0x43: {  	_ =	swait.ge [sflag:s21], $0x1000  }
0x44: {  	[sflag:s21] =	ssyncset.done $0x0  }
0x45: {  	s18 =	smov.u32 s30;
	[sflag:s21] =	ssyncadd.s32 $0xFFFFF000  }
0x46: {  	[spmem:s18] =	stream.linear.scatter [tilespmem:s19], [sflag:$0x2], $0x1000, $0x38;
	[tilespmem:$0x1F800] =	vst v63  }
0x47: {  	_ =	swait.ge [sflag:s21], $0x1000  }
0x48: {  	[sflag:s21] =	ssyncset.done $0x0  }
0x49: {  	s31 =	smov.u32 s28;
	s28 =	smov.u32 s20;
	[sflag:s21] =	ssyncadd.s32 $0xFFFFF000  }
0x4a: {  	[spmem:s28] =	stream.linear.scatter [tilespmem:s19], [sflag:$0x2], $0x1000, $0x38;
	[tilespmem:$0x1F800] =	vst v63  }
0x4b: {  	_ =	swait.ge [sflag:s21], $0x1000  }
0x4c: {  	[sflag:s21] =	ssyncset.done $0x0  }
0x4d: {  	s20 =	smov.u32 s18;
	s18 =	smov.u32 s0;
	[sflag:s21] =	ssyncadd.s32 $0xFFFFF000  }
0x4e: {  	[spmem:s18] =	stream.linear.scatter [tilespmem:s19], [sflag:$0x2], $0x1000, $0x38;
	[tilespmem:$0x1F800] =	vst v63  }
0x4f: {  	_ =	swait.ge [sflag:s21], $0x1000  }
0x50: {  	[sflag:s21] =	ssyncset.done $0x0  }
0x51: {  	s0 =	smov.u32 s28;
	s28 =	smov.u32 s2;
	[sflag:s21] =	ssyncadd.s32 $0xFFFFF000  }
0x52: {  	[spmem:s28] =	stream.linear.scatter [tilespmem:s19], [sflag:$0x2], $0x1000, $0x38;
	[tilespmem:$0x1F800] =	vst v63  }
0x53: {  	_ =	swait.ge [sflag:s21], $0x1000  }
0x54: {  	[sflag:s21] =	ssyncset.done $0x0  }
0x55: {  	s2 =	smov.u32 s18;
	s18 =	smov.u32 s3;
	[sflag:s21] =	ssyncadd.s32 $0xFFFFF000  }
0x56: {  	[spmem:s18] =	stream.linear.scatter [tilespmem:s19], [sflag:$0x2], $0x1000, $0x38;
	[tilespmem:$0x1F800] =	vst v63  }
0x57: {  	_ =	swait.ge [sflag:s21], $0x1000  }
0x58: {  	[sflag:s21] =	ssyncset.done $0x0  }
0x59: {  	s3 =	smov.u32 s28;
	s28 =	smov.u32 s4;
	[sflag:s21] =	ssyncadd.s32 $0xFFFFF000  }
0x5a: {  	[spmem:s28] =	stream.linear.scatter [tilespmem:s19], [sflag:$0x2], $0x1000, $0x38;
	[tilespmem:$0x1F800] =	vst v63  }
0x5b: {  	_ =	swait.ge [sflag:s21], $0x1000  }
0x5c: {  	[sflag:s21] =	ssyncset.done $0x0  }
0x5d: {  	[sflag:s21] =	ssyncadd.s32 $0xFFFFF000  }
0x5e: {  	[spmem:s5] =	stream.linear.scatter [tilespmem:s19], [sflag:$0x2], $0x1000, $0x38;
	[tilespmem:$0x1F800] =	vst v63  }
0x5f: {  	_ =	swait.ge [sflag:s21], $0x1000  }
0x60: {  	[sflag:s21] =	ssyncset.done $0x0  }
0x61: {  	s30 =	smov.u32 s29;
	s29 =	smov.u32 s6;
	[sflag:s21] =	ssyncadd.s32 $0xFFFFF000  }
0x62: {  	[spmem:s29] =	stream.linear.scatter [tilespmem:s19], [sflag:$0x2], $0x1000, $0x38;
	[tilespmem:$0x1F800] =	vst v63  }
0x63: {  	_ =	swait.ge [sflag:s21], $0x1000  }
0x64: {  	[sflag:s21] =	ssyncset.done $0x0  }
0x65: {  	[sflag:s21] =	ssyncadd.s32 $0xFFFFF000  }
0x66: {  	[spmem:s7] =	stream.linear.scatter [tilespmem:s19], [sflag:$0x2], $0x1000, $0x38;
	[tilespmem:$0x1F800] =	vst v63  }
0x67: {  	_ =	swait.ge [sflag:s21], $0x1000  }
0x68: {  	[sflag:s21] =	ssyncset.done $0x0  }
0x69: {  	[sflag:s21] =	ssyncadd.s32 $0xFFFFF000  }
0x6a: {  	[spmem:s9] =	stream.linear.scatter [tilespmem:s19], [sflag:$0x2], $0x1000, $0x38;
	[tilespmem:$0x1F800] =	vst v63  }
0x6b: {  	_ =	swait.ge [sflag:s21], $0x1000  }
0x6c: {  	[sflag:s21] =	ssyncset.done $0x0  }
0x6d: {  	[sflag:s21] =	ssyncadd.s32 $0xFFFFF000  }
0x6e: {  	[spmem:s10] =	stream.linear.scatter [tilespmem:s19], [sflag:$0x2], $0x1000, $0x38;
	[tilespmem:$0x1F800] =	vst v63  }
0x6f: {  	_ =	swait.ge [sflag:s21], $0x1000  }
0x70: {  	[sflag:s21] =	ssyncset.done $0x0  }
0x71: {  	s29 =	smov.u32 s11;
	[sflag:s21] =	ssyncadd.s32 $0xFFFFF000  }
0x72: {  	[spmem:s29] =	stream.linear.scatter [tilespmem:s19], [sflag:$0x2], $0x1000, $0x38;
	[tilespmem:$0x1F800] =	vst v63  }
0x73: {  	_ =	swait.ge [sflag:s21], $0x1000  }
0x74: {  	[sflag:s21] =	ssyncset.done $0x0  }
0x75: {  	[sflag:s21] =	ssyncadd.s32 $0xFFFFF000  }
0x76: {  	[spmem:s12] =	stream.linear.scatter [tilespmem:s19], [sflag:$0x2], $0x1000, $0x38;
	[tilespmem:$0x1F800] =	vst v63  }
0x77: {  	_ =	swait.ge [sflag:s21], $0x1000  }
0x78: {  	[sflag:s21] =	ssyncset.done $0x0  }
0x79: {  	[sflag:s21] =	ssyncadd.s32 $0xFFFFF000  }
0x7a: {  	[spmem:s14] =	stream.linear.scatter [tilespmem:s19], [sflag:$0x2], $0x1000, $0x38;
	[tilespmem:$0x1F800] =	vst v63  }
0x7b: {  	_ =	swait.ge [sflag:s21], $0x1000  }
0x7c: {  	[sflag:s21] =	ssyncset.done $0x0  }
0x7d: {  	[sflag:s21] =	ssyncadd.s32 $0xFFFFF000  }
0x7e: {  	[spmem:s8] =	stream.linear.scatter [tilespmem:s19], [sflag:$0x2], $0x1000, $0x38;
	[tilespmem:$0x1F800] =	vst v63  }
0x7f: {  	_ =	swait.ge [sflag:s21], $0x1000  }
0x80: {  	[sflag:s21] =	ssyncset.done $0x0  }
0x81: {  	s4 =	smov.u32 s18;
	s18 =	smov.u32 s13;
	[sflag:s21] =	ssyncadd.s32 $0xFFFFF000  }
0x82: {  	[spmem:s18] =	stream.linear.scatter [tilespmem:s19], [sflag:$0x2], $0x1000, $0x38;
	[tilespmem:$0x1F800] =	vst v63  }
0x83: {  	_ =	swait.ge [sflag:s21], $0x1000  }
0x84: {  	[sflag:s21] =	ssyncset.done $0x0  }
0x85: {  	[sflag:s21] =	ssyncadd.s32 $0xFFFFF000  }
0x86: {  	[spmem:s15] =	stream.linear.scatter [tilespmem:s19], [sflag:$0x2], $0x1000, $0x38;
	[tilespmem:$0x1F800] =	vst v63  }
0x87: {  	_ =	swait.ge [sflag:s21], $0x1000  }
0x88: {  	[sflag:s21] =	ssyncset.done $0x0  }
0x89: {  	[sflag:s21] =	ssyncadd.s32 $0xFFFFF000  }
0x8a: {  	[spmem:s26] =	stream.linear.scatter [tilespmem:s19], [sflag:$0x2], $0x1000, $0x38;
	[tilespmem:$0x1F800] =	vst v63  }
0x8b: {  	_ =	swait.ge [sflag:s21], $0x1000  }
0x8c: {  	s18 =	sld [smem:$0x7FB]  }
0x8d: {  	[sflag:s21] =	ssyncset.done $0x0  }
0x8e: {  	[sflag:s21] =	ssyncadd.s32 $0xFFFFF000  }
0x8f: {  	[tilespmem:s1], [sflag:$0x2] =	stream.linear.gather [hbm4b:s18+s1], $0x3300, $0x38;
	[tilespmem:$0x1F800] =	vst v63  }
0x90: {  	_ =	swait.ge [sflag:s21], $0x3300  }
0x91: {  	s26 =	sld [smem:$0x7FC]  }
0x92: {  	[sflag:s21] =	ssyncset.done $0x0  }
0x93: {  	s18 =	simm.s32 $0x3400;
	[sflag:s21] =	ssyncadd.s32 $0xFFFFCD00  }
0x94: {  	[tilespmem:s18], [sflag:$0x2] =	stream.linear.gather [hbm4b:s26+s1], $0x3300, $0x38;
	[tilespmem:$0x1F800] =	vst v63  }
0x95: {  	_ =	swait.ge [sflag:s21], $0x3300  }
0x96: {  	[sflag:s21] =	ssyncset.done $0x0  }
0x97: {  	[sflag:s21] =	ssyncadd.s32 $0xFFFFCD00  }
0x98: {  	[bflag:$0x0] =	sbarrier.arrive $0xFFFF  }
0x99: {  	[tilespmem:s25], [sflag:$0x1] =	stream.indirect.gather [hbm4b:s24+s23], $0x80, s1, s23, $0xb8;
	[tilespmem:$0x1F800] =	vst v63  }
0x9a: {  	_ =	swait.ge [sflag:s16], $0x4000  }
0x9b: {  	s6 =	smov.u32 s28;
	s28 =	rddreg [dreg:$0x18]  }
0x9c: {  	p0 =	sne.s32 s28, $0x1  }
.Ltmp0:
0x9d: {  	[sflag:s16] =	ssyncset.done $0x0;
	(pc) =	sbr.rel @!p0 .LBB2_3-.Ltmp0, $4  }
0x9e: {  	[sflag:s16] =	ssyncadd.s32 $0xFFFFC000  }
0x9f: {  	[spmem:s22] =	stream.indirect.scatter.add.f32 [tilespmem:s25], [sflag:$0x2], $0x80, s18, s23, $0xb8;
	[tilespmem:$0x1F800] =	vst v63  }
0xa0: {  	s13 =	smov.u32 s12;
	s11 =	smov.u32 s7;
	_ =	swait.ge [sflag:s21], $0x4000  }
0xa1: {  	s29 =	simm.s32 $0x0;
	s28 =	sadd.s32 $0xFFFFFFFF, s28;
	[sflag:s21] =	ssyncset.done $0x0  }
.LBB2_2:
0xa2: {  	[sflag:s21] =	ssyncadd.s32 $0xFFFFC000;
	s29 =	sadd.s32 $0x80, s29;
	s18 =	sadd.s32 $0x80, s18  }
0xa3: {  	[tilespmem:s25], [sflag:$0x1] =	stream.indirect.gather [hbm4b:s24+s23], $0x80, s29, s23, $0xb8;
	[tilespmem:$0x1F800] =	vst v63  }
0xa4: {  	p0 =	sne.s32 s28, $0x1;
	s28 =	sadd.s32 $0xFFFFFFFF, s28;
	_ =	swait.ge [sflag:s16], $0x4000  }
.Ltmp1:
0xa5: {  	[sflag:s16] =	ssyncset.done $0x0;
	(pc) =	sbr.rel @p0 .LBB2_2-.Ltmp1, $4  }
0xa6: {  	[sflag:s16] =	ssyncadd.s32 $0xFFFFC000  }
0xa7: {  	[spmem:s22] =	stream.indirect.scatter.add.f32 [tilespmem:s25], [sflag:$0x2], $0x80, s18, s23, $0xb8;
	[tilespmem:$0x1F800] =	vst v63  }
0xa8: {  	_ =	swait.ge [sflag:s21], $0x4000  }
0xa9: {  	[sflag:s21] =	ssyncset.done $0x0  }
.LBB2_3:
0xaa: {  	[sflag:s21] =	ssyncadd.s32 $0xFFFFC000  }
0xab: {  	[bflag:$0x0] =	sbarrier.arrive $0xFFFF  }
0xac: {  	[tilespmem:s19], [sflag:$0x2] =	stream.linear.gather [spmem:s30], $0x1000, $0x38;
	[tilespmem:$0x1F800] =	vst v63  }
0xad: {  	_ =	swait.ge [sflag:s21], $0x1000  }
0xae: {  	[sflag:s21] =	ssyncset.done $0x0  }
0xaf: {  	s18 =	rddreg [dreg:$0x3];
	[sflag:s21] =	ssyncadd.s32 $0xFFFFF000  }
0xb0: {  	[hbm4b:s18+s1] =	stream.linear.scatter [tilespmem:s19], [sflag:$0x2], $0x1000, $0x38;
	[tilespmem:$0x1F800] =	vst v63  }
0xb1: {  	_ =	swait.ge [sflag:s21], $0x1000  }
0xb2: {  	[sflag:s21] =	ssyncset.done $0x0  }
0xb3: {  	[sflag:s21] =	ssyncadd.s32 $0xFFFFF000  }
0xb4: {  	[tilespmem:s19], [sflag:$0x2] =	stream.linear.gather [spmem:s31], $0x1000, $0x38;
	[tilespmem:$0x1F800] =	vst v63  }
0xb5: {  	_ =	swait.ge [sflag:s21], $0x1000  }
0xb6: {  	[sflag:s21] =	ssyncset.done $0x0  }
0xb7: {  	s26 =	rddreg [dreg:$0x4];
	[sflag:s21] =	ssyncadd.s32 $0xFFFFF000  }
0xb8: {  	[hbm4b:s26+s1] =	stream.linear.scatter [tilespmem:s19], [sflag:$0x2], $0x1000, $0x38;
	[tilespmem:$0x1F800] =	vst v63  }
0xb9: {  	_ =	swait.ge [sflag:s21], $0x1000  }
0xba: {  	[sflag:s21] =	ssyncset.done $0x0  }
0xbb: {  	[sflag:s21] =	ssyncadd.s32 $0xFFFFF000  }
0xbc: {  	[tilespmem:s19], [sflag:$0x2] =	stream.linear.gather [spmem:s20], $0x1000, $0x38;
	[tilespmem:$0x1F800] =	vst v63  }
0xbd: {  	_ =	swait.ge [sflag:s21], $0x1000  }
0xbe: {  	[sflag:s21] =	ssyncset.done $0x0  }
0xbf: {  	s28 =	smov.u32 s31;
	s31 =	rddreg [dreg:$0x5];
	[sflag:s21] =	ssyncadd.s32 $0xFFFFF000  }
0xc0: {  	[hbm4b:s31+s1] =	stream.linear.scatter [tilespmem:s19], [sflag:$0x2], $0x1000, $0x38;
	[tilespmem:$0x1F800] =	vst v63  }
0xc1: {  	_ =	swait.ge [sflag:s21], $0x1000  }
0xc2: {  	[sflag:s21] =	ssyncset.done $0x0  }
0xc3: {  	[sflag:s21] =	ssyncadd.s32 $0xFFFFF000  }
0xc4: {  	[tilespmem:s19], [sflag:$0x2] =	stream.linear.gather [spmem:s0], $0x1000, $0x38;
	[tilespmem:$0x1F800] =	vst v63  }
0xc5: {  	_ =	swait.ge [sflag:s21], $0x1000  }
0xc6: {  	s29 =	smov.u32 s30;
	s30 =	smov.u32 s20;
	[sflag:s21] =	ssyncset.done $0x0  }
0xc7: {  	s20 =	smov.u32 s0;
	s0 =	rddreg [dreg:$0x6];
	[sflag:s21] =	ssyncadd.s32 $0xFFFFF000  }
0xc8: {  	[hbm4b:s0+s1] =	stream.linear.scatter [tilespmem:s19], [sflag:$0x2], $0x1000, $0x38;
	[tilespmem:$0x1F800] =	vst v63  }
0xc9: {  	_ =	swait.ge [sflag:s21], $0x1000  }
0xca: {  	[sflag:s21] =	ssyncset.done $0x0  }
0xcb: {  	[sflag:s21] =	ssyncadd.s32 $0xFFFFF000  }
0xcc: {  	[tilespmem:s19], [sflag:$0x2] =	stream.linear.gather [spmem:s2], $0x1000, $0x38;
	[tilespmem:$0x1F800] =	vst v63  }
0xcd: {  	_ =	swait.ge [sflag:s21], $0x1000  }
0xce: {  	[sflag:s21] =	ssyncset.done $0x0  }
0xcf: {  	s0 =	smov.u32 s2;
	s2 =	rddreg [dreg:$0x7];
	[sflag:s21] =	ssyncadd.s32 $0xFFFFF000  }
0xd0: {  	[hbm4b:s2+s1] =	stream.linear.scatter [tilespmem:s19], [sflag:$0x2], $0x1000, $0x38;
	[tilespmem:$0x1F800] =	vst v63  }
0xd1: {  	_ =	swait.ge [sflag:s21], $0x1000  }
0xd2: {  	[sflag:s21] =	ssyncset.done $0x0  }
0xd3: {  	[sflag:s21] =	ssyncadd.s32 $0xFFFFF000  }
0xd4: {  	[tilespmem:s19], [sflag:$0x2] =	stream.linear.gather [spmem:s3], $0x1000, $0x38;
	[tilespmem:$0x1F800] =	vst v63  }
0xd5: {  	_ =	swait.ge [sflag:s21], $0x1000  }
0xd6: {  	[sflag:s21] =	ssyncset.done $0x0  }
0xd7: {  	s2 =	smov.u32 s3;
	s3 =	rddreg [dreg:$0x8];
	[sflag:s21] =	ssyncadd.s32 $0xFFFFF000  }
0xd8: {  	[hbm4b:s3+s1] =	stream.linear.scatter [tilespmem:s19], [sflag:$0x2], $0x1000, $0x38;
	[tilespmem:$0x1F800] =	vst v63  }
0xd9: {  	_ =	swait.ge [sflag:s21], $0x1000  }
0xda: {  	[sflag:s21] =	ssyncset.done $0x0  }
0xdb: {  	[sflag:s21] =	ssyncadd.s32 $0xFFFFF000  }
0xdc: {  	[tilespmem:s19], [sflag:$0x2] =	stream.linear.gather [spmem:s4], $0x1000, $0x38;
	[tilespmem:$0x1F800] =	vst v63  }
0xdd: {  	_ =	swait.ge [sflag:s21], $0x1000  }
0xde: {  	[sflag:s21] =	ssyncset.done $0x0  }
0xdf: {  	s3 =	smov.u32 s4;
	s4 =	rddreg [dreg:$0x9];
	[sflag:s21] =	ssyncadd.s32 $0xFFFFF000  }
0xe0: {  	[hbm4b:s4+s1] =	stream.linear.scatter [tilespmem:s19], [sflag:$0x2], $0x1000, $0x38;
	[tilespmem:$0x1F800] =	vst v63  }
0xe1: {  	_ =	swait.ge [sflag:s21], $0x1000  }
0xe2: {  	[sflag:s21] =	ssyncset.done $0x0  }
0xe3: {  	[sflag:s21] =	ssyncadd.s32 $0xFFFFF000  }
0xe4: {  	[tilespmem:s19], [sflag:$0x2] =	stream.linear.gather [spmem:s6], $0x1000, $0x38;
	[tilespmem:$0x1F800] =	vst v63  }
0xe5: {  	_ =	swait.ge [sflag:s21], $0x1000  }
0xe6: {  	[sflag:s21] =	ssyncset.done $0x0  }
0xe7: {  	s4 =	smov.u32 s6;
	s6 =	rddreg [dreg:$0xa];
	[sflag:s21] =	ssyncadd.s32 $0xFFFFF000  }
0xe8: {  	[hbm4b:s6+s1] =	stream.linear.scatter [tilespmem:s19], [sflag:$0x2], $0x1000, $0x38;
	[tilespmem:$0x1F800] =	vst v63  }
0xe9: {  	_ =	swait.ge [sflag:s21], $0x1000  }
0xea: {  	[sflag:s21] =	ssyncset.done $0x0  }
0xeb: {  	[sflag:s21] =	ssyncadd.s32 $0xFFFFF000  }
0xec: {  	[tilespmem:s19], [sflag:$0x2] =	stream.linear.gather [spmem:s5], $0x1000, $0x38;
	[tilespmem:$0x1F800] =	vst v63  }
0xed: {  	_ =	swait.ge [sflag:s21], $0x1000  }
0xee: {  	[sflag:s21] =	ssyncset.done $0x0  }
0xef: {  	s7 =	rddreg [dreg:$0xb];
	[sflag:s21] =	ssyncadd.s32 $0xFFFFF000  }
0xf0: {  	[hbm4b:s7+s1] =	stream.linear.scatter [tilespmem:s19], [sflag:$0x2], $0x1000, $0x38;
	[tilespmem:$0x1F800] =	vst v63  }
0xf1: {  	_ =	swait.ge [sflag:s21], $0x1000  }
0xf2: {  	[sflag:s21] =	ssyncset.done $0x0  }
0xf3: {  	s6 =	rddreg [dreg:$0x1f];
	[sflag:s21] =	ssyncadd.s32 $0xFFFFF000  }
0xf4: {  	[tilespmem:s19], [sflag:$0x2] =	stream.linear.gather [spmem:s6], $0x1000, $0x38;
	[tilespmem:$0x1F800] =	vst v63  }
0xf5: {  	_ =	swait.ge [sflag:s21], $0x1000  }
0xf6: {  	[sflag:s21] =	ssyncset.done $0x0  }
0xf7: {  	s8 =	rddreg [dreg:$0xc];
	[sflag:s21] =	ssyncadd.s32 $0xFFFFF000  }
0xf8: {  	[hbm4b:s8+s1] =	stream.linear.scatter [tilespmem:s19], [sflag:$0x2], $0x1000, $0x38;
	[tilespmem:$0x1F800] =	vst v63  }
0xf9: {  	_ =	swait.ge [sflag:s21], $0x1000  }
0xfa: {  	[sflag:s21] =	ssyncset.done $0x0  }
0xfb: {  	[sflag:s21] =	ssyncadd.s32 $0xFFFFF000  }
0xfc: {  	[tilespmem:s19], [sflag:$0x2] =	stream.linear.gather [spmem:s11], $0x1000, $0x38;
	[tilespmem:$0x1F800] =	vst v63  }
0xfd: {  	_ =	swait.ge [sflag:s21], $0x1000  }
0xfe: {  	[sflag:s21] =	ssyncset.done $0x0  }
0xff: {  	s12 =	rddreg [dreg:$0xd];
	[sflag:s21] =	ssyncadd.s32 $0xFFFFF000  }
0x100: {  	[hbm4b:s12+s1] =	stream.linear.scatter [tilespmem:s19], [sflag:$0x2], $0x1000, $0x38;
	[tilespmem:$0x1F800] =	vst v63  }
0x101: {  	_ =	swait.ge [sflag:s21], $0x1000  }
0x102: {  	[sflag:s21] =	ssyncset.done $0x0  }
0x103: {  	[sflag:s21] =	ssyncadd.s32 $0xFFFFF000  }
0x104: {  	[tilespmem:s19], [sflag:$0x2] =	stream.linear.gather [spmem:s9], $0x1000, $0x38;
	[tilespmem:$0x1F800] =	vst v63  }
0x105: {  	_ =	swait.ge [sflag:s21], $0x1000  }
0x106: {  	[sflag:s21] =	ssyncset.done $0x0  }
0x107: {  	s14 =	rddreg [dreg:$0xe];
	[sflag:s21] =	ssyncadd.s32 $0xFFFFF000  }
0x108: {  	[hbm4b:s14+s1] =	stream.linear.scatter [tilespmem:s19], [sflag:$0x2], $0x1000, $0x38;
	[tilespmem:$0x1F800] =	vst v63  }
0x109: {  	_ =	swait.ge [sflag:s21], $0x1000  }
0x10a: {  	[sflag:s21] =	ssyncset.done $0x0  }
0x10b: {  	[sflag:s21] =	ssyncadd.s32 $0xFFFFF000  }
0x10c: {  	[tilespmem:s19], [sflag:$0x2] =	stream.linear.gather [spmem:s10], $0x1000, $0x38;
	[tilespmem:$0x1F800] =	vst v63  }
0x10d: {  	_ =	swait.ge [sflag:s21], $0x1000  }
0x10e: {  	[sflag:s21] =	ssyncset.done $0x0  }
0x10f: {  	s15 =	rddreg [dreg:$0xf];
	[sflag:s21] =	ssyncadd.s32 $0xFFFFF000  }
0x110: {  	[hbm4b:s15+s1] =	stream.linear.scatter [tilespmem:s19], [sflag:$0x2], $0x1000, $0x38;
	[tilespmem:$0x1F800] =	vst v63  }
0x111: {  	_ =	swait.ge [sflag:s21], $0x1000  }
0x112: {  	[sflag:s21] =	ssyncset.done $0x0  }
0x113: {  	s7 =	smov.u32 s11;
	s11 =	rddreg [dreg:$0x1d];
	[sflag:s21] =	ssyncadd.s32 $0xFFFFF000  }
0x114: {  	[tilespmem:s19], [sflag:$0x2] =	stream.linear.gather [spmem:s11], $0x1000, $0x38;
	[tilespmem:$0x1F800] =	vst v63  }
0x115: {  	_ =	swait.ge [sflag:s21], $0x1000  }
0x116: {  	[sflag:s21] =	ssyncset.done $0x0  }
0x117: {  	s26 =	rddreg [dreg:$0x10];
	[sflag:s21] =	ssyncadd.s32 $0xFFFFF000  }
0x118: {  	[hbm4b:s26+s1] =	stream.linear.scatter [tilespmem:s19], [sflag:$0x2], $0x1000, $0x38;
	[tilespmem:$0x1F800] =	vst v63  }
0x119: {  	_ =	swait.ge [sflag:s21], $0x1000  }
0x11a: {  	[sflag:s21] =	ssyncset.done $0x0  }
0x11b: {  	[sflag:s21] =	ssyncadd.s32 $0xFFFFF000  }
0x11c: {  	[tilespmem:s19], [sflag:$0x2] =	stream.linear.gather [spmem:s13], $0x1000, $0x38;
	[tilespmem:$0x1F800] =	vst v63  }
0x11d: {  	_ =	swait.ge [sflag:s21], $0x1000  }
0x11e: {  	[sflag:s21] =	ssyncset.done $0x0  }
0x11f: {  	s31 =	rddreg [dreg:$0x11];
	[sflag:s21] =	ssyncadd.s32 $0xFFFFF000  }
0x120: {  	[hbm4b:s31+s1] =	stream.linear.scatter [tilespmem:s19], [sflag:$0x2], $0x1000, $0x38;
	[tilespmem:$0x1F800] =	vst v63  }
0x121: {  	_ =	swait.ge [sflag:s21], $0x1000  }
0x122: {  	[sflag:s21] =	ssyncset.done $0x0  }
0x123: {  	s14 =	rddreg [dreg:$0x1a];
	[sflag:s21] =	ssyncadd.s32 $0xFFFFF000  }
0x124: {  	[tilespmem:s19], [sflag:$0x2] =	stream.linear.gather [spmem:s14], $0x1000, $0x38;
	[tilespmem:$0x1F800] =	vst v63  }
0x125: {  	_ =	swait.ge [sflag:s21], $0x1000  }
0x126: {  	[sflag:s21] =	ssyncset.done $0x0  }
0x127: {  	s8 =	rddreg [dreg:$0x12];
	[sflag:s21] =	ssyncadd.s32 $0xFFFFF000  }
0x128: {  	[hbm4b:s8+s1] =	stream.linear.scatter [tilespmem:s19], [sflag:$0x2], $0x1000, $0x38;
	[tilespmem:$0x1F800] =	vst v63  }
0x129: {  	_ =	swait.ge [sflag:s21], $0x1000  }
0x12a: {  	[sflag:s21] =	ssyncset.done $0x0  }
0x12b: {  	s8 =	rddreg [dreg:$0x19];
	[sflag:s21] =	ssyncadd.s32 $0xFFFFF000  }
0x12c: {  	[tilespmem:s19], [sflag:$0x2] =	stream.linear.gather [spmem:s8], $0x1000, $0x38;
	[tilespmem:$0x1F800] =	vst v63  }
0x12d: {  	_ =	swait.ge [sflag:s21], $0x1000  }
0x12e: {  	[sflag:s21] =	ssyncset.done $0x0  }
0x12f: {  	s12 =	smov.u32 s13;
	s13 =	rddreg [dreg:$0x13];
	[sflag:s21] =	ssyncadd.s32 $0xFFFFF000  }
0x130: {  	[hbm4b:s13+s1] =	stream.linear.scatter [tilespmem:s19], [sflag:$0x2], $0x1000, $0x38;
	[tilespmem:$0x1F800] =	vst v63  }
0x131: {  	_ =	swait.ge [sflag:s21], $0x1000  }
0x132: {  	[sflag:s21] =	ssyncset.done $0x0  }
0x133: {  	s13 =	rddreg [dreg:$0x1b];
	[sflag:s21] =	ssyncadd.s32 $0xFFFFF000  }
0x134: {  	[tilespmem:s19], [sflag:$0x2] =	stream.linear.gather [spmem:s13], $0x1000, $0x38;
	[tilespmem:$0x1F800] =	vst v63  }
0x135: {  	_ =	swait.ge [sflag:s21], $0x1000  }
0x136: {  	[sflag:s21] =	ssyncset.done $0x0  }
0x137: {  	s15 =	rddreg [dreg:$0x14];
	[sflag:s21] =	ssyncadd.s32 $0xFFFFF000  }
0x138: {  	[hbm4b:s15+s1] =	stream.linear.scatter [tilespmem:s19], [sflag:$0x2], $0x1000, $0x38;
	[tilespmem:$0x1F800] =	vst v63  }
0x139: {  	_ =	swait.ge [sflag:s21], $0x1000  }
0x13a: {  	[sflag:s21] =	ssyncset.done $0x0  }
0x13b: {  	s15 =	rddreg [dreg:$0x1c];
	[sflag:s21] =	ssyncadd.s32 $0xFFFFF000  }
0x13c: {  	[tilespmem:s19], [sflag:$0x2] =	stream.linear.gather [spmem:s15], $0x1000, $0x38;
	[tilespmem:$0x1F800] =	vst v63  }
0x13d: {  	_ =	swait.ge [sflag:s21], $0x1000  }
0x13e: {  	[sflag:s21] =	ssyncset.done $0x0  }
0x13f: {  	s26 =	rddreg [dreg:$0x15];
	[sflag:s21] =	ssyncadd.s32 $0xFFFFF000  }
0x140: {  	[hbm4b:s26+s1] =	stream.linear.scatter [tilespmem:s19], [sflag:$0x2], $0x1000, $0x38;
	[tilespmem:$0x1F800] =	vst v63  }
0x141: {  	_ =	swait.ge [sflag:s21], $0x1000  }
0x142: {  	[sflag:s21] =	ssyncset.done $0x0  }
0x143: {  	s26 =	rddreg [dreg:$0x1e];
	[sflag:s21] =	ssyncadd.s32 $0xFFFFF000  }
0x144: {  	[tilespmem:s19], [sflag:$0x2] =	stream.linear.gather [spmem:s26], $0x1000, $0x38;
	[tilespmem:$0x1F800] =	vst v63  }
0x145: {  	_ =	swait.ge [sflag:s21], $0x1000  }
0x146: {  	[sflag:s21] =	ssyncset.done $0x0  }
0x147: {  	s31 =	rddreg [dreg:$0x16];
	[sflag:s21] =	ssyncadd.s32 $0xFFFFF000  }
0x148: {  	[hbm4b:s31+s1] =	stream.linear.scatter [tilespmem:s19], [sflag:$0x2], $0x1000, $0x38;
	[tilespmem:$0x1F800] =	vst v63  }
0x149: {  	_ =	swait.ge [sflag:s21], $0x1000  }
0x14a: {  	s31 =	sld [smem:$0x7FD];
	_ =	sdelay $0x1  }
0x14b: {  	s17 =	sadd.s32 $0x1, s17  }
0x14c: {  	p0 =	sne.s32 s17, s31  }
.Ltmp2:
0x14d: {  	_ = 	snop;
	(pc) =	sbr.rel @p0 .LBB2_1-.Ltmp2, $3  }
0x14e: {  	_ =	sdelay $0x1  }
0x14f: {  	[sflag:s21] =	ssyncset.done $0x0  }
0x150: {  	[sflag:s21] =	ssyncadd.s32 $0xFFFFF000  }
0x151: {  	_ =	sfence.sel $0x180000  }
0x152: {  	[bflag:$0x0] =	sbarrier.arrive $0xFFFF  }
0x153: {  	_ =	strace $0x9000004A  }
0x154: {  	s0 =	stileid.u32;
	[bflag:$0x2] =	sbarrier.arrive $0xFFFF  }
0x155: {  	p0 =	sne.s32 s0, $0x0;
	s0 =	rddreg [dreg:$0x2]  }
0x156: {  	s0 =	sadd.s32 @!p0 $0x100000, s0  }
0x157: {  	[sflag:s0] =	ssyncadd.tile.s32 @!p0 $0x1;
	_ =	shalt  }
.Lfunc_end2:
_tile_overlayer_lowered:
.L_overlay_start_2:
0x158: {  	(tag) =	ssettag $0x2  }
0x159: {  	s0 =	rddreg [dreg:$0x0];
	s2 =	stileid.u32  }
0x15a: {  	s1 =	rddreg [dreg:$0x1];
	p0 =	sne.s32 s2, $0x0  }
0x15b: {  	s3 =	rddreg [dreg:$0x2];
	[bflag:$0x3] =	sbarrier.arrive $0xFFFF;
	s2 =	simm.s32 @!p0 $0x1C02  }
0x15c: {  	[timem:s3], [sflag:s2] =	dma.local @!p0 [hbm:s0], s1  }
0x15d: {  	s0 =	simm.s32 @!p0 $0x2  }
0x15e: {  	_ =	swait.ge @!p0 [sflag:s0], s1  }
0x15f: {  	s1 =	ssub.s32 @!p0 $0x0, s1;
	[sflag:s0] =	ssyncset.done @!p0 $0x0  }
0x160: {  	[sflag:s0] =	ssyncadd.s32 @!p0 s1  }
0x161: {  	[bflag:$0x3] =	sbarrier.arrive $0xFFFF  }
0x162: {  	_ =	shalt  }

// kernel: kernel.16.cloned.1.call-start
scs
__scs_entry_jumppad:
0x0: {  	(pc) =	sbr.rel $0x88, $3  }
0x1: {  	(tag) =	ssettag $0x0;
	lr =	simm.s32 $0x1  }
0x2: {  	[smem:$0x3F96] =	sst lr;
	_ =	strace $0xD0000000  }
0x3: {  	_ = 	snop  }
0x4: {  	_ = 	snop  }
0x5: {  	_ = 	snop  }
0x6: {  	_ = 	snop  }
0x7: {  	_ = 	snop  }
__scs_overlays_trampoline_lowered:
0x8: {  	[smem:$0x3FA5] =	sst s0  }
0x9: {  	[smem:$0x3FA6] =	sst s1  }
0xa: {  	[smem:$0x3FA7] =	sst s2  }
0xb: {  	[smem:$0x3FA8] =	sst s3  }
0xc: {  	[smem:$0x3FA9] =	sst s4  }
0xd: {  	[smem:$0x3FAA] =	sst s5  }
0xe: {  	[smem:$0x3FAB] =	sst s6  }
0xf: {  	[smem:$0x3FAC] =	sst s7  }
0x10: {  	[smem:$0x3FAD] =	sst s8  }
0x11: {  	[smem:$0x3FAE] =	sst s9;
	s0 =	simm.s32 @!p0 $0x0  }
0x12: {  	s1 =	sld [smem:$0x3F94];
	s0 =	simm.s32 @p0 $0x1  }
0x13: {  	[smem:$0x3FAF] =	sst s0;
	s0 =	simm.s32 @!p1 $0x0  }
0x14: {  	s2 =	sld [smem:$0x3F93];
	s0 =	simm.s32 @p1 $0x1  }
0x15: {  	[smem:$0x3FB0] =	sst s0;
	s0 =	simm.s32 @!p2 $0x0  }
0x16: {  	s3 =	sld [smem:$0x3FDB];
	s0 =	simm.s32 @p2 $0x1  }
0x17: {  	s4 =	simm.s32 $0x1BF5;
	[smem:$0x3FB2] =	sst s0  }
0x18: {  	s0 =	sld [smem:$0x3F95];
	_ =	swait.ge [sflag:s4], $0x0  }
0x19: {  	s7 =	sld [smem:$0x3F96]  }
0x1a: {  	s8 =	sadd.s32 $0xFFFFE003, lr  }
0x1b: {  	s9 =	sadd.s32 $0xFFFFFEF7, lr;
	s5 =	simm.s32 $0xFFFFFFFF;
	p2 =	slt.u32 s8, $0xFFFFF086  }
0x1c: {  	p1 =	slt.u32 s9, $0xF7A;
	s5 =	simm.s32 @!p2 $0x0  }
0x1d: {  	s5 =	simm.s32 @p1 $0x1;
	p0 =	seq.s32 s7, s2  }
0x1e: {  	s7 =	smul.u32 @!p0 $0xF7A, s2;
	p2 =	seq.s32 @!p0 s5, $0x0  }
0x1f: {  	s9 =	smul.u32 $0xF7A, s1;
	s8 =	simm.s32 @!p0 $0x1BF5;
	p2 =	por !p2, p0  }
0x20: {  	[sflag:s8] =	ssyncset.s32 @!p0 $0xFFFFF086;
	s6 =	sadd.s32 @!p0 s3, s7;
	s7 =	simm.s32 @!p0 $0x108  }
0x21: {  	s3 =	sadd.s32 s3, s9;
	s6 =	sadd.s32 @!p0 $0x88, s6;
	s7 =	simm.s32 @p2 $0x1082  }
0x22: {  	[simem:s7], [sflag:s8] =	dma.local @!p0 [hbm:s6], $0xF7A  }
0x23: {  	s9 =	sor.u32 $0xD0000000, s2;
	s6 =	simm.s32 $0x108;
	_ =	swait.ge @!p0 [sflag:s8], $0x0  }
0x24: {  	s3 =	sadd.s32 $0x88, s3;
	s6 =	simm.s32 @!p1 $0x1082;
	[sflag:s4] =	ssyncset.s32 $0xFFFFF086  }
0x25: {  	[simem:s6], [sflag:s4] =	dma.local [hbm:s3], $0xF7A  }
0x26: {  	[smem:$0x3F96] =	sst s1;
	(tag) =	ssettag s2;
	_ =	strace s9  }
0x27: {  	s1 =	sld [smem:$0x3FA6]  }
0x28: {  	s2 =	sld [smem:$0x3FA7]  }
0x29: {  	s4 =	sld [smem:$0x3FA9]  }
0x2a: {  	p0 =	seq.s32 s5, $0x0;
	s5 =	sld [smem:$0x3FAA]  }
0x2b: {  	s6 =	sld [smem:$0x3FAB]  }
0x2c: {  	s7 =	sld [smem:$0x3FAC]  }
0x2d: {  	s3 =	simm.s32 $0x108;
	s8 =	sld [smem:$0x3FAD]  }
0x2e: {  	s3 =	simm.s32 @!p0 $0x1082;
	s9 =	sld [smem:$0x3FAE]  }
0x2f: {  	lr =	sadd.s32 s0, s3;
	s0 =	sld [smem:$0x3FA5]  }
0x30: {  	s3 =	sld [smem:$0x3FA8]  }
0x31: {  	[smem:$0x3FB1] =	sst s10  }
0x32: {  	s10 =	sld [smem:$0x3FAF];
	_ =	sdelay $0x3  }
0x33: {  	p0 =	seq.s32 s10, $0x1;
	s10 =	sld [smem:$0x3FB1];
	_ =	sdelay $0x3  }
0x34: {  	[smem:$0x3FB1] =	sst s10  }
0x35: {  	s10 =	sld [smem:$0x3FB0];
	_ =	sdelay $0x3  }
0x36: {  	p1 =	seq.s32 s10, $0x1;
	s10 =	sld [smem:$0x3FB1];
	_ =	sdelay $0x3  }
0x37: {  	[smem:$0x3FB1] =	sst s10  }
0x38: {  	s10 =	sld [smem:$0x3FB2]  }
0x39: {  	_ = 	snop;
	(pc) =	sbr.ind lr, $3  }
0x3a: {  	_ = 	snop  }
0x3b: {  	_ = 	snop  }
0x3c: {  	p2 =	seq.s32 s10, $0x1;
	s10 =	sld [smem:$0x3FB1]  }
0x3d: {  	_ =	shalt  }
0x3e: {  	_ =	shalt  }
0x3f: {  	_ =	shalt  }
0x40: {  	_ =	shalt  }
0x41: {  	_ =	shalt  }
0x42: {  	_ =	shalt  }
0x43: {  	_ =	shalt  }
0x44: {  	_ =	shalt  }
0x45: {  	_ =	shalt  }
0x46: {  	_ =	shalt  }
0x47: {  	_ =	shalt  }
0x48: {  	_ =	shalt  }
0x49: {  	_ =	shalt  }
0x4a: {  	_ =	shalt  }
0x4b: {  	_ =	shalt  }
0x4c: {  	_ =	shalt  }
0x4d: {  	_ =	shalt  }
0x4e: {  	_ =	shalt  }
0x4f: {  	_ =	shalt  }
0x50: {  	_ =	shalt  }
0x51: {  	_ =	shalt  }
0x52: {  	_ =	shalt  }
0x53: {  	_ =	shalt  }
0x54: {  	_ =	shalt  }
0x55: {  	_ =	shalt  }
0x56: {  	_ =	shalt  }
0x57: {  	_ =	shalt  }
0x58: {  	_ =	shalt  }
0x59: {  	_ =	shalt  }
0x5a: {  	_ =	shalt  }
0x5b: {  	_ =	shalt  }
0x5c: {  	_ =	shalt  }
0x5d: {  	_ =	shalt  }
0x5e: {  	_ =	shalt  }
0x5f: {  	_ =	shalt  }
0x60: {  	_ =	shalt  }
0x61: {  	_ =	shalt  }
0x62: {  	_ =	shalt  }
0x63: {  	_ =	shalt  }
0x64: {  	_ =	shalt  }
0x65: {  	_ =	shalt  }
0x66: {  	_ =	shalt  }
0x67: {  	_ =	shalt  }
0x68: {  	_ =	shalt  }
0x69: {  	_ =	shalt  }
0x6a: {  	_ =	shalt  }
0x6b: {  	_ =	shalt  }
0x6c: {  	_ =	shalt  }
0x6d: {  	_ =	shalt  }
0x6e: {  	_ =	shalt  }
0x6f: {  	_ =	shalt  }
0x70: {  	_ =	shalt  }
0x71: {  	_ =	shalt  }
0x72: {  	_ =	shalt  }
0x73: {  	_ =	shalt  }
0x74: {  	_ =	shalt  }
0x75: {  	_ =	shalt  }
0x76: {  	_ =	shalt  }
0x77: {  	_ =	shalt  }
0x78: {  	_ =	shalt  }
0x79: {  	_ =	shalt  }
0x7a: {  	_ =	shalt  }
0x7b: {  	_ =	shalt  }
0x7c: {  	_ =	shalt  }
0x7d: {  	_ =	shalt  }
0x7e: {  	_ =	shalt  }
0x7f: {  	_ =	shalt  }
0x80: {  	_ =	shalt  }
0x81: {  	_ =	shalt  }
0x82: {  	_ =	shalt  }
0x83: {  	_ =	shalt  }
0x84: {  	_ =	shalt  }
0x85: {  	_ =	shalt  }
0x86: {  	_ =	shalt  }
0x87: {  	_ =	shalt  }
.Lfunc_end0:
.L_simem_size_0:
called_computation.2_lowered:
.L_overlay_start_0:
0x88: {  	s2 =	sld [smem:$0x3FD9]  }
0x89: {  	s3 =	sld [smem:$0x3FFE];
	_ =	sdelay $0x1  }
0x8a: {  	s1 =	srdreg.scid  }
0x8b: {  	s0 =	sand.u32 $0x1, s1  }
0x8c: {  	s16 =	sshll.u32 s0, $0xA;
	s2 =	sadd.s32 s3, s2  }
0x8d: {  	s2 =	sadd.s32 s2, s16  }
0x8e: {  	[smem:$0x3FBD] =	sst s2  }
0x8f: {  	_ = 	snop  }
0x90: {  	(tm) =	ssettm $0x1  }
0x91: {  	s17 =	sld [smem:$0x3FFB];
	_ =	sdelay $0x3  }
0x92: {  	_ =	strace s17  }
0x93: {  	s2 =	sld [smem:$0x3FFC];
	_ =	sdelay $0x3  }
0x94: {  	_ =	strace s2  }
0x95: {  	s2 =	sld [smem:$0x3FFD];
	_ =	sdelay $0x3  }
0x96: {  	_ =	strace s2  }
0x97: {  	_ =	strace $0x8FFFFFFF  }
0x98: {  	s18 =	sld [smem:$0x3FDB];
	_ =	sdelay $0x1  }
0x99: {  	s19 =	simm.s32 $_scs_section_size  }
0x9a: {  	s4 =	simm.s32 $_size__tile_overlayer_lowered;
	s5 =	simm.s32 $_tile_overlayer_lowered  }
0x9b: {  	s22 =	simm.s32 $0x1BFF;
	s21 =	sshll.u32 s5, $0x1;
	s2 =	sadd.s32 s19, s18  }
0x9c: {  	s6 =	simm.s32 $0x0;
	s20 =	sshll.u32 s4, $0x1;
	s4 =	sadd.s32 s21, s2  }
0x9d: {  	[timem:s6], [sflag:s22] =	dma.local [hbm:s4], s20  }
0x9e: {  	_ =	swait.ge [sflag:s22], s20  }
0x9f: {  	s3 =	ssub.s32 $0x0, s20;
	[sflag:s22] =	ssyncset.done $0x0  }
0xa0: {  	[sflag:s22] =	ssyncadd.s32 s3;
	_ =	sdelay $0x1  }
0xa1: {  	s23 =	simm.s32 $0x1B8B  }
0xa2: {  	_ =	swait.ge [sflag:s23], $0x1  }
0xa3: {  	[sflag:s23] =	ssyncset.done $0x0  }
0xa4: {  	s25 =	simm.s32 $0x1B8E;
	s24 =	sld [smem:$0x3FFE];
	[sflag:s23] =	ssyncadd.s32 $0xFFFFFFFF  }
0xa5: {  	s26 =	simm.s32 $execute0_lowered;
	[smem:$0x3FD2] =	sst s25  }
0xa6: {  	s4 =	sshll.u32 s26, $0x1;
	_ =	strace $0x8000004C;
	[dreg:$0x1] =	wrdreg $0xFFFFFFFF  }
0xa7: {  	s28 =	simm.s32 $_size_execute0_lowered;
	s2 =	sadd.s32 s2, s4;
	[dreg:$0x0] =	wrdreg $0x0  }
0xa8: {  	s4 =	sshll.u32 s28, $0x1;
	[dreg:$0x2] =	wrdreg s2  }
0xa9: {  	[dreg:$0x3] =	wrdreg s4  }
0xaa: {  	[dreg:$0x4] =	wrdreg $0xC0  }
0xab: {  	_ =	task [dreg:s6], $0x5FFFF  }
0xac: {  	[dreg:$0x1] =	wrdreg $0xFFFFFFFF  }
0xad: {  	[dreg:$0x0] =	wrdreg $0x60  }
0xae: {  	[dreg:$0x2] =	wrdreg s24  }
0xaf: {  	[dreg:$0x3] =	wrdreg $0xB8000  }
0xb0: {  	[dreg:$0x4] =	wrdreg $0x9  }
0xb1: {  	_ =	task.clear_ibuf [dreg:s6], $0x5FFFF;
	_ =	strace $0x9000004C  }
0xb2: {  	s29 =	simm.s32 $0x9;
	_ =	strace $0x8000004E  }
0xb3: {  	_ =	swait.ge [sflag:s29], $0x1  }
0xb4: {  	[sflag:s29] =	ssyncadd.s32 $0xFFFFFFFF  }
0xb5: {  	_ =	strace $0x9000004E  }
0xb6: {  	_ =	sfence  }
0xb7: {  	s30 =	sld [smem:$0x0];
	_ =	sdelay $0x2  }
0xb8: {  	s31 =	sshll.u32 s1, $0xD;
	s1 =	sshrl.u32 s1, $0x2  }
0xb9: {  	s3 =	sand.u32 $0x4000, s31;
	s1 =	sadd.s32 s1, s30  }
0xba: {  	s0 =	sor.u32 s3, s0;
	s1 =	sshll.u32 s1, $0x11  }
0xbb: {  	s0 =	sor.u32 s1, s0  }
0xbc: {  	s0 =	sadd.s32 $0x8F2B, s0  }
0xbd: {  	[sflag:s0] =	ssyncadd.remote.s32 $0x1  }
0xbe: {  	_ =	sfence.sel $0xFFFF  }
0xbf: {  	[dreg:$0x0] =	wrdreg $0xFFFFFFFF;
	(pc) =	sbr.abs _section_cstart, $3  }
0xc0: {  	[dreg:$0x1] =	wrdreg $0xFFFFFFFF  }
0xc1: {  	_ =	task.clear_ibuf [dreg:s6], $0x2FFFF;
	_ =	strace $0x9FFFFFFF  }
0xc2: {  	(tm) =	ssettm $0x7FFFFFFF  }
0xc3: {  	_ =	shalt  }
tec
execute0_lowered:
.L_overlay_start_1:
0x0: {  	(tag) =	ssettag $0x1  }
0x1: {  	s2 =	srdreg.scid  }
0x2: {  	s0 =	rddreg [dreg:$0x0];
	s28 =	stileid.u32;
	s17 =	sand.u32 $0x1, s2  }
0x3: {  	s1 =	simm.s32 $0x0;
	s24 =	smul.u32 $0x14000, s28;
	s2 =	sshll.u32 s17, $0x4  }
0x4: {  	s3 =	ssub.s32 $0x2, s17;
	p0 =	seq.s32 s17, $0x0;
	s22 =	smul.u32 $0x140000, s17  }
0x5: {  	s2 =	sor.u32 s28, s2;
	s4 =	sshrl.u32 s3, $0x1;
	s5 =	sadd.s32 $0x4000, s24  }
0x6: {  	s6 =	sadd.s32 $0x5000, s24;
	s7 =	sadd.s32 $0x6000, s24;
	s8 =	sadd.s32 $0x7000, s24  }
0x7: {  	s9 =	sadd.s32 $0x8000, s24;
	s10 =	sadd.s32 $0x9000, s24;
	s11 =	sadd.s32 $0xA000, s24  }
0x8: {  	s12 =	sadd.s32 $0xB000, s24;
	s13 =	sadd.s32 $0xC000, s24;
	s14 =	sadd.s32 $0xD000, s24  }
0x9: {  	s15 =	sadd.s32 $0xE000, s24;
	s17 =	sadd.s32 $0xF000, s24;
	s18 =	sadd.s32 $0x10000, s24  }
0xa: {  	s19 =	sadd.s32 $0x11000, s24;
	s21 =	sadd.s32 $0x12000, s24;
	s23 =	sadd.s32 $0x13000, s24  }
0xb: {  	s20 =	smul.u32 $0x680, s2;
	s16 =	ssub.s32 s3, s4;
	s2 =	sor.u32 $0x1000, s24  }
0xc: {  	s3 =	sor.u32 $0x2000, s24;
	s4 =	sor.u32 $0x3000, s24;
	s24 =	sadd.s32 s24, s22  }
0xd: {  	[smem:$0x7FF] =	sst s1;
	s25 =	sadd.s32 $0x58E00, s0;
	s24 =	sshrl.u32 s24, $0x3  }
0xe: {  	s26 =	sadd.s32 s22, s2;
	s31 =	sadd.s32 s22, s3;
	s24 =	sadd.s32 s25, s24  }
0xf: {  	s16 =	smax.u32 s16, $0x1;
	s26 =	sshrl.u32 s26, $0x3;
	[dreg:$0x3] =	wrdreg s24  }
0x10: {  	s24 =	sadd.s32 s25, s26;
	s26 =	sshrl.u32 s31, $0x3;
	s31 =	sadd.s32 s22, s4  }
0x11: {  	[dreg:$0x4] =	wrdreg s24;
	s24 =	sadd.s32 s25, s26;
	s26 =	sshrl.u32 s31, $0x3  }
0x12: {  	s31 =	sadd.s32 s22, s5;
	[dreg:$0x5] =	wrdreg s24;
	s24 =	sadd.s32 s25, s26  }
0x13: {  	s26 =	sshrl.u32 s31, $0x3;
	s31 =	sadd.s32 s22, s6;
	[dreg:$0x6] =	wrdreg s24  }
0x14: {  	s24 =	sadd.s32 s25, s26;
	s26 =	sshrl.u32 s31, $0x3;
	s31 =	sadd.s32 s22, s7  }
0x15: {  	[dreg:$0x7] =	wrdreg s24;
	s24 =	sadd.s32 s25, s26;
	s26 =	sshrl.u32 s31, $0x3  }
0x16: {  	s31 =	sadd.s32 s22, s8;
	[dreg:$0x8] =	wrdreg s24;
	s24 =	sadd.s32 s25, s26  }
0x17: {  	s26 =	sshrl.u32 s31, $0x3;
	s31 =	sadd.s32 s22, s9;
	[dreg:$0x9] =	wrdreg s24  }
0x18: {  	s24 =	sadd.s32 s25, s26;
	s26 =	sshrl.u32 s31, $0x3;
	s31 =	sadd.s32 s22, s10  }
0x19: {  	[dreg:$0xa] =	wrdreg s24;
	s24 =	sadd.s32 s25, s26;
	s26 =	sshrl.u32 s31, $0x3  }
0x1a: {  	s31 =	sadd.s32 s22, s11;
	[dreg:$0xb] =	wrdreg s24;
	s24 =	sadd.s32 s25, s26  }
0x1b: {  	s26 =	sshrl.u32 s31, $0x3;
	s31 =	sadd.s32 s22, s12;
	[dreg:$0xc] =	wrdreg s24  }
0x1c: {  	s24 =	sadd.s32 s25, s26;
	s26 =	sshrl.u32 s31, $0x3;
	s31 =	sadd.s32 s22, s13  }
0x1d: {  	[dreg:$0xd] =	wrdreg s24;
	s24 =	sadd.s32 s25, s26;
	s26 =	sshrl.u32 s31, $0x3  }
0x1e: {  	s31 =	sadd.s32 s22, s14;
	[dreg:$0xe] =	wrdreg s24;
	s24 =	sadd.s32 s25, s26  }
0x1f: {  	s26 =	sshrl.u32 s31, $0x3;
	s31 =	sadd.s32 s22, s15;
	[dreg:$0xf] =	wrdreg s24  }
0x20: {  	s24 =	sadd.s32 s25, s26;
	s26 =	sshrl.u32 s31, $0x3;
	s31 =	sadd.s32 s22, s17  }
0x21: {  	[dreg:$0x10] =	wrdreg s24;
	s24 =	sadd.s32 s25, s26;
	s26 =	sshrl.u32 s31, $0x3  }
0x22: {  	s31 =	sadd.s32 s22, s18;
	[dreg:$0x11] =	wrdreg s24;
	s24 =	sadd.s32 s25, s26  }
0x23: {  	s26 =	sshrl.u32 s31, $0x3;
	s31 =	sadd.s32 s22, s19;
	[dreg:$0x12] =	wrdreg s24  }
0x24: {  	s24 =	sadd.s32 s25, s26;
	s26 =	sshrl.u32 s31, $0x3;
	s31 =	sadd.s32 s22, s21  }
0x25: {  	s22 =	sadd.s32 s22, s23;
	[dreg:$0x13] =	wrdreg s24;
	s24 =	sadd.s32 s25, s26  }
0x26: {  	s26 =	sshrl.u32 s31, $0x3;
	s31 =	sshrl.u32 s22, $0x3;
	s22 =	rddreg [dreg:$0x1]  }
0x27: {  	[dreg:$0x14] =	wrdreg s24;
	s24 =	sadd.s32 s25, s26;
	s26 =	smul.u32 $0x50000, s28  }
0x28: {  	s28 =	sadd.s32 s20, s0;
	s20 =	simm.s32 $0x66;
	s30 =	sadd.s32 s3, s22  }
0x29: {  	s3 =	sadd.s32 s7, s22;
	s7 =	sadd.s32 s11, s22;
	s11 =	sadd.s32 s14, s22  }
0x2a: {  	s14 =	sadd.s32 s17, s22;
	s17 =	simm.s32 $0x0;
	[dreg:$0x15] =	wrdreg s24  }
0x2b: {  	s24 =	sadd.s32 s25, s31;
	s20 =	simm.s32 @!p0 $0x38;
	s25 =	sadd.s32 s2, s22  }
0x2c: {  	[dreg:$0x16] =	wrdreg s24;
	s24 =	sadd.s32 $0x30E00, s0;
	s0 =	sadd.s32 $0x15E00, s0  }
0x2d: {  	s31 =	sshrl.u32 s26, $0x2;
	_ =	strace $0x8000004D;
	[dreg:$0x17] =	wrdreg s0  }
0x2e: {  	s26 =	sadd.s32 s23, s22;
	s23 =	sadd.s32 $0x23E00, s28;
	[dreg:$0x18] =	wrdreg s20  }
0x2f: {  	s2 =	sadd.s32 s6, s22;
	s6 =	sadd.s32 s10, s22;
	[smem:$0x7FB] =	sst s23  }
0x30: {  	s10 =	sadd.s32 s13, s22;
	s13 =	sadd.s32 s19, s22;
	[smem:$0x7FD] =	sst s16  }
0x31: {  	s19 =	simm.s32 $0xA800;
	s29 =	sadd.s32 s31, s22;
	[dreg:$0x1a] =	wrdreg s14  }
0x32: {  	s20 =	sadd.s32 s4, s22;
	s0 =	sadd.s32 s5, s22;
	[dreg:$0x1b] =	wrdreg s13  }
0x33: {  	s4 =	sadd.s32 s8, s22;
	s5 =	sadd.s32 s9, s22;
	[dreg:$0x1d] =	wrdreg s11  }
0x34: {  	s9 =	sadd.s32 s12, s22;
	s12 =	sadd.s32 s15, s22;
	[dreg:$0x1e] =	wrdreg s26  }
0x35: {  	s8 =	sadd.s32 s18, s22;
	s31 =	sadd.s32 $0x16E00, s28;
	[dreg:$0x1f] =	wrdreg s6  }
0x36: {  	s15 =	sadd.s32 s21, s22;
	s28 =	smov.u32 s25;
	[smem:$0x7FC] =	sst s31  }
0x37: {  	s21 =	simm.s32 $0x2;
	s23 =	simm.s32 $0x80;
	[dreg:$0x19] =	wrdreg s8  }
0x38: {  	s25 =	simm.s32 $0x6800;
	s16 =	simm.s32 $0x1;
	[dreg:$0x1c] =	wrdreg s15  }
.LBB2_1:
0x39: {  	s18 =	rddreg [dreg:$0x17]  }
0x3a: {  	[tilespmem:s19], [sflag:$0x2] =	stream.linear.gather [hbm4b:s18+s1], $0x1000, $0x38;
	[tilespmem:$0x1F800] =	vst v63  }
0x3b: {  	_ =	swait.ge [sflag:s21], $0x1000  }
0x3c: {  	[sflag:s21] =	ssyncset.done $0x0  }
0x3d: {  	[sflag:s21] =	ssyncadd.s32 $0xFFFFF000  }
0x3e: {  	[spmem:s29] =	stream.linear.scatter [tilespmem:s19], [sflag:$0x2], $0x1000, $0x38;
	[tilespmem:$0x1F800] =	vst v63  }
0x3f: {  	_ =	swait.ge [sflag:s21], $0x1000  }
0x40: {  	[sflag:s21] =	ssyncset.done $0x0  }
0x41: {  	[sflag:s21] =	ssyncadd.s32 $0xFFFFF000  }
0x42: {  	[spmem:s28] =	stream.linear.scatter [tilespmem:s19], [sflag:$0x2], $0x1000, $0x38;
	[tilespmem:$0x1F800] =	vst v63  }
0x43: {  	_ =	swait.ge [sflag:s21], $0x1000  }
0x44: {  	[sflag:s21] =	ssyncset.done $0x0  }
0x45: {  	s18 =	smov.u32 s30;
	[sflag:s21] =	ssyncadd.s32 $0xFFFFF000  }
0x46: {  	[spmem:s18] =	stream.linear.scatter [tilespmem:s19], [sflag:$0x2], $0x1000, $0x38;
	[tilespmem:$0x1F800] =	vst v63  }
0x47: {  	_ =	swait.ge [sflag:s21], $0x1000  }
0x48: {  	[sflag:s21] =	ssyncset.done $0x0  }
0x49: {  	s31 =	smov.u32 s28;
	s28 =	smov.u32 s20;
	[sflag:s21] =	ssyncadd.s32 $0xFFFFF000  }
0x4a: {  	[spmem:s28] =	stream.linear.scatter [tilespmem:s19], [sflag:$0x2], $0x1000, $0x38;
	[tilespmem:$0x1F800] =	vst v63  }
0x4b: {  	_ =	swait.ge [sflag:s21], $0x1000  }
0x4c: {  	[sflag:s21] =	ssyncset.done $0x0  }
0x4d: {  	s20 =	smov.u32 s18;
	s18 =	smov.u32 s0;
	[sflag:s21] =	ssyncadd.s32 $0xFFFFF000  }
0x4e: {  	[spmem:s18] =	stream.linear.scatter [tilespmem:s19], [sflag:$0x2], $0x1000, $0x38;
	[tilespmem:$0x1F800] =	vst v63  }
0x4f: {  	_ =	swait.ge [sflag:s21], $0x1000  }
0x50: {  	[sflag:s21] =	ssyncset.done $0x0  }
0x51: {  	s0 =	smov.u32 s28;
	s28 =	smov.u32 s2;
	[sflag:s21] =	ssyncadd.s32 $0xFFFFF000  }
0x52: {  	[spmem:s28] =	stream.linear.scatter [tilespmem:s19], [sflag:$0x2], $0x1000, $0x38;
	[tilespmem:$0x1F800] =	vst v63  }
0x53: {  	_ =	swait.ge [sflag:s21], $0x1000  }
0x54: {  	[sflag:s21] =	ssyncset.done $0x0  }
0x55: {  	s2 =	smov.u32 s18;
	s18 =	smov.u32 s3;
	[sflag:s21] =	ssyncadd.s32 $0xFFFFF000  }
0x56: {  	[spmem:s18] =	stream.linear.scatter [tilespmem:s19], [sflag:$0x2], $0x1000, $0x38;
	[tilespmem:$0x1F800] =	vst v63  }
0x57: {  	_ =	swait.ge [sflag:s21], $0x1000  }
0x58: {  	[sflag:s21] =	ssyncset.done $0x0  }
0x59: {  	s3 =	smov.u32 s28;
	s28 =	smov.u32 s4;
	[sflag:s21] =	ssyncadd.s32 $0xFFFFF000  }
0x5a: {  	[spmem:s28] =	stream.linear.scatter [tilespmem:s19], [sflag:$0x2], $0x1000, $0x38;
	[tilespmem:$0x1F800] =	vst v63  }
0x5b: {  	_ =	swait.ge [sflag:s21], $0x1000  }
0x5c: {  	[sflag:s21] =	ssyncset.done $0x0  }
0x5d: {  	[sflag:s21] =	ssyncadd.s32 $0xFFFFF000  }
0x5e: {  	[spmem:s5] =	stream.linear.scatter [tilespmem:s19], [sflag:$0x2], $0x1000, $0x38;
	[tilespmem:$0x1F800] =	vst v63  }
0x5f: {  	_ =	swait.ge [sflag:s21], $0x1000  }
0x60: {  	[sflag:s21] =	ssyncset.done $0x0  }
0x61: {  	s30 =	smov.u32 s29;
	s29 =	smov.u32 s6;
	[sflag:s21] =	ssyncadd.s32 $0xFFFFF000  }
0x62: {  	[spmem:s29] =	stream.linear.scatter [tilespmem:s19], [sflag:$0x2], $0x1000, $0x38;
	[tilespmem:$0x1F800] =	vst v63  }
0x63: {  	_ =	swait.ge [sflag:s21], $0x1000  }
0x64: {  	[sflag:s21] =	ssyncset.done $0x0  }
0x65: {  	[sflag:s21] =	ssyncadd.s32 $0xFFFFF000  }
0x66: {  	[spmem:s7] =	stream.linear.scatter [tilespmem:s19], [sflag:$0x2], $0x1000, $0x38;
	[tilespmem:$0x1F800] =	vst v63  }
0x67: {  	_ =	swait.ge [sflag:s21], $0x1000  }
0x68: {  	[sflag:s21] =	ssyncset.done $0x0  }
0x69: {  	[sflag:s21] =	ssyncadd.s32 $0xFFFFF000  }
0x6a: {  	[spmem:s9] =	stream.linear.scatter [tilespmem:s19], [sflag:$0x2], $0x1000, $0x38;
	[tilespmem:$0x1F800] =	vst v63  }
0x6b: {  	_ =	swait.ge [sflag:s21], $0x1000  }
0x6c: {  	[sflag:s21] =	ssyncset.done $0x0  }
0x6d: {  	[sflag:s21] =	ssyncadd.s32 $0xFFFFF000  }
0x6e: {  	[spmem:s10] =	stream.linear.scatter [tilespmem:s19], [sflag:$0x2], $0x1000, $0x38;
	[tilespmem:$0x1F800] =	vst v63  }
0x6f: {  	_ =	swait.ge [sflag:s21], $0x1000  }
0x70: {  	[sflag:s21] =	ssyncset.done $0x0  }
0x71: {  	s29 =	smov.u32 s11;
	[sflag:s21] =	ssyncadd.s32 $0xFFFFF000  }
0x72: {  	[spmem:s29] =	stream.linear.scatter [tilespmem:s19], [sflag:$0x2], $0x1000, $0x38;
	[tilespmem:$0x1F800] =	vst v63  }
0x73: {  	_ =	swait.ge [sflag:s21], $0x1000  }
0x74: {  	[sflag:s21] =	ssyncset.done $0x0  }
0x75: {  	[sflag:s21] =	ssyncadd.s32 $0xFFFFF000  }
0x76: {  	[spmem:s12] =	stream.linear.scatter [tilespmem:s19], [sflag:$0x2], $0x1000, $0x38;
	[tilespmem:$0x1F800] =	vst v63  }
0x77: {  	_ =	swait.ge [sflag:s21], $0x1000  }
0x78: {  	[sflag:s21] =	ssyncset.done $0x0  }
0x79: {  	[sflag:s21] =	ssyncadd.s32 $0xFFFFF000  }
0x7a: {  	[spmem:s14] =	stream.linear.scatter [tilespmem:s19], [sflag:$0x2], $0x1000, $0x38;
	[tilespmem:$0x1F800] =	vst v63  }
0x7b: {  	_ =	swait.ge [sflag:s21], $0x1000  }
0x7c: {  	[sflag:s21] =	ssyncset.done $0x0  }
0x7d: {  	[sflag:s21] =	ssyncadd.s32 $0xFFFFF000  }
0x7e: {  	[spmem:s8] =	stream.linear.scatter [tilespmem:s19], [sflag:$0x2], $0x1000, $0x38;
	[tilespmem:$0x1F800] =	vst v63  }
0x7f: {  	_ =	swait.ge [sflag:s21], $0x1000  }
0x80: {  	[sflag:s21] =	ssyncset.done $0x0  }
0x81: {  	s4 =	smov.u32 s18;
	s18 =	smov.u32 s13;
	[sflag:s21] =	ssyncadd.s32 $0xFFFFF000  }
0x82: {  	[spmem:s18] =	stream.linear.scatter [tilespmem:s19], [sflag:$0x2], $0x1000, $0x38;
	[tilespmem:$0x1F800] =	vst v63  }
0x83: {  	_ =	swait.ge [sflag:s21], $0x1000  }
0x84: {  	[sflag:s21] =	ssyncset.done $0x0  }
0x85: {  	[sflag:s21] =	ssyncadd.s32 $0xFFFFF000  }
0x86: {  	[spmem:s15] =	stream.linear.scatter [tilespmem:s19], [sflag:$0x2], $0x1000, $0x38;
	[tilespmem:$0x1F800] =	vst v63  }
0x87: {  	_ =	swait.ge [sflag:s21], $0x1000  }
0x88: {  	[sflag:s21] =	ssyncset.done $0x0  }
0x89: {  	[sflag:s21] =	ssyncadd.s32 $0xFFFFF000  }
0x8a: {  	[spmem:s26] =	stream.linear.scatter [tilespmem:s19], [sflag:$0x2], $0x1000, $0x38;
	[tilespmem:$0x1F800] =	vst v63  }
0x8b: {  	_ =	swait.ge [sflag:s21], $0x1000  }
0x8c: {  	s18 =	sld [smem:$0x7FB]  }
0x8d: {  	[sflag:s21] =	ssyncset.done $0x0  }
0x8e: {  	[sflag:s21] =	ssyncadd.s32 $0xFFFFF000  }
0x8f: {  	[tilespmem:s1], [sflag:$0x2] =	stream.linear.gather [hbm4b:s18+s1], $0x3300, $0x38;
	[tilespmem:$0x1F800] =	vst v63  }
0x90: {  	_ =	swait.ge [sflag:s21], $0x3300  }
0x91: {  	s26 =	sld [smem:$0x7FC]  }
0x92: {  	[sflag:s21] =	ssyncset.done $0x0  }
0x93: {  	s18 =	simm.s32 $0x3400;
	[sflag:s21] =	ssyncadd.s32 $0xFFFFCD00  }
0x94: {  	[tilespmem:s18], [sflag:$0x2] =	stream.linear.gather [hbm4b:s26+s1], $0x3300, $0x38;
	[tilespmem:$0x1F800] =	vst v63  }
0x95: {  	_ =	swait.ge [sflag:s21], $0x3300  }
0x96: {  	[sflag:s21] =	ssyncset.done $0x0  }
0x97: {  	[sflag:s21] =	ssyncadd.s32 $0xFFFFCD00  }
0x98: {  	[bflag:$0x0] =	sbarrier.arrive $0xFFFF  }
0x99: {  	[tilespmem:s25], [sflag:$0x1] =	stream.indirect.gather [hbm4b:s24+s23], $0x80, s1, s23, $0xb8;
	[tilespmem:$0x1F800] =	vst v63  }
0x9a: {  	_ =	swait.ge [sflag:s16], $0x4000  }
0x9b: {  	s6 =	smov.u32 s28;
	s28 =	rddreg [dreg:$0x18]  }
0x9c: {  	p0 =	sne.s32 s28, $0x1  }
.Ltmp0:
0x9d: {  	[sflag:s16] =	ssyncset.done $0x0;
	(pc) =	sbr.rel @!p0 .LBB2_3-.Ltmp0, $4  }
0x9e: {  	[sflag:s16] =	ssyncadd.s32 $0xFFFFC000  }
0x9f: {  	[spmem:s22] =	stream.indirect.scatter.add.f32 [tilespmem:s25], [sflag:$0x2], $0x80, s18, s23, $0xb8;
	[tilespmem:$0x1F800] =	vst v63  }
0xa0: {  	s13 =	smov.u32 s12;
	s11 =	smov.u32 s7;
	_ =	swait.ge [sflag:s21], $0x4000  }
0xa1: {  	s29 =	simm.s32 $0x0;
	s28 =	sadd.s32 $0xFFFFFFFF, s28;
	[sflag:s21] =	ssyncset.done $0x0  }
.LBB2_2:
0xa2: {  	[sflag:s21] =	ssyncadd.s32 $0xFFFFC000;
	s29 =	sadd.s32 $0x80, s29;
	s18 =	sadd.s32 $0x80, s18  }
0xa3: {  	[tilespmem:s25], [sflag:$0x1] =	stream.indirect.gather [hbm4b:s24+s23], $0x80, s29, s23, $0xb8;
	[tilespmem:$0x1F800] =	vst v63  }
0xa4: {  	p0 =	sne.s32 s28, $0x1;
	s28 =	sadd.s32 $0xFFFFFFFF, s28;
	_ =	swait.ge [sflag:s16], $0x4000  }
.Ltmp1:
0xa5: {  	[sflag:s16] =	ssyncset.done $0x0;
	(pc) =	sbr.rel @p0 .LBB2_2-.Ltmp1, $4  }
0xa6: {  	[sflag:s16] =	ssyncadd.s32 $0xFFFFC000  }
0xa7: {  	[spmem:s22] =	stream.indirect.scatter.add.f32 [tilespmem:s25], [sflag:$0x2], $0x80, s18, s23, $0xb8;
	[tilespmem:$0x1F800] =	vst v63  }
0xa8: {  	_ =	swait.ge [sflag:s21], $0x4000  }
0xa9: {  	[sflag:s21] =	ssyncset.done $0x0  }
.LBB2_3:
0xaa: {  	[sflag:s21] =	ssyncadd.s32 $0xFFFFC000  }
0xab: {  	[bflag:$0x0] =	sbarrier.arrive $0xFFFF  }
0xac: {  	[tilespmem:s19], [sflag:$0x2] =	stream.linear.gather [spmem:s30], $0x1000, $0x38;
	[tilespmem:$0x1F800] =	vst v63  }
0xad: {  	_ =	swait.ge [sflag:s21], $0x1000  }
0xae: {  	[sflag:s21] =	ssyncset.done $0x0  }
0xaf: {  	s18 =	rddreg [dreg:$0x3];
	[sflag:s21] =	ssyncadd.s32 $0xFFFFF000  }
0xb0: {  	[hbm4b:s18+s1] =	stream.linear.scatter [tilespmem:s19], [sflag:$0x2], $0x1000, $0x38;
	[tilespmem:$0x1F800] =	vst v63  }
0xb1: {  	_ =	swait.ge [sflag:s21], $0x1000  }
0xb2: {  	[sflag:s21] =	ssyncset.done $0x0  }
0xb3: {  	[sflag:s21] =	ssyncadd.s32 $0xFFFFF000  }
0xb4: {  	[tilespmem:s19], [sflag:$0x2] =	stream.linear.gather [spmem:s31], $0x1000, $0x38;
	[tilespmem:$0x1F800] =	vst v63  }
0xb5: {  	_ =	swait.ge [sflag:s21], $0x1000  }
0xb6: {  	[sflag:s21] =	ssyncset.done $0x0  }
0xb7: {  	s26 =	rddreg [dreg:$0x4];
	[sflag:s21] =	ssyncadd.s32 $0xFFFFF000  }
0xb8: {  	[hbm4b:s26+s1] =	stream.linear.scatter [tilespmem:s19], [sflag:$0x2], $0x1000, $0x38;
	[tilespmem:$0x1F800] =	vst v63  }
0xb9: {  	_ =	swait.ge [sflag:s21], $0x1000  }
0xba: {  	[sflag:s21] =	ssyncset.done $0x0  }
0xbb: {  	[sflag:s21] =	ssyncadd.s32 $0xFFFFF000  }
0xbc: {  	[tilespmem:s19], [sflag:$0x2] =	stream.linear.gather [spmem:s20], $0x1000, $0x38;
	[tilespmem:$0x1F800] =	vst v63  }
0xbd: {  	_ =	swait.ge [sflag:s21], $0x1000  }
0xbe: {  	[sflag:s21] =	ssyncset.done $0x0  }
0xbf: {  	s28 =	smov.u32 s31;
	s31 =	rddreg [dreg:$0x5];
	[sflag:s21] =	ssyncadd.s32 $0xFFFFF000  }
0xc0: {  	[hbm4b:s31+s1] =	stream.linear.scatter [tilespmem:s19], [sflag:$0x2], $0x1000, $0x38;
	[tilespmem:$0x1F800] =	vst v63  }
0xc1: {  	_ =	swait.ge [sflag:s21], $0x1000  }
0xc2: {  	[sflag:s21] =	ssyncset.done $0x0  }
0xc3: {  	[sflag:s21] =	ssyncadd.s32 $0xFFFFF000  }
0xc4: {  	[tilespmem:s19], [sflag:$0x2] =	stream.linear.gather [spmem:s0], $0x1000, $0x38;
	[tilespmem:$0x1F800] =	vst v63  }
0xc5: {  	_ =	swait.ge [sflag:s21], $0x1000  }
0xc6: {  	s29 =	smov.u32 s30;
	s30 =	smov.u32 s20;
	[sflag:s21] =	ssyncset.done $0x0  }
0xc7: {  	s20 =	smov.u32 s0;
	s0 =	rddreg [dreg:$0x6];
	[sflag:s21] =	ssyncadd.s32 $0xFFFFF000  }
0xc8: {  	[hbm4b:s0+s1] =	stream.linear.scatter [tilespmem:s19], [sflag:$0x2], $0x1000, $0x38;
	[tilespmem:$0x1F800] =	vst v63  }
0xc9: {  	_ =	swait.ge [sflag:s21], $0x1000  }
0xca: {  	[sflag:s21] =	ssyncset.done $0x0  }
0xcb: {  	[sflag:s21] =	ssyncadd.s32 $0xFFFFF000  }
0xcc: {  	[tilespmem:s19], [sflag:$0x2] =	stream.linear.gather [spmem:s2], $0x1000, $0x38;
	[tilespmem:$0x1F800] =	vst v63  }
0xcd: {  	_ =	swait.ge [sflag:s21], $0x1000  }
0xce: {  	[sflag:s21] =	ssyncset.done $0x0  }
0xcf: {  	s0 =	smov.u32 s2;
	s2 =	rddreg [dreg:$0x7];
	[sflag:s21] =	ssyncadd.s32 $0xFFFFF000  }
0xd0: {  	[hbm4b:s2+s1] =	stream.linear.scatter [tilespmem:s19], [sflag:$0x2], $0x1000, $0x38;
	[tilespmem:$0x1F800] =	vst v63  }
0xd1: {  	_ =	swait.ge [sflag:s21], $0x1000  }
0xd2: {  	[sflag:s21] =	ssyncset.done $0x0  }
0xd3: {  	[sflag:s21] =	ssyncadd.s32 $0xFFFFF000  }
0xd4: {  	[tilespmem:s19], [sflag:$0x2] =	stream.linear.gather [spmem:s3], $0x1000, $0x38;
	[tilespmem:$0x1F800] =	vst v63  }
0xd5: {  	_ =	swait.ge [sflag:s21], $0x1000  }
0xd6: {  	[sflag:s21] =	ssyncset.done $0x0  }
0xd7: {  	s2 =	smov.u32 s3;
	s3 =	rddreg [dreg:$0x8];
	[sflag:s21] =	ssyncadd.s32 $0xFFFFF000  }
0xd8: {  	[hbm4b:s3+s1] =	stream.linear.scatter [tilespmem:s19], [sflag:$0x2], $0x1000, $0x38;
	[tilespmem:$0x1F800] =	vst v63  }
0xd9: {  	_ =	swait.ge [sflag:s21], $0x1000  }
0xda: {  	[sflag:s21] =	ssyncset.done $0x0  }
0xdb: {  	[sflag:s21] =	ssyncadd.s32 $0xFFFFF000  }
0xdc: {  	[tilespmem:s19], [sflag:$0x2] =	stream.linear.gather [spmem:s4], $0x1000, $0x38;
	[tilespmem:$0x1F800] =	vst v63  }
0xdd: {  	_ =	swait.ge [sflag:s21], $0x1000  }
0xde: {  	[sflag:s21] =	ssyncset.done $0x0  }
0xdf: {  	s3 =	smov.u32 s4;
	s4 =	rddreg [dreg:$0x9];
	[sflag:s21] =	ssyncadd.s32 $0xFFFFF000  }
0xe0: {  	[hbm4b:s4+s1] =	stream.linear.scatter [tilespmem:s19], [sflag:$0x2], $0x1000, $0x38;
	[tilespmem:$0x1F800] =	vst v63  }
0xe1: {  	_ =	swait.ge [sflag:s21], $0x1000  }
0xe2: {  	[sflag:s21] =	ssyncset.done $0x0  }
0xe3: {  	[sflag:s21] =	ssyncadd.s32 $0xFFFFF000  }
0xe4: {  	[tilespmem:s19], [sflag:$0x2] =	stream.linear.gather [spmem:s6], $0x1000, $0x38;
	[tilespmem:$0x1F800] =	vst v63  }
0xe5: {  	_ =	swait.ge [sflag:s21], $0x1000  }
0xe6: {  	[sflag:s21] =	ssyncset.done $0x0  }
0xe7: {  	s4 =	smov.u32 s6;
	s6 =	rddreg [dreg:$0xa];
	[sflag:s21] =	ssyncadd.s32 $0xFFFFF000  }
0xe8: {  	[hbm4b:s6+s1] =	stream.linear.scatter [tilespmem:s19], [sflag:$0x2], $0x1000, $0x38;
	[tilespmem:$0x1F800] =	vst v63  }
0xe9: {  	_ =	swait.ge [sflag:s21], $0x1000  }
0xea: {  	[sflag:s21] =	ssyncset.done $0x0  }
0xeb: {  	[sflag:s21] =	ssyncadd.s32 $0xFFFFF000  }
0xec: {  	[tilespmem:s19], [sflag:$0x2] =	stream.linear.gather [spmem:s5], $0x1000, $0x38;
	[tilespmem:$0x1F800] =	vst v63  }
0xed: {  	_ =	swait.ge [sflag:s21], $0x1000  }
0xee: {  	[sflag:s21] =	ssyncset.done $0x0  }
0xef: {  	s7 =	rddreg [dreg:$0xb];
	[sflag:s21] =	ssyncadd.s32 $0xFFFFF000  }
0xf0: {  	[hbm4b:s7+s1] =	stream.linear.scatter [tilespmem:s19], [sflag:$0x2], $0x1000, $0x38;
	[tilespmem:$0x1F800] =	vst v63  }
0xf1: {  	_ =	swait.ge [sflag:s21], $0x1000  }
0xf2: {  	[sflag:s21] =	ssyncset.done $0x0  }
0xf3: {  	s6 =	rddreg [dreg:$0x1f];
	[sflag:s21] =	ssyncadd.s32 $0xFFFFF000  }
0xf4: {  	[tilespmem:s19], [sflag:$0x2] =	stream.linear.gather [spmem:s6], $0x1000, $0x38;
	[tilespmem:$0x1F800] =	vst v63  }
0xf5: {  	_ =	swait.ge [sflag:s21], $0x1000  }
0xf6: {  	[sflag:s21] =	ssyncset.done $0x0  }
0xf7: {  	s8 =	rddreg [dreg:$0xc];
	[sflag:s21] =	ssyncadd.s32 $0xFFFFF000  }
0xf8: {  	[hbm4b:s8+s1] =	stream.linear.scatter [tilespmem:s19], [sflag:$0x2], $0x1000, $0x38;
	[tilespmem:$0x1F800] =	vst v63  }
0xf9: {  	_ =	swait.ge [sflag:s21], $0x1000  }
0xfa: {  	[sflag:s21] =	ssyncset.done $0x0  }
0xfb: {  	[sflag:s21] =	ssyncadd.s32 $0xFFFFF000  }
0xfc: {  	[tilespmem:s19], [sflag:$0x2] =	stream.linear.gather [spmem:s11], $0x1000, $0x38;
	[tilespmem:$0x1F800] =	vst v63  }
0xfd: {  	_ =	swait.ge [sflag:s21], $0x1000  }
0xfe: {  	[sflag:s21] =	ssyncset.done $0x0  }
0xff: {  	s12 =	rddreg [dreg:$0xd];
	[sflag:s21] =	ssyncadd.s32 $0xFFFFF000  }
0x100: {  	[hbm4b:s12+s1] =	stream.linear.scatter [tilespmem:s19], [sflag:$0x2], $0x1000, $0x38;
	[tilespmem:$0x1F800] =	vst v63  }
0x101: {  	_ =	swait.ge [sflag:s21], $0x1000  }
0x102: {  	[sflag:s21] =	ssyncset.done $0x0  }
0x103: {  	[sflag:s21] =	ssyncadd.s32 $0xFFFFF000  }
0x104: {  	[tilespmem:s19], [sflag:$0x2] =	stream.linear.gather [spmem:s9], $0x1000, $0x38;
	[tilespmem:$0x1F800] =	vst v63  }
0x105: {  	_ =	swait.ge [sflag:s21], $0x1000  }
0x106: {  	[sflag:s21] =	ssyncset.done $0x0  }
0x107: {  	s14 =	rddreg [dreg:$0xe];
	[sflag:s21] =	ssyncadd.s32 $0xFFFFF000  }
0x108: {  	[hbm4b:s14+s1] =	stream.linear.scatter [tilespmem:s19], [sflag:$0x2], $0x1000, $0x38;
	[tilespmem:$0x1F800] =	vst v63  }
0x109: {  	_ =	swait.ge [sflag:s21], $0x1000  }
0x10a: {  	[sflag:s21] =	ssyncset.done $0x0  }
0x10b: {  	[sflag:s21] =	ssyncadd.s32 $0xFFFFF000  }
0x10c: {  	[tilespmem:s19], [sflag:$0x2] =	stream.linear.gather [spmem:s10], $0x1000, $0x38;
	[tilespmem:$0x1F800] =	vst v63  }
0x10d: {  	_ =	swait.ge [sflag:s21], $0x1000  }
0x10e: {  	[sflag:s21] =	ssyncset.done $0x0  }
0x10f: {  	s15 =	rddreg [dreg:$0xf];
	[sflag:s21] =	ssyncadd.s32 $0xFFFFF000  }
0x110: {  	[hbm4b:s15+s1] =	stream.linear.scatter [tilespmem:s19], [sflag:$0x2], $0x1000, $0x38;
	[tilespmem:$0x1F800] =	vst v63  }
0x111: {  	_ =	swait.ge [sflag:s21], $0x1000  }
0x112: {  	[sflag:s21] =	ssyncset.done $0x0  }
0x113: {  	s7 =	smov.u32 s11;
	s11 =	rddreg [dreg:$0x1d];
	[sflag:s21] =	ssyncadd.s32 $0xFFFFF000  }
0x114: {  	[tilespmem:s19], [sflag:$0x2] =	stream.linear.gather [spmem:s11], $0x1000, $0x38;
	[tilespmem:$0x1F800] =	vst v63  }
0x115: {  	_ =	swait.ge [sflag:s21], $0x1000  }
0x116: {  	[sflag:s21] =	ssyncset.done $0x0  }
0x117: {  	s26 =	rddreg [dreg:$0x10];
	[sflag:s21] =	ssyncadd.s32 $0xFFFFF000  }
0x118: {  	[hbm4b:s26+s1] =	stream.linear.scatter [tilespmem:s19], [sflag:$0x2], $0x1000, $0x38;
	[tilespmem:$0x1F800] =	vst v63  }
0x119: {  	_ =	swait.ge [sflag:s21], $0x1000  }
0x11a: {  	[sflag:s21] =	ssyncset.done $0x0  }
0x11b: {  	[sflag:s21] =	ssyncadd.s32 $0xFFFFF000  }
0x11c: {  	[tilespmem:s19], [sflag:$0x2] =	stream.linear.gather [spmem:s13], $0x1000, $0x38;
	[tilespmem:$0x1F800] =	vst v63  }
0x11d: {  	_ =	swait.ge [sflag:s21], $0x1000  }
0x11e: {  	[sflag:s21] =	ssyncset.done $0x0  }
0x11f: {  	s31 =	rddreg [dreg:$0x11];
	[sflag:s21] =	ssyncadd.s32 $0xFFFFF000  }
0x120: {  	[hbm4b:s31+s1] =	stream.linear.scatter [tilespmem:s19], [sflag:$0x2], $0x1000, $0x38;
	[tilespmem:$0x1F800] =	vst v63  }
0x121: {  	_ =	swait.ge [sflag:s21], $0x1000  }
0x122: {  	[sflag:s21] =	ssyncset.done $0x0  }
0x123: {  	s14 =	rddreg [dreg:$0x1a];
	[sflag:s21] =	ssyncadd.s32 $0xFFFFF000  }
0x124: {  	[tilespmem:s19], [sflag:$0x2] =	stream.linear.gather [spmem:s14], $0x1000, $0x38;
	[tilespmem:$0x1F800] =	vst v63  }
0x125: {  	_ =	swait.ge [sflag:s21], $0x1000  }
0x126: {  	[sflag:s21] =	ssyncset.done $0x0  }
0x127: {  	s8 =	rddreg [dreg:$0x12];
	[sflag:s21] =	ssyncadd.s32 $0xFFFFF000  }
0x128: {  	[hbm4b:s8+s1] =	stream.linear.scatter [tilespmem:s19], [sflag:$0x2], $0x1000, $0x38;
	[tilespmem:$0x1F800] =	vst v63  }
0x129: {  	_ =	swait.ge [sflag:s21], $0x1000  }
0x12a: {  	[sflag:s21] =	ssyncset.done $0x0  }
0x12b: {  	s8 =	rddreg [dreg:$0x19];
	[sflag:s21] =	ssyncadd.s32 $0xFFFFF000  }
0x12c: {  	[tilespmem:s19], [sflag:$0x2] =	stream.linear.gather [spmem:s8], $0x1000, $0x38;
	[tilespmem:$0x1F800] =	vst v63  }
0x12d: {  	_ =	swait.ge [sflag:s21], $0x1000  }
0x12e: {  	[sflag:s21] =	ssyncset.done $0x0  }
0x12f: {  	s12 =	smov.u32 s13;
	s13 =	rddreg [dreg:$0x13];
	[sflag:s21] =	ssyncadd.s32 $0xFFFFF000  }
0x130: {  	[hbm4b:s13+s1] =	stream.linear.scatter [tilespmem:s19], [sflag:$0x2], $0x1000, $0x38;
	[tilespmem:$0x1F800] =	vst v63  }
0x131: {  	_ =	swait.ge [sflag:s21], $0x1000  }
0x132: {  	[sflag:s21] =	ssyncset.done $0x0  }
0x133: {  	s13 =	rddreg [dreg:$0x1b];
	[sflag:s21] =	ssyncadd.s32 $0xFFFFF000  }
0x134: {  	[tilespmem:s19], [sflag:$0x2] =	stream.linear.gather [spmem:s13], $0x1000, $0x38;
	[tilespmem:$0x1F800] =	vst v63  }
0x135: {  	_ =	swait.ge [sflag:s21], $0x1000  }
0x136: {  	[sflag:s21] =	ssyncset.done $0x0  }
0x137: {  	s15 =	rddreg [dreg:$0x14];
	[sflag:s21] =	ssyncadd.s32 $0xFFFFF000  }
0x138: {  	[hbm4b:s15+s1] =	stream.linear.scatter [tilespmem:s19], [sflag:$0x2], $0x1000, $0x38;
	[tilespmem:$0x1F800] =	vst v63  }
0x139: {  	_ =	swait.ge [sflag:s21], $0x1000  }
0x13a: {  	[sflag:s21] =	ssyncset.done $0x0  }
0x13b: {  	s15 =	rddreg [dreg:$0x1c];
	[sflag:s21] =	ssyncadd.s32 $0xFFFFF000  }
0x13c: {  	[tilespmem:s19], [sflag:$0x2] =	stream.linear.gather [spmem:s15], $0x1000, $0x38;
	[tilespmem:$0x1F800] =	vst v63  }
0x13d: {  	_ =	swait.ge [sflag:s21], $0x1000  }
0x13e: {  	[sflag:s21] =	ssyncset.done $0x0  }
0x13f: {  	s26 =	rddreg [dreg:$0x15];
	[sflag:s21] =	ssyncadd.s32 $0xFFFFF000  }
0x140: {  	[hbm4b:s26+s1] =	stream.linear.scatter [tilespmem:s19], [sflag:$0x2], $0x1000, $0x38;
	[tilespmem:$0x1F800] =	vst v63  }
0x141: {  	_ =	swait.ge [sflag:s21], $0x1000  }
0x142: {  	[sflag:s21] =	ssyncset.done $0x0  }
0x143: {  	s26 =	rddreg [dreg:$0x1e];
	[sflag:s21] =	ssyncadd.s32 $0xFFFFF000  }
0x144: {  	[tilespmem:s19], [sflag:$0x2] =	stream.linear.gather [spmem:s26], $0x1000, $0x38;
	[tilespmem:$0x1F800] =	vst v63  }
0x145: {  	_ =	swait.ge [sflag:s21], $0x1000  }
0x146: {  	[sflag:s21] =	ssyncset.done $0x0  }
0x147: {  	s31 =	rddreg [dreg:$0x16];
	[sflag:s21] =	ssyncadd.s32 $0xFFFFF000  }
0x148: {  	[hbm4b:s31+s1] =	stream.linear.scatter [tilespmem:s19], [sflag:$0x2], $0x1000, $0x38;
	[tilespmem:$0x1F800] =	vst v63  }
0x149: {  	_ =	swait.ge [sflag:s21], $0x1000  }
0x14a: {  	s31 =	sld [smem:$0x7FD];
	_ =	sdelay $0x1  }
0x14b: {  	s17 =	sadd.s32 $0x1, s17  }
0x14c: {  	p0 =	sne.s32 s17, s31  }
.Ltmp2:
0x14d: {  	_ = 	snop;
	(pc) =	sbr.rel @p0 .LBB2_1-.Ltmp2, $3  }
0x14e: {  	_ =	sdelay $0x1  }
0x14f: {  	[sflag:s21] =	ssyncset.done $0x0  }
0x150: {  	[sflag:s21] =	ssyncadd.s32 $0xFFFFF000  }
0x151: {  	_ =	sfence.sel $0x180000  }
0x152: {  	[bflag:$0x0] =	sbarrier.arrive $0xFFFF  }
0x153: {  	_ =	strace $0x9000004D  }
0x154: {  	s0 =	stileid.u32;
	[bflag:$0x2] =	sbarrier.arrive $0xFFFF  }
0x155: {  	p0 =	sne.s32 s0, $0x0;
	s0 =	rddreg [dreg:$0x2]  }
0x156: {  	s0 =	sadd.s32 @!p0 $0x100000, s0  }
0x157: {  	[sflag:s0] =	ssyncadd.tile.s32 @!p0 $0x1;
	_ =	shalt  }
.Lfunc_end2:
_tile_overlayer_lowered:
.L_overlay_start_2:
0x158: {  	(tag) =	ssettag $0x2  }
0x159: {  	s0 =	rddreg [dreg:$0x0];
	s2 =	stileid.u32  }
0x15a: {  	s1 =	rddreg [dreg:$0x1];
	p0 =	sne.s32 s2, $0x0  }
0x15b: {  	s3 =	rddreg [dreg:$0x2];
	[bflag:$0x3] =	sbarrier.arrive $0xFFFF;
	s2 =	simm.s32 @!p0 $0x1C02  }
0x15c: {  	[timem:s3], [sflag:s2] =	dma.local @!p0 [hbm:s0], s1  }
0x15d: {  	s0 =	simm.s32 @!p0 $0x2  }
0x15e: {  	_ =	swait.ge @!p0 [sflag:s0], s1  }
0x15f: {  	s1 =	ssub.s32 @!p0 $0x0, s1;
	[sflag:s0] =	ssyncset.done @!p0 $0x0  }
0x160: {  	[sflag:s0] =	ssyncadd.s32 @!p0 s1  }
0x161: {  	[bflag:$0x3] =	sbarrier.arrive $0xFFFF  }
0x162: {  	_ =	shalt  }

// kernel: kernel.19.cloned.1.call-start
scs
__scs_entry_jumppad:
0x0: {  	(pc) =	sbr.rel $0x88, $3  }
0x1: {  	(tag) =	ssettag $0x0;
	lr =	simm.s32 $0x1  }
0x2: {  	[smem:$0x3F96] =	sst lr;
	_ =	strace $0xD0000000  }
0x3: {  	_ = 	snop  }
0x4: {  	_ = 	snop  }
0x5: {  	_ = 	snop  }
0x6: {  	_ = 	snop  }
0x7: {  	_ = 	snop  }
__scs_overlays_trampoline_lowered:
0x8: {  	[smem:$0x3FA5] =	sst s0  }
0x9: {  	[smem:$0x3FA6] =	sst s1  }
0xa: {  	[smem:$0x3FA7] =	sst s2  }
0xb: {  	[smem:$0x3FA8] =	sst s3  }
0xc: {  	[smem:$0x3FA9] =	sst s4  }
0xd: {  	[smem:$0x3FAA] =	sst s5  }
0xe: {  	[smem:$0x3FAB] =	sst s6  }
0xf: {  	[smem:$0x3FAC] =	sst s7  }
0x10: {  	[smem:$0x3FAD] =	sst s8  }
0x11: {  	[smem:$0x3FAE] =	sst s9;
	s0 =	simm.s32 @!p0 $0x0  }
0x12: {  	s1 =	sld [smem:$0x3F94];
	s0 =	simm.s32 @p0 $0x1  }
0x13: {  	[smem:$0x3FAF] =	sst s0;
	s0 =	simm.s32 @!p1 $0x0  }
0x14: {  	s2 =	sld [smem:$0x3F93];
	s0 =	simm.s32 @p1 $0x1  }
0x15: {  	[smem:$0x3FB0] =	sst s0;
	s0 =	simm.s32 @!p2 $0x0  }
0x16: {  	s3 =	sld [smem:$0x3FDB];
	s0 =	simm.s32 @p2 $0x1  }
0x17: {  	s4 =	simm.s32 $0x1BF5;
	[smem:$0x3FB2] =	sst s0  }
0x18: {  	s0 =	sld [smem:$0x3F95];
	_ =	swait.ge [sflag:s4], $0x0  }
0x19: {  	s7 =	sld [smem:$0x3F96]  }
0x1a: {  	s8 =	sadd.s32 $0xFFFFE003, lr  }
0x1b: {  	s9 =	sadd.s32 $0xFFFFFEF7, lr;
	s5 =	simm.s32 $0xFFFFFFFF;
	p2 =	slt.u32 s8, $0xFFFFF086  }
0x1c: {  	p1 =	slt.u32 s9, $0xF7A;
	s5 =	simm.s32 @!p2 $0x0  }
0x1d: {  	s5 =	simm.s32 @p1 $0x1;
	p0 =	seq.s32 s7, s2  }
0x1e: {  	s7 =	smul.u32 @!p0 $0xF7A, s2;
	p2 =	seq.s32 @!p0 s5, $0x0  }
0x1f: {  	s9 =	smul.u32 $0xF7A, s1;
	s8 =	simm.s32 @!p0 $0x1BF5;
	p2 =	por !p2, p0  }
0x20: {  	[sflag:s8] =	ssyncset.s32 @!p0 $0xFFFFF086;
	s6 =	sadd.s32 @!p0 s3, s7;
	s7 =	simm.s32 @!p0 $0x108  }
0x21: {  	s3 =	sadd.s32 s3, s9;
	s6 =	sadd.s32 @!p0 $0x88, s6;
	s7 =	simm.s32 @p2 $0x1082  }
0x22: {  	[simem:s7], [sflag:s8] =	dma.local @!p0 [hbm:s6], $0xF7A  }
0x23: {  	s9 =	sor.u32 $0xD0000000, s2;
	s6 =	simm.s32 $0x108;
	_ =	swait.ge @!p0 [sflag:s8], $0x0  }
0x24: {  	s3 =	sadd.s32 $0x88, s3;
	s6 =	simm.s32 @!p1 $0x1082;
	[sflag:s4] =	ssyncset.s32 $0xFFFFF086  }
0x25: {  	[simem:s6], [sflag:s4] =	dma.local [hbm:s3], $0xF7A  }
0x26: {  	[smem:$0x3F96] =	sst s1;
	(tag) =	ssettag s2;
	_ =	strace s9  }
0x27: {  	s1 =	sld [smem:$0x3FA6]  }
0x28: {  	s2 =	sld [smem:$0x3FA7]  }
0x29: {  	s4 =	sld [smem:$0x3FA9]  }
0x2a: {  	p0 =	seq.s32 s5, $0x0;
	s5 =	sld [smem:$0x3FAA]  }
0x2b: {  	s6 =	sld [smem:$0x3FAB]  }
0x2c: {  	s7 =	sld [smem:$0x3FAC]  }
0x2d: {  	s3 =	simm.s32 $0x108;
	s8 =	sld [smem:$0x3FAD]  }
0x2e: {  	s3 =	simm.s32 @!p0 $0x1082;
	s9 =	sld [smem:$0x3FAE]  }
0x2f: {  	lr =	sadd.s32 s0, s3;
	s0 =	sld [smem:$0x3FA5]  }
0x30: {  	s3 =	sld [smem:$0x3FA8]  }
0x31: {  	[smem:$0x3FB1] =	sst s10  }
0x32: {  	s10 =	sld [smem:$0x3FAF];
	_ =	sdelay $0x3  }
0x33: {  	p0 =	seq.s32 s10, $0x1;
	s10 =	sld [smem:$0x3FB1];
	_ =	sdelay $0x3  }
0x34: {  	[smem:$0x3FB1] =	sst s10  }
0x35: {  	s10 =	sld [smem:$0x3FB0];
	_ =	sdelay $0x3  }
0x36: {  	p1 =	seq.s32 s10, $0x1;
	s10 =	sld [smem:$0x3FB1];
	_ =	sdelay $0x3  }
0x37: {  	[smem:$0x3FB1] =	sst s10  }
0x38: {  	s10 =	sld [smem:$0x3FB2]  }
0x39: {  	_ = 	snop;
	(pc) =	sbr.ind lr, $3  }
0x3a: {  	_ = 	snop  }
0x3b: {  	_ = 	snop  }
0x3c: {  	p2 =	seq.s32 s10, $0x1;
	s10 =	sld [smem:$0x3FB1]  }
0x3d: {  	_ =	shalt  }
0x3e: {  	_ =	shalt  }
0x3f: {  	_ =	shalt  }
0x40: {  	_ =	shalt  }
0x41: {  	_ =	shalt  }
0x42: {  	_ =	shalt  }
0x43: {  	_ =	shalt  }
0x44: {  	_ =	shalt  }
0x45: {  	_ =	shalt  }
0x46: {  	_ =	shalt  }
0x47: {  	_ =	shalt  }
0x48: {  	_ =	shalt  }
0x49: {  	_ =	shalt  }
0x4a: {  	_ =	shalt  }
0x4b: {  	_ =	shalt  }
0x4c: {  	_ =	shalt  }
0x4d: {  	_ =	shalt  }
0x4e: {  	_ =	shalt  }
0x4f: {  	_ =	shalt  }
0x50: {  	_ =	shalt  }
0x51: {  	_ =	shalt  }
0x52: {  	_ =	shalt  }
0x53: {  	_ =	shalt  }
0x54: {  	_ =	shalt  }
0x55: {  	_ =	shalt  }
0x56: {  	_ =	shalt  }
0x57: {  	_ =	shalt  }
0x58: {  	_ =	shalt  }
0x59: {  	_ =	shalt  }
0x5a: {  	_ =	shalt  }
0x5b: {  	_ =	shalt  }
0x5c: {  	_ =	shalt  }
0x5d: {  	_ =	shalt  }
0x5e: {  	_ =	shalt  }
0x5f: {  	_ =	shalt  }
0x60: {  	_ =	shalt  }
0x61: {  	_ =	shalt  }
0x62: {  	_ =	shalt  }
0x63: {  	_ =	shalt  }
0x64: {  	_ =	shalt  }
0x65: {  	_ =	shalt  }
0x66: {  	_ =	shalt  }
0x67: {  	_ =	shalt  }
0x68: {  	_ =	shalt  }
0x69: {  	_ =	shalt  }
0x6a: {  	_ =	shalt  }
0x6b: {  	_ =	shalt  }
0x6c: {  	_ =	shalt  }
0x6d: {  	_ =	shalt  }
0x6e: {  	_ =	shalt  }
0x6f: {  	_ =	shalt  }
0x70: {  	_ =	shalt  }
0x71: {  	_ =	shalt  }
0x72: {  	_ =	shalt  }
0x73: {  	_ =	shalt  }
0x74: {  	_ =	shalt  }
0x75: {  	_ =	shalt  }
0x76: {  	_ =	shalt  }
0x77: {  	_ =	shalt  }
0x78: {  	_ =	shalt  }
0x79: {  	_ =	shalt  }
0x7a: {  	_ =	shalt  }
0x7b: {  	_ =	shalt  }
0x7c: {  	_ =	shalt  }
0x7d: {  	_ =	shalt  }
0x7e: {  	_ =	shalt  }
0x7f: {  	_ =	shalt  }
0x80: {  	_ =	shalt  }
0x81: {  	_ =	shalt  }
0x82: {  	_ =	shalt  }
0x83: {  	_ =	shalt  }
0x84: {  	_ =	shalt  }
0x85: {  	_ =	shalt  }
0x86: {  	_ =	shalt  }
0x87: {  	_ =	shalt  }
.Lfunc_end0:
.L_simem_size_0:
called_computation.3_lowered:
.L_overlay_start_0:
0x88: {  	s2 =	sld [smem:$0x3FD9]  }
0x89: {  	s3 =	sld [smem:$0x3FFE];
	_ =	sdelay $0x1  }
0x8a: {  	s1 =	srdreg.scid  }
0x8b: {  	s0 =	sand.u32 $0x1, s1  }
0x8c: {  	s16 =	sshll.u32 s0, $0xA;
	s2 =	sadd.s32 s3, s2  }
0x8d: {  	s2 =	sadd.s32 s2, s16  }
0x8e: {  	[smem:$0x3FBD] =	sst s2  }
0x8f: {  	_ = 	snop  }
0x90: {  	(tm) =	ssettm $0x1  }
0x91: {  	s17 =	sld [smem:$0x3FFB];
	_ =	sdelay $0x3  }
0x92: {  	_ =	strace s17  }
0x93: {  	s2 =	sld [smem:$0x3FFC];
	_ =	sdelay $0x3  }
0x94: {  	_ =	strace s2  }
0x95: {  	s2 =	sld [smem:$0x3FFD];
	_ =	sdelay $0x3  }
0x96: {  	_ =	strace s2  }
0x97: {  	_ =	strace $0x8FFFFFFF  }
0x98: {  	s18 =	sld [smem:$0x3FDB];
	_ =	sdelay $0x1  }
0x99: {  	s19 =	simm.s32 $_scs_section_size  }
0x9a: {  	s4 =	simm.s32 $_size__tile_overlayer_lowered;
	s5 =	simm.s32 $_tile_overlayer_lowered  }
0x9b: {  	s22 =	simm.s32 $0x1BFF;
	s21 =	sshll.u32 s5, $0x1;
	s2 =	sadd.s32 s19, s18  }
0x9c: {  	s6 =	simm.s32 $0x0;
	s20 =	sshll.u32 s4, $0x1;
	s4 =	sadd.s32 s21, s2  }
0x9d: {  	[timem:s6], [sflag:s22] =	dma.local [hbm:s4], s20  }
0x9e: {  	_ =	swait.ge [sflag:s22], s20  }
0x9f: {  	s3 =	ssub.s32 $0x0, s20;
	[sflag:s22] =	ssyncset.done $0x0  }
0xa0: {  	[sflag:s22] =	ssyncadd.s32 s3;
	_ =	sdelay $0x1  }
0xa1: {  	s23 =	simm.s32 $0x1B8B  }
0xa2: {  	_ =	swait.ge [sflag:s23], $0x1  }
0xa3: {  	[sflag:s23] =	ssyncset.done $0x0  }
0xa4: {  	s25 =	simm.s32 $0x1B8E;
	s24 =	sld [smem:$0x3FFE];
	[sflag:s23] =	ssyncadd.s32 $0xFFFFFFFF  }
0xa5: {  	s26 =	simm.s32 $execute0_lowered;
	[smem:$0x3FD2] =	sst s25  }
0xa6: {  	s4 =	sshll.u32 s26, $0x1;
	_ =	strace $0x8000004F;
	[dreg:$0x1] =	wrdreg $0xFFFFFFFF  }
0xa7: {  	s28 =	simm.s32 $_size_execute0_lowered;
	s2 =	sadd.s32 s2, s4;
	[dreg:$0x0] =	wrdreg $0x0  }
0xa8: {  	s4 =	sshll.u32 s28, $0x1;
	[dreg:$0x2] =	wrdreg s2  }
0xa9: {  	[dreg:$0x3] =	wrdreg s4  }
0xaa: {  	[dreg:$0x4] =	wrdreg $0xC0  }
0xab: {  	_ =	task [dreg:s6], $0x5FFFF  }
0xac: {  	[dreg:$0x1] =	wrdreg $0xFFFFFFFF  }
0xad: {  	[dreg:$0x0] =	wrdreg $0x60  }
0xae: {  	[dreg:$0x2] =	wrdreg s24  }
0xaf: {  	[dreg:$0x3] =	wrdreg $0x53000  }
0xb0: {  	[dreg:$0x4] =	wrdreg $0x9  }
0xb1: {  	_ =	task.clear_ibuf [dreg:s6], $0x5FFFF;
	_ =	strace $0x9000004F  }
0xb2: {  	s29 =	simm.s32 $0x9;
	_ =	strace $0x80000051  }
0xb3: {  	_ =	swait.ge [sflag:s29], $0x1  }
0xb4: {  	[sflag:s29] =	ssyncadd.s32 $0xFFFFFFFF  }
0xb5: {  	_ =	strace $0x90000051  }
0xb6: {  	_ =	sfence  }
0xb7: {  	s30 =	sld [smem:$0x0];
	_ =	sdelay $0x2  }
0xb8: {  	s31 =	sshll.u32 s1, $0xD;
	s1 =	sshrl.u32 s1, $0x2  }
0xb9: {  	s3 =	sand.u32 $0x4000, s31;
	s1 =	sadd.s32 s1, s30  }
0xba: {  	s0 =	sor.u32 s3, s0;
	s1 =	sshll.u32 s1, $0x11  }
0xbb: {  	s0 =	sor.u32 s1, s0  }
0xbc: {  	s0 =	sadd.s32 $0x8F2B, s0  }
0xbd: {  	[sflag:s0] =	ssyncadd.remote.s32 $0x1  }
0xbe: {  	_ =	sfence.sel $0xFFFF  }
0xbf: {  	[dreg:$0x0] =	wrdreg $0xFFFFFFFF;
	(pc) =	sbr.abs _section_cstart, $3  }
0xc0: {  	[dreg:$0x1] =	wrdreg $0xFFFFFFFF  }
0xc1: {  	_ =	task.clear_ibuf [dreg:s6], $0x2FFFF;
	_ =	strace $0x9FFFFFFF  }
0xc2: {  	(tm) =	ssettm $0x7FFFFFFF  }
0xc3: {  	_ =	shalt  }
tec
execute0_lowered:
.L_overlay_start_1:
0x0: {  	(tag) =	ssettag $0x1  }
0x1: {  	s0 =	srdreg.scid;
	s5 =	rddreg [dreg:$0x0]  }
0x2: {  	s2 =	rddreg [dreg:$0x1];
	s1 =	stileid.u32  }
0x3: {  	s3 =	simm.s32 $0x0;
	s11 =	simm.s32 $0x2;
	s12 =	simm.s32 $0x2800  }
0x4: {  	s13 =	simm.s32 $0x80;
	s14 =	simm.s32 $0x5000;
	s15 =	simm.s32 $0x1  }
0x5: {  	s16 =	simm.s32 $0x100;
	s6 =	sand.u32 $0x1, s0;
	s0 =	rddreg [dreg:$0x2]  }
0x6: {  	s17 =	simm.s32 $0x0;
	[smem:$0x7FF] =	sst s3;
	s8 =	smul.u32 $0x500, s1  }
0x7: {  	s10 =	smul.u32 $0xA00, s1;
	s4 =	sshll.u32 s6, $0x4;
	_ =	strace $0x80000050  }
0x8: {  	s9 =	sshll.u32 s6, $0x7;
	s6 =	ssub.s32 $0x2, s6;
	s4 =	sor.u32 s1, s4  }
0x9: {  	s8 =	sor.u32 s9, s8;
	s31 =	sshrl.u32 s6, $0x1;
	s10 =	sshrl.u32 s10, $0x2  }
0xa: {  	s7 =	smul.u32 $0x500, s4;
	s8 =	sshrl.u32 s8, $0x3;
	s9 =	ssub.s32 s6, s31  }
0xb: {  	s4 =	sadd.s32 $0x15E00, s5;
	s8 =	sadd.s32 s8, s5;
	s9 =	smax.u32 s9, $0x1  }
0xc: {  	s7 =	sadd.s32 s7, s5;
	s5 =	sadd.s32 s10, s2;
	s8 =	sadd.s32 $0x16400, s8  }
0xd: {  	v0 =	vimm.f32 $0.0e+00;
	s10 =	simm.s32 $0x5080;
	s6 =	sadd.s32 $0x1E00, s7;
	s7 =	sadd.s32 $0xBE00, s7  }
.LBB2_1:
0xe: {  	[tilespmem:$0x5080] =	vst v0  }
0xf: {  	[tilespmem:$0x5090] =	vst v0  }
0x10: {  	[tilespmem:$0x50A0] =	vst v0  }
0x11: {  	[tilespmem:$0x50B0] =	vst v0  }
0x12: {  	[tilespmem:$0x50C0] =	vst v0  }
0x13: {  	[tilespmem:$0x50D0] =	vst v0  }
0x14: {  	[tilespmem:$0x50E0] =	vst v0  }
0x15: {  	[tilespmem:$0x50F0] =	vst v0  }
0x16: {  	[tilespmem:$0x5100] =	vst v0  }
0x17: {  	[tilespmem:$0x5110] =	vst v0  }
0x18: {  	[tilespmem:$0x5120] =	vst v0  }
0x19: {  	[tilespmem:$0x5130] =	vst v0  }
0x1a: {  	[tilespmem:$0x5140] =	vst v0  }
0x1b: {  	[tilespmem:$0x5150] =	vst v0  }
0x1c: {  	[tilespmem:$0x5160] =	vst v0  }
0x1d: {  	[tilespmem:$0x5170] =	vst v0  }
0x1e: {  	[tilespmem:$0x5180] =	vst v0  }
0x1f: {  	[tilespmem:$0x5190] =	vst v0  }
0x20: {  	[tilespmem:$0x51A0] =	vst v0  }
0x21: {  	[tilespmem:$0x51B0] =	vst v0  }
0x22: {  	[tilespmem:$0x51C0] =	vst v0  }
0x23: {  	[tilespmem:$0x51D0] =	vst v0  }
0x24: {  	[tilespmem:$0x51E0] =	vst v0  }
0x25: {  	[tilespmem:$0x51F0] =	vst v0  }
0x26: {  	[tilespmem:$0x5200] =	vst v0  }
0x27: {  	[tilespmem:$0x5210] =	vst v0  }
0x28: {  	[tilespmem:$0x5220] =	vst v0  }
0x29: {  	[tilespmem:$0x5230] =	vst v0  }
0x2a: {  	[tilespmem:$0x5240] =	vst v0  }
0x2b: {  	[tilespmem:$0x5250] =	vst v0  }
0x2c: {  	[tilespmem:$0x5260] =	vst v0  }
0x2d: {  	[tilespmem:$0x5270] =	vst v0  }
0x2e: {  	[tilespmem:$0x5280] =	vst v0  }
0x2f: {  	[tilespmem:$0x5290] =	vst v0  }
0x30: {  	[tilespmem:$0x52A0] =	vst v0  }
0x31: {  	[tilespmem:$0x52B0] =	vst v0  }
0x32: {  	[tilespmem:$0x52C0] =	vst v0  }
0x33: {  	[tilespmem:$0x52D0] =	vst v0  }
0x34: {  	[tilespmem:$0x52E0] =	vst v0  }
0x35: {  	[tilespmem:$0x52F0] =	vst v0  }
0x36: {  	[spmem:s5] =	stream.linear.scatter [tilespmem:s10], [sflag:$0x2], $0x280, $0x38;
	[tilespmem:$0x5580] =	vst v63  }
0x37: {  	_ =	swait.ge [sflag:s11], $0x280  }
0x38: {  	[sflag:s11] =	ssyncset.done $0x0  }
0x39: {  	[sflag:s11] =	ssyncadd.s32 $0xFFFFFD80  }
0x3a: {  	[tilespmem:s3], [sflag:$0x2] =	stream.linear.gather [hbm4b:s6+s3], $0x2800, $0x38;
	[tilespmem:$0x5580] =	vst v63  }
0x3b: {  	_ =	swait.ge [sflag:s11], $0x2800  }
0x3c: {  	[sflag:s11] =	ssyncset.done $0x0  }
0x3d: {  	[sflag:s11] =	ssyncadd.s32 $0xFFFFD800  }
0x3e: {  	[tilespmem:s12], [sflag:$0x2] =	stream.linear.gather [hbm4b:s7+s3], $0x2800, $0x38;
	[tilespmem:$0x5580] =	vst v63  }
0x3f: {  	_ =	swait.ge [sflag:s11], $0x2800  }
0x40: {  	[sflag:s11] =	ssyncset.done $0x0  }
0x41: {  	[sflag:s11] =	ssyncadd.s32 $0xFFFFD800  }
0x42: {  	s18 =	simm.s32 $0x0;
	[bflag:$0x0] =	sbarrier.arrive $0xFFFF  }
0x43: {  	[tilespmem:s14], [sflag:$0x1] =	stream.indirect.gather [hbm4b:s4+s13], $0x1, s18, s13, $0xb8;
	[tilespmem:$0x5580] =	vst v63  }
0x44: {  	_ =	swait.ge [sflag:s15], $0x80  }
0x45: {  	[sflag:s15] =	ssyncset.done $0x0  }
0x46: {  	s31 =	simm.s32 $0x2800;
	[sflag:s15] =	ssyncadd.s32 $0xFFFFFF80  }
0x47: {  	[spmem:s2] =	stream.indirect.scatter.add.f32 [tilespmem:s14], [sflag:$0x2], $0x1, s31, s13, $0xb8;
	[tilespmem:$0x5580] =	vst v63  }
0x48: {  	_ =	swait.ge [sflag:s11], $0x80  }
0x49: {  	s19 =	simm.s32 $0x400;
	s18 =	simm.s32 $0x200;
	[sflag:s11] =	ssyncset.done $0x0  }
.LBB2_2:
0x4a: {  	s20 =	sshra.s32 s18, $0x2  }
0x4b: {  	[sflag:s11] =	ssyncadd.s32 $0xFFFFFF80;
	s18 =	smov.u32 s19;
	s21 =	sadd.s32 $0x200, s19  }
0x4c: {  	[tilespmem:s14], [sflag:$0x1] =	stream.indirect.gather [hbm4b:s4+s13], $0x1, s20, s13, $0xb8;
	[tilespmem:$0x5580] =	vst v63  }
0x4d: {  	p0 =	sne.s32 s19, $0x9E00;
	_ =	swait.ge [sflag:s15], $0x80  }
.Ltmp0:
0x4e: {  	[sflag:s15] =	ssyncset.done $0x0;
	(pc) =	sbr.rel @p0 .LBB2_2-.Ltmp0, $4  }
0x4f: {  	s19 =	sadd.s32 $0x2800, s20;
	[sflag:s15] =	ssyncadd.s32 $0xFFFFFF80  }
0x50: {  	[spmem:s2] =	stream.indirect.scatter.add.f32 [tilespmem:s14], [sflag:$0x2], $0x1, s19, s13, $0xb8;
	[tilespmem:$0x5580] =	vst v63  }
0x51: {  	_ =	swait.ge [sflag:s11], $0x80  }
0x52: {  	s19 =	smov.u32 s21;
	[sflag:s11] =	ssyncset.done $0x0  }
0x53: {  	s18 =	sshra.s32 s18, $0x2;
	[sflag:s11] =	ssyncadd.s32 $0xFFFFFF80  }
0x54: {  	[tilespmem:s14], [sflag:$0x1] =	stream.indirect.gather [hbm4b:s4+s13], $0x1, s18, s13, $0xb8;
	[tilespmem:$0x5580] =	vst v63  }
0x55: {  	_ =	swait.ge [sflag:s15], $0x80  }
0x56: {  	[sflag:s15] =	ssyncset.done $0x0  }
0x57: {  	s18 =	sadd.s32 $0x2800, s18;
	[sflag:s15] =	ssyncadd.s32 $0xFFFFFF80  }
0x58: {  	[spmem:s2] =	stream.indirect.scatter.add.f32 [tilespmem:s14], [sflag:$0x2], $0x1, s18, s13, $0xb8;
	[tilespmem:$0x5580] =	vst v63  }
0x59: {  	_ =	swait.ge [sflag:s11], $0x80  }
0x5a: {  	[sflag:s11] =	ssyncset.done $0x0  }
0x5b: {  	[sflag:s11] =	ssyncadd.s32 $0xFFFFFF80  }
0x5c: {  	[bflag:$0x0] =	sbarrier.arrive $0xFFFF  }
0x5d: {  	[tilespmem:s10], [sflag:$0x2] =	stream.linear.gather [spmem:s5], $0x280, $0x38;
	[tilespmem:$0x5580] =	vst v63  }
0x5e: {  	s17 =	sadd.s32 $0x1, s17;
	_ =	swait.ge [sflag:s11], $0x280  }
0x5f: {  	p0 =	sne.s32 s17, s9;
	[sflag:s11] =	ssyncset.done $0x0  }
.Ltmp1:
0x60: {  	[sflag:s11] =	ssyncadd.s32 $0xFFFFFD80;
	(pc) =	sbr.rel @p0 .LBB2_1-.Ltmp1, $4  }
0x61: {  	[hbm4b:s8+s13] =	stream.strided.scatter [tilespmem:s10], [sflag:$0x2], $0x280, s16, s13, $0x38;
	[tilespmem:$0x5580] =	vst v63  }
0x62: {  	_ =	swait.ge [sflag:s11], $0x280  }
0x63: {  	[sflag:s11] =	ssyncset.done $0x0  }
0x64: {  	[sflag:s11] =	ssyncadd.s32 $0xFFFFFD80  }
0x65: {  	_ =	sfence.sel $0x180000  }
0x66: {  	[bflag:$0x0] =	sbarrier.arrive $0xFFFF  }
0x67: {  	p0 =	sne.s32 s1, $0x0;
	_ =	strace $0x90000050  }
0x68: {  	s0 =	sadd.s32 @!p0 $0x100000, s0;
	[bflag:$0x2] =	sbarrier.arrive $0xFFFF  }
0x69: {  	[sflag:s0] =	ssyncadd.tile.s32 @!p0 $0x1;
	_ =	shalt  }
.Lfunc_end2:
_tile_overlayer_lowered:
.L_overlay_start_2:
0x6a: {  	(tag) =	ssettag $0x2  }
0x6b: {  	s0 =	rddreg [dreg:$0x0];
	s2 =	stileid.u32  }
0x6c: {  	s1 =	rddreg [dreg:$0x1];
	p0 =	sne.s32 s2, $0x0  }
0x6d: {  	s3 =	rddreg [dreg:$0x2];
	[bflag:$0x3] =	sbarrier.arrive $0xFFFF;
	s2 =	simm.s32 @!p0 $0x1C02  }
0x6e: {  	[timem:s3], [sflag:s2] =	dma.local @!p0 [hbm:s0], s1  }
0x6f: {  	s0 =	simm.s32 @!p0 $0x2  }
0x70: {  	_ =	swait.ge @!p0 [sflag:s0], s1  }
0x71: {  	s1 =	ssub.s32 @!p0 $0x0, s1;
	[sflag:s0] =	ssyncset.done @!p0 $0x0  }
0x72: {  	[sflag:s0] =	ssyncadd.s32 @!p0 s1  }
0x73: {  	[bflag:$0x3] =	sbarrier.arrive $0xFFFF  }
0x74: {  	_ =	shalt  }

</sc_bundles>
